<compile_context>
chip_gen: v7x
topology: tpu7x:2x2x1
jax: 0.10.2.dev20260603
libtpu: 0.0.44.dev20260713+nightly
codegen_flags: <defaults>
</compile_context>

<pallas_src>
import functools

import jax
import jax.numpy as jnp
from jax import lax
from jax.experimental import pallas as pl
from jax.experimental.pallas import tpu as pltpu
from jax.experimental.pallas import tpu_sc as plsc

_B, _F, _NCLS = 2, 10000, 30
_N = _B * _F
_NBLK = 1000
_GRID = _N // _NBLK
_NW = 32
_IDXP = 61440
_BPW = _IDXP // _NW
_CH = 128
_NCH = _BPW // _CH
_EPS = 1e-5


def _pack_halves(y):
  c2 = y.shape[1] // 2
  b0 = jax.lax.bitcast_convert_type(y, jnp.int32)
  bits = b0 + 0x7FFF + (jax.lax.shift_right_logical(b0, 16) & 1)
  lo = jax.lax.shift_right_logical(bits[:, :c2], 16)
  hi = bits[:, c2:] & jnp.int32(-65536)
  return lo | hi


def _unpack_halves(p):
  lo = jax.lax.bitcast_convert_type(jax.lax.shift_left(p, 16), jnp.float32)
  hi = jax.lax.bitcast_convert_type(p & jnp.int32(-65536), jnp.float32)
  return lo, hi


def _gather_rows(table, idx):
  D = table.shape[1]
  mesh = plsc.VectorSubcoreMesh(core_axis_name="c", subcore_axis_name="s")

  nbuf = 5

  @functools.partial(
      pl.kernel,
      out_type=jax.ShapeDtypeStruct((_IDXP, D), table.dtype),
      mesh=mesh,
      scratch_types=[
          pltpu.VMEM((_BPW,), jnp.int32),
      ] + [pltpu.VMEM((_CH, D), table.dtype) for _ in range(nbuf)]
        + [pltpu.SemaphoreType.DMA for _ in range(nbuf)],
  )
  def k(table_hbm, idx_hbm, out_hbm, idx_v, *bufsems):
    bufs = bufsems[:nbuf]
    sems = bufsems[nbuf:]
    wid = lax.axis_index("s") * 2 + lax.axis_index("c")
    base = wid * _BPW
    pltpu.sync_copy(idx_hbm.at[pl.ds(base, _BPW)], idx_v)
    cps = [
        pltpu.async_copy(table_hbm.at[idx_v.at[pl.ds(j * _CH, _CH)]],
                         bufs[j], sems[j])
        for j in range(nbuf)
    ]
    for j in range(_NCH):
      b = j % nbuf
      cps[b].wait()
      pltpu.sync_copy(bufs[b], out_hbm.at[pl.ds(base + j * _CH, _CH)])
      nj = j + nbuf
      if nj < _NCH:
        cps[b] = pltpu.async_copy(
            table_hbm.at[idx_v.at[pl.ds(nj * _CH, _CH)]], bufs[b], sems[b])

  return k(table, idx)


def _stem_body(x_ref, we1_ref, be1_ref, we2_ref, be2_ref,
               wf1_ref, bf1_ref, wf2_ref, bf2_ref, out_ref):
  x = x_ref[...]
  e = jnp.maximum(
      jnp.dot(x, we1_ref[...], preferred_element_type=jnp.float32)
      + be1_ref[0:1, :], 0.0)
  e = jnp.maximum(
      jnp.dot(e, we2_ref[...], preferred_element_type=jnp.float32)
      + be2_ref[0:1, :], 0.0)
  f = jnp.maximum(
      jnp.dot(x, wf1_ref[...], preferred_element_type=jnp.float32)
      + bf1_ref[0:1, :], 0.0)
  f = jnp.maximum(
      jnp.dot(f, wf2_ref[...], preferred_element_type=jnp.float32)
      + bf2_ref[0:1, :], 0.0)
  out_ref[...] = jnp.concatenate([e, f], axis=1)


def _stem(x16, we1p, be1, we2t, be2, wf1p, bf1, wf2t, bf2):
  full = lambda r, c: pl.BlockSpec((r, c), lambda i: (0, 0))
  return pl.pallas_call(
      _stem_body,
      grid=(_GRID,),
      in_specs=[
          pl.BlockSpec((_NBLK, 16), lambda i: (i, 0)),
          full(16, 128), full(1, 128), full(128, 64), full(1, 64),
          full(16, 128), full(1, 128), full(128, 64), full(1, 64),
      ],
      out_specs=pl.BlockSpec((_NBLK, 128), lambda i: (i, 0)),
      out_shape=jax.ShapeDtypeStruct((_N, 128), jnp.float32),
  )(x16, we1p, be1.reshape(1, -1), we2t, be2.reshape(1, -1),
    wf1p, bf1.reshape(1, -1), wf2t, bf2.reshape(1, -1))


def _mesh_mm_body(ci, in_packed, out_packed, x_ref, n0_ref, n1_ref, n2_ref,
                  a_ref, d_ref, w_ref, b_ref, y_ref, s_ref):
  a = a_ref[0:1, :]
  d = d_ref[0:1, :]
  y = b_ref[0:1, :] * jnp.ones((x_ref.shape[0], 1), jnp.float32)
  for k, ref in enumerate((x_ref, n0_ref, n1_ref, n2_ref)):
    if in_packed:
      lo, hi = _unpack_halves(ref[...])
      c2 = ci // 2
      alo = jnp.maximum(lo * a[:, :c2] + d[:, :c2], 0.0)
      ahi = jnp.maximum(hi * a[:, c2:] + d[:, c2:], 0.0)
      y = y + jnp.dot(alo, w_ref[k * ci:k * ci + c2, :],
                      preferred_element_type=jnp.float32)
      y = y + jnp.dot(ahi, w_ref[k * ci + c2:(k + 1) * ci, :],
                      preferred_element_type=jnp.float32)
    else:
      av = jnp.maximum(ref[...] * a + d, 0.0)
      y = y + jnp.dot(av, w_ref[k * ci:(k + 1) * ci, :],
                      preferred_element_type=jnp.float32)
  y_ref[...] = _pack_halves(y) if out_packed else y

  @pl.when(pl.program_id(0) == 0)
  def _():
    s_ref[...] = jnp.zeros_like(s_ref)

  s_ref[0:1, :] += jnp.sum(y, axis=0, keepdims=True)
  s_ref[1:2, :] += jnp.sum(y * y, axis=0, keepdims=True)


def _mesh_mm(x, nb, a, d, wcat, b, in_packed, out_packed):
  ci = wcat.shape[0] // 4
  co = wcat.shape[1]
  cin = ci // 2 if in_packed else ci
  cos = co // 2 if out_packed else co
  odt = jnp.int32 if out_packed else jnp.float32
  nb_spec = lambda k: pl.BlockSpec((_NBLK, cin), lambda i, k=k: (k * _GRID + i, 0))
  full = lambda r, c: pl.BlockSpec((r, c), lambda i: (0, 0))
  return pl.pallas_call(
      functools.partial(_mesh_mm_body, ci, in_packed, out_packed),
      grid=(_GRID,),
      in_specs=[
          pl.BlockSpec((_NBLK, cin), lambda i: (i, 0)),
          nb_spec(0), nb_spec(1), nb_spec(2),
          full(1, ci), full(1, ci), full(4 * ci, co), full(1, co),
      ],
      out_specs=[
          pl.BlockSpec((_NBLK, cos), lambda i: (i, 0)),
          pl.BlockSpec((8, co), lambda i: (0, 0)),
      ],
      out_shape=[
          jax.ShapeDtypeStruct((_N, cos), odt),
          jax.ShapeDtypeStruct((8, co), jnp.float32),
      ],
  )(x, nb, nb, nb, a.reshape(1, -1), d.reshape(1, -1), wcat,
    b.reshape(1, -1))


def _head_body(y_ref, a_ref, d_ref, w_ref, s_ref):
  a = a_ref[0:1, :]
  d = d_ref[0:1, :]
  av = jnp.maximum(y_ref[...] * a + d, 0.0)
  z = jnp.dot(av, w_ref[...], preferred_element_type=jnp.float32)
  i = pl.program_id(0)

  @pl.when(i == 0)
  def _():
    s_ref[...] = jnp.zeros_like(s_ref)

  zs = jnp.sum(z, axis=0, keepdims=True)

  @pl.when(i < _GRID // 2)
  def _():
    s_ref[0:1, :] += zs

  @pl.when(i >= _GRID // 2)
  def _():
    s_ref[1:2, :] += zs

  s_ref[2:3, :] += jnp.sum(z * z, axis=0, keepdims=True)


def _head(y4p, a, d, whp):
  full = lambda r, c: pl.BlockSpec((r, c), lambda i: (0, 0))
  return pl.pallas_call(
      _head_body,
      grid=(_GRID,),
      in_specs=[
          pl.BlockSpec((_NBLK, 512), lambda i: (i, 0)),
          full(1, 512), full(1, 512), full(512, 128),
      ],
      out_specs=pl.BlockSpec((8, 128), lambda i: (0, 0)),
      out_shape=jax.ShapeDtypeStruct((8, 128), jnp.float32),
  )(y4p, a.reshape(1, -1), d.reshape(1, -1), whp)


def kernel(ed, fa, ad, W_e1, b_e1, W_e2, b_e2, W_f1, b_f1, W_f2, b_f2,
           W1, b1, g1, be1, W2, b2, g2, be2, W3, b3, g3, be3,
           W4, b4, g4, be4, Wh, gh, bh):
  ed_t = ed.transpose(0, 2, 1).reshape(_N, 3)
  fa_t = fa.transpose(0, 2, 1).reshape(_N, 6)
  x16 = jnp.concatenate(
      [ed_t, fa_t, jnp.zeros((_N, 7), jnp.float32)], axis=1)
  we1p = jnp.zeros((16, 128), jnp.float32).at[:3].set(W_e1.T)
  wf1p = jnp.zeros((16, 128), jnp.float32).at[3:9].set(W_f1.T)

  offs = (jnp.arange(_B, dtype=jnp.int32) * _F)[:, None, None]
  gidx = ad.astype(jnp.int32) + offs
  gidx = gidx.transpose(2, 0, 1).reshape(3 * _N)
  gidx = jnp.concatenate(
      [gidx, jnp.zeros((_IDXP - 3 * _N,), jnp.int32)])

  y = _stem(x16, we1p, b_e1, W_e2.T, b_e2, wf1p, b_f1, W_f2.T, b_f2)
  a = jnp.ones((128,), jnp.float32)
  d = jnp.zeros((128,), jnp.float32)

  layers = ((W1, b1, g1, be1, False, False),
            (W2, b2, g2, be2, False, True),
            (W3, b3, g3, be3, True, True),
            (W4, b4, g4, be4, True, False))
  for (W, b, g, be, inp, outp) in layers:
    co, ci, _ = W.shape
    wcat = W.transpose(2, 1, 0).reshape(4 * ci, co)
    nb = _gather_rows(y, gidx)
    y, stats = _mesh_mm(y, nb, a, d, wcat, b, inp, outp)
    m = stats[0] / _N
    v = stats[1] / _N - m * m
    r = lax.rsqrt(v + _EPS)
    a = g * r
    d = be - m * g * r

  whp = jnp.zeros((512, 128), jnp.float32).at[:, :_NCLS].set(Wh.T)
  s = _head(y, a, d, whp)
  S0, S1, SS = s[0, :_NCLS], s[1, :_NCLS], s[2, :_NCLS]
  m = (S0 + S1) / (2 * _F)
  v = SS / (2 * _F) - m * m
  r = lax.rsqrt(v + _EPS)
  zm = jnp.stack([S0 / _F, S1 / _F])
  return gh[None] * (zm - m[None]) * r[None] + bh[None]

# --- scband reference (transcript-rebuilt; emitter-appended) ---
"""Pipeline reference for scband-ex-mesh-cnn-82617990906589 (READ-ONLY COPY).

The authoritative reference and input builder live on the scoring server;
editing this copy changes nothing except your own understanding.
"""

import jax, jax.numpy as jnp
import numpy as np

B, F = 2, 10000
TAG_CLASSES = 30

def _w(key, shape, scale=0.05):
    return jax.random.normal(key, shape, dtype=jnp.float32) * scale

def setup_inputs(seed: int = 0):
    key = jax.random.key(seed)
    ks = jax.random.split(key, 32)
    inp = {}
    inp['ed'] = jax.random.normal(ks[0], (B, 3, F), dtype=jnp.float32)
    inp['fa'] = jax.random.normal(ks[1], (B, 6, F), dtype=jnp.float32)
    inp['ad'] = jax.random.randint(ks[2], (B, F, 3), 0, F)
    inp['W_e1'] = _w(ks[3], (128, 3)); inp['b_e1'] = jnp.zeros((128,), jnp.float32)
    inp['W_e2'] = _w(ks[4], (64, 128)); inp['b_e2'] = jnp.zeros((64,), jnp.float32)
    inp['W_f1'] = _w(ks[5], (128, 6)); inp['b_f1'] = jnp.zeros((128,), jnp.float32)
    inp['W_f2'] = _w(ks[6], (64, 128)); inp['b_f2'] = jnp.zeros((64,), jnp.float32)
    dims = [(128, 128), (128, 256), (256, 256), (256, 512)]
    for i, (ci, co) in enumerate(dims, start=1):
        inp['W%d' % i] = _w(ks[6 + i], (co, ci, 4))
        inp['b%d' % i] = jnp.zeros((co,), jnp.float32)
        inp['g%d' % i] = jnp.ones((co,), jnp.float32)
        inp['be%d' % i] = jnp.zeros((co,), jnp.float32)
    inp['Wh'] = _w(ks[20], (TAG_CLASSES, 512))
    inp['gh'] = jnp.ones((TAG_CLASSES,), jnp.float32)
    inp['bh'] = jnp.zeros((TAG_CLASSES,), jnp.float32)
    return inp

def _conv1x1(W, b, x):
    return jnp.einsum('oc,bcf->bof', W, x) + b[None, :, None]

def _bn(x, g, b, eps=1e-5):
    m = jnp.mean(x, axis=(0, 2), keepdims=True)
    v = jnp.var(x, axis=(0, 2), keepdims=True)
    return g[None, :, None] * (x - m) * jax.lax.rsqrt(v + eps) + b[None, :, None]

def _mesh_conv(x, ad, W, b, g, be):
    # gather the 3 adjacent face features: [B, C, F, 3]
    nb = jax.vmap(lambda xb, adb: xb[:, adb])(x, ad)
    st = jnp.concatenate([x[..., None], nb], axis=-1)  # [B, C, F, 4] = self + 3 neighbors
    y = jnp.einsum('ock,bcfk->bof', W, st) + b[None, :, None]
    return jax.nn.relu(_bn(y, g, be))

def reference(ed, fa, ad, W_e1, b_e1, W_e2, b_e2, W_f1, b_f1, W_f2, b_f2,
              W1, b1, g1, be1, W2, b2, g2, be2, W3, b3, g3, be3,
              W4, b4, g4, be4, Wh, gh, bh):
    # Geodesic branch on edge features
    e = jax.nn.relu(_conv1x1(W_e1, b_e1, ed))
    e = jax.nn.relu(_conv1x1(W_e2, b_e2, e))
    # Geometric branch on face features
    f = jax.nn.relu(_conv1x1(W_f1, b_f1, fa))
    f = jax.nn.relu(_conv1x1(W_f2, b_f2, f))
    fe = jnp.concatenate([e, f], axis=1)  # [B, 128, F]
    fe = _mesh_conv(fe, ad, W1, b1, g1, be1)
    fe = _mesh_conv(fe, ad, W2, b2, g2, be2)
    fe = _mesh_conv(fe, ad, W3, b3, g3, be3)
    fe = _mesh_conv(fe, ad, W4, b4, g4, be4)  # [B, 512, F]
    # per-tag head: Conv1d(512 -> classes, k=1, no bias) + BN + AdaptiveAvgPool1d(1)
    z = jnp.einsum('oc,bcf->bof', Wh, fe)
    z = _bn(z, gh, bh)
    return jnp.mean(z, axis=2)  # [B, TAG_CLASSES]

if __name__ == "__main__":
    import jax
    _d = setup_inputs()
    print(jax.jit(kernel)(*tuple(_d.values())))

</pallas_src>

<mosaic_0001>
#map = affine_map<(d0, d1) -> (0, 0)>
#map1 = affine_map<(d0, d1) -> (0)>
module attributes {stable_mosaic.version = 14 : i64} {
  func.func @k(%arg0: i32, %arg1: i32, %arg2: memref<20000x128xf32, #tpu.memory_space<hbm>>, %arg3: memref<61440xi32, #tpu.memory_space<hbm>>, %arg4: memref<61440x128xf32, #tpu.memory_space<hbm>>, %arg5: memref<1920xi32, #tpu.memory_space<vmem>>, %arg6: memref<128x128xf32, #tpu.memory_space<vmem>>, %arg7: memref<128x128xf32, #tpu.memory_space<vmem>>, %arg8: memref<128x128xf32, #tpu.memory_space<vmem>>, %arg9: memref<128x128xf32, #tpu.memory_space<vmem>>, %arg10: memref<128x128xf32, #tpu.memory_space<vmem>>, %arg11: memref<!tpu.dma_semaphore, #tpu.memory_space<semaphore_mem>>, %arg12: memref<!tpu.dma_semaphore, #tpu.memory_space<semaphore_mem>>, %arg13: memref<!tpu.dma_semaphore, #tpu.memory_space<semaphore_mem>>, %arg14: memref<!tpu.dma_semaphore, #tpu.memory_space<semaphore_mem>>, %arg15: memref<!tpu.dma_semaphore, #tpu.memory_space<semaphore_mem>>) attributes {dimension_semantics = [#tpu.dimension_semantics<core_parallel>, #tpu.dimension_semantics<subcore_parallel>], iteration_bounds = array<i64: 2, 16>, scalar_prefetch = 0 : i64, scratch_operands = 11 : i64, tpu.core_type = #tpu.core_type<sc_vector_subcore>, window_params = [{transform_indices = #map}, {transform_indices = #map1}, {transform_indices = #map}]} {
    %mul3A = arith.constant 2 : i32
    %mul3A_0 = arith.muli %arg1, %mul3A : i32
    %add3A = arith.addi %mul3A_0, %arg0 : i32
    %mul3A_1 = arith.constant 1920 : i32
    %mul3A_2 = arith.muli %add3A, %mul3A_1 : i32
    "tpu.region"() ({
      %run_scoped3A = tpu.sem_alloc : memref<!tpu.dma_semaphore, #tpu.memory_space<semaphore_mem>>
      %dma_start3A_181 = tpu.memref_slice %arg3[%mul3A_2] : memref<61440xi32, #tpu.memory_space<hbm>> -> memref<1920xi32, #tpu.memory_space<hbm>>
      %dma_start3A_182 = tpu.memref_slice %arg3[%mul3A_2] : memref<61440xi32, #tpu.memory_space<hbm>> -> memref<1920xi32, #tpu.memory_space<hbm>>
      tpu.enqueue_dma source(%dma_start3A_182 : memref<1920xi32, #tpu.memory_space<hbm>>) target(%arg5 : memref<1920xi32, #tpu.memory_space<vmem>>) target_semaphore(%run_scoped3A : memref<!tpu.dma_semaphore, #tpu.memory_space<semaphore_mem>>)
      %dma_wait3A_183 = tpu.memref_slice %arg3[%mul3A_2] : memref<61440xi32, #tpu.memory_space<hbm>> -> memref<1920xi32, #tpu.memory_space<hbm>>
      %dma_wait3A_184 = tpu.memref_slice %arg3[%mul3A_2] : memref<61440xi32, #tpu.memory_space<hbm>> -> memref<1920xi32, #tpu.memory_space<hbm>>
      tpu.wait_dma2 semaphore(%run_scoped3A : memref<!tpu.dma_semaphore, #tpu.memory_space<semaphore_mem>>) src(%dma_wait3A_184 : memref<1920xi32, #tpu.memory_space<hbm>>) dst(%arg5 : memref<1920xi32, #tpu.memory_space<vmem>>)
      tpu.yield
    }) : () -> ()
    %dma_start3A = arith.constant 0 : i32
    %dma_start3A_3 = tpu.memref_slice %arg5[%dma_start3A] : memref<1920xi32, #tpu.memory_space<vmem>> -> memref<128xi32, #tpu.memory_space<vmem>>
    %dma_start3A_4 = arith.constant 0 : i32
    %dma_start3A_5 = arith.constant 0 : i32
    %dma_start3A_6 = tpu.memref_slice %arg2[%dma_start3A_4, %dma_start3A_5] : memref<20000x128xf32, #tpu.memory_space<hbm>> -> memref<20000x128xf32, #tpu.memory_space<hbm>>
    tpu.enqueue_indirect_dma source(%dma_start3A_6 : memref<20000x128xf32, #tpu.memory_space<hbm>>) target(%arg6 : memref<128x128xf32, #tpu.memory_space<vmem>>) offsets(%dma_start3A_3 : memref<128xi32, #tpu.memory_space<vmem>>) semaphore(%arg11 : memref<!tpu.dma_semaphore, #tpu.memory_space<semaphore_mem>>)
    %dma_start3A_7 = arith.constant 128 : i32
    %dma_start3A_8 = tpu.memref_slice %arg5[%dma_start3A_7] : memref<1920xi32, #tpu.memory_space<vmem>> -> memref<128xi32, #tpu.memory_space<vmem>>
    %dma_start3A_9 = arith.constant 0 : i32
    %dma_start3A_10 = arith.constant 0 : i32
    %dma_start3A_11 = tpu.memref_slice %arg2[%dma_start3A_9, %dma_start3A_10] : memref<20000x128xf32, #tpu.memory_space<hbm>> -> memref<20000x128xf32, #tpu.memory_space<hbm>>
    tpu.enqueue_indirect_dma source(%dma_start3A_11 : memref<20000x128xf32, #tpu.memory_space<hbm>>) target(%arg7 : memref<128x128xf32, #tpu.memory_space<vmem>>) offsets(%dma_start3A_8 : memref<128xi32, #tpu.memory_space<vmem>>) semaphore(%arg12 : memref<!tpu.dma_semaphore, #tpu.memory_space<semaphore_mem>>)
    %dma_start3A_12 = arith.constant 256 : i32
    %dma_start3A_13 = tpu.memref_slice %arg5[%dma_start3A_12] : memref<1920xi32, #tpu.memory_space<vmem>> -> memref<128xi32, #tpu.memory_space<vmem>>
    %dma_start3A_14 = arith.constant 0 : i32
    %dma_start3A_15 = arith.constant 0 : i32
    %dma_start3A_16 = tpu.memref_slice %arg2[%dma_start3A_14, %dma_start3A_15] : memref<20000x128xf32, #tpu.memory_space<hbm>> -> memref<20000x128xf32, #tpu.memory_space<hbm>>
    tpu.enqueue_indirect_dma source(%dma_start3A_16 : memref<20000x128xf32, #tpu.memory_space<hbm>>) target(%arg8 : memref<128x128xf32, #tpu.memory_space<vmem>>) offsets(%dma_start3A_13 : memref<128xi32, #tpu.memory_space<vmem>>) semaphore(%arg13 : memref<!tpu.dma_semaphore, #tpu.memory_space<semaphore_mem>>)
    %dma_start3A_17 = arith.constant 384 : i32
    %dma_start3A_18 = tpu.memref_slice %arg5[%dma_start3A_17] : memref<1920xi32, #tpu.memory_space<vmem>> -> memref<128xi32, #tpu.memory_space<vmem>>
    %dma_start3A_19 = arith.constant 0 : i32
    %dma_start3A_20 = arith.constant 0 : i32
    %dma_start3A_21 = tpu.memref_slice %arg2[%dma_start3A_19, %dma_start3A_20] : memref<20000x128xf32, #tpu.memory_space<hbm>> -> memref<20000x128xf32, #tpu.memory_space<hbm>>
    tpu.enqueue_indirect_dma source(%dma_start3A_21 : memref<20000x128xf32, #tpu.memory_space<hbm>>) target(%arg9 : memref<128x128xf32, #tpu.memory_space<vmem>>) offsets(%dma_start3A_18 : memref<128xi32, #tpu.memory_space<vmem>>) semaphore(%arg14 : memref<!tpu.dma_semaphore, #tpu.memory_space<semaphore_mem>>)
    %dma_start3A_22 = arith.constant 512 : i32
    %dma_start3A_23 = tpu.memref_slice %arg5[%dma_start3A_22] : memref<1920xi32, #tpu.memory_space<vmem>> -> memref<128xi32, #tpu.memory_space<vmem>>
    %dma_start3A_24 = arith.constant 0 : i32
    %dma_start3A_25 = arith.constant 0 : i32
    %dma_start3A_26 = tpu.memref_slice %arg2[%dma_start3A_24, %dma_start3A_25] : memref<20000x128xf32, #tpu.memory_space<hbm>> -> memref<20000x128xf32, #tpu.memory_space<hbm>>
    tpu.enqueue_indirect_dma source(%dma_start3A_26 : memref<20000x128xf32, #tpu.memory_space<hbm>>) target(%arg10 : memref<128x128xf32, #tpu.memory_space<vmem>>) offsets(%dma_start3A_23 : memref<128xi32, #tpu.memory_space<vmem>>) semaphore(%arg15 : memref<!tpu.dma_semaphore, #tpu.memory_space<semaphore_mem>>)
    %dma_wait3A = arith.constant 0 : i32
    %dma_wait3A_27 = tpu.memref_slice %arg5[%dma_wait3A] : memref<1920xi32, #tpu.memory_space<vmem>> -> memref<128xi32, #tpu.memory_space<vmem>>
    %dma_wait3A_28 = arith.constant 0 : i32
    %dma_wait3A_29 = arith.constant 0 : i32
    %dma_wait3A_30 = tpu.memref_slice %arg2[%dma_wait3A_28, %dma_wait3A_29] : memref<20000x128xf32, #tpu.memory_space<hbm>> -> memref<20000x128xf32, #tpu.memory_space<hbm>>
    tpu.wait_indirect_dma semaphore(%arg11 : memref<!tpu.dma_semaphore, #tpu.memory_space<semaphore_mem>>) src(%dma_wait3A_30 : memref<20000x128xf32, #tpu.memory_space<hbm>>) dst(%arg6 : memref<128x128xf32, #tpu.memory_space<vmem>>)
    %add3A_31 = arith.constant 0 : i32
    %add3A_32 = arith.addi %mul3A_2, %add3A_31 : i32
    "tpu.region"() ({
      %run_scoped3A = tpu.sem_alloc : memref<!tpu.dma_semaphore, #tpu.memory_space<semaphore_mem>>
      %dma_start3A_181 = arith.constant 0 : i32
      %dma_start3A_182 = tpu.memref_slice %arg4[%add3A_32, %dma_start3A_181] : memref<61440x128xf32, #tpu.memory_space<hbm>> -> memref<128x128xf32, #tpu.memory_space<hbm>>
      %dma_start3A_183 = arith.constant 0 : i32
      %dma_start3A_184 = tpu.memref_slice %arg4[%add3A_32, %dma_start3A_183] : memref<61440x128xf32, #tpu.memory_space<hbm>> -> memref<128x128xf32, #tpu.memory_space<hbm>>
      tpu.enqueue_dma source(%arg6 : memref<128x128xf32, #tpu.memory_space<vmem>>) target(%dma_start3A_184 : memref<128x128xf32, #tpu.memory_space<hbm>>) target_semaphore(%run_scoped3A : memref<!tpu.dma_semaphore, #tpu.memory_space<semaphore_mem>>)
      %dma_wait3A_185 = arith.constant 0 : i32
      %dma_wait3A_186 = tpu.memref_slice %arg4[%add3A_32, %dma_wait3A_185] : memref<61440x128xf32, #tpu.memory_space<hbm>> -> memref<128x128xf32, #tpu.memory_space<hbm>>
      %dma_wait3A_187 = arith.constant 0 : i32
      %dma_wait3A_188 = tpu.memref_slice %arg4[%add3A_32, %dma_wait3A_187] : memref<61440x128xf32, #tpu.memory_space<hbm>> -> memref<128x128xf32, #tpu.memory_space<hbm>>
      tpu.wait_dma2 semaphore(%run_scoped3A : memref<!tpu.dma_semaphore, #tpu.memory_space<semaphore_mem>>) src(%arg6 : memref<128x128xf32, #tpu.memory_space<vmem>>) dst(%dma_wait3A_188 : memref<128x128xf32, #tpu.memory_space<hbm>>)
      tpu.yield
    }) : () -> ()
    %dma_start3A_33 = arith.constant 640 : i32
    %dma_start3A_34 = tpu.memref_slice %arg5[%dma_start3A_33] : memref<1920xi32, #tpu.memory_space<vmem>> -> memref<128xi32, #tpu.memory_space<vmem>>
    %dma_start3A_35 = arith.constant 0 : i32
    %dma_start3A_36 = arith.constant 0 : i32
    %dma_start3A_37 = tpu.memref_slice %arg2[%dma_start3A_35, %dma_start3A_36] : memref<20000x128xf32, #tpu.memory_space<hbm>> -> memref<20000x128xf32, #tpu.memory_space<hbm>>
    tpu.enqueue_indirect_dma source(%dma_start3A_37 : memref<20000x128xf32, #tpu.memory_space<hbm>>) target(%arg6 : memref<128x128xf32, #tpu.memory_space<vmem>>) offsets(%dma_start3A_34 : memref<128xi32, #tpu.memory_space<vmem>>) semaphore(%arg11 : memref<!tpu.dma_semaphore, #tpu.memory_space<semaphore_mem>>)
    %dma_wait3A_38 = arith.constant 128 : i32
    %dma_wait3A_39 = tpu.memref_slice %arg5[%dma_wait3A_38] : memref<1920xi32, #tpu.memory_space<vmem>> -> memref<128xi32, #tpu.memory_space<vmem>>
    %dma_wait3A_40 = arith.constant 0 : i32
    %dma_wait3A_41 = arith.constant 0 : i32
    %dma_wait3A_42 = tpu.memref_slice %arg2[%dma_wait3A_40, %dma_wait3A_41] : memref<20000x128xf32, #tpu.memory_space<hbm>> -> memref<20000x128xf32, #tpu.memory_space<hbm>>
    tpu.wait_indirect_dma semaphore(%arg12 : memref<!tpu.dma_semaphore, #tpu.memory_space<semaphore_mem>>) src(%dma_wait3A_42 : memref<20000x128xf32, #tpu.memory_space<hbm>>) dst(%arg7 : memref<128x128xf32, #tpu.memory_space<vmem>>)
    %add3A_43 = arith.constant 128 : i32
    %add3A_44 = arith.addi %mul3A_2, %add3A_43 : i32
    "tpu.region"() ({
      %run_scoped3A = tpu.sem_alloc : memref<!tpu.dma_semaphore, #tpu.memory_space<semaphore_mem>>
      %dma_start3A_181 = arith.constant 0 : i32
      %dma_start3A_182 = tpu.memref_slice %arg4[%add3A_44, %dma_start3A_181] : memref<61440x128xf32, #tpu.memory_space<hbm>> -> memref<128x128xf32, #tpu.memory_space<hbm>>
      %dma_start3A_183 = arith.constant 0 : i32
      %dma_start3A_184 = tpu.memref_slice %arg4[%add3A_44, %dma_start3A_183] : memref<61440x128xf32, #tpu.memory_space<hbm>> -> memref<128x128xf32, #tpu.memory_space<hbm>>
      tpu.enqueue_dma source(%arg7 : memref<128x128xf32, #tpu.memory_space<vmem>>) target(%dma_start3A_184 : memref<128x128xf32, #tpu.memory_space<hbm>>) target_semaphore(%run_scoped3A : memref<!tpu.dma_semaphore, #tpu.memory_space<semaphore_mem>>)
      %dma_wait3A_185 = arith.constant 0 : i32
      %dma_wait3A_186 = tpu.memref_slice %arg4[%add3A_44, %dma_wait3A_185] : memref<61440x128xf32, #tpu.memory_space<hbm>> -> memref<128x128xf32, #tpu.memory_space<hbm>>
      %dma_wait3A_187 = arith.constant 0 : i32
      %dma_wait3A_188 = tpu.memref_slice %arg4[%add3A_44, %dma_wait3A_187] : memref<61440x128xf32, #tpu.memory_space<hbm>> -> memref<128x128xf32, #tpu.memory_space<hbm>>
      tpu.wait_dma2 semaphore(%run_scoped3A : memref<!tpu.dma_semaphore, #tpu.memory_space<semaphore_mem>>) src(%arg7 : memref<128x128xf32, #tpu.memory_space<vmem>>) dst(%dma_wait3A_188 : memref<128x128xf32, #tpu.memory_space<hbm>>)
      tpu.yield
    }) : () -> ()
    %dma_start3A_45 = arith.constant 768 : i32
    %dma_start3A_46 = tpu.memref_slice %arg5[%dma_start3A_45] : memref<1920xi32, #tpu.memory_space<vmem>> -> memref<128xi32, #tpu.memory_space<vmem>>
    %dma_start3A_47 = arith.constant 0 : i32
    %dma_start3A_48 = arith.constant 0 : i32
    %dma_start3A_49 = tpu.memref_slice %arg2[%dma_start3A_47, %dma_start3A_48] : memref<20000x128xf32, #tpu.memory_space<hbm>> -> memref<20000x128xf32, #tpu.memory_space<hbm>>
    tpu.enqueue_indirect_dma source(%dma_start3A_49 : memref<20000x128xf32, #tpu.memory_space<hbm>>) target(%arg7 : memref<128x128xf32, #tpu.memory_space<vmem>>) offsets(%dma_start3A_46 : memref<128xi32, #tpu.memory_space<vmem>>) semaphore(%arg12 : memref<!tpu.dma_semaphore, #tpu.memory_space<semaphore_mem>>)
    %dma_wait3A_50 = arith.constant 256 : i32
    %dma_wait3A_51 = tpu.memref_slice %arg5[%dma_wait3A_50] : memref<1920xi32, #tpu.memory_space<vmem>> -> memref<128xi32, #tpu.memory_space<vmem>>
    %dma_wait3A_52 = arith.constant 0 : i32
    %dma_wait3A_53 = arith.constant 0 : i32
    %dma_wait3A_54 = tpu.memref_slice %arg2[%dma_wait3A_52, %dma_wait3A_53] : memref<20000x128xf32, #tpu.memory_space<hbm>> -> memref<20000x128xf32, #tpu.memory_space<hbm>>
    tpu.wait_indirect_dma semaphore(%arg13 : memref<!tpu.dma_semaphore, #tpu.memory_space<semaphore_mem>>) src(%dma_wait3A_54 : memref<20000x128xf32, #tpu.memory_space<hbm>>) dst(%arg8 : memref<128x128xf32, #tpu.memory_space<vmem>>)
    %add3A_55 = arith.constant 256 : i32
    %add3A_56 = arith.addi %mul3A_2, %add3A_55 : i32
    "tpu.region"() ({
      %run_scoped3A = tpu.sem_alloc : memref<!tpu.dma_semaphore, #tpu.memory_space<semaphore_mem>>
      %dma_start3A_181 = arith.constant 0 : i32
      %dma_start3A_182 = tpu.memref_slice %arg4[%add3A_56, %dma_start3A_181] : memref<61440x128xf32, #tpu.memory_space<hbm>> -> memref<128x128xf32, #tpu.memory_space<hbm>>
      %dma_start3A_183 = arith.constant 0 : i32
      %dma_start3A_184 = tpu.memref_slice %arg4[%add3A_56, %dma_start3A_183] : memref<61440x128xf32, #tpu.memory_space<hbm>> -> memref<128x128xf32, #tpu.memory_space<hbm>>
      tpu.enqueue_dma source(%arg8 : memref<128x128xf32, #tpu.memory_space<vmem>>) target(%dma_start3A_184 : memref<128x128xf32, #tpu.memory_space<hbm>>) target_semaphore(%run_scoped3A : memref<!tpu.dma_semaphore, #tpu.memory_space<semaphore_mem>>)
      %dma_wait3A_185 = arith.constant 0 : i32
      %dma_wait3A_186 = tpu.memref_slice %arg4[%add3A_56, %dma_wait3A_185] : memref<61440x128xf32, #tpu.memory_space<hbm>> -> memref<128x128xf32, #tpu.memory_space<hbm>>
      %dma_wait3A_187 = arith.constant 0 : i32
      %dma_wait3A_188 = tpu.memref_slice %arg4[%add3A_56, %dma_wait3A_187] : memref<61440x128xf32, #tpu.memory_space<hbm>> -> memref<128x128xf32, #tpu.memory_space<hbm>>
      tpu.wait_dma2 semaphore(%run_scoped3A : memref<!tpu.dma_semaphore, #tpu.memory_space<semaphore_mem>>) src(%arg8 : memref<128x128xf32, #tpu.memory_space<vmem>>) dst(%dma_wait3A_188 : memref<128x128xf32, #tpu.memory_space<hbm>>)
      tpu.yield
    }) : () -> ()
    %dma_start3A_57 = arith.constant 896 : i32
    %dma_start3A_58 = tpu.memref_slice %arg5[%dma_start3A_57] : memref<1920xi32, #tpu.memory_space<vmem>> -> memref<128xi32, #tpu.memory_space<vmem>>
    %dma_start3A_59 = arith.constant 0 : i32
    %dma_start3A_60 = arith.constant 0 : i32
    %dma_start3A_61 = tpu.memref_slice %arg2[%dma_start3A_59, %dma_start3A_60] : memref<20000x128xf32, #tpu.memory_space<hbm>> -> memref<20000x128xf32, #tpu.memory_space<hbm>>
    tpu.enqueue_indirect_dma source(%dma_start3A_61 : memref<20000x128xf32, #tpu.memory_space<hbm>>) target(%arg8 : memref<128x128xf32, #tpu.memory_space<vmem>>) offsets(%dma_start3A_58 : memref<128xi32, #tpu.memory_space<vmem>>) semaphore(%arg13 : memref<!tpu.dma_semaphore, #tpu.memory_space<semaphore_mem>>)
    %dma_wait3A_62 = arith.constant 384 : i32
    %dma_wait3A_63 = tpu.memref_slice %arg5[%dma_wait3A_62] : memref<1920xi32, #tpu.memory_space<vmem>> -> memref<128xi32, #tpu.memory_space<vmem>>
    %dma_wait3A_64 = arith.constant 0 : i32
    %dma_wait3A_65 = arith.constant 0 : i32
    %dma_wait3A_66 = tpu.memref_slice %arg2[%dma_wait3A_64, %dma_wait3A_65] : memref<20000x128xf32, #tpu.memory_space<hbm>> -> memref<20000x128xf32, #tpu.memory_space<hbm>>
    tpu.wait_indirect_dma semaphore(%arg14 : memref<!tpu.dma_semaphore, #tpu.memory_space<semaphore_mem>>) src(%dma_wait3A_66 : memref<20000x128xf32, #tpu.memory_space<hbm>>) dst(%arg9 : memref<128x128xf32, #tpu.memory_space<vmem>>)
    %add3A_67 = arith.constant 384 : i32
    %add3A_68 = arith.addi %mul3A_2, %add3A_67 : i32
    "tpu.region"() ({
      %run_scoped3A = tpu.sem_alloc : memref<!tpu.dma_semaphore, #tpu.memory_space<semaphore_mem>>
      %dma_start3A_181 = arith.constant 0 : i32
      %dma_start3A_182 = tpu.memref_slice %arg4[%add3A_68, %dma_start3A_181] : memref<61440x128xf32, #tpu.memory_space<hbm>> -> memref<128x128xf32, #tpu.memory_space<hbm>>
      %dma_start3A_183 = arith.constant 0 : i32
      %dma_start3A_184 = tpu.memref_slice %arg4[%add3A_68, %dma_start3A_183] : memref<61440x128xf32, #tpu.memory_space<hbm>> -> memref<128x128xf32, #tpu.memory_space<hbm>>
      tpu.enqueue_dma source(%arg9 : memref<128x128xf32, #tpu.memory_space<vmem>>) target(%dma_start3A_184 : memref<128x128xf32, #tpu.memory_space<hbm>>) target_semaphore(%run_scoped3A : memref<!tpu.dma_semaphore, #tpu.memory_space<semaphore_mem>>)
      %dma_wait3A_185 = arith.constant 0 : i32
      %dma_wait3A_186 = tpu.memref_slice %arg4[%add3A_68, %dma_wait3A_185] : memref<61440x128xf32, #tpu.memory_space<hbm>> -> memref<128x128xf32, #tpu.memory_space<hbm>>
      %dma_wait3A_187 = arith.constant 0 : i32
      %dma_wait3A_188 = tpu.memref_slice %arg4[%add3A_68, %dma_wait3A_187] : memref<61440x128xf32, #tpu.memory_space<hbm>> -> memref<128x128xf32, #tpu.memory_space<hbm>>
      tpu.wait_dma2 semaphore(%run_scoped3A : memref<!tpu.dma_semaphore, #tpu.memory_space<semaphore_mem>>) src(%arg9 : memref<128x128xf32, #tpu.memory_space<vmem>>) dst(%dma_wait3A_188 : memref<128x128xf32, #tpu.memory_space<hbm>>)
      tpu.yield
    }) : () -> ()
    %dma_start3A_69 = arith.constant 1024 : i32
    %dma_start3A_70 = tpu.memref_slice %arg5[%dma_start3A_69] : memref<1920xi32, #tpu.memory_space<vmem>> -> memref<128xi32, #tpu.memory_space<vmem>>
    %dma_start3A_71 = arith.constant 0 : i32
    %dma_start3A_72 = arith.constant 0 : i32
    %dma_start3A_73 = tpu.memref_slice %arg2[%dma_start3A_71, %dma_start3A_72] : memref<20000x128xf32, #tpu.memory_space<hbm>> -> memref<20000x128xf32, #tpu.memory_space<hbm>>
    tpu.enqueue_indirect_dma source(%dma_start3A_73 : memref<20000x128xf32, #tpu.memory_space<hbm>>) target(%arg9 : memref<128x128xf32, #tpu.memory_space<vmem>>) offsets(%dma_start3A_70 : memref<128xi32, #tpu.memory_space<vmem>>) semaphore(%arg14 : memref<!tpu.dma_semaphore, #tpu.memory_space<semaphore_mem>>)
    %dma_wait3A_74 = arith.constant 512 : i32
    %dma_wait3A_75 = tpu.memref_slice %arg5[%dma_wait3A_74] : memref<1920xi32, #tpu.memory_space<vmem>> -> memref<128xi32, #tpu.memory_space<vmem>>
    %dma_wait3A_76 = arith.constant 0 : i32
    %dma_wait3A_77 = arith.constant 0 : i32
    %dma_wait3A_78 = tpu.memref_slice %arg2[%dma_wait3A_76, %dma_wait3A_77] : memref<20000x128xf32, #tpu.memory_space<hbm>> -> memref<20000x128xf32, #tpu.memory_space<hbm>>
    tpu.wait_indirect_dma semaphore(%arg15 : memref<!tpu.dma_semaphore, #tpu.memory_space<semaphore_mem>>) src(%dma_wait3A_78 : memref<20000x128xf32, #tpu.memory_space<hbm>>) dst(%arg10 : memref<128x128xf32, #tpu.memory_space<vmem>>)
    %add3A_79 = arith.constant 512 : i32
    %add3A_80 = arith.addi %mul3A_2, %add3A_79 : i32
    "tpu.region"() ({
      %run_scoped3A = tpu.sem_alloc : memref<!tpu.dma_semaphore, #tpu.memory_space<semaphore_mem>>
      %dma_start3A_181 = arith.constant 0 : i32
      %dma_start3A_182 = tpu.memref_slice %arg4[%add3A_80, %dma_start3A_181] : memref<61440x128xf32, #tpu.memory_space<hbm>> -> memref<128x128xf32, #tpu.memory_space<hbm>>
      %dma_start3A_183 = arith.constant 0 : i32
      %dma_start3A_184 = tpu.memref_slice %arg4[%add3A_80, %dma_start3A_183] : memref<61440x128xf32, #tpu.memory_space<hbm>> -> memref<128x128xf32, #tpu.memory_space<hbm>>
      tpu.enqueue_dma source(%arg10 : memref<128x128xf32, #tpu.memory_space<vmem>>) target(%dma_start3A_184 : memref<128x128xf32, #tpu.memory_space<hbm>>) target_semaphore(%run_scoped3A : memref<!tpu.dma_semaphore, #tpu.memory_space<semaphore_mem>>)
      %dma_wait3A_185 = arith.constant 0 : i32
      %dma_wait3A_186 = tpu.memref_slice %arg4[%add3A_80, %dma_wait3A_185] : memref<61440x128xf32, #tpu.memory_space<hbm>> -> memref<128x128xf32, #tpu.memory_space<hbm>>
      %dma_wait3A_187 = arith.constant 0 : i32
      %dma_wait3A_188 = tpu.memref_slice %arg4[%add3A_80, %dma_wait3A_187] : memref<61440x128xf32, #tpu.memory_space<hbm>> -> memref<128x128xf32, #tpu.memory_space<hbm>>
      tpu.wait_dma2 semaphore(%run_scoped3A : memref<!tpu.dma_semaphore, #tpu.memory_space<semaphore_mem>>) src(%arg10 : memref<128x128xf32, #tpu.memory_space<vmem>>) dst(%dma_wait3A_188 : memref<128x128xf32, #tpu.memory_space<hbm>>)
      tpu.yield
    }) : () -> ()
    %dma_start3A_81 = arith.constant 1152 : i32
    %dma_start3A_82 = tpu.memref_slice %arg5[%dma_start3A_81] : memref<1920xi32, #tpu.memory_space<vmem>> -> memref<128xi32, #tpu.memory_space<vmem>>
    %dma_start3A_83 = arith.constant 0 : i32
    %dma_start3A_84 = arith.constant 0 : i32
    %dma_start3A_85 = tpu.memref_slice %arg2[%dma_start3A_83, %dma_start3A_84] : memref<20000x128xf32, #tpu.memory_space<hbm>> -> memref<20000x128xf32, #tpu.memory_space<hbm>>
    tpu.enqueue_indirect_dma source(%dma_start3A_85 : memref<20000x128xf32, #tpu.memory_space<hbm>>) target(%arg10 : memref<128x128xf32, #tpu.memory_space<vmem>>) offsets(%dma_start3A_82 : memref<128xi32, #tpu.memory_space<vmem>>) semaphore(%arg15 : memref<!tpu.dma_semaphore, #tpu.memory_space<semaphore_mem>>)
    %dma_wait3A_86 = arith.constant 640 : i32
    %dma_wait3A_87 = tpu.memref_slice %arg5[%dma_wait3A_86] : memref<1920xi32, #tpu.memory_space<vmem>> -> memref<128xi32, #tpu.memory_space<vmem>>
    %dma_wait3A_88 = arith.constant 0 : i32
    %dma_wait3A_89 = arith.constant 0 : i32
    %dma_wait3A_90 = tpu.memref_slice %arg2[%dma_wait3A_88, %dma_wait3A_89] : memref<20000x128xf32, #tpu.memory_space<hbm>> -> memref<20000x128xf32, #tpu.memory_space<hbm>>
    tpu.wait_indirect_dma semaphore(%arg11 : memref<!tpu.dma_semaphore, #tpu.memory_space<semaphore_mem>>) src(%dma_wait3A_90 : memref<20000x128xf32, #tpu.memory_space<hbm>>) dst(%arg6 : memref<128x128xf32, #tpu.memory_space<vmem>>)
    %add3A_91 = arith.constant 640 : i32
    %add3A_92 = arith.addi %mul3A_2, %add3A_91 : i32
    "tpu.region"() ({
      %run_scoped3A = tpu.sem_alloc : memref<!tpu.dma_semaphore, #tpu.memory_space<semaphore_mem>>
      %dma_start3A_181 = arith.constant 0 : i32
      %dma_start3A_182 = tpu.memref_slice %arg4[%add3A_92, %dma_start3A_181] : memref<61440x128xf32, #tpu.memory_space<hbm>> -> memref<128x128xf32, #tpu.memory_space<hbm>>
      %dma_start3A_183 = arith.constant 0 : i32
      %dma_start3A_184 = tpu.memref_slice %arg4[%add3A_92, %dma_start3A_183] : memref<61440x128xf32, #tpu.memory_space<hbm>> -> memref<128x128xf32, #tpu.memory_space<hbm>>
      tpu.enqueue_dma source(%arg6 : memref<128x128xf32, #tpu.memory_space<vmem>>) target(%dma_start3A_184 : memref<128x128xf32, #tpu.memory_space<hbm>>) target_semaphore(%run_scoped3A : memref<!tpu.dma_semaphore, #tpu.memory_space<semaphore_mem>>)
      %dma_wait3A_185 = arith.constant 0 : i32
      %dma_wait3A_186 = tpu.memref_slice %arg4[%add3A_92, %dma_wait3A_185] : memref<61440x128xf32, #tpu.memory_space<hbm>> -> memref<128x128xf32, #tpu.memory_space<hbm>>
      %dma_wait3A_187 = arith.constant 0 : i32
      %dma_wait3A_188 = tpu.memref_slice %arg4[%add3A_92, %dma_wait3A_187] : memref<61440x128xf32, #tpu.memory_space<hbm>> -> memref<128x128xf32, #tpu.memory_space<hbm>>
      tpu.wait_dma2 semaphore(%run_scoped3A : memref<!tpu.dma_semaphore, #tpu.memory_space<semaphore_mem>>) src(%arg6 : memref<128x128xf32, #tpu.memory_space<vmem>>) dst(%dma_wait3A_188 : memref<128x128xf32, #tpu.memory_space<hbm>>)
      tpu.yield
    }) : () -> ()
    %dma_start3A_93 = arith.constant 1280 : i32
    %dma_start3A_94 = tpu.memref_slice %arg5[%dma_start3A_93] : memref<1920xi32, #tpu.memory_space<vmem>> -> memref<128xi32, #tpu.memory_space<vmem>>
    %dma_start3A_95 = arith.constant 0 : i32
    %dma_start3A_96 = arith.constant 0 : i32
    %dma_start3A_97 = tpu.memref_slice %arg2[%dma_start3A_95, %dma_start3A_96] : memref<20000x128xf32, #tpu.memory_space<hbm>> -> memref<20000x128xf32, #tpu.memory_space<hbm>>
    tpu.enqueue_indirect_dma source(%dma_start3A_97 : memref<20000x128xf32, #tpu.memory_space<hbm>>) target(%arg6 : memref<128x128xf32, #tpu.memory_space<vmem>>) offsets(%dma_start3A_94 : memref<128xi32, #tpu.memory_space<vmem>>) semaphore(%arg11 : memref<!tpu.dma_semaphore, #tpu.memory_space<semaphore_mem>>)
    %dma_wait3A_98 = arith.constant 768 : i32
    %dma_wait3A_99 = tpu.memref_slice %arg5[%dma_wait3A_98] : memref<1920xi32, #tpu.memory_space<vmem>> -> memref<128xi32, #tpu.memory_space<vmem>>
    %dma_wait3A_100 = arith.constant 0 : i32
    %dma_wait3A_101 = arith.constant 0 : i32
    %dma_wait3A_102 = tpu.memref_slice %arg2[%dma_wait3A_100, %dma_wait3A_101] : memref<20000x128xf32, #tpu.memory_space<hbm>> -> memref<20000x128xf32, #tpu.memory_space<hbm>>
    tpu.wait_indirect_dma semaphore(%arg12 : memref<!tpu.dma_semaphore, #tpu.memory_space<semaphore_mem>>) src(%dma_wait3A_102 : memref<20000x128xf32, #tpu.memory_space<hbm>>) dst(%arg7 : memref<128x128xf32, #tpu.memory_space<vmem>>)
    %add3A_103 = arith.constant 768 : i32
    %add3A_104 = arith.addi %mul3A_2, %add3A_103 : i32
    "tpu.region"() ({
      %run_scoped3A = tpu.sem_alloc : memref<!tpu.dma_semaphore, #tpu.memory_space<semaphore_mem>>
      %dma_start3A_181 = arith.constant 0 : i32
      %dma_start3A_182 = tpu.memref_slice %arg4[%add3A_104, %dma_start3A_181] : memref<61440x128xf32, #tpu.memory_space<hbm>> -> memref<128x128xf32, #tpu.memory_space<hbm>>
      %dma_start3A_183 = arith.constant 0 : i32
      %dma_start3A_184 = tpu.memref_slice %arg4[%add3A_104, %dma_start3A_183] : memref<61440x128xf32, #tpu.memory_space<hbm>> -> memref<128x128xf32, #tpu.memory_space<hbm>>
      tpu.enqueue_dma source(%arg7 : memref<128x128xf32, #tpu.memory_space<vmem>>) target(%dma_start3A_184 : memref<128x128xf32, #tpu.memory_space<hbm>>) target_semaphore(%run_scoped3A : memref<!tpu.dma_semaphore, #tpu.memory_space<semaphore_mem>>)
      %dma_wait3A_185 = arith.constant 0 : i32
      %dma_wait3A_186 = tpu.memref_slice %arg4[%add3A_104, %dma_wait3A_185] : memref<61440x128xf32, #tpu.memory_space<hbm>> -> memref<128x128xf32, #tpu.memory_space<hbm>>
      %dma_wait3A_187 = arith.constant 0 : i32
      %dma_wait3A_188 = tpu.memref_slice %arg4[%add3A_104, %dma_wait3A_187] : memref<61440x128xf32, #tpu.memory_space<hbm>> -> memref<128x128xf32, #tpu.memory_space<hbm>>
      tpu.wait_dma2 semaphore(%run_scoped3A : memref<!tpu.dma_semaphore, #tpu.memory_space<semaphore_mem>>) src(%arg7 : memref<128x128xf32, #tpu.memory_space<vmem>>) dst(%dma_wait3A_188 : memref<128x128xf32, #tpu.memory_space<hbm>>)
      tpu.yield
    }) : () -> ()
    %dma_start3A_105 = arith.constant 1408 : i32
    %dma_start3A_106 = tpu.memref_slice %arg5[%dma_start3A_105] : memref<1920xi32, #tpu.memory_space<vmem>> -> memref<128xi32, #tpu.memory_space<vmem>>
    %dma_start3A_107 = arith.constant 0 : i32
    %dma_start3A_108 = arith.constant 0 : i32
    %dma_start3A_109 = tpu.memref_slice %arg2[%dma_start3A_107, %dma_start3A_108] : memref<20000x128xf32, #tpu.memory_space<hbm>> -> memref<20000x128xf32, #tpu.memory_space<hbm>>
    tpu.enqueue_indirect_dma source(%dma_start3A_109 : memref<20000x128xf32, #tpu.memory_space<hbm>>) target(%arg7 : memref<128x128xf32, #tpu.memory_space<vmem>>) offsets(%dma_start3A_106 : memref<128xi32, #tpu.memory_space<vmem>>) semaphore(%arg12 : memref<!tpu.dma_semaphore, #tpu.memory_space<semaphore_mem>>)
    %dma_wait3A_110 = arith.constant 896 : i32
    %dma_wait3A_111 = tpu.memref_slice %arg5[%dma_wait3A_110] : memref<1920xi32, #tpu.memory_space<vmem>> -> memref<128xi32, #tpu.memory_space<vmem>>
    %dma_wait3A_112 = arith.constant 0 : i32
    %dma_wait3A_113 = arith.constant 0 : i32
    %dma_wait3A_114 = tpu.memref_slice %arg2[%dma_wait3A_112, %dma_wait3A_113] : memref<20000x128xf32, #tpu.memory_space<hbm>> -> memref<20000x128xf32, #tpu.memory_space<hbm>>
    tpu.wait_indirect_dma semaphore(%arg13 : memref<!tpu.dma_semaphore, #tpu.memory_space<semaphore_mem>>) src(%dma_wait3A_114 : memref<20000x128xf32, #tpu.memory_space<hbm>>) dst(%arg8 : memref<128x128xf32, #tpu.memory_space<vmem>>)
    %add3A_115 = arith.constant 896 : i32
    %add3A_116 = arith.addi %mul3A_2, %add3A_115 : i32
    "tpu.region"() ({
      %run_scoped3A = tpu.sem_alloc : memref<!tpu.dma_semaphore, #tpu.memory_space<semaphore_mem>>
      %dma_start3A_181 = arith.constant 0 : i32
      %dma_start3A_182 = tpu.memref_slice %arg4[%add3A_116, %dma_start3A_181] : memref<61440x128xf32, #tpu.memory_space<hbm>> -> memref<128x128xf32, #tpu.memory_space<hbm>>
      %dma_start3A_183 = arith.constant 0 : i32
      %dma_start3A_184 = tpu.memref_slice %arg4[%add3A_116, %dma_start3A_183] : memref<61440x128xf32, #tpu.memory_space<hbm>> -> memref<128x128xf32, #tpu.memory_space<hbm>>
      tpu.enqueue_dma source(%arg8 : memref<128x128xf32, #tpu.memory_space<vmem>>) target(%dma_start3A_184 : memref<128x128xf32, #tpu.memory_space<hbm>>) target_semaphore(%run_scoped3A : memref<!tpu.dma_semaphore, #tpu.memory_space<semaphore_mem>>)
      %dma_wait3A_185 = arith.constant 0 : i32
      %dma_wait3A_186 = tpu.memref_slice %arg4[%add3A_116, %dma_wait3A_185] : memref<61440x128xf32, #tpu.memory_space<hbm>> -> memref<128x128xf32, #tpu.memory_space<hbm>>
      %dma_wait3A_187 = arith.constant 0 : i32
      %dma_wait3A_188 = tpu.memref_slice %arg4[%add3A_116, %dma_wait3A_187] : memref<61440x128xf32, #tpu.memory_space<hbm>> -> memref<128x128xf32, #tpu.memory_space<hbm>>
      tpu.wait_dma2 semaphore(%run_scoped3A : memref<!tpu.dma_semaphore, #tpu.memory_space<semaphore_mem>>) src(%arg8 : memref<128x128xf32, #tpu.memory_space<vmem>>) dst(%dma_wait3A_188 : memref<128x128xf32, #tpu.memory_space<hbm>>)
      tpu.yield
    }) : () -> ()
    %dma_start3A_117 = arith.constant 1536 : i32
    %dma_start3A_118 = tpu.memref_slice %arg5[%dma_start3A_117] : memref<1920xi32, #tpu.memory_space<vmem>> -> memref<128xi32, #tpu.memory_space<vmem>>
    %dma_start3A_119 = arith.constant 0 : i32
    %dma_start3A_120 = arith.constant 0 : i32
    %dma_start3A_121 = tpu.memref_slice %arg2[%dma_start3A_119, %dma_start3A_120] : memref<20000x128xf32, #tpu.memory_space<hbm>> -> memref<20000x128xf32, #tpu.memory_space<hbm>>
    tpu.enqueue_indirect_dma source(%dma_start3A_121 : memref<20000x128xf32, #tpu.memory_space<hbm>>) target(%arg8 : memref<128x128xf32, #tpu.memory_space<vmem>>) offsets(%dma_start3A_118 : memref<128xi32, #tpu.memory_space<vmem>>) semaphore(%arg13 : memref<!tpu.dma_semaphore, #tpu.memory_space<semaphore_mem>>)
    %dma_wait3A_122 = arith.constant 1024 : i32
    %dma_wait3A_123 = tpu.memref_slice %arg5[%dma_wait3A_122] : memref<1920xi32, #tpu.memory_space<vmem>> -> memref<128xi32, #tpu.memory_space<vmem>>
    %dma_wait3A_124 = arith.constant 0 : i32
    %dma_wait3A_125 = arith.constant 0 : i32
    %dma_wait3A_126 = tpu.memref_slice %arg2[%dma_wait3A_124, %dma_wait3A_125] : memref<20000x128xf32, #tpu.memory_space<hbm>> -> memref<20000x128xf32, #tpu.memory_space<hbm>>
    tpu.wait_indirect_dma semaphore(%arg14 : memref<!tpu.dma_semaphore, #tpu.memory_space<semaphore_mem>>) src(%dma_wait3A_126 : memref<20000x128xf32, #tpu.memory_space<hbm>>) dst(%arg9 : memref<128x128xf32, #tpu.memory_space<vmem>>)
    %add3A_127 = arith.constant 1024 : i32
    %add3A_128 = arith.addi %mul3A_2, %add3A_127 : i32
    "tpu.region"() ({
      %run_scoped3A = tpu.sem_alloc : memref<!tpu.dma_semaphore, #tpu.memory_space<semaphore_mem>>
      %dma_start3A_181 = arith.constant 0 : i32
      %dma_start3A_182 = tpu.memref_slice %arg4[%add3A_128, %dma_start3A_181] : memref<61440x128xf32, #tpu.memory_space<hbm>> -> memref<128x128xf32, #tpu.memory_space<hbm>>
      %dma_start3A_183 = arith.constant 0 : i32
      %dma_start3A_184 = tpu.memref_slice %arg4[%add3A_128, %dma_start3A_183] : memref<61440x128xf32, #tpu.memory_space<hbm>> -> memref<128x128xf32, #tpu.memory_space<hbm>>
      tpu.enqueue_dma source(%arg9 : memref<128x128xf32, #tpu.memory_space<vmem>>) target(%dma_start3A_184 : memref<128x128xf32, #tpu.memory_space<hbm>>) target_semaphore(%run_scoped3A : memref<!tpu.dma_semaphore, #tpu.memory_space<semaphore_mem>>)
      %dma_wait3A_185 = arith.constant 0 : i32
      %dma_wait3A_186 = tpu.memref_slice %arg4[%add3A_128, %dma_wait3A_185] : memref<61440x128xf32, #tpu.memory_space<hbm>> -> memref<128x128xf32, #tpu.memory_space<hbm>>
      %dma_wait3A_187 = arith.constant 0 : i32
      %dma_wait3A_188 = tpu.memref_slice %arg4[%add3A_128, %dma_wait3A_187] : memref<61440x128xf32, #tpu.memory_space<hbm>> -> memref<128x128xf32, #tpu.memory_space<hbm>>
      tpu.wait_dma2 semaphore(%run_scoped3A : memref<!tpu.dma_semaphore, #tpu.memory_space<semaphore_mem>>) src(%arg9 : memref<128x128xf32, #tpu.memory_space<vmem>>) dst(%dma_wait3A_188 : memref<128x128xf32, #tpu.memory_space<hbm>>)
      tpu.yield
    }) : () -> ()
    %dma_start3A_129 = arith.constant 1664 : i32
    %dma_start3A_130 = tpu.memref_slice %arg5[%dma_start3A_129] : memref<1920xi32, #tpu.memory_space<vmem>> -> memref<128xi32, #tpu.memory_space<vmem>>
    %dma_start3A_131 = arith.constant 0 : i32
    %dma_start3A_132 = arith.constant 0 : i32
    %dma_start3A_133 = tpu.memref_slice %arg2[%dma_start3A_131, %dma_start3A_132] : memref<20000x128xf32, #tpu.memory_space<hbm>> -> memref<20000x128xf32, #tpu.memory_space<hbm>>
    tpu.enqueue_indirect_dma source(%dma_start3A_133 : memref<20000x128xf32, #tpu.memory_space<hbm>>) target(%arg9 : memref<128x128xf32, #tpu.memory_space<vmem>>) offsets(%dma_start3A_130 : memref<128xi32, #tpu.memory_space<vmem>>) semaphore(%arg14 : memref<!tpu.dma_semaphore, #tpu.memory_space<semaphore_mem>>)
    %dma_wait3A_134 = arith.constant 1152 : i32
    %dma_wait3A_135 = tpu.memref_slice %arg5[%dma_wait3A_134] : memref<1920xi32, #tpu.memory_space<vmem>> -> memref<128xi32, #tpu.memory_space<vmem>>
    %dma_wait3A_136 = arith.constant 0 : i32
    %dma_wait3A_137 = arith.constant 0 : i32
    %dma_wait3A_138 = tpu.memref_slice %arg2[%dma_wait3A_136, %dma_wait3A_137] : memref<20000x128xf32, #tpu.memory_space<hbm>> -> memref<20000x128xf32, #tpu.memory_space<hbm>>
    tpu.wait_indirect_dma semaphore(%arg15 : memref<!tpu.dma_semaphore, #tpu.memory_space<semaphore_mem>>) src(%dma_wait3A_138 : memref<20000x128xf32, #tpu.memory_space<hbm>>) dst(%arg10 : memref<128x128xf32, #tpu.memory_space<vmem>>)
    %add3A_139 = arith.constant 1152 : i32
    %add3A_140 = arith.addi %mul3A_2, %add3A_139 : i32
    "tpu.region"() ({
      %run_scoped3A = tpu.sem_alloc : memref<!tpu.dma_semaphore, #tpu.memory_space<semaphore_mem>>
      %dma_start3A_181 = arith.constant 0 : i32
      %dma_start3A_182 = tpu.memref_slice %arg4[%add3A_140, %dma_start3A_181] : memref<61440x128xf32, #tpu.memory_space<hbm>> -> memref<128x128xf32, #tpu.memory_space<hbm>>
      %dma_start3A_183 = arith.constant 0 : i32
      %dma_start3A_184 = tpu.memref_slice %arg4[%add3A_140, %dma_start3A_183] : memref<61440x128xf32, #tpu.memory_space<hbm>> -> memref<128x128xf32, #tpu.memory_space<hbm>>
      tpu.enqueue_dma source(%arg10 : memref<128x128xf32, #tpu.memory_space<vmem>>) target(%dma_start3A_184 : memref<128x128xf32, #tpu.memory_space<hbm>>) target_semaphore(%run_scoped3A : memref<!tpu.dma_semaphore, #tpu.memory_space<semaphore_mem>>)
      %dma_wait3A_185 = arith.constant 0 : i32
      %dma_wait3A_186 = tpu.memref_slice %arg4[%add3A_140, %dma_wait3A_185] : memref<61440x128xf32, #tpu.memory_space<hbm>> -> memref<128x128xf32, #tpu.memory_space<hbm>>
      %dma_wait3A_187 = arith.constant 0 : i32
      %dma_wait3A_188 = tpu.memref_slice %arg4[%add3A_140, %dma_wait3A_187] : memref<61440x128xf32, #tpu.memory_space<hbm>> -> memref<128x128xf32, #tpu.memory_space<hbm>>
      tpu.wait_dma2 semaphore(%run_scoped3A : memref<!tpu.dma_semaphore, #tpu.memory_space<semaphore_mem>>) src(%arg10 : memref<128x128xf32, #tpu.memory_space<vmem>>) dst(%dma_wait3A_188 : memref<128x128xf32, #tpu.memory_space<hbm>>)
      tpu.yield
    }) : () -> ()
    %dma_start3A_141 = arith.constant 1792 : i32
    %dma_start3A_142 = tpu.memref_slice %arg5[%dma_start3A_141] : memref<1920xi32, #tpu.memory_space<vmem>> -> memref<128xi32, #tpu.memory_space<vmem>>
    %dma_start3A_143 = arith.constant 0 : i32
    %dma_start3A_144 = arith.constant 0 : i32
    %dma_start3A_145 = tpu.memref_slice %arg2[%dma_start3A_143, %dma_start3A_144] : memref<20000x128xf32, #tpu.memory_space<hbm>> -> memref<20000x128xf32, #tpu.memory_space<hbm>>
    tpu.enqueue_indirect_dma source(%dma_start3A_145 : memref<20000x128xf32, #tpu.memory_space<hbm>>) target(%arg10 : memref<128x128xf32, #tpu.memory_space<vmem>>) offsets(%dma_start3A_142 : memref<128xi32, #tpu.memory_space<vmem>>) semaphore(%arg15 : memref<!tpu.dma_semaphore, #tpu.memory_space<semaphore_mem>>)
    %dma_wait3A_146 = arith.constant 1280 : i32
    %dma_wait3A_147 = tpu.memref_slice %arg5[%dma_wait3A_146] : memref<1920xi32, #tpu.memory_space<vmem>> -> memref<128xi32, #tpu.memory_space<vmem>>
    %dma_wait3A_148 = arith.constant 0 : i32
    %dma_wait3A_149 = arith.constant 0 : i32
    %dma_wait3A_150 = tpu.memref_slice %arg2[%dma_wait3A_148, %dma_wait3A_149] : memref<20000x128xf32, #tpu.memory_space<hbm>> -> memref<20000x128xf32, #tpu.memory_space<hbm>>
    tpu.wait_indirect_dma semaphore(%arg11 : memref<!tpu.dma_semaphore, #tpu.memory_space<semaphore_mem>>) src(%dma_wait3A_150 : memref<20000x128xf32, #tpu.memory_space<hbm>>) dst(%arg6 : memref<128x128xf32, #tpu.memory_space<vmem>>)
    %add3A_151 = arith.constant 1280 : i32
    %add3A_152 = arith.addi %mul3A_2, %add3A_151 : i32
    "tpu.region"() ({
      %run_scoped3A = tpu.sem_alloc : memref<!tpu.dma_semaphore, #tpu.memory_space<semaphore_mem>>
      %dma_start3A_181 = arith.constant 0 : i32
      %dma_start3A_182 = tpu.memref_slice %arg4[%add3A_152, %dma_start3A_181] : memref<61440x128xf32, #tpu.memory_space<hbm>> -> memref<128x128xf32, #tpu.memory_space<hbm>>
      %dma_start3A_183 = arith.constant 0 : i32
      %dma_start3A_184 = tpu.memref_slice %arg4[%add3A_152, %dma_start3A_183] : memref<61440x128xf32, #tpu.memory_space<hbm>> -> memref<128x128xf32, #tpu.memory_space<hbm>>
      tpu.enqueue_dma source(%arg6 : memref<128x128xf32, #tpu.memory_space<vmem>>) target(%dma_start3A_184 : memref<128x128xf32, #tpu.memory_space<hbm>>) target_semaphore(%run_scoped3A : memref<!tpu.dma_semaphore, #tpu.memory_space<semaphore_mem>>)
      %dma_wait3A_185 = arith.constant 0 : i32
      %dma_wait3A_186 = tpu.memref_slice %arg4[%add3A_152, %dma_wait3A_185] : memref<61440x128xf32, #tpu.memory_space<hbm>> -> memref<128x128xf32, #tpu.memory_space<hbm>>
      %dma_wait3A_187 = arith.constant 0 : i32
      %dma_wait3A_188 = tpu.memref_slice %arg4[%add3A_152, %dma_wait3A_187] : memref<61440x128xf32, #tpu.memory_space<hbm>> -> memref<128x128xf32, #tpu.memory_space<hbm>>
      tpu.wait_dma2 semaphore(%run_scoped3A : memref<!tpu.dma_semaphore, #tpu.memory_space<semaphore_mem>>) src(%arg6 : memref<128x128xf32, #tpu.memory_space<vmem>>) dst(%dma_wait3A_188 : memref<128x128xf32, #tpu.memory_space<hbm>>)
      tpu.yield
    }) : () -> ()
    %dma_wait3A_153 = arith.constant 1408 : i32
    %dma_wait3A_154 = tpu.memref_slice %arg5[%dma_wait3A_153] : memref<1920xi32, #tpu.memory_space<vmem>> -> memref<128xi32, #tpu.memory_space<vmem>>
    %dma_wait3A_155 = arith.constant 0 : i32
    %dma_wait3A_156 = arith.constant 0 : i32
    %dma_wait3A_157 = tpu.memref_slice %arg2[%dma_wait3A_155, %dma_wait3A_156] : memref<20000x128xf32, #tpu.memory_space<hbm>> -> memref<20000x128xf32, #tpu.memory_space<hbm>>
    tpu.wait_indirect_dma semaphore(%arg12 : memref<!tpu.dma_semaphore, #tpu.memory_space<semaphore_mem>>) src(%dma_wait3A_157 : memref<20000x128xf32, #tpu.memory_space<hbm>>) dst(%arg7 : memref<128x128xf32, #tpu.memory_space<vmem>>)
    %add3A_158 = arith.constant 1408 : i32
    %add3A_159 = arith.addi %mul3A_2, %add3A_158 : i32
    "tpu.region"() ({
      %run_scoped3A = tpu.sem_alloc : memref<!tpu.dma_semaphore, #tpu.memory_space<semaphore_mem>>
      %dma_start3A_181 = arith.constant 0 : i32
      %dma_start3A_182 = tpu.memref_slice %arg4[%add3A_159, %dma_start3A_181] : memref<61440x128xf32, #tpu.memory_space<hbm>> -> memref<128x128xf32, #tpu.memory_space<hbm>>
      %dma_start3A_183 = arith.constant 0 : i32
      %dma_start3A_184 = tpu.memref_slice %arg4[%add3A_159, %dma_start3A_183] : memref<61440x128xf32, #tpu.memory_space<hbm>> -> memref<128x128xf32, #tpu.memory_space<hbm>>
      tpu.enqueue_dma source(%arg7 : memref<128x128xf32, #tpu.memory_space<vmem>>) target(%dma_start3A_184 : memref<128x128xf32, #tpu.memory_space<hbm>>) target_semaphore(%run_scoped3A : memref<!tpu.dma_semaphore, #tpu.memory_space<semaphore_mem>>)
      %dma_wait3A_185 = arith.constant 0 : i32
      %dma_wait3A_186 = tpu.memref_slice %arg4[%add3A_159, %dma_wait3A_185] : memref<61440x128xf32, #tpu.memory_space<hbm>> -> memref<128x128xf32, #tpu.memory_space<hbm>>
      %dma_wait3A_187 = arith.constant 0 : i32
      %dma_wait3A_188 = tpu.memref_slice %arg4[%add3A_159, %dma_wait3A_187] : memref<61440x128xf32, #tpu.memory_space<hbm>> -> memref<128x128xf32, #tpu.memory_space<hbm>>
      tpu.wait_dma2 semaphore(%run_scoped3A : memref<!tpu.dma_semaphore, #tpu.memory_space<semaphore_mem>>) src(%arg7 : memref<128x128xf32, #tpu.memory_space<vmem>>) dst(%dma_wait3A_188 : memref<128x128xf32, #tpu.memory_space<hbm>>)
      tpu.yield
    }) : () -> ()
    %dma_wait3A_160 = arith.constant 1536 : i32
    %dma_wait3A_161 = tpu.memref_slice %arg5[%dma_wait3A_160] : memref<1920xi32, #tpu.memory_space<vmem>> -> memref<128xi32, #tpu.memory_space<vmem>>
    %dma_wait3A_162 = arith.constant 0 : i32
    %dma_wait3A_163 = arith.constant 0 : i32
    %dma_wait3A_164 = tpu.memref_slice %arg2[%dma_wait3A_162, %dma_wait3A_163] : memref<20000x128xf32, #tpu.memory_space<hbm>> -> memref<20000x128xf32, #tpu.memory_space<hbm>>
    tpu.wait_indirect_dma semaphore(%arg13 : memref<!tpu.dma_semaphore, #tpu.memory_space<semaphore_mem>>) src(%dma_wait3A_164 : memref<20000x128xf32, #tpu.memory_space<hbm>>) dst(%arg8 : memref<128x128xf32, #tpu.memory_space<vmem>>)
    %add3A_165 = arith.constant 1536 : i32
    %add3A_166 = arith.addi %mul3A_2, %add3A_165 : i32
    "tpu.region"() ({
      %run_scoped3A = tpu.sem_alloc : memref<!tpu.dma_semaphore, #tpu.memory_space<semaphore_mem>>
      %dma_start3A_181 = arith.constant 0 : i32
      %dma_start3A_182 = tpu.memref_slice %arg4[%add3A_166, %dma_start3A_181] : memref<61440x128xf32, #tpu.memory_space<hbm>> -> memref<128x128xf32, #tpu.memory_space<hbm>>
      %dma_start3A_183 = arith.constant 0 : i32
      %dma_start3A_184 = tpu.memref_slice %arg4[%add3A_166, %dma_start3A_183] : memref<61440x128xf32, #tpu.memory_space<hbm>> -> memref<128x128xf32, #tpu.memory_space<hbm>>
      tpu.enqueue_dma source(%arg8 : memref<128x128xf32, #tpu.memory_space<vmem>>) target(%dma_start3A_184 : memref<128x128xf32, #tpu.memory_space<hbm>>) target_semaphore(%run_scoped3A : memref<!tpu.dma_semaphore, #tpu.memory_space<semaphore_mem>>)
      %dma_wait3A_185 = arith.constant 0 : i32
      %dma_wait3A_186 = tpu.memref_slice %arg4[%add3A_166, %dma_wait3A_185] : memref<61440x128xf32, #tpu.memory_space<hbm>> -> memref<128x128xf32, #tpu.memory_space<hbm>>
      %dma_wait3A_187 = arith.constant 0 : i32
      %dma_wait3A_188 = tpu.memref_slice %arg4[%add3A_166, %dma_wait3A_187] : memref<61440x128xf32, #tpu.memory_space<hbm>> -> memref<128x128xf32, #tpu.memory_space<hbm>>
      tpu.wait_dma2 semaphore(%run_scoped3A : memref<!tpu.dma_semaphore, #tpu.memory_space<semaphore_mem>>) src(%arg8 : memref<128x128xf32, #tpu.memory_space<vmem>>) dst(%dma_wait3A_188 : memref<128x128xf32, #tpu.memory_space<hbm>>)
      tpu.yield
    }) : () -> ()
    %dma_wait3A_167 = arith.constant 1664 : i32
    %dma_wait3A_168 = tpu.memref_slice %arg5[%dma_wait3A_167] : memref<1920xi32, #tpu.memory_space<vmem>> -> memref<128xi32, #tpu.memory_space<vmem>>
    %dma_wait3A_169 = arith.constant 0 : i32
    %dma_wait3A_170 = arith.constant 0 : i32
    %dma_wait3A_171 = tpu.memref_slice %arg2[%dma_wait3A_169, %dma_wait3A_170] : memref<20000x128xf32, #tpu.memory_space<hbm>> -> memref<20000x128xf32, #tpu.memory_space<hbm>>
    tpu.wait_indirect_dma semaphore(%arg14 : memref<!tpu.dma_semaphore, #tpu.memory_space<semaphore_mem>>) src(%dma_wait3A_171 : memref<20000x128xf32, #tpu.memory_space<hbm>>) dst(%arg9 : memref<128x128xf32, #tpu.memory_space<vmem>>)
    %add3A_172 = arith.constant 1664 : i32
    %add3A_173 = arith.addi %mul3A_2, %add3A_172 : i32
    "tpu.region"() ({
      %run_scoped3A = tpu.sem_alloc : memref<!tpu.dma_semaphore, #tpu.memory_space<semaphore_mem>>
      %dma_start3A_181 = arith.constant 0 : i32
      %dma_start3A_182 = tpu.memref_slice %arg4[%add3A_173, %dma_start3A_181] : memref<61440x128xf32, #tpu.memory_space<hbm>> -> memref<128x128xf32, #tpu.memory_space<hbm>>
      %dma_start3A_183 = arith.constant 0 : i32
      %dma_start3A_184 = tpu.memref_slice %arg4[%add3A_173, %dma_start3A_183] : memref<61440x128xf32, #tpu.memory_space<hbm>> -> memref<128x128xf32, #tpu.memory_space<hbm>>
      tpu.enqueue_dma source(%arg9 : memref<128x128xf32, #tpu.memory_space<vmem>>) target(%dma_start3A_184 : memref<128x128xf32, #tpu.memory_space<hbm>>) target_semaphore(%run_scoped3A : memref<!tpu.dma_semaphore, #tpu.memory_space<semaphore_mem>>)
      %dma_wait3A_185 = arith.constant 0 : i32
      %dma_wait3A_186 = tpu.memref_slice %arg4[%add3A_173, %dma_wait3A_185] : memref<61440x128xf32, #tpu.memory_space<hbm>> -> memref<128x128xf32, #tpu.memory_space<hbm>>
      %dma_wait3A_187 = arith.constant 0 : i32
      %dma_wait3A_188 = tpu.memref_slice %arg4[%add3A_173, %dma_wait3A_187] : memref<61440x128xf32, #tpu.memory_space<hbm>> -> memref<128x128xf32, #tpu.memory_space<hbm>>
      tpu.wait_dma2 semaphore(%run_scoped3A : memref<!tpu.dma_semaphore, #tpu.memory_space<semaphore_mem>>) src(%arg9 : memref<128x128xf32, #tpu.memory_space<vmem>>) dst(%dma_wait3A_188 : memref<128x128xf32, #tpu.memory_space<hbm>>)
      tpu.yield
    }) : () -> ()
    %dma_wait3A_174 = arith.constant 1792 : i32
    %dma_wait3A_175 = tpu.memref_slice %arg5[%dma_wait3A_174] : memref<1920xi32, #tpu.memory_space<vmem>> -> memref<128xi32, #tpu.memory_space<vmem>>
    %dma_wait3A_176 = arith.constant 0 : i32
    %dma_wait3A_177 = arith.constant 0 : i32
    %dma_wait3A_178 = tpu.memref_slice %arg2[%dma_wait3A_176, %dma_wait3A_177] : memref<20000x128xf32, #tpu.memory_space<hbm>> -> memref<20000x128xf32, #tpu.memory_space<hbm>>
    tpu.wait_indirect_dma semaphore(%arg15 : memref<!tpu.dma_semaphore, #tpu.memory_space<semaphore_mem>>) src(%dma_wait3A_178 : memref<20000x128xf32, #tpu.memory_space<hbm>>) dst(%arg10 : memref<128x128xf32, #tpu.memory_space<vmem>>)
    %add3A_179 = arith.constant 1792 : i32
    %add3A_180 = arith.addi %mul3A_2, %add3A_179 : i32
    "tpu.region"() ({
      %run_scoped3A = tpu.sem_alloc : memref<!tpu.dma_semaphore, #tpu.memory_space<semaphore_mem>>
      %dma_start3A_181 = arith.constant 0 : i32
      %dma_start3A_182 = tpu.memref_slice %arg4[%add3A_180, %dma_start3A_181] : memref<61440x128xf32, #tpu.memory_space<hbm>> -> memref<128x128xf32, #tpu.memory_space<hbm>>
      %dma_start3A_183 = arith.constant 0 : i32
      %dma_start3A_184 = tpu.memref_slice %arg4[%add3A_180, %dma_start3A_183] : memref<61440x128xf32, #tpu.memory_space<hbm>> -> memref<128x128xf32, #tpu.memory_space<hbm>>
      tpu.enqueue_dma source(%arg10 : memref<128x128xf32, #tpu.memory_space<vmem>>) target(%dma_start3A_184 : memref<128x128xf32, #tpu.memory_space<hbm>>) target_semaphore(%run_scoped3A : memref<!tpu.dma_semaphore, #tpu.memory_space<semaphore_mem>>)
      %dma_wait3A_185 = arith.constant 0 : i32
      %dma_wait3A_186 = tpu.memref_slice %arg4[%add3A_180, %dma_wait3A_185] : memref<61440x128xf32, #tpu.memory_space<hbm>> -> memref<128x128xf32, #tpu.memory_space<hbm>>
      %dma_wait3A_187 = arith.constant 0 : i32
      %dma_wait3A_188 = tpu.memref_slice %arg4[%add3A_180, %dma_wait3A_187] : memref<61440x128xf32, #tpu.memory_space<hbm>> -> memref<128x128xf32, #tpu.memory_space<hbm>>
      tpu.wait_dma2 semaphore(%run_scoped3A : memref<!tpu.dma_semaphore, #tpu.memory_space<semaphore_mem>>) src(%arg10 : memref<128x128xf32, #tpu.memory_space<vmem>>) dst(%dma_wait3A_188 : memref<128x128xf32, #tpu.memory_space<hbm>>)
      tpu.yield
    }) : () -> ()
    return
  }
}

#map = affine_map<(d0, d1) -> (0, 0)>
#map1 = affine_map<(d0, d1) -> (0)>
module attributes {stable_mosaic.version = 14 : i64} {
  func.func @k(%arg0: i32, %arg1: i32, %arg2: memref<20000x128xi32, #tpu.memory_space<hbm>>, %arg3: memref<61440xi32, #tpu.memory_space<hbm>>, %arg4: memref<61440x128xi32, #tpu.memory_space<hbm>>, %arg5: memref<1920xi32, #tpu.memory_space<vmem>>, %arg6: memref<128x128xi32, #tpu.memory_space<vmem>>, %arg7: memref<128x128xi32, #tpu.memory_space<vmem>>, %arg8: memref<128x128xi32, #tpu.memory_space<vmem>>, %arg9: memref<128x128xi32, #tpu.memory_space<vmem>>, %arg10: memref<128x128xi32, #tpu.memory_space<vmem>>, %arg11: memref<!tpu.dma_semaphore, #tpu.memory_space<semaphore_mem>>, %arg12: memref<!tpu.dma_semaphore, #tpu.memory_space<semaphore_mem>>, %arg13: memref<!tpu.dma_semaphore, #tpu.memory_space<semaphore_mem>>, %arg14: memref<!tpu.dma_semaphore, #tpu.memory_space<semaphore_mem>>, %arg15: memref<!tpu.dma_semaphore, #tpu.memory_space<semaphore_mem>>) attributes {dimension_semantics = [#tpu.dimension_semantics<core_parallel>, #tpu.dimension_semantics<subcore_parallel>], iteration_bounds = array<i64: 2, 16>, scalar_prefetch = 0 : i64, scratch_operands = 11 : i64, tpu.core_type = #tpu.core_type<sc_vector_subcore>, window_params = [{transform_indices = #map}, {transform_indices = #map1}, {transform_indices = #map}]} {
    %mul3A = arith.constant 2 : i32
    %mul3A_0 = arith.muli %arg1, %mul3A : i32
    %add3A = arith.addi %mul3A_0, %arg0 : i32
    %mul3A_1 = arith.constant 1920 : i32
    %mul3A_2 = arith.muli %add3A, %mul3A_1 : i32
    "tpu.region"() ({
      %run_scoped3A = tpu.sem_alloc : memref<!tpu.dma_semaphore, #tpu.memory_space<semaphore_mem>>
      %dma_start3A_181 = tpu.memref_slice %arg3[%mul3A_2] : memref<61440xi32, #tpu.memory_space<hbm>> -> memref<1920xi32, #tpu.memory_space<hbm>>
      %dma_start3A_182 = tpu.memref_slice %arg3[%mul3A_2] : memref<61440xi32, #tpu.memory_space<hbm>> -> memref<1920xi32, #tpu.memory_space<hbm>>
      tpu.enqueue_dma source(%dma_start3A_182 : memref<1920xi32, #tpu.memory_space<hbm>>) target(%arg5 : memref<1920xi32, #tpu.memory_space<vmem>>) target_semaphore(%run_scoped3A : memref<!tpu.dma_semaphore, #tpu.memory_space<semaphore_mem>>)
      %dma_wait3A_183 = tpu.memref_slice %arg3[%mul3A_2] : memref<61440xi32, #tpu.memory_space<hbm>> -> memref<1920xi32, #tpu.memory_space<hbm>>
      %dma_wait3A_184 = tpu.memref_slice %arg3[%mul3A_2] : memref<61440xi32, #tpu.memory_space<hbm>> -> memref<1920xi32, #tpu.memory_space<hbm>>
      tpu.wait_dma2 semaphore(%run_scoped3A : memref<!tpu.dma_semaphore, #tpu.memory_space<semaphore_mem>>) src(%dma_wait3A_184 : memref<1920xi32, #tpu.memory_space<hbm>>) dst(%arg5 : memref<1920xi32, #tpu.memory_space<vmem>>)
      tpu.yield
    }) : () -> ()
    %dma_start3A = arith.constant 0 : i32
    %dma_start3A_3 = tpu.memref_slice %arg5[%dma_start3A] : memref<1920xi32, #tpu.memory_space<vmem>> -> memref<128xi32, #tpu.memory_space<vmem>>
    %dma_start3A_4 = arith.constant 0 : i32
    %dma_start3A_5 = arith.constant 0 : i32
    %dma_start3A_6 = tpu.memref_slice %arg2[%dma_start3A_4, %dma_start3A_5] : memref<20000x128xi32, #tpu.memory_space<hbm>> -> memref<20000x128xi32, #tpu.memory_space<hbm>>
    tpu.enqueue_indirect_dma source(%dma_start3A_6 : memref<20000x128xi32, #tpu.memory_space<hbm>>) target(%arg6 : memref<128x128xi32, #tpu.memory_space<vmem>>) offsets(%dma_start3A_3 : memref<128xi32, #tpu.memory_space<vmem>>) semaphore(%arg11 : memref<!tpu.dma_semaphore, #tpu.memory_space<semaphore_mem>>)
    %dma_start3A_7 = arith.constant 128 : i32
    %dma_start3A_8 = tpu.memref_slice %arg5[%dma_start3A_7] : memref<1920xi32, #tpu.memory_space<vmem>> -> memref<128xi32, #tpu.memory_space<vmem>>
    %dma_start3A_9 = arith.constant 0 : i32
    %dma_start3A_10 = arith.constant 0 : i32
    %dma_start3A_11 = tpu.memref_slice %arg2[%dma_start3A_9, %dma_start3A_10] : memref<20000x128xi32, #tpu.memory_space<hbm>> -> memref<20000x128xi32, #tpu.memory_space<hbm>>
    tpu.enqueue_indirect_dma source(%dma_start3A_11 : memref<20000x128xi32, #tpu.memory_space<hbm>>) target(%arg7 : memref<128x128xi32, #tpu.memory_space<vmem>>) offsets(%dma_start3A_8 : memref<128xi32, #tpu.memory_space<vmem>>) semaphore(%arg12 : memref<!tpu.dma_semaphore, #tpu.memory_space<semaphore_mem>>)
    %dma_start3A_12 = arith.constant 256 : i32
    %dma_start3A_13 = tpu.memref_slice %arg5[%dma_start3A_12] : memref<1920xi32, #tpu.memory_space<vmem>> -> memref<128xi32, #tpu.memory_space<vmem>>
    %dma_start3A_14 = arith.constant 0 : i32
    %dma_start3A_15 = arith.constant 0 : i32
    %dma_start3A_16 = tpu.memref_slice %arg2[%dma_start3A_14, %dma_start3A_15] : memref<20000x128xi32, #tpu.memory_space<hbm>> -> memref<20000x128xi32, #tpu.memory_space<hbm>>
    tpu.enqueue_indirect_dma source(%dma_start3A_16 : memref<20000x128xi32, #tpu.memory_space<hbm>>) target(%arg8 : memref<128x128xi32, #tpu.memory_space<vmem>>) offsets(%dma_start3A_13 : memref<128xi32, #tpu.memory_space<vmem>>) semaphore(%arg13 : memref<!tpu.dma_semaphore, #tpu.memory_space<semaphore_mem>>)
    %dma_start3A_17 = arith.constant 384 : i32
    %dma_start3A_18 = tpu.memref_slice %arg5[%dma_start3A_17] : memref<1920xi32, #tpu.memory_space<vmem>> -> memref<128xi32, #tpu.memory_space<vmem>>
    %dma_start3A_19 = arith.constant 0 : i32
    %dma_start3A_20 = arith.constant 0 : i32
    %dma_start3A_21 = tpu.memref_slice %arg2[%dma_start3A_19, %dma_start3A_20] : memref<20000x128xi32, #tpu.memory_space<hbm>> -> memref<20000x128xi32, #tpu.memory_space<hbm>>
    tpu.enqueue_indirect_dma source(%dma_start3A_21 : memref<20000x128xi32, #tpu.memory_space<hbm>>) target(%arg9 : memref<128x128xi32, #tpu.memory_space<vmem>>) offsets(%dma_start3A_18 : memref<128xi32, #tpu.memory_space<vmem>>) semaphore(%arg14 : memref<!tpu.dma_semaphore, #tpu.memory_space<semaphore_mem>>)
    %dma_start3A_22 = arith.constant 512 : i32
    %dma_start3A_23 = tpu.memref_slice %arg5[%dma_start3A_22] : memref<1920xi32, #tpu.memory_space<vmem>> -> memref<128xi32, #tpu.memory_space<vmem>>
    %dma_start3A_24 = arith.constant 0 : i32
    %dma_start3A_25 = arith.constant 0 : i32
    %dma_start3A_26 = tpu.memref_slice %arg2[%dma_start3A_24, %dma_start3A_25] : memref<20000x128xi32, #tpu.memory_space<hbm>> -> memref<20000x128xi32, #tpu.memory_space<hbm>>
    tpu.enqueue_indirect_dma source(%dma_start3A_26 : memref<20000x128xi32, #tpu.memory_space<hbm>>) target(%arg10 : memref<128x128xi32, #tpu.memory_space<vmem>>) offsets(%dma_start3A_23 : memref<128xi32, #tpu.memory_space<vmem>>) semaphore(%arg15 : memref<!tpu.dma_semaphore, #tpu.memory_space<semaphore_mem>>)
    %dma_wait3A = arith.constant 0 : i32
    %dma_wait3A_27 = tpu.memref_slice %arg5[%dma_wait3A] : memref<1920xi32, #tpu.memory_space<vmem>> -> memref<128xi32, #tpu.memory_space<vmem>>
    %dma_wait3A_28 = arith.constant 0 : i32
    %dma_wait3A_29 = arith.constant 0 : i32
    %dma_wait3A_30 = tpu.memref_slice %arg2[%dma_wait3A_28, %dma_wait3A_29] : memref<20000x128xi32, #tpu.memory_space<hbm>> -> memref<20000x128xi32, #tpu.memory_space<hbm>>
    tpu.wait_indirect_dma semaphore(%arg11 : memref<!tpu.dma_semaphore, #tpu.memory_space<semaphore_mem>>) src(%dma_wait3A_30 : memref<20000x128xi32, #tpu.memory_space<hbm>>) dst(%arg6 : memref<128x128xi32, #tpu.memory_space<vmem>>)
    %add3A_31 = arith.constant 0 : i32
    %add3A_32 = arith.addi %mul3A_2, %add3A_31 : i32
    "tpu.region"() ({
      %run_scoped3A = tpu.sem_alloc : memref<!tpu.dma_semaphore, #tpu.memory_space<semaphore_mem>>
      %dma_start3A_181 = arith.constant 0 : i32
      %dma_start3A_182 = tpu.memref_slice %arg4[%add3A_32, %dma_start3A_181] : memref<61440x128xi32, #tpu.memory_space<hbm>> -> memref<128x128xi32, #tpu.memory_space<hbm>>
      %dma_start3A_183 = arith.constant 0 : i32
      %dma_start3A_184 = tpu.memref_slice %arg4[%add3A_32, %dma_start3A_183] : memref<61440x128xi32, #tpu.memory_space<hbm>> -> memref<128x128xi32, #tpu.memory_space<hbm>>
      tpu.enqueue_dma source(%arg6 : memref<128x128xi32, #tpu.memory_space<vmem>>) target(%dma_start3A_184 : memref<128x128xi32, #tpu.memory_space<hbm>>) target_semaphore(%run_scoped3A : memref<!tpu.dma_semaphore, #tpu.memory_space<semaphore_mem>>)
      %dma_wait3A_185 = arith.constant 0 : i32
      %dma_wait3A_186 = tpu.memref_slice %arg4[%add3A_32, %dma_wait3A_185] : memref<61440x128xi32, #tpu.memory_space<hbm>> -> memref<128x128xi32, #tpu.memory_space<hbm>>
      %dma_wait3A_187 = arith.constant 0 : i32
      %dma_wait3A_188 = tpu.memref_slice %arg4[%add3A_32, %dma_wait3A_187] : memref<61440x128xi32, #tpu.memory_space<hbm>> -> memref<128x128xi32, #tpu.memory_space<hbm>>
      tpu.wait_dma2 semaphore(%run_scoped3A : memref<!tpu.dma_semaphore, #tpu.memory_space<semaphore_mem>>) src(%arg6 : memref<128x128xi32, #tpu.memory_space<vmem>>) dst(%dma_wait3A_188 : memref<128x128xi32, #tpu.memory_space<hbm>>)
      tpu.yield
    }) : () -> ()
    %dma_start3A_33 = arith.constant 640 : i32
    %dma_start3A_34 = tpu.memref_slice %arg5[%dma_start3A_33] : memref<1920xi32, #tpu.memory_space<vmem>> -> memref<128xi32, #tpu.memory_space<vmem>>
    %dma_start3A_35 = arith.constant 0 : i32
    %dma_start3A_36 = arith.constant 0 : i32
    %dma_start3A_37 = tpu.memref_slice %arg2[%dma_start3A_35, %dma_start3A_36] : memref<20000x128xi32, #tpu.memory_space<hbm>> -> memref<20000x128xi32, #tpu.memory_space<hbm>>
    tpu.enqueue_indirect_dma source(%dma_start3A_37 : memref<20000x128xi32, #tpu.memory_space<hbm>>) target(%arg6 : memref<128x128xi32, #tpu.memory_space<vmem>>) offsets(%dma_start3A_34 : memref<128xi32, #tpu.memory_space<vmem>>) semaphore(%arg11 : memref<!tpu.dma_semaphore, #tpu.memory_space<semaphore_mem>>)
    %dma_wait3A_38 = arith.constant 128 : i32
    %dma_wait3A_39 = tpu.memref_slice %arg5[%dma_wait3A_38] : memref<1920xi32, #tpu.memory_space<vmem>> -> memref<128xi32, #tpu.memory_space<vmem>>
    %dma_wait3A_40 = arith.constant 0 : i32
    %dma_wait3A_41 = arith.constant 0 : i32
    %dma_wait3A_42 = tpu.memref_slice %arg2[%dma_wait3A_40, %dma_wait3A_41] : memref<20000x128xi32, #tpu.memory_space<hbm>> -> memref<20000x128xi32, #tpu.memory_space<hbm>>
    tpu.wait_indirect_dma semaphore(%arg12 : memref<!tpu.dma_semaphore, #tpu.memory_space<semaphore_mem>>) src(%dma_wait3A_42 : memref<20000x128xi32, #tpu.memory_space<hbm>>) dst(%arg7 : memref<128x128xi32, #tpu.memory_space<vmem>>)
    %add3A_43 = arith.constant 128 : i32
    %add3A_44 = arith.addi %mul3A_2, %add3A_43 : i32
    "tpu.region"() ({
      %run_scoped3A = tpu.sem_alloc : memref<!tpu.dma_semaphore, #tpu.memory_space<semaphore_mem>>
      %dma_start3A_181 = arith.constant 0 : i32
      %dma_start3A_182 = tpu.memref_slice %arg4[%add3A_44, %dma_start3A_181] : memref<61440x128xi32, #tpu.memory_space<hbm>> -> memref<128x128xi32, #tpu.memory_space<hbm>>
      %dma_start3A_183 = arith.constant 0 : i32
      %dma_start3A_184 = tpu.memref_slice %arg4[%add3A_44, %dma_start3A_183] : memref<61440x128xi32, #tpu.memory_space<hbm>> -> memref<128x128xi32, #tpu.memory_space<hbm>>
      tpu.enqueue_dma source(%arg7 : memref<128x128xi32, #tpu.memory_space<vmem>>) target(%dma_start3A_184 : memref<128x128xi32, #tpu.memory_space<hbm>>) target_semaphore(%run_scoped3A : memref<!tpu.dma_semaphore, #tpu.memory_space<semaphore_mem>>)
      %dma_wait3A_185 = arith.constant 0 : i32
      %dma_wait3A_186 = tpu.memref_slice %arg4[%add3A_44, %dma_wait3A_185] : memref<61440x128xi32, #tpu.memory_space<hbm>> -> memref<128x128xi32, #tpu.memory_space<hbm>>
      %dma_wait3A_187 = arith.constant 0 : i32
      %dma_wait3A_188 = tpu.memref_slice %arg4[%add3A_44, %dma_wait3A_187] : memref<61440x128xi32, #tpu.memory_space<hbm>> -> memref<128x128xi32, #tpu.memory_space<hbm>>
      tpu.wait_dma2 semaphore(%run_scoped3A : memref<!tpu.dma_semaphore, #tpu.memory_space<semaphore_mem>>) src(%arg7 : memref<128x128xi32, #tpu.memory_space<vmem>>) dst(%dma_wait3A_188 : memref<128x128xi32, #tpu.memory_space<hbm>>)
      tpu.yield
    }) : () -> ()
    %dma_start3A_45 = arith.constant 768 : i32
    %dma_start3A_46 = tpu.memref_slice %arg5[%dma_start3A_45] : memref<1920xi32, #tpu.memory_space<vmem>> -> memref<128xi32, #tpu.memory_space<vmem>>
    %dma_start3A_47 = arith.constant 0 : i32
    %dma_start3A_48 = arith.constant 0 : i32
    %dma_start3A_49 = tpu.memref_slice %arg2[%dma_start3A_47, %dma_start3A_48] : memref<20000x128xi32, #tpu.memory_space<hbm>> -> memref<20000x128xi32, #tpu.memory_space<hbm>>
    tpu.enqueue_indirect_dma source(%dma_start3A_49 : memref<20000x128xi32, #tpu.memory_space<hbm>>) target(%arg7 : memref<128x128xi32, #tpu.memory_space<vmem>>) offsets(%dma_start3A_46 : memref<128xi32, #tpu.memory_space<vmem>>) semaphore(%arg12 : memref<!tpu.dma_semaphore, #tpu.memory_space<semaphore_mem>>)
    %dma_wait3A_50 = arith.constant 256 : i32
    %dma_wait3A_51 = tpu.memref_slice %arg5[%dma_wait3A_50] : memref<1920xi32, #tpu.memory_space<vmem>> -> memref<128xi32, #tpu.memory_space<vmem>>
    %dma_wait3A_52 = arith.constant 0 : i32
    %dma_wait3A_53 = arith.constant 0 : i32
    %dma_wait3A_54 = tpu.memref_slice %arg2[%dma_wait3A_52, %dma_wait3A_53] : memref<20000x128xi32, #tpu.memory_space<hbm>> -> memref<20000x128xi32, #tpu.memory_space<hbm>>
    tpu.wait_indirect_dma semaphore(%arg13 : memref<!tpu.dma_semaphore, #tpu.memory_space<semaphore_mem>>) src(%dma_wait3A_54 : memref<20000x128xi32, #tpu.memory_space<hbm>>) dst(%arg8 : memref<128x128xi32, #tpu.memory_space<vmem>>)
    %add3A_55 = arith.constant 256 : i32
    %add3A_56 = arith.addi %mul3A_2, %add3A_55 : i32
    "tpu.region"() ({
      %run_scoped3A = tpu.sem_alloc : memref<!tpu.dma_semaphore, #tpu.memory_space<semaphore_mem>>
      %dma_start3A_181 = arith.constant 0 : i32
      %dma_start3A_182 = tpu.memref_slice %arg4[%add3A_56, %dma_start3A_181] : memref<61440x128xi32, #tpu.memory_space<hbm>> -> memref<128x128xi32, #tpu.memory_space<hbm>>
      %dma_start3A_183 = arith.constant 0 : i32
      %dma_start3A_184 = tpu.memref_slice %arg4[%add3A_56, %dma_start3A_183] : memref<61440x128xi32, #tpu.memory_space<hbm>> -> memref<128x128xi32, #tpu.memory_space<hbm>>
      tpu.enqueue_dma source(%arg8 : memref<128x128xi32, #tpu.memory_space<vmem>>) target(%dma_start3A_184 : memref<128x128xi32, #tpu.memory_space<hbm>>) target_semaphore(%run_scoped3A : memref<!tpu.dma_semaphore, #tpu.memory_space<semaphore_mem>>)
      %dma_wait3A_185 = arith.constant 0 : i32
      %dma_wait3A_186 = tpu.memref_slice %arg4[%add3A_56, %dma_wait3A_185] : memref<61440x128xi32, #tpu.memory_space<hbm>> -> memref<128x128xi32, #tpu.memory_space<hbm>>
      %dma_wait3A_187 = arith.constant 0 : i32
      %dma_wait3A_188 = tpu.memref_slice %arg4[%add3A_56, %dma_wait3A_187] : memref<61440x128xi32, #tpu.memory_space<hbm>> -> memref<128x128xi32, #tpu.memory_space<hbm>>
      tpu.wait_dma2 semaphore(%run_scoped3A : memref<!tpu.dma_semaphore, #tpu.memory_space<semaphore_mem>>) src(%arg8 : memref<128x128xi32, #tpu.memory_space<vmem>>) dst(%dma_wait3A_188 : memref<128x128xi32, #tpu.memory_space<hbm>>)
      tpu.yield
    }) : () -> ()
    %dma_start3A_57 = arith.constant 896 : i32
    %dma_start3A_58 = tpu.memref_slice %arg5[%dma_start3A_57] : memref<1920xi32, #tpu.memory_space<vmem>> -> memref<128xi32, #tpu.memory_space<vmem>>
    %dma_start3A_59 = arith.constant 0 : i32
    %dma_start3A_60 = arith.constant 0 : i32
    %dma_start3A_61 = tpu.memref_slice %arg2[%dma_start3A_59, %dma_start3A_60] : memref<20000x128xi32, #tpu.memory_space<hbm>> -> memref<20000x128xi32, #tpu.memory_space<hbm>>
    tpu.enqueue_indirect_dma source(%dma_start3A_61 : memref<20000x128xi32, #tpu.memory_space<hbm>>) target(%arg8 : memref<128x128xi32, #tpu.memory_space<vmem>>) offsets(%dma_start3A_58 : memref<128xi32, #tpu.memory_space<vmem>>) semaphore(%arg13 : memref<!tpu.dma_semaphore, #tpu.memory_space<semaphore_mem>>)
    %dma_wait3A_62 = arith.constant 384 : i32
    %dma_wait3A_63 = tpu.memref_slice %arg5[%dma_wait3A_62] : memref<1920xi32, #tpu.memory_space<vmem>> -> memref<128xi32, #tpu.memory_space<vmem>>
    %dma_wait3A_64 = arith.constant 0 : i32
    %dma_wait3A_65 = arith.constant 0 : i32
    %dma_wait3A_66 = tpu.memref_slice %arg2[%dma_wait3A_64, %dma_wait3A_65] : memref<20000x128xi32, #tpu.memory_space<hbm>> -> memref<20000x128xi32, #tpu.memory_space<hbm>>
    tpu.wait_indirect_dma semaphore(%arg14 : memref<!tpu.dma_semaphore, #tpu.memory_space<semaphore_mem>>) src(%dma_wait3A_66 : memref<20000x128xi32, #tpu.memory_space<hbm>>) dst(%arg9 : memref<128x128xi32, #tpu.memory_space<vmem>>)
    %add3A_67 = arith.constant 384 : i32
    %add3A_68 = arith.addi %mul3A_2, %add3A_67 : i32
    "tpu.region"() ({
      %run_scoped3A = tpu.sem_alloc : memref<!tpu.dma_semaphore, #tpu.memory_space<semaphore_mem>>
      %dma_start3A_181 = arith.constant 0 : i32
      %dma_start3A_182 = tpu.memref_slice %arg4[%add3A_68, %dma_start3A_181] : memref<61440x128xi32, #tpu.memory_space<hbm>> -> memref<128x128xi32, #tpu.memory_space<hbm>>
      %dma_start3A_183 = arith.constant 0 : i32
      %dma_start3A_184 = tpu.memref_slice %arg4[%add3A_68, %dma_start3A_183] : memref<61440x128xi32, #tpu.memory_space<hbm>> -> memref<128x128xi32, #tpu.memory_space<hbm>>
      tpu.enqueue_dma source(%arg9 : memref<128x128xi32, #tpu.memory_space<vmem>>) target(%dma_start3A_184 : memref<128x128xi32, #tpu.memory_space<hbm>>) target_semaphore(%run_scoped3A : memref<!tpu.dma_semaphore, #tpu.memory_space<semaphore_mem>>)
      %dma_wait3A_185 = arith.constant 0 : i32
      %dma_wait3A_186 = tpu.memref_slice %arg4[%add3A_68, %dma_wait3A_185] : memref<61440x128xi32, #tpu.memory_space<hbm>> -> memref<128x128xi32, #tpu.memory_space<hbm>>
      %dma_wait3A_187 = arith.constant 0 : i32
      %dma_wait3A_188 = tpu.memref_slice %arg4[%add3A_68, %dma_wait3A_187] : memref<61440x128xi32, #tpu.memory_space<hbm>> -> memref<128x128xi32, #tpu.memory_space<hbm>>
      tpu.wait_dma2 semaphore(%run_scoped3A : memref<!tpu.dma_semaphore, #tpu.memory_space<semaphore_mem>>) src(%arg9 : memref<128x128xi32, #tpu.memory_space<vmem>>) dst(%dma_wait3A_188 : memref<128x128xi32, #tpu.memory_space<hbm>>)
      tpu.yield
    }) : () -> ()
    %dma_start3A_69 = arith.constant 1024 : i32
    %dma_start3A_70 = tpu.memref_slice %arg5[%dma_start3A_69] : memref<1920xi32, #tpu.memory_space<vmem>> -> memref<128xi32, #tpu.memory_space<vmem>>
    %dma_start3A_71 = arith.constant 0 : i32
    %dma_start3A_72 = arith.constant 0 : i32
    %dma_start3A_73 = tpu.memref_slice %arg2[%dma_start3A_71, %dma_start3A_72] : memref<20000x128xi32, #tpu.memory_space<hbm>> -> memref<20000x128xi32, #tpu.memory_space<hbm>>
    tpu.enqueue_indirect_dma source(%dma_start3A_73 : memref<20000x128xi32, #tpu.memory_space<hbm>>) target(%arg9 : memref<128x128xi32, #tpu.memory_space<vmem>>) offsets(%dma_start3A_70 : memref<128xi32, #tpu.memory_space<vmem>>) semaphore(%arg14 : memref<!tpu.dma_semaphore, #tpu.memory_space<semaphore_mem>>)
    %dma_wait3A_74 = arith.constant 512 : i32
    %dma_wait3A_75 = tpu.memref_slice %arg5[%dma_wait3A_74] : memref<1920xi32, #tpu.memory_space<vmem>> -> memref<128xi32, #tpu.memory_space<vmem>>
    %dma_wait3A_76 = arith.constant 0 : i32
    %dma_wait3A_77 = arith.constant 0 : i32
    %dma_wait3A_78 = tpu.memref_slice %arg2[%dma_wait3A_76, %dma_wait3A_77] : memref<20000x128xi32, #tpu.memory_space<hbm>> -> memref<20000x128xi32, #tpu.memory_space<hbm>>
    tpu.wait_indirect_dma semaphore(%arg15 : memref<!tpu.dma_semaphore, #tpu.memory_space<semaphore_mem>>) src(%dma_wait3A_78 : memref<20000x128xi32, #tpu.memory_space<hbm>>) dst(%arg10 : memref<128x128xi32, #tpu.memory_space<vmem>>)
    %add3A_79 = arith.constant 512 : i32
    %add3A_80 = arith.addi %mul3A_2, %add3A_79 : i32
    "tpu.region"() ({
      %run_scoped3A = tpu.sem_alloc : memref<!tpu.dma_semaphore, #tpu.memory_space<semaphore_mem>>
      %dma_start3A_181 = arith.constant 0 : i32
      %dma_start3A_182 = tpu.memref_slice %arg4[%add3A_80, %dma_start3A_181] : memref<61440x128xi32, #tpu.memory_space<hbm>> -> memref<128x128xi32, #tpu.memory_space<hbm>>
      %dma_start3A_183 = arith.constant 0 : i32
      %dma_start3A_184 = tpu.memref_slice %arg4[%add3A_80, %dma_start3A_183] : memref<61440x128xi32, #tpu.memory_space<hbm>> -> memref<128x128xi32, #tpu.memory_space<hbm>>
      tpu.enqueue_dma source(%arg10 : memref<128x128xi32, #tpu.memory_space<vmem>>) target(%dma_start3A_184 : memref<128x128xi32, #tpu.memory_space<hbm>>) target_semaphore(%run_scoped3A : memref<!tpu.dma_semaphore, #tpu.memory_space<semaphore_mem>>)
      %dma_wait3A_185 = arith.constant 0 : i32
      %dma_wait3A_186 = tpu.memref_slice %arg4[%add3A_80, %dma_wait3A_185] : memref<61440x128xi32, #tpu.memory_space<hbm>> -> memref<128x128xi32, #tpu.memory_space<hbm>>
      %dma_wait3A_187 = arith.constant 0 : i32
      %dma_wait3A_188 = tpu.memref_slice %arg4[%add3A_80, %dma_wait3A_187] : memref<61440x128xi32, #tpu.memory_space<hbm>> -> memref<128x128xi32, #tpu.memory_space<hbm>>
      tpu.wait_dma2 semaphore(%run_scoped3A : memref<!tpu.dma_semaphore, #tpu.memory_space<semaphore_mem>>) src(%arg10 : memref<128x128xi32, #tpu.memory_space<vmem>>) dst(%dma_wait3A_188 : memref<128x128xi32, #tpu.memory_space<hbm>>)
      tpu.yield
    }) : () -> ()
    %dma_start3A_81 = arith.constant 1152 : i32
    %dma_start3A_82 = tpu.memref_slice %arg5[%dma_start3A_81] : memref<1920xi32, #tpu.memory_space<vmem>> -> memref<128xi32, #tpu.memory_space<vmem>>
    %dma_start3A_83 = arith.constant 0 : i32
    %dma_start3A_84 = arith.constant 0 : i32
    %dma_start3A_85 = tpu.memref_slice %arg2[%dma_start3A_83, %dma_start3A_84] : memref<20000x128xi32, #tpu.memory_space<hbm>> -> memref<20000x128xi32, #tpu.memory_space<hbm>>
    tpu.enqueue_indirect_dma source(%dma_start3A_85 : memref<20000x128xi32, #tpu.memory_space<hbm>>) target(%arg10 : memref<128x128xi32, #tpu.memory_space<vmem>>) offsets(%dma_start3A_82 : memref<128xi32, #tpu.memory_space<vmem>>) semaphore(%arg15 : memref<!tpu.dma_semaphore, #tpu.memory_space<semaphore_mem>>)
    %dma_wait3A_86 = arith.constant 640 : i32
    %dma_wait3A_87 = tpu.memref_slice %arg5[%dma_wait3A_86] : memref<1920xi32, #tpu.memory_space<vmem>> -> memref<128xi32, #tpu.memory_space<vmem>>
    %dma_wait3A_88 = arith.constant 0 : i32
    %dma_wait3A_89 = arith.constant 0 : i32
    %dma_wait3A_90 = tpu.memref_slice %arg2[%dma_wait3A_88, %dma_wait3A_89] : memref<20000x128xi32, #tpu.memory_space<hbm>> -> memref<20000x128xi32, #tpu.memory_space<hbm>>
    tpu.wait_indirect_dma semaphore(%arg11 : memref<!tpu.dma_semaphore, #tpu.memory_space<semaphore_mem>>) src(%dma_wait3A_90 : memref<20000x128xi32, #tpu.memory_space<hbm>>) dst(%arg6 : memref<128x128xi32, #tpu.memory_space<vmem>>)
    %add3A_91 = arith.constant 640 : i32
    %add3A_92 = arith.addi %mul3A_2, %add3A_91 : i32
    "tpu.region"() ({
      %run_scoped3A = tpu.sem_alloc : memref<!tpu.dma_semaphore, #tpu.memory_space<semaphore_mem>>
      %dma_start3A_181 = arith.constant 0 : i32
      %dma_start3A_182 = tpu.memref_slice %arg4[%add3A_92, %dma_start3A_181] : memref<61440x128xi32, #tpu.memory_space<hbm>> -> memref<128x128xi32, #tpu.memory_space<hbm>>
      %dma_start3A_183 = arith.constant 0 : i32
      %dma_start3A_184 = tpu.memref_slice %arg4[%add3A_92, %dma_start3A_183] : memref<61440x128xi32, #tpu.memory_space<hbm>> -> memref<128x128xi32, #tpu.memory_space<hbm>>
      tpu.enqueue_dma source(%arg6 : memref<128x128xi32, #tpu.memory_space<vmem>>) target(%dma_start3A_184 : memref<128x128xi32, #tpu.memory_space<hbm>>) target_semaphore(%run_scoped3A : memref<!tpu.dma_semaphore, #tpu.memory_space<semaphore_mem>>)
      %dma_wait3A_185 = arith.constant 0 : i32
      %dma_wait3A_186 = tpu.memref_slice %arg4[%add3A_92, %dma_wait3A_185] : memref<61440x128xi32, #tpu.memory_space<hbm>> -> memref<128x128xi32, #tpu.memory_space<hbm>>
      %dma_wait3A_187 = arith.constant 0 : i32
      %dma_wait3A_188 = tpu.memref_slice %arg4[%add3A_92, %dma_wait3A_187] : memref<61440x128xi32, #tpu.memory_space<hbm>> -> memref<128x128xi32, #tpu.memory_space<hbm>>
      tpu.wait_dma2 semaphore(%run_scoped3A : memref<!tpu.dma_semaphore, #tpu.memory_space<semaphore_mem>>) src(%arg6 : memref<128x128xi32, #tpu.memory_space<vmem>>) dst(%dma_wait3A_188 : memref<128x128xi32, #tpu.memory_space<hbm>>)
      tpu.yield
    }) : () -> ()
    %dma_start3A_93 = arith.constant 1280 : i32
    %dma_start3A_94 = tpu.memref_slice %arg5[%dma_start3A_93] : memref<1920xi32, #tpu.memory_space<vmem>> -> memref<128xi32, #tpu.memory_space<vmem>>
    %dma_start3A_95 = arith.constant 0 : i32
    %dma_start3A_96 = arith.constant 0 : i32
    %dma_start3A_97 = tpu.memref_slice %arg2[%dma_start3A_95, %dma_start3A_96] : memref<20000x128xi32, #tpu.memory_space<hbm>> -> memref<20000x128xi32, #tpu.memory_space<hbm>>
    tpu.enqueue_indirect_dma source(%dma_start3A_97 : memref<20000x128xi32, #tpu.memory_space<hbm>>) target(%arg6 : memref<128x128xi32, #tpu.memory_space<vmem>>) offsets(%dma_start3A_94 : memref<128xi32, #tpu.memory_space<vmem>>) semaphore(%arg11 : memref<!tpu.dma_semaphore, #tpu.memory_space<semaphore_mem>>)
    %dma_wait3A_98 = arith.constant 768 : i32
    %dma_wait3A_99 = tpu.memref_slice %arg5[%dma_wait3A_98] : memref<1920xi32, #tpu.memory_space<vmem>> -> memref<128xi32, #tpu.memory_space<vmem>>
    %dma_wait3A_100 = arith.constant 0 : i32
    %dma_wait3A_101 = arith.constant 0 : i32
    %dma_wait3A_102 = tpu.memref_slice %arg2[%dma_wait3A_100, %dma_wait3A_101] : memref<20000x128xi32, #tpu.memory_space<hbm>> -> memref<20000x128xi32, #tpu.memory_space<hbm>>
    tpu.wait_indirect_dma semaphore(%arg12 : memref<!tpu.dma_semaphore, #tpu.memory_space<semaphore_mem>>) src(%dma_wait3A_102 : memref<20000x128xi32, #tpu.memory_space<hbm>>) dst(%arg7 : memref<128x128xi32, #tpu.memory_space<vmem>>)
    %add3A_103 = arith.constant 768 : i32
    %add3A_104 = arith.addi %mul3A_2, %add3A_103 : i32
    "tpu.region"() ({
      %run_scoped3A = tpu.sem_alloc : memref<!tpu.dma_semaphore, #tpu.memory_space<semaphore_mem>>
      %dma_start3A_181 = arith.constant 0 : i32
      %dma_start3A_182 = tpu.memref_slice %arg4[%add3A_104, %dma_start3A_181] : memref<61440x128xi32, #tpu.memory_space<hbm>> -> memref<128x128xi32, #tpu.memory_space<hbm>>
      %dma_start3A_183 = arith.constant 0 : i32
      %dma_start3A_184 = tpu.memref_slice %arg4[%add3A_104, %dma_start3A_183] : memref<61440x128xi32, #tpu.memory_space<hbm>> -> memref<128x128xi32, #tpu.memory_space<hbm>>
      tpu.enqueue_dma source(%arg7 : memref<128x128xi32, #tpu.memory_space<vmem>>) target(%dma_start3A_184 : memref<128x128xi32, #tpu.memory_space<hbm>>) target_semaphore(%run_scoped3A : memref<!tpu.dma_semaphore, #tpu.memory_space<semaphore_mem>>)
      %dma_wait3A_185 = arith.constant 0 : i32
      %dma_wait3A_186 = tpu.memref_slice %arg4[%add3A_104, %dma_wait3A_185] : memref<61440x128xi32, #tpu.memory_space<hbm>> -> memref<128x128xi32, #tpu.memory_space<hbm>>
      %dma_wait3A_187 = arith.constant 0 : i32
      %dma_wait3A_188 = tpu.memref_slice %arg4[%add3A_104, %dma_wait3A_187] : memref<61440x128xi32, #tpu.memory_space<hbm>> -> memref<128x128xi32, #tpu.memory_space<hbm>>
      tpu.wait_dma2 semaphore(%run_scoped3A : memref<!tpu.dma_semaphore, #tpu.memory_space<semaphore_mem>>) src(%arg7 : memref<128x128xi32, #tpu.memory_space<vmem>>) dst(%dma_wait3A_188 : memref<128x128xi32, #tpu.memory_space<hbm>>)
      tpu.yield
    }) : () -> ()
    %dma_start3A_105 = arith.constant 1408 : i32
    %dma_start3A_106 = tpu.memref_slice %arg5[%dma_start3A_105] : memref<1920xi32, #tpu.memory_space<vmem>> -> memref<128xi32, #tpu.memory_space<vmem>>
    %dma_start3A_107 = arith.constant 0 : i32
    %dma_start3A_108 = arith.constant 0 : i32
    %dma_start3A_109 = tpu.memref_slice %arg2[%dma_start3A_107, %dma_start3A_108] : memref<20000x128xi32, #tpu.memory_space<hbm>> -> memref<20000x128xi32, #tpu.memory_space<hbm>>
    tpu.enqueue_indirect_dma source(%dma_start3A_109 : memref<20000x128xi32, #tpu.memory_space<hbm>>) target(%arg7 : memref<128x128xi32, #tpu.memory_space<vmem>>) offsets(%dma_start3A_106 : memref<128xi32, #tpu.memory_space<vmem>>) semaphore(%arg12 : memref<!tpu.dma_semaphore, #tpu.memory_space<semaphore_mem>>)
    %dma_wait3A_110 = arith.constant 896 : i32
    %dma_wait3A_111 = tpu.memref_slice %arg5[%dma_wait3A_110] : memref<1920xi32, #tpu.memory_space<vmem>> -> memref<128xi32, #tpu.memory_space<vmem>>
    %dma_wait3A_112 = arith.constant 0 : i32
    %dma_wait3A_113 = arith.constant 0 : i32
    %dma_wait3A_114 = tpu.memref_slice %arg2[%dma_wait3A_112, %dma_wait3A_113] : memref<20000x128xi32, #tpu.memory_space<hbm>> -> memref<20000x128xi32, #tpu.memory_space<hbm>>
    tpu.wait_indirect_dma semaphore(%arg13 : memref<!tpu.dma_semaphore, #tpu.memory_space<semaphore_mem>>) src(%dma_wait3A_114 : memref<20000x128xi32, #tpu.memory_space<hbm>>) dst(%arg8 : memref<128x128xi32, #tpu.memory_space<vmem>>)
    %add3A_115 = arith.constant 896 : i32
    %add3A_116 = arith.addi %mul3A_2, %add3A_115 : i32
    "tpu.region"() ({
      %run_scoped3A = tpu.sem_alloc : memref<!tpu.dma_semaphore, #tpu.memory_space<semaphore_mem>>
      %dma_start3A_181 = arith.constant 0 : i32
      %dma_start3A_182 = tpu.memref_slice %arg4[%add3A_116, %dma_start3A_181] : memref<61440x128xi32, #tpu.memory_space<hbm>> -> memref<128x128xi32, #tpu.memory_space<hbm>>
      %dma_start3A_183 = arith.constant 0 : i32
      %dma_start3A_184 = tpu.memref_slice %arg4[%add3A_116, %dma_start3A_183] : memref<61440x128xi32, #tpu.memory_space<hbm>> -> memref<128x128xi32, #tpu.memory_space<hbm>>
      tpu.enqueue_dma source(%arg8 : memref<128x128xi32, #tpu.memory_space<vmem>>) target(%dma_start3A_184 : memref<128x128xi32, #tpu.memory_space<hbm>>) target_semaphore(%run_scoped3A : memref<!tpu.dma_semaphore, #tpu.memory_space<semaphore_mem>>)
      %dma_wait3A_185 = arith.constant 0 : i32
      %dma_wait3A_186 = tpu.memref_slice %arg4[%add3A_116, %dma_wait3A_185] : memref<61440x128xi32, #tpu.memory_space<hbm>> -> memref<128x128xi32, #tpu.memory_space<hbm>>
      %dma_wait3A_187 = arith.constant 0 : i32
      %dma_wait3A_188 = tpu.memref_slice %arg4[%add3A_116, %dma_wait3A_187] : memref<61440x128xi32, #tpu.memory_space<hbm>> -> memref<128x128xi32, #tpu.memory_space<hbm>>
      tpu.wait_dma2 semaphore(%run_scoped3A : memref<!tpu.dma_semaphore, #tpu.memory_space<semaphore_mem>>) src(%arg8 : memref<128x128xi32, #tpu.memory_space<vmem>>) dst(%dma_wait3A_188 : memref<128x128xi32, #tpu.memory_space<hbm>>)
      tpu.yield
    }) : () -> ()
    %dma_start3A_117 = arith.constant 1536 : i32
    %dma_start3A_118 = tpu.memref_slice %arg5[%dma_start3A_117] : memref<1920xi32, #tpu.memory_space<vmem>> -> memref<128xi32, #tpu.memory_space<vmem>>
    %dma_start3A_119 = arith.constant 0 : i32
    %dma_start3A_120 = arith.constant 0 : i32
    %dma_start3A_121 = tpu.memref_slice %arg2[%dma_start3A_119, %dma_start3A_120] : memref<20000x128xi32, #tpu.memory_space<hbm>> -> memref<20000x128xi32, #tpu.memory_space<hbm>>
    tpu.enqueue_indirect_dma source(%dma_start3A_121 : memref<20000x128xi32, #tpu.memory_space<hbm>>) target(%arg8 : memref<128x128xi32, #tpu.memory_space<vmem>>) offsets(%dma_start3A_118 : memref<128xi32, #tpu.memory_space<vmem>>) semaphore(%arg13 : memref<!tpu.dma_semaphore, #tpu.memory_space<semaphore_mem>>)
    %dma_wait3A_122 = arith.constant 1024 : i32
    %dma_wait3A_123 = tpu.memref_slice %arg5[%dma_wait3A_122] : memref<1920xi32, #tpu.memory_space<vmem>> -> memref<128xi32, #tpu.memory_space<vmem>>
    %dma_wait3A_124 = arith.constant 0 : i32
    %dma_wait3A_125 = arith.constant 0 : i32
    %dma_wait3A_126 = tpu.memref_slice %arg2[%dma_wait3A_124, %dma_wait3A_125] : memref<20000x128xi32, #tpu.memory_space<hbm>> -> memref<20000x128xi32, #tpu.memory_space<hbm>>
    tpu.wait_indirect_dma semaphore(%arg14 : memref<!tpu.dma_semaphore, #tpu.memory_space<semaphore_mem>>) src(%dma_wait3A_126 : memref<20000x128xi32, #tpu.memory_space<hbm>>) dst(%arg9 : memref<128x128xi32, #tpu.memory_space<vmem>>)
    %add3A_127 = arith.constant 1024 : i32
    %add3A_128 = arith.addi %mul3A_2, %add3A_127 : i32
    "tpu.region"() ({
      %run_scoped3A = tpu.sem_alloc : memref<!tpu.dma_semaphore, #tpu.memory_space<semaphore_mem>>
      %dma_start3A_181 = arith.constant 0 : i32
      %dma_start3A_182 = tpu.memref_slice %arg4[%add3A_128, %dma_start3A_181] : memref<61440x128xi32, #tpu.memory_space<hbm>> -> memref<128x128xi32, #tpu.memory_space<hbm>>
      %dma_start3A_183 = arith.constant 0 : i32
      %dma_start3A_184 = tpu.memref_slice %arg4[%add3A_128, %dma_start3A_183] : memref<61440x128xi32, #tpu.memory_space<hbm>> -> memref<128x128xi32, #tpu.memory_space<hbm>>
      tpu.enqueue_dma source(%arg9 : memref<128x128xi32, #tpu.memory_space<vmem>>) target(%dma_start3A_184 : memref<128x128xi32, #tpu.memory_space<hbm>>) target_semaphore(%run_scoped3A : memref<!tpu.dma_semaphore, #tpu.memory_space<semaphore_mem>>)
      %dma_wait3A_185 = arith.constant 0 : i32
      %dma_wait3A_186 = tpu.memref_slice %arg4[%add3A_128, %dma_wait3A_185] : memref<61440x128xi32, #tpu.memory_space<hbm>> -> memref<128x128xi32, #tpu.memory_space<hbm>>
      %dma_wait3A_187 = arith.constant 0 : i32
      %dma_wait3A_188 = tpu.memref_slice %arg4[%add3A_128, %dma_wait3A_187] : memref<61440x128xi32, #tpu.memory_space<hbm>> -> memref<128x128xi32, #tpu.memory_space<hbm>>
      tpu.wait_dma2 semaphore(%run_scoped3A : memref<!tpu.dma_semaphore, #tpu.memory_space<semaphore_mem>>) src(%arg9 : memref<128x128xi32, #tpu.memory_space<vmem>>) dst(%dma_wait3A_188 : memref<128x128xi32, #tpu.memory_space<hbm>>)
      tpu.yield
    }) : () -> ()
    %dma_start3A_129 = arith.constant 1664 : i32
    %dma_start3A_130 = tpu.memref_slice %arg5[%dma_start3A_129] : memref<1920xi32, #tpu.memory_space<vmem>> -> memref<128xi32, #tpu.memory_space<vmem>>
    %dma_start3A_131 = arith.constant 0 : i32
    %dma_start3A_132 = arith.constant 0 : i32
    %dma_start3A_133 = tpu.memref_slice %arg2[%dma_start3A_131, %dma_start3A_132] : memref<20000x128xi32, #tpu.memory_space<hbm>> -> memref<20000x128xi32, #tpu.memory_space<hbm>>
    tpu.enqueue_indirect_dma source(%dma_start3A_133 : memref<20000x128xi32, #tpu.memory_space<hbm>>) target(%arg9 : memref<128x128xi32, #tpu.memory_space<vmem>>) offsets(%dma_start3A_130 : memref<128xi32, #tpu.memory_space<vmem>>) semaphore(%arg14 : memref<!tpu.dma_semaphore, #tpu.memory_space<semaphore_mem>>)
    %dma_wait3A_134 = arith.constant 1152 : i32
    %dma_wait3A_135 = tpu.memref_slice %arg5[%dma_wait3A_134] : memref<1920xi32, #tpu.memory_space<vmem>> -> memref<128xi32, #tpu.memory_space<vmem>>
    %dma_wait3A_136 = arith.constant 0 : i32
    %dma_wait3A_137 = arith.constant 0 : i32
    %dma_wait3A_138 = tpu.memref_slice %arg2[%dma_wait3A_136, %dma_wait3A_137] : memref<20000x128xi32, #tpu.memory_space<hbm>> -> memref<20000x128xi32, #tpu.memory_space<hbm>>
    tpu.wait_indirect_dma semaphore(%arg15 : memref<!tpu.dma_semaphore, #tpu.memory_space<semaphore_mem>>) src(%dma_wait3A_138 : memref<20000x128xi32, #tpu.memory_space<hbm>>) dst(%arg10 : memref<128x128xi32, #tpu.memory_space<vmem>>)
    %add3A_139 = arith.constant 1152 : i32
    %add3A_140 = arith.addi %mul3A_2, %add3A_139 : i32
    "tpu.region"() ({
      %run_scoped3A = tpu.sem_alloc : memref<!tpu.dma_semaphore, #tpu.memory_space<semaphore_mem>>
      %dma_start3A_181 = arith.constant 0 : i32
      %dma_start3A_182 = tpu.memref_slice %arg4[%add3A_140, %dma_start3A_181] : memref<61440x128xi32, #tpu.memory_space<hbm>> -> memref<128x128xi32, #tpu.memory_space<hbm>>
      %dma_start3A_183 = arith.constant 0 : i32
      %dma_start3A_184 = tpu.memref_slice %arg4[%add3A_140, %dma_start3A_183] : memref<61440x128xi32, #tpu.memory_space<hbm>> -> memref<128x128xi32, #tpu.memory_space<hbm>>
      tpu.enqueue_dma source(%arg10 : memref<128x128xi32, #tpu.memory_space<vmem>>) target(%dma_start3A_184 : memref<128x128xi32, #tpu.memory_space<hbm>>) target_semaphore(%run_scoped3A : memref<!tpu.dma_semaphore, #tpu.memory_space<semaphore_mem>>)
      %dma_wait3A_185 = arith.constant 0 : i32
      %dma_wait3A_186 = tpu.memref_slice %arg4[%add3A_140, %dma_wait3A_185] : memref<61440x128xi32, #tpu.memory_space<hbm>> -> memref<128x128xi32, #tpu.memory_space<hbm>>
      %dma_wait3A_187 = arith.constant 0 : i32
      %dma_wait3A_188 = tpu.memref_slice %arg4[%add3A_140, %dma_wait3A_187] : memref<61440x128xi32, #tpu.memory_space<hbm>> -> memref<128x128xi32, #tpu.memory_space<hbm>>
      tpu.wait_dma2 semaphore(%run_scoped3A : memref<!tpu.dma_semaphore, #tpu.memory_space<semaphore_mem>>) src(%arg10 : memref<128x128xi32, #tpu.memory_space<vmem>>) dst(%dma_wait3A_188 : memref<128x128xi32, #tpu.memory_space<hbm>>)
      tpu.yield
    }) : () -> ()
    %dma_start3A_141 = arith.constant 1792 : i32
    %dma_start3A_142 = tpu.memref_slice %arg5[%dma_start3A_141] : memref<1920xi32, #tpu.memory_space<vmem>> -> memref<128xi32, #tpu.memory_space<vmem>>
    %dma_start3A_143 = arith.constant 0 : i32
    %dma_start3A_144 = arith.constant 0 : i32
    %dma_start3A_145 = tpu.memref_slice %arg2[%dma_start3A_143, %dma_start3A_144] : memref<20000x128xi32, #tpu.memory_space<hbm>> -> memref<20000x128xi32, #tpu.memory_space<hbm>>
    tpu.enqueue_indirect_dma source(%dma_start3A_145 : memref<20000x128xi32, #tpu.memory_space<hbm>>) target(%arg10 : memref<128x128xi32, #tpu.memory_space<vmem>>) offsets(%dma_start3A_142 : memref<128xi32, #tpu.memory_space<vmem>>) semaphore(%arg15 : memref<!tpu.dma_semaphore, #tpu.memory_space<semaphore_mem>>)
    %dma_wait3A_146 = arith.constant 1280 : i32
    %dma_wait3A_147 = tpu.memref_slice %arg5[%dma_wait3A_146] : memref<1920xi32, #tpu.memory_space<vmem>> -> memref<128xi32, #tpu.memory_space<vmem>>
    %dma_wait3A_148 = arith.constant 0 : i32
    %dma_wait3A_149 = arith.constant 0 : i32
    %dma_wait3A_150 = tpu.memref_slice %arg2[%dma_wait3A_148, %dma_wait3A_149] : memref<20000x128xi32, #tpu.memory_space<hbm>> -> memref<20000x128xi32, #tpu.memory_space<hbm>>
    tpu.wait_indirect_dma semaphore(%arg11 : memref<!tpu.dma_semaphore, #tpu.memory_space<semaphore_mem>>) src(%dma_wait3A_150 : memref<20000x128xi32, #tpu.memory_space<hbm>>) dst(%arg6 : memref<128x128xi32, #tpu.memory_space<vmem>>)
    %add3A_151 = arith.constant 1280 : i32
    %add3A_152 = arith.addi %mul3A_2, %add3A_151 : i32
    "tpu.region"() ({
      %run_scoped3A = tpu.sem_alloc : memref<!tpu.dma_semaphore, #tpu.memory_space<semaphore_mem>>
      %dma_start3A_181 = arith.constant 0 : i32
      %dma_start3A_182 = tpu.memref_slice %arg4[%add3A_152, %dma_start3A_181] : memref<61440x128xi32, #tpu.memory_space<hbm>> -> memref<128x128xi32, #tpu.memory_space<hbm>>
      %dma_start3A_183 = arith.constant 0 : i32
      %dma_start3A_184 = tpu.memref_slice %arg4[%add3A_152, %dma_start3A_183] : memref<61440x128xi32, #tpu.memory_space<hbm>> -> memref<128x128xi32, #tpu.memory_space<hbm>>
      tpu.enqueue_dma source(%arg6 : memref<128x128xi32, #tpu.memory_space<vmem>>) target(%dma_start3A_184 : memref<128x128xi32, #tpu.memory_space<hbm>>) target_semaphore(%run_scoped3A : memref<!tpu.dma_semaphore, #tpu.memory_space<semaphore_mem>>)
      %dma_wait3A_185 = arith.constant 0 : i32
      %dma_wait3A_186 = tpu.memref_slice %arg4[%add3A_152, %dma_wait3A_185] : memref<61440x128xi32, #tpu.memory_space<hbm>> -> memref<128x128xi32, #tpu.memory_space<hbm>>
      %dma_wait3A_187 = arith.constant 0 : i32
      %dma_wait3A_188 = tpu.memref_slice %arg4[%add3A_152, %dma_wait3A_187] : memref<61440x128xi32, #tpu.memory_space<hbm>> -> memref<128x128xi32, #tpu.memory_space<hbm>>
      tpu.wait_dma2 semaphore(%run_scoped3A : memref<!tpu.dma_semaphore, #tpu.memory_space<semaphore_mem>>) src(%arg6 : memref<128x128xi32, #tpu.memory_space<vmem>>) dst(%dma_wait3A_188 : memref<128x128xi32, #tpu.memory_space<hbm>>)
      tpu.yield
    }) : () -> ()
    %dma_wait3A_153 = arith.constant 1408 : i32
    %dma_wait3A_154 = tpu.memref_slice %arg5[%dma_wait3A_153] : memref<1920xi32, #tpu.memory_space<vmem>> -> memref<128xi32, #tpu.memory_space<vmem>>
    %dma_wait3A_155 = arith.constant 0 : i32
    %dma_wait3A_156 = arith.constant 0 : i32
    %dma_wait3A_157 = tpu.memref_slice %arg2[%dma_wait3A_155, %dma_wait3A_156] : memref<20000x128xi32, #tpu.memory_space<hbm>> -> memref<20000x128xi32, #tpu.memory_space<hbm>>
    tpu.wait_indirect_dma semaphore(%arg12 : memref<!tpu.dma_semaphore, #tpu.memory_space<semaphore_mem>>) src(%dma_wait3A_157 : memref<20000x128xi32, #tpu.memory_space<hbm>>) dst(%arg7 : memref<128x128xi32, #tpu.memory_space<vmem>>)
    %add3A_158 = arith.constant 1408 : i32
    %add3A_159 = arith.addi %mul3A_2, %add3A_158 : i32
    "tpu.region"() ({
      %run_scoped3A = tpu.sem_alloc : memref<!tpu.dma_semaphore, #tpu.memory_space<semaphore_mem>>
      %dma_start3A_181 = arith.constant 0 : i32
      %dma_start3A_182 = tpu.memref_slice %arg4[%add3A_159, %dma_start3A_181] : memref<61440x128xi32, #tpu.memory_space<hbm>> -> memref<128x128xi32, #tpu.memory_space<hbm>>
      %dma_start3A_183 = arith.constant 0 : i32
      %dma_start3A_184 = tpu.memref_slice %arg4[%add3A_159, %dma_start3A_183] : memref<61440x128xi32, #tpu.memory_space<hbm>> -> memref<128x128xi32, #tpu.memory_space<hbm>>
      tpu.enqueue_dma source(%arg7 : memref<128x128xi32, #tpu.memory_space<vmem>>) target(%dma_start3A_184 : memref<128x128xi32, #tpu.memory_space<hbm>>) target_semaphore(%run_scoped3A : memref<!tpu.dma_semaphore, #tpu.memory_space<semaphore_mem>>)
      %dma_wait3A_185 = arith.constant 0 : i32
      %dma_wait3A_186 = tpu.memref_slice %arg4[%add3A_159, %dma_wait3A_185] : memref<61440x128xi32, #tpu.memory_space<hbm>> -> memref<128x128xi32, #tpu.memory_space<hbm>>
      %dma_wait3A_187 = arith.constant 0 : i32
      %dma_wait3A_188 = tpu.memref_slice %arg4[%add3A_159, %dma_wait3A_187] : memref<61440x128xi32, #tpu.memory_space<hbm>> -> memref<128x128xi32, #tpu.memory_space<hbm>>
      tpu.wait_dma2 semaphore(%run_scoped3A : memref<!tpu.dma_semaphore, #tpu.memory_space<semaphore_mem>>) src(%arg7 : memref<128x128xi32, #tpu.memory_space<vmem>>) dst(%dma_wait3A_188 : memref<128x128xi32, #tpu.memory_space<hbm>>)
      tpu.yield
    }) : () -> ()
    %dma_wait3A_160 = arith.constant 1536 : i32
    %dma_wait3A_161 = tpu.memref_slice %arg5[%dma_wait3A_160] : memref<1920xi32, #tpu.memory_space<vmem>> -> memref<128xi32, #tpu.memory_space<vmem>>
    %dma_wait3A_162 = arith.constant 0 : i32
    %dma_wait3A_163 = arith.constant 0 : i32
    %dma_wait3A_164 = tpu.memref_slice %arg2[%dma_wait3A_162, %dma_wait3A_163] : memref<20000x128xi32, #tpu.memory_space<hbm>> -> memref<20000x128xi32, #tpu.memory_space<hbm>>
    tpu.wait_indirect_dma semaphore(%arg13 : memref<!tpu.dma_semaphore, #tpu.memory_space<semaphore_mem>>) src(%dma_wait3A_164 : memref<20000x128xi32, #tpu.memory_space<hbm>>) dst(%arg8 : memref<128x128xi32, #tpu.memory_space<vmem>>)
    %add3A_165 = arith.constant 1536 : i32
    %add3A_166 = arith.addi %mul3A_2, %add3A_165 : i32
    "tpu.region"() ({
      %run_scoped3A = tpu.sem_alloc : memref<!tpu.dma_semaphore, #tpu.memory_space<semaphore_mem>>
      %dma_start3A_181 = arith.constant 0 : i32
      %dma_start3A_182 = tpu.memref_slice %arg4[%add3A_166, %dma_start3A_181] : memref<61440x128xi32, #tpu.memory_space<hbm>> -> memref<128x128xi32, #tpu.memory_space<hbm>>
      %dma_start3A_183 = arith.constant 0 : i32
      %dma_start3A_184 = tpu.memref_slice %arg4[%add3A_166, %dma_start3A_183] : memref<61440x128xi32, #tpu.memory_space<hbm>> -> memref<128x128xi32, #tpu.memory_space<hbm>>
      tpu.enqueue_dma source(%arg8 : memref<128x128xi32, #tpu.memory_space<vmem>>) target(%dma_start3A_184 : memref<128x128xi32, #tpu.memory_space<hbm>>) target_semaphore(%run_scoped3A : memref<!tpu.dma_semaphore, #tpu.memory_space<semaphore_mem>>)
      %dma_wait3A_185 = arith.constant 0 : i32
      %dma_wait3A_186 = tpu.memref_slice %arg4[%add3A_166, %dma_wait3A_185] : memref<61440x128xi32, #tpu.memory_space<hbm>> -> memref<128x128xi32, #tpu.memory_space<hbm>>
      %dma_wait3A_187 = arith.constant 0 : i32
      %dma_wait3A_188 = tpu.memref_slice %arg4[%add3A_166, %dma_wait3A_187] : memref<61440x128xi32, #tpu.memory_space<hbm>> -> memref<128x128xi32, #tpu.memory_space<hbm>>
      tpu.wait_dma2 semaphore(%run_scoped3A : memref<!tpu.dma_semaphore, #tpu.memory_space<semaphore_mem>>) src(%arg8 : memref<128x128xi32, #tpu.memory_space<vmem>>) dst(%dma_wait3A_188 : memref<128x128xi32, #tpu.memory_space<hbm>>)
      tpu.yield
    }) : () -> ()
    %dma_wait3A_167 = arith.constant 1664 : i32
    %dma_wait3A_168 = tpu.memref_slice %arg5[%dma_wait3A_167] : memref<1920xi32, #tpu.memory_space<vmem>> -> memref<128xi32, #tpu.memory_space<vmem>>
    %dma_wait3A_169 = arith.constant 0 : i32
    %dma_wait3A_170 = arith.constant 0 : i32
    %dma_wait3A_171 = tpu.memref_slice %arg2[%dma_wait3A_169, %dma_wait3A_170] : memref<20000x128xi32, #tpu.memory_space<hbm>> -> memref<20000x128xi32, #tpu.memory_space<hbm>>
    tpu.wait_indirect_dma semaphore(%arg14 : memref<!tpu.dma_semaphore, #tpu.memory_space<semaphore_mem>>) src(%dma_wait3A_171 : memref<20000x128xi32, #tpu.memory_space<hbm>>) dst(%arg9 : memref<128x128xi32, #tpu.memory_space<vmem>>)
    %add3A_172 = arith.constant 1664 : i32
    %add3A_173 = arith.addi %mul3A_2, %add3A_172 : i32
    "tpu.region"() ({
      %run_scoped3A = tpu.sem_alloc : memref<!tpu.dma_semaphore, #tpu.memory_space<semaphore_mem>>
      %dma_start3A_181 = arith.constant 0 : i32
      %dma_start3A_182 = tpu.memref_slice %arg4[%add3A_173, %dma_start3A_181] : memref<61440x128xi32, #tpu.memory_space<hbm>> -> memref<128x128xi32, #tpu.memory_space<hbm>>
      %dma_start3A_183 = arith.constant 0 : i32
      %dma_start3A_184 = tpu.memref_slice %arg4[%add3A_173, %dma_start3A_183] : memref<61440x128xi32, #tpu.memory_space<hbm>> -> memref<128x128xi32, #tpu.memory_space<hbm>>
      tpu.enqueue_dma source(%arg9 : memref<128x128xi32, #tpu.memory_space<vmem>>) target(%dma_start3A_184 : memref<128x128xi32, #tpu.memory_space<hbm>>) target_semaphore(%run_scoped3A : memref<!tpu.dma_semaphore, #tpu.memory_space<semaphore_mem>>)
      %dma_wait3A_185 = arith.constant 0 : i32
      %dma_wait3A_186 = tpu.memref_slice %arg4[%add3A_173, %dma_wait3A_185] : memref<61440x128xi32, #tpu.memory_space<hbm>> -> memref<128x128xi32, #tpu.memory_space<hbm>>
      %dma_wait3A_187 = arith.constant 0 : i32
      %dma_wait3A_188 = tpu.memref_slice %arg4[%add3A_173, %dma_wait3A_187] : memref<61440x128xi32, #tpu.memory_space<hbm>> -> memref<128x128xi32, #tpu.memory_space<hbm>>
      tpu.wait_dma2 semaphore(%run_scoped3A : memref<!tpu.dma_semaphore, #tpu.memory_space<semaphore_mem>>) src(%arg9 : memref<128x128xi32, #tpu.memory_space<vmem>>) dst(%dma_wait3A_188 : memref<128x128xi32, #tpu.memory_space<hbm>>)
      tpu.yield
    }) : () -> ()
    %dma_wait3A_174 = arith.constant 1792 : i32
    %dma_wait3A_175 = tpu.memref_slice %arg5[%dma_wait3A_174] : memref<1920xi32, #tpu.memory_space<vmem>> -> memref<128xi32, #tpu.memory_space<vmem>>
    %dma_wait3A_176 = arith.constant 0 : i32
    %dma_wait3A_177 = arith.constant 0 : i32
    %dma_wait3A_178 = tpu.memref_slice %arg2[%dma_wait3A_176, %dma_wait3A_177] : memref<20000x128xi32, #tpu.memory_space<hbm>> -> memref<20000x128xi32, #tpu.memory_space<hbm>>
    tpu.wait_indirect_dma semaphore(%arg15 : memref<!tpu.dma_semaphore, #tpu.memory_space<semaphore_mem>>) src(%dma_wait3A_178 : memref<20000x128xi32, #tpu.memory_space<hbm>>) dst(%arg10 : memref<128x128xi32, #tpu.memory_space<vmem>>)
    %add3A_179 = arith.constant 1792 : i32
    %add3A_180 = arith.addi %mul3A_2, %add3A_179 : i32
    "tpu.region"() ({
      %run_scoped3A = tpu.sem_alloc : memref<!tpu.dma_semaphore, #tpu.memory_space<semaphore_mem>>
      %dma_start3A_181 = arith.constant 0 : i32
      %dma_start3A_182 = tpu.memref_slice %arg4[%add3A_180, %dma_start3A_181] : memref<61440x128xi32, #tpu.memory_space<hbm>> -> memref<128x128xi32, #tpu.memory_space<hbm>>
      %dma_start3A_183 = arith.constant 0 : i32
      %dma_start3A_184 = tpu.memref_slice %arg4[%add3A_180, %dma_start3A_183] : memref<61440x128xi32, #tpu.memory_space<hbm>> -> memref<128x128xi32, #tpu.memory_space<hbm>>
      tpu.enqueue_dma source(%arg10 : memref<128x128xi32, #tpu.memory_space<vmem>>) target(%dma_start3A_184 : memref<128x128xi32, #tpu.memory_space<hbm>>) target_semaphore(%run_scoped3A : memref<!tpu.dma_semaphore, #tpu.memory_space<semaphore_mem>>)
      %dma_wait3A_185 = arith.constant 0 : i32
      %dma_wait3A_186 = tpu.memref_slice %arg4[%add3A_180, %dma_wait3A_185] : memref<61440x128xi32, #tpu.memory_space<hbm>> -> memref<128x128xi32, #tpu.memory_space<hbm>>
      %dma_wait3A_187 = arith.constant 0 : i32
      %dma_wait3A_188 = tpu.memref_slice %arg4[%add3A_180, %dma_wait3A_187] : memref<61440x128xi32, #tpu.memory_space<hbm>> -> memref<128x128xi32, #tpu.memory_space<hbm>>
      tpu.wait_dma2 semaphore(%run_scoped3A : memref<!tpu.dma_semaphore, #tpu.memory_space<semaphore_mem>>) src(%arg10 : memref<128x128xi32, #tpu.memory_space<vmem>>) dst(%dma_wait3A_188 : memref<128x128xi32, #tpu.memory_space<hbm>>)
      tpu.yield
    }) : () -> ()
    return
  }
}

#map = affine_map<(d0, d1) -> (0, 0)>
#map1 = affine_map<(d0, d1) -> (0)>
module attributes {stable_mosaic.version = 14 : i64} {
  func.func @k(%arg0: i32, %arg1: i32, %arg2: memref<20000x128xf32, #tpu.memory_space<hbm>>, %arg3: memref<61440xi32, #tpu.memory_space<hbm>>, %arg4: memref<61440x128xf32, #tpu.memory_space<hbm>>, %arg5: memref<1920xi32, #tpu.memory_space<vmem>>, %arg6: memref<128x128xf32, #tpu.memory_space<vmem>>, %arg7: memref<128x128xf32, #tpu.memory_space<vmem>>, %arg8: memref<128x128xf32, #tpu.memory_space<vmem>>, %arg9: memref<128x128xf32, #tpu.memory_space<vmem>>, %arg10: memref<128x128xf32, #tpu.memory_space<vmem>>, %arg11: memref<!tpu.dma_semaphore, #tpu.memory_space<semaphore_mem>>, %arg12: memref<!tpu.dma_semaphore, #tpu.memory_space<semaphore_mem>>, %arg13: memref<!tpu.dma_semaphore, #tpu.memory_space<semaphore_mem>>, %arg14: memref<!tpu.dma_semaphore, #tpu.memory_space<semaphore_mem>>, %arg15: memref<!tpu.dma_semaphore, #tpu.memory_space<semaphore_mem>>) attributes {dimension_semantics = [#tpu.dimension_semantics<core_parallel>, #tpu.dimension_semantics<subcore_parallel>], iteration_bounds = array<i64: 2, 16>, scalar_prefetch = 0 : i64, scratch_operands = 11 : i64, tpu.core_type = #tpu.core_type<sc_vector_subcore>, window_params = [{transform_indices = #map}, {transform_indices = #map1}, {transform_indices = #map}]} {
    %mul3A = arith.constant 2 : i32
    %mul3A_0 = arith.muli %arg1, %mul3A : i32
    %add3A = arith.addi %mul3A_0, %arg0 : i32
    %mul3A_1 = arith.constant 1920 : i32
    %mul3A_2 = arith.muli %add3A, %mul3A_1 : i32
    "tpu.region"() ({
      %run_scoped3A = tpu.sem_alloc : memref<!tpu.dma_semaphore, #tpu.memory_space<semaphore_mem>>
      %dma_start3A_181 = tpu.memref_slice %arg3[%mul3A_2] : memref<61440xi32, #tpu.memory_space<hbm>> -> memref<1920xi32, #tpu.memory_space<hbm>>
      %dma_start3A_182 = tpu.memref_slice %arg3[%mul3A_2] : memref<61440xi32, #tpu.memory_space<hbm>> -> memref<1920xi32, #tpu.memory_space<hbm>>
      tpu.enqueue_dma source(%dma_start3A_182 : memref<1920xi32, #tpu.memory_space<hbm>>) target(%arg5 : memref<1920xi32, #tpu.memory_space<vmem>>) target_semaphore(%run_scoped3A : memref<!tpu.dma_semaphore, #tpu.memory_space<semaphore_mem>>)
      %dma_wait3A_183 = tpu.memref_slice %arg3[%mul3A_2] : memref<61440xi32, #tpu.memory_space<hbm>> -> memref<1920xi32, #tpu.memory_space<hbm>>
      %dma_wait3A_184 = tpu.memref_slice %arg3[%mul3A_2] : memref<61440xi32, #tpu.memory_space<hbm>> -> memref<1920xi32, #tpu.memory_space<hbm>>
      tpu.wait_dma2 semaphore(%run_scoped3A : memref<!tpu.dma_semaphore, #tpu.memory_space<semaphore_mem>>) src(%dma_wait3A_184 : memref<1920xi32, #tpu.memory_space<hbm>>) dst(%arg5 : memref<1920xi32, #tpu.memory_space<vmem>>)
      tpu.yield
    }) : () -> ()
    %dma_start3A = arith.constant 0 : i32
    %dma_start3A_3 = tpu.memref_slice %arg5[%dma_start3A] : memref<1920xi32, #tpu.memory_space<vmem>> -> memref<128xi32, #tpu.memory_space<vmem>>
    %dma_start3A_4 = arith.constant 0 : i32
    %dma_start3A_5 = arith.constant 0 : i32
    %dma_start3A_6 = tpu.memref_slice %arg2[%dma_start3A_4, %dma_start3A_5] : memref<20000x128xf32, #tpu.memory_space<hbm>> -> memref<20000x128xf32, #tpu.memory_space<hbm>>
    tpu.enqueue_indirect_dma source(%dma_start3A_6 : memref<20000x128xf32, #tpu.memory_space<hbm>>) target(%arg6 : memref<128x128xf32, #tpu.memory_space<vmem>>) offsets(%dma_start3A_3 : memref<128xi32, #tpu.memory_space<vmem>>) semaphore(%arg11 : memref<!tpu.dma_semaphore, #tpu.memory_space<semaphore_mem>>)
    %dma_start3A_7 = arith.constant 128 : i32
    %dma_start3A_8 = tpu.memref_slice %arg5[%dma_start3A_7] : memref<1920xi32, #tpu.memory_space<vmem>> -> memref<128xi32, #tpu.memory_space<vmem>>
    %dma_start3A_9 = arith.constant 0 : i32
    %dma_start3A_10 = arith.constant 0 : i32
    %dma_start3A_11 = tpu.memref_slice %arg2[%dma_start3A_9, %dma_start3A_10] : memref<20000x128xf32, #tpu.memory_space<hbm>> -> memref<20000x128xf32, #tpu.memory_space<hbm>>
    tpu.enqueue_indirect_dma source(%dma_start3A_11 : memref<20000x128xf32, #tpu.memory_space<hbm>>) target(%arg7 : memref<128x128xf32, #tpu.memory_space<vmem>>) offsets(%dma_start3A_8 : memref<128xi32, #tpu.memory_space<vmem>>) semaphore(%arg12 : memref<!tpu.dma_semaphore, #tpu.memory_space<semaphore_mem>>)
    %dma_start3A_12 = arith.constant 256 : i32
    %dma_start3A_13 = tpu.memref_slice %arg5[%dma_start3A_12] : memref<1920xi32, #tpu.memory_space<vmem>> -> memref<128xi32, #tpu.memory_space<vmem>>
    %dma_start3A_14 = arith.constant 0 : i32
    %dma_start3A_15 = arith.constant 0 : i32
    %dma_start3A_16 = tpu.memref_slice %arg2[%dma_start3A_14, %dma_start3A_15] : memref<20000x128xf32, #tpu.memory_space<hbm>> -> memref<20000x128xf32, #tpu.memory_space<hbm>>
    tpu.enqueue_indirect_dma source(%dma_start3A_16 : memref<20000x128xf32, #tpu.memory_space<hbm>>) target(%arg8 : memref<128x128xf32, #tpu.memory_space<vmem>>) offsets(%dma_start3A_13 : memref<128xi32, #tpu.memory_space<vmem>>) semaphore(%arg13 : memref<!tpu.dma_semaphore, #tpu.memory_space<semaphore_mem>>)
    %dma_start3A_17 = arith.constant 384 : i32
    %dma_start3A_18 = tpu.memref_slice %arg5[%dma_start3A_17] : memref<1920xi32, #tpu.memory_space<vmem>> -> memref<128xi32, #tpu.memory_space<vmem>>
    %dma_start3A_19 = arith.constant 0 : i32
    %dma_start3A_20 = arith.constant 0 : i32
    %dma_start3A_21 = tpu.memref_slice %arg2[%dma_start3A_19, %dma_start3A_20] : memref<20000x128xf32, #tpu.memory_space<hbm>> -> memref<20000x128xf32, #tpu.memory_space<hbm>>
    tpu.enqueue_indirect_dma source(%dma_start3A_21 : memref<20000x128xf32, #tpu.memory_space<hbm>>) target(%arg9 : memref<128x128xf32, #tpu.memory_space<vmem>>) offsets(%dma_start3A_18 : memref<128xi32, #tpu.memory_space<vmem>>) semaphore(%arg14 : memref<!tpu.dma_semaphore, #tpu.memory_space<semaphore_mem>>)
    %dma_start3A_22 = arith.constant 512 : i32
    %dma_start3A_23 = tpu.memref_slice %arg5[%dma_start3A_22] : memref<1920xi32, #tpu.memory_space<vmem>> -> memref<128xi32, #tpu.memory_space<vmem>>
    %dma_start3A_24 = arith.constant 0 : i32
    %dma_start3A_25 = arith.constant 0 : i32
    %dma_start3A_26 = tpu.memref_slice %arg2[%dma_start3A_24, %dma_start3A_25] : memref<20000x128xf32, #tpu.memory_space<hbm>> -> memref<20000x128xf32, #tpu.memory_space<hbm>>
    tpu.enqueue_indirect_dma source(%dma_start3A_26 : memref<20000x128xf32, #tpu.memory_space<hbm>>) target(%arg10 : memref<128x128xf32, #tpu.memory_space<vmem>>) offsets(%dma_start3A_23 : memref<128xi32, #tpu.memory_space<vmem>>) semaphore(%arg15 : memref<!tpu.dma_semaphore, #tpu.memory_space<semaphore_mem>>)
    %dma_wait3A = arith.constant 0 : i32
    %dma_wait3A_27 = tpu.memref_slice %arg5[%dma_wait3A] : memref<1920xi32, #tpu.memory_space<vmem>> -> memref<128xi32, #tpu.memory_space<vmem>>
    %dma_wait3A_28 = arith.constant 0 : i32
    %dma_wait3A_29 = arith.constant 0 : i32
    %dma_wait3A_30 = tpu.memref_slice %arg2[%dma_wait3A_28, %dma_wait3A_29] : memref<20000x128xf32, #tpu.memory_space<hbm>> -> memref<20000x128xf32, #tpu.memory_space<hbm>>
    tpu.wait_indirect_dma semaphore(%arg11 : memref<!tpu.dma_semaphore, #tpu.memory_space<semaphore_mem>>) src(%dma_wait3A_30 : memref<20000x128xf32, #tpu.memory_space<hbm>>) dst(%arg6 : memref<128x128xf32, #tpu.memory_space<vmem>>)
    %add3A_31 = arith.constant 0 : i32
    %add3A_32 = arith.addi %mul3A_2, %add3A_31 : i32
    "tpu.region"() ({
      %run_scoped3A = tpu.sem_alloc : memref<!tpu.dma_semaphore, #tpu.memory_space<semaphore_mem>>
      %dma_start3A_181 = arith.constant 0 : i32
      %dma_start3A_182 = tpu.memref_slice %arg4[%add3A_32, %dma_start3A_181] : memref<61440x128xf32, #tpu.memory_space<hbm>> -> memref<128x128xf32, #tpu.memory_space<hbm>>
      %dma_start3A_183 = arith.constant 0 : i32
      %dma_start3A_184 = tpu.memref_slice %arg4[%add3A_32, %dma_start3A_183] : memref<61440x128xf32, #tpu.memory_space<hbm>> -> memref<128x128xf32, #tpu.memory_space<hbm>>
      tpu.enqueue_dma source(%arg6 : memref<128x128xf32, #tpu.memory_space<vmem>>) target(%dma_start3A_184 : memref<128x128xf32, #tpu.memory_space<hbm>>) target_semaphore(%run_scoped3A : memref<!tpu.dma_semaphore, #tpu.memory_space<semaphore_mem>>)
      %dma_wait3A_185 = arith.constant 0 : i32
      %dma_wait3A_186 = tpu.memref_slice %arg4[%add3A_32, %dma_wait3A_185] : memref<61440x128xf32, #tpu.memory_space<hbm>> -> memref<128x128xf32, #tpu.memory_space<hbm>>
      %dma_wait3A_187 = arith.constant 0 : i32
      %dma_wait3A_188 = tpu.memref_slice %arg4[%add3A_32, %dma_wait3A_187] : memref<61440x128xf32, #tpu.memory_space<hbm>> -> memref<128x128xf32, #tpu.memory_space<hbm>>
      tpu.wait_dma2 semaphore(%run_scoped3A : memref<!tpu.dma_semaphore, #tpu.memory_space<semaphore_mem>>) src(%arg6 : memref<128x128xf32, #tpu.memory_space<vmem>>) dst(%dma_wait3A_188 : memref<128x128xf32, #tpu.memory_space<hbm>>)
      tpu.yield
    }) : () -> ()
    %dma_start3A_33 = arith.constant 640 : i32
    %dma_start3A_34 = tpu.memref_slice %arg5[%dma_start3A_33] : memref<1920xi32, #tpu.memory_space<vmem>> -> memref<128xi32, #tpu.memory_space<vmem>>
    %dma_start3A_35 = arith.constant 0 : i32
    %dma_start3A_36 = arith.constant 0 : i32
    %dma_start3A_37 = tpu.memref_slice %arg2[%dma_start3A_35, %dma_start3A_36] : memref<20000x128xf32, #tpu.memory_space<hbm>> -> memref<20000x128xf32, #tpu.memory_space<hbm>>
    tpu.enqueue_indirect_dma source(%dma_start3A_37 : memref<20000x128xf32, #tpu.memory_space<hbm>>) target(%arg6 : memref<128x128xf32, #tpu.memory_space<vmem>>) offsets(%dma_start3A_34 : memref<128xi32, #tpu.memory_space<vmem>>) semaphore(%arg11 : memref<!tpu.dma_semaphore, #tpu.memory_space<semaphore_mem>>)
    %dma_wait3A_38 = arith.constant 128 : i32
    %dma_wait3A_39 = tpu.memref_slice %arg5[%dma_wait3A_38] : memref<1920xi32, #tpu.memory_space<vmem>> -> memref<128xi32, #tpu.memory_space<vmem>>
    %dma_wait3A_40 = arith.constant 0 : i32
    %dma_wait3A_41 = arith.constant 0 : i32
    %dma_wait3A_42 = tpu.memref_slice %arg2[%dma_wait3A_40, %dma_wait3A_41] : memref<20000x128xf32, #tpu.memory_space<hbm>> -> memref<20000x128xf32, #tpu.memory_space<hbm>>
    tpu.wait_indirect_dma semaphore(%arg12 : memref<!tpu.dma_semaphore, #tpu.memory_space<semaphore_mem>>) src(%dma_wait3A_42 : memref<20000x128xf32, #tpu.memory_space<hbm>>) dst(%arg7 : memref<128x128xf32, #tpu.memory_space<vmem>>)
    %add3A_43 = arith.constant 128 : i32
    %add3A_44 = arith.addi %mul3A_2, %add3A_43 : i32
    "tpu.region"() ({
      %run_scoped3A = tpu.sem_alloc : memref<!tpu.dma_semaphore, #tpu.memory_space<semaphore_mem>>
      %dma_start3A_181 = arith.constant 0 : i32
      %dma_start3A_182 = tpu.memref_slice %arg4[%add3A_44, %dma_start3A_181] : memref<61440x128xf32, #tpu.memory_space<hbm>> -> memref<128x128xf32, #tpu.memory_space<hbm>>
      %dma_start3A_183 = arith.constant 0 : i32
      %dma_start3A_184 = tpu.memref_slice %arg4[%add3A_44, %dma_start3A_183] : memref<61440x128xf32, #tpu.memory_space<hbm>> -> memref<128x128xf32, #tpu.memory_space<hbm>>
      tpu.enqueue_dma source(%arg7 : memref<128x128xf32, #tpu.memory_space<vmem>>) target(%dma_start3A_184 : memref<128x128xf32, #tpu.memory_space<hbm>>) target_semaphore(%run_scoped3A : memref<!tpu.dma_semaphore, #tpu.memory_space<semaphore_mem>>)
      %dma_wait3A_185 = arith.constant 0 : i32
      %dma_wait3A_186 = tpu.memref_slice %arg4[%add3A_44, %dma_wait3A_185] : memref<61440x128xf32, #tpu.memory_space<hbm>> -> memref<128x128xf32, #tpu.memory_space<hbm>>
      %dma_wait3A_187 = arith.constant 0 : i32
      %dma_wait3A_188 = tpu.memref_slice %arg4[%add3A_44, %dma_wait3A_187] : memref<61440x128xf32, #tpu.memory_space<hbm>> -> memref<128x128xf32, #tpu.memory_space<hbm>>
      tpu.wait_dma2 semaphore(%run_scoped3A : memref<!tpu.dma_semaphore, #tpu.memory_space<semaphore_mem>>) src(%arg7 : memref<128x128xf32, #tpu.memory_space<vmem>>) dst(%dma_wait3A_188 : memref<128x128xf32, #tpu.memory_space<hbm>>)
      tpu.yield
    }) : () -> ()
    %dma_start3A_45 = arith.constant 768 : i32
    %dma_start3A_46 = tpu.memref_slice %arg5[%dma_start3A_45] : memref<1920xi32, #tpu.memory_space<vmem>> -> memref<128xi32, #tpu.memory_space<vmem>>
    %dma_start3A_47 = arith.constant 0 : i32
    %dma_start3A_48 = arith.constant 0 : i32
    %dma_start3A_49 = tpu.memref_slice %arg2[%dma_start3A_47, %dma_start3A_48] : memref<20000x128xf32, #tpu.memory_space<hbm>> -> memref<20000x128xf32, #tpu.memory_space<hbm>>
    tpu.enqueue_indirect_dma source(%dma_start3A_49 : memref<20000x128xf32, #tpu.memory_space<hbm>>) target(%arg7 : memref<128x128xf32, #tpu.memory_space<vmem>>) offsets(%dma_start3A_46 : memref<128xi32, #tpu.memory_space<vmem>>) semaphore(%arg12 : memref<!tpu.dma_semaphore, #tpu.memory_space<semaphore_mem>>)
    %dma_wait3A_50 = arith.constant 256 : i32
    %dma_wait3A_51 = tpu.memref_slice %arg5[%dma_wait3A_50] : memref<1920xi32, #tpu.memory_space<vmem>> -> memref<128xi32, #tpu.memory_space<vmem>>
    %dma_wait3A_52 = arith.constant 0 : i32
    %dma_wait3A_53 = arith.constant 0 : i32
    %dma_wait3A_54 = tpu.memref_slice %arg2[%dma_wait3A_52, %dma_wait3A_53] : memref<20000x128xf32, #tpu.memory_space<hbm>> -> memref<20000x128xf32, #tpu.memory_space<hbm>>
    tpu.wait_indirect_dma semaphore(%arg13 : memref<!tpu.dma_semaphore, #tpu.memory_space<semaphore_mem>>) src(%dma_wait3A_54 : memref<20000x128xf32, #tpu.memory_space<hbm>>) dst(%arg8 : memref<128x128xf32, #tpu.memory_space<vmem>>)
    %add3A_55 = arith.constant 256 : i32
    %add3A_56 = arith.addi %mul3A_2, %add3A_55 : i32
    "tpu.region"() ({
      %run_scoped3A = tpu.sem_alloc : memref<!tpu.dma_semaphore, #tpu.memory_space<semaphore_mem>>
      %dma_start3A_181 = arith.constant 0 : i32
      %dma_start3A_182 = tpu.memref_slice %arg4[%add3A_56, %dma_start3A_181] : memref<61440x128xf32, #tpu.memory_space<hbm>> -> memref<128x128xf32, #tpu.memory_space<hbm>>
      %dma_start3A_183 = arith.constant 0 : i32
      %dma_start3A_184 = tpu.memref_slice %arg4[%add3A_56, %dma_start3A_183] : memref<61440x128xf32, #tpu.memory_space<hbm>> -> memref<128x128xf32, #tpu.memory_space<hbm>>
      tpu.enqueue_dma source(%arg8 : memref<128x128xf32, #tpu.memory_space<vmem>>) target(%dma_start3A_184 : memref<128x128xf32, #tpu.memory_space<hbm>>) target_semaphore(%run_scoped3A : memref<!tpu.dma_semaphore, #tpu.memory_space<semaphore_mem>>)
      %dma_wait3A_185 = arith.constant 0 : i32
      %dma_wait3A_186 = tpu.memref_slice %arg4[%add3A_56, %dma_wait3A_185] : memref<61440x128xf32, #tpu.memory_space<hbm>> -> memref<128x128xf32, #tpu.memory_space<hbm>>
      %dma_wait3A_187 = arith.constant 0 : i32
      %dma_wait3A_188 = tpu.memref_slice %arg4[%add3A_56, %dma_wait3A_187] : memref<61440x128xf32, #tpu.memory_space<hbm>> -> memref<128x128xf32, #tpu.memory_space<hbm>>
      tpu.wait_dma2 semaphore(%run_scoped3A : memref<!tpu.dma_semaphore, #tpu.memory_space<semaphore_mem>>) src(%arg8 : memref<128x128xf32, #tpu.memory_space<vmem>>) dst(%dma_wait3A_188 : memref<128x128xf32, #tpu.memory_space<hbm>>)
      tpu.yield
    }) : () -> ()
    %dma_start3A_57 = arith.constant 896 : i32
    %dma_start3A_58 = tpu.memref_slice %arg5[%dma_start3A_57] : memref<1920xi32, #tpu.memory_space<vmem>> -> memref<128xi32, #tpu.memory_space<vmem>>
    %dma_start3A_59 = arith.constant 0 : i32
    %dma_start3A_60 = arith.constant 0 : i32
    %dma_start3A_61 = tpu.memref_slice %arg2[%dma_start3A_59, %dma_start3A_60] : memref<20000x128xf32, #tpu.memory_space<hbm>> -> memref<20000x128xf32, #tpu.memory_space<hbm>>
    tpu.enqueue_indirect_dma source(%dma_start3A_61 : memref<20000x128xf32, #tpu.memory_space<hbm>>) target(%arg8 : memref<128x128xf32, #tpu.memory_space<vmem>>) offsets(%dma_start3A_58 : memref<128xi32, #tpu.memory_space<vmem>>) semaphore(%arg13 : memref<!tpu.dma_semaphore, #tpu.memory_space<semaphore_mem>>)
    %dma_wait3A_62 = arith.constant 384 : i32
    %dma_wait3A_63 = tpu.memref_slice %arg5[%dma_wait3A_62] : memref<1920xi32, #tpu.memory_space<vmem>> -> memref<128xi32, #tpu.memory_space<vmem>>
    %dma_wait3A_64 = arith.constant 0 : i32
    %dma_wait3A_65 = arith.constant 0 : i32
    %dma_wait3A_66 = tpu.memref_slice %arg2[%dma_wait3A_64, %dma_wait3A_65] : memref<20000x128xf32, #tpu.memory_space<hbm>> -> memref<20000x128xf32, #tpu.memory_space<hbm>>
    tpu.wait_indirect_dma semaphore(%arg14 : memref<!tpu.dma_semaphore, #tpu.memory_space<semaphore_mem>>) src(%dma_wait3A_66 : memref<20000x128xf32, #tpu.memory_space<hbm>>) dst(%arg9 : memref<128x128xf32, #tpu.memory_space<vmem>>)
    %add3A_67 = arith.constant 384 : i32
    %add3A_68 = arith.addi %mul3A_2, %add3A_67 : i32
    "tpu.region"() ({
      %run_scoped3A = tpu.sem_alloc : memref<!tpu.dma_semaphore, #tpu.memory_space<semaphore_mem>>
      %dma_start3A_181 = arith.constant 0 : i32
      %dma_start3A_182 = tpu.memref_slice %arg4[%add3A_68, %dma_start3A_181] : memref<61440x128xf32, #tpu.memory_space<hbm>> -> memref<128x128xf32, #tpu.memory_space<hbm>>
      %dma_start3A_183 = arith.constant 0 : i32
      %dma_start3A_184 = tpu.memref_slice %arg4[%add3A_68, %dma_start3A_183] : memref<61440x128xf32, #tpu.memory_space<hbm>> -> memref<128x128xf32, #tpu.memory_space<hbm>>
      tpu.enqueue_dma source(%arg9 : memref<128x128xf32, #tpu.memory_space<vmem>>) target(%dma_start3A_184 : memref<128x128xf32, #tpu.memory_space<hbm>>) target_semaphore(%run_scoped3A : memref<!tpu.dma_semaphore, #tpu.memory_space<semaphore_mem>>)
      %dma_wait3A_185 = arith.constant 0 : i32
      %dma_wait3A_186 = tpu.memref_slice %arg4[%add3A_68, %dma_wait3A_185] : memref<61440x128xf32, #tpu.memory_space<hbm>> -> memref<128x128xf32, #tpu.memory_space<hbm>>
      %dma_wait3A_187 = arith.constant 0 : i32
      %dma_wait3A_188 = tpu.memref_slice %arg4[%add3A_68, %dma_wait3A_187] : memref<61440x128xf32, #tpu.memory_space<hbm>> -> memref<128x128xf32, #tpu.memory_space<hbm>>
      tpu.wait_dma2 semaphore(%run_scoped3A : memref<!tpu.dma_semaphore, #tpu.memory_space<semaphore_mem>>) src(%arg9 : memref<128x128xf32, #tpu.memory_space<vmem>>) dst(%dma_wait3A_188 : memref<128x128xf32, #tpu.memory_space<hbm>>)
      tpu.yield
    }) : () -> ()
    %dma_start3A_69 = arith.constant 1024 : i32
    %dma_start3A_70 = tpu.memref_slice %arg5[%dma_start3A_69] : memref<1920xi32, #tpu.memory_space<vmem>> -> memref<128xi32, #tpu.memory_space<vmem>>
    %dma_start3A_71 = arith.constant 0 : i32
    %dma_start3A_72 = arith.constant 0 : i32
    %dma_start3A_73 = tpu.memref_slice %arg2[%dma_start3A_71, %dma_start3A_72] : memref<20000x128xf32, #tpu.memory_space<hbm>> -> memref<20000x128xf32, #tpu.memory_space<hbm>>
    tpu.enqueue_indirect_dma source(%dma_start3A_73 : memref<20000x128xf32, #tpu.memory_space<hbm>>) target(%arg9 : memref<128x128xf32, #tpu.memory_space<vmem>>) offsets(%dma_start3A_70 : memref<128xi32, #tpu.memory_space<vmem>>) semaphore(%arg14 : memref<!tpu.dma_semaphore, #tpu.memory_space<semaphore_mem>>)
    %dma_wait3A_74 = arith.constant 512 : i32
    %dma_wait3A_75 = tpu.memref_slice %arg5[%dma_wait3A_74] : memref<1920xi32, #tpu.memory_space<vmem>> -> memref<128xi32, #tpu.memory_space<vmem>>
    %dma_wait3A_76 = arith.constant 0 : i32
    %dma_wait3A_77 = arith.constant 0 : i32
    %dma_wait3A_78 = tpu.memref_slice %arg2[%dma_wait3A_76, %dma_wait3A_77] : memref<20000x128xf32, #tpu.memory_space<hbm>> -> memref<20000x128xf32, #tpu.memory_space<hbm>>
    tpu.wait_indirect_dma semaphore(%arg15 : memref<!tpu.dma_semaphore, #tpu.memory_space<semaphore_mem>>) src(%dma_wait3A_78 : memref<20000x128xf32, #tpu.memory_space<hbm>>) dst(%arg10 : memref<128x128xf32, #tpu.memory_space<vmem>>)
    %add3A_79 = arith.constant 512 : i32
    %add3A_80 = arith.addi %mul3A_2, %add3A_79 : i32
    "tpu.region"() ({
      %run_scoped3A = tpu.sem_alloc : memref<!tpu.dma_semaphore, #tpu.memory_space<semaphore_mem>>
      %dma_start3A_181 = arith.constant 0 : i32
      %dma_start3A_182 = tpu.memref_slice %arg4[%add3A_80, %dma_start3A_181] : memref<61440x128xf32, #tpu.memory_space<hbm>> -> memref<128x128xf32, #tpu.memory_space<hbm>>
      %dma_start3A_183 = arith.constant 0 : i32
      %dma_start3A_184 = tpu.memref_slice %arg4[%add3A_80, %dma_start3A_183] : memref<61440x128xf32, #tpu.memory_space<hbm>> -> memref<128x128xf32, #tpu.memory_space<hbm>>
      tpu.enqueue_dma source(%arg10 : memref<128x128xf32, #tpu.memory_space<vmem>>) target(%dma_start3A_184 : memref<128x128xf32, #tpu.memory_space<hbm>>) target_semaphore(%run_scoped3A : memref<!tpu.dma_semaphore, #tpu.memory_space<semaphore_mem>>)
      %dma_wait3A_185 = arith.constant 0 : i32
      %dma_wait3A_186 = tpu.memref_slice %arg4[%add3A_80, %dma_wait3A_185] : memref<61440x128xf32, #tpu.memory_space<hbm>> -> memref<128x128xf32, #tpu.memory_space<hbm>>
      %dma_wait3A_187 = arith.constant 0 : i32
      %dma_wait3A_188 = tpu.memref_slice %arg4[%add3A_80, %dma_wait3A_187] : memref<61440x128xf32, #tpu.memory_space<hbm>> -> memref<128x128xf32, #tpu.memory_space<hbm>>
      tpu.wait_dma2 semaphore(%run_scoped3A : memref<!tpu.dma_semaphore, #tpu.memory_space<semaphore_mem>>) src(%arg10 : memref<128x128xf32, #tpu.memory_space<vmem>>) dst(%dma_wait3A_188 : memref<128x128xf32, #tpu.memory_space<hbm>>)
      tpu.yield
    }) : () -> ()
    %dma_start3A_81 = arith.constant 1152 : i32
    %dma_start3A_82 = tpu.memref_slice %arg5[%dma_start3A_81] : memref<1920xi32, #tpu.memory_space<vmem>> -> memref<128xi32, #tpu.memory_space<vmem>>
    %dma_start3A_83 = arith.constant 0 : i32
    %dma_start3A_84 = arith.constant 0 : i32
    %dma_start3A_85 = tpu.memref_slice %arg2[%dma_start3A_83, %dma_start3A_84] : memref<20000x128xf32, #tpu.memory_space<hbm>> -> memref<20000x128xf32, #tpu.memory_space<hbm>>
    tpu.enqueue_indirect_dma source(%dma_start3A_85 : memref<20000x128xf32, #tpu.memory_space<hbm>>) target(%arg10 : memref<128x128xf32, #tpu.memory_space<vmem>>) offsets(%dma_start3A_82 : memref<128xi32, #tpu.memory_space<vmem>>) semaphore(%arg15 : memref<!tpu.dma_semaphore, #tpu.memory_space<semaphore_mem>>)
    %dma_wait3A_86 = arith.constant 640 : i32
    %dma_wait3A_87 = tpu.memref_slice %arg5[%dma_wait3A_86] : memref<1920xi32, #tpu.memory_space<vmem>> -> memref<128xi32, #tpu.memory_space<vmem>>
    %dma_wait3A_88 = arith.constant 0 : i32
    %dma_wait3A_89 = arith.constant 0 : i32
    %dma_wait3A_90 = tpu.memref_slice %arg2[%dma_wait3A_88, %dma_wait3A_89] : memref<20000x128xf32, #tpu.memory_space<hbm>> -> memref<20000x128xf32, #tpu.memory_space<hbm>>
    tpu.wait_indirect_dma semaphore(%arg11 : memref<!tpu.dma_semaphore, #tpu.memory_space<semaphore_mem>>) src(%dma_wait3A_90 : memref<20000x128xf32, #tpu.memory_space<hbm>>) dst(%arg6 : memref<128x128xf32, #tpu.memory_space<vmem>>)
    %add3A_91 = arith.constant 640 : i32
    %add3A_92 = arith.addi %mul3A_2, %add3A_91 : i32
    "tpu.region"() ({
      %run_scoped3A = tpu.sem_alloc : memref<!tpu.dma_semaphore, #tpu.memory_space<semaphore_mem>>
      %dma_start3A_181 = arith.constant 0 : i32
      %dma_start3A_182 = tpu.memref_slice %arg4[%add3A_92, %dma_start3A_181] : memref<61440x128xf32, #tpu.memory_space<hbm>> -> memref<128x128xf32, #tpu.memory_space<hbm>>
      %dma_start3A_183 = arith.constant 0 : i32
      %dma_start3A_184 = tpu.memref_slice %arg4[%add3A_92, %dma_start3A_183] : memref<61440x128xf32, #tpu.memory_space<hbm>> -> memref<128x128xf32, #tpu.memory_space<hbm>>
      tpu.enqueue_dma source(%arg6 : memref<128x128xf32, #tpu.memory_space<vmem>>) target(%dma_start3A_184 : memref<128x128xf32, #tpu.memory_space<hbm>>) target_semaphore(%run_scoped3A : memref<!tpu.dma_semaphore, #tpu.memory_space<semaphore_mem>>)
      %dma_wait3A_185 = arith.constant 0 : i32
      %dma_wait3A_186 = tpu.memref_slice %arg4[%add3A_92, %dma_wait3A_185] : memref<61440x128xf32, #tpu.memory_space<hbm>> -> memref<128x128xf32, #tpu.memory_space<hbm>>
      %dma_wait3A_187 = arith.constant 0 : i32
      %dma_wait3A_188 = tpu.memref_slice %arg4[%add3A_92, %dma_wait3A_187] : memref<61440x128xf32, #tpu.memory_space<hbm>> -> memref<128x128xf32, #tpu.memory_space<hbm>>
      tpu.wait_dma2 semaphore(%run_scoped3A : memref<!tpu.dma_semaphore, #tpu.memory_space<semaphore_mem>>) src(%arg6 : memref<128x128xf32, #tpu.memory_space<vmem>>) dst(%dma_wait3A_188 : memref<128x128xf32, #tpu.memory_space<hbm>>)
      tpu.yield
    }) : () -> ()
    %dma_start3A_93 = arith.constant 1280 : i32
    %dma_start3A_94 = tpu.memref_slice %arg5[%dma_start3A_93] : memref<1920xi32, #tpu.memory_space<vmem>> -> memref<128xi32, #tpu.memory_space<vmem>>
    %dma_start3A_95 = arith.constant 0 : i32
    %dma_start3A_96 = arith.constant 0 : i32
    %dma_start3A_97 = tpu.memref_slice %arg2[%dma_start3A_95, %dma_start3A_96] : memref<20000x128xf32, #tpu.memory_space<hbm>> -> memref<20000x128xf32, #tpu.memory_space<hbm>>
    tpu.enqueue_indirect_dma source(%dma_start3A_97 : memref<20000x128xf32, #tpu.memory_space<hbm>>) target(%arg6 : memref<128x128xf32, #tpu.memory_space<vmem>>) offsets(%dma_start3A_94 : memref<128xi32, #tpu.memory_space<vmem>>) semaphore(%arg11 : memref<!tpu.dma_semaphore, #tpu.memory_space<semaphore_mem>>)
    %dma_wait3A_98 = arith.constant 768 : i32
    %dma_wait3A_99 = tpu.memref_slice %arg5[%dma_wait3A_98] : memref<1920xi32, #tpu.memory_space<vmem>> -> memref<128xi32, #tpu.memory_space<vmem>>
    %dma_wait3A_100 = arith.constant 0 : i32
    %dma_wait3A_101 = arith.constant 0 : i32
    %dma_wait3A_102 = tpu.memref_slice %arg2[%dma_wait3A_100, %dma_wait3A_101] : memref<20000x128xf32, #tpu.memory_space<hbm>> -> memref<20000x128xf32, #tpu.memory_space<hbm>>
    tpu.wait_indirect_dma semaphore(%arg12 : memref<!tpu.dma_semaphore, #tpu.memory_space<semaphore_mem>>) src(%dma_wait3A_102 : memref<20000x128xf32, #tpu.memory_space<hbm>>) dst(%arg7 : memref<128x128xf32, #tpu.memory_space<vmem>>)
    %add3A_103 = arith.constant 768 : i32
    %add3A_104 = arith.addi %mul3A_2, %add3A_103 : i32
    "tpu.region"() ({
      %run_scoped3A = tpu.sem_alloc : memref<!tpu.dma_semaphore, #tpu.memory_space<semaphore_mem>>
      %dma_start3A_181 = arith.constant 0 : i32
      %dma_start3A_182 = tpu.memref_slice %arg4[%add3A_104, %dma_start3A_181] : memref<61440x128xf32, #tpu.memory_space<hbm>> -> memref<128x128xf32, #tpu.memory_space<hbm>>
      %dma_start3A_183 = arith.constant 0 : i32
      %dma_start3A_184 = tpu.memref_slice %arg4[%add3A_104, %dma_start3A_183] : memref<61440x128xf32, #tpu.memory_space<hbm>> -> memref<128x128xf32, #tpu.memory_space<hbm>>
      tpu.enqueue_dma source(%arg7 : memref<128x128xf32, #tpu.memory_space<vmem>>) target(%dma_start3A_184 : memref<128x128xf32, #tpu.memory_space<hbm>>) target_semaphore(%run_scoped3A : memref<!tpu.dma_semaphore, #tpu.memory_space<semaphore_mem>>)
      %dma_wait3A_185 = arith.constant 0 : i32
      %dma_wait3A_186 = tpu.memref_slice %arg4[%add3A_104, %dma_wait3A_185] : memref<61440x128xf32, #tpu.memory_space<hbm>> -> memref<128x128xf32, #tpu.memory_space<hbm>>
      %dma_wait3A_187 = arith.constant 0 : i32
      %dma_wait3A_188 = tpu.memref_slice %arg4[%add3A_104, %dma_wait3A_187] : memref<61440x128xf32, #tpu.memory_space<hbm>> -> memref<128x128xf32, #tpu.memory_space<hbm>>
      tpu.wait_dma2 semaphore(%run_scoped3A : memref<!tpu.dma_semaphore, #tpu.memory_space<semaphore_mem>>) src(%arg7 : memref<128x128xf32, #tpu.memory_space<vmem>>) dst(%dma_wait3A_188 : memref<128x128xf32, #tpu.memory_space<hbm>>)
      tpu.yield
    }) : () -> ()
    %dma_start3A_105 = arith.constant 1408 : i32
    %dma_start3A_106 = tpu.memref_slice %arg5[%dma_start3A_105] : memref<1920xi32, #tpu.memory_space<vmem>> -> memref<128xi32, #tpu.memory_space<vmem>>
    %dma_start3A_107 = arith.constant 0 : i32
    %dma_start3A_108 = arith.constant 0 : i32
    %dma_start3A_109 = tpu.memref_slice %arg2[%dma_start3A_107, %dma_start3A_108] : memref<20000x128xf32, #tpu.memory_space<hbm>> -> memref<20000x128xf32, #tpu.memory_space<hbm>>
    tpu.enqueue_indirect_dma source(%dma_start3A_109 : memref<20000x128xf32, #tpu.memory_space<hbm>>) target(%arg7 : memref<128x128xf32, #tpu.memory_space<vmem>>) offsets(%dma_start3A_106 : memref<128xi32, #tpu.memory_space<vmem>>) semaphore(%arg12 : memref<!tpu.dma_semaphore, #tpu.memory_space<semaphore_mem>>)
    %dma_wait3A_110 = arith.constant 896 : i32
    %dma_wait3A_111 = tpu.memref_slice %arg5[%dma_wait3A_110] : memref<1920xi32, #tpu.memory_space<vmem>> -> memref<128xi32, #tpu.memory_space<vmem>>
    %dma_wait3A_112 = arith.constant 0 : i32
    %dma_wait3A_113 = arith.constant 0 : i32
    %dma_wait3A_114 = tpu.memref_slice %arg2[%dma_wait3A_112, %dma_wait3A_113] : memref<20000x128xf32, #tpu.memory_space<hbm>> -> memref<20000x128xf32, #tpu.memory_space<hbm>>
    tpu.wait_indirect_dma semaphore(%arg13 : memref<!tpu.dma_semaphore, #tpu.memory_space<semaphore_mem>>) src(%dma_wait3A_114 : memref<20000x128xf32, #tpu.memory_space<hbm>>) dst(%arg8 : memref<128x128xf32, #tpu.memory_space<vmem>>)
    %add3A_115 = arith.constant 896 : i32
    %add3A_116 = arith.addi %mul3A_2, %add3A_115 : i32
    "tpu.region"() ({
      %run_scoped3A = tpu.sem_alloc : memref<!tpu.dma_semaphore, #tpu.memory_space<semaphore_mem>>
      %dma_start3A_181 = arith.constant 0 : i32
      %dma_start3A_182 = tpu.memref_slice %arg4[%add3A_116, %dma_start3A_181] : memref<61440x128xf32, #tpu.memory_space<hbm>> -> memref<128x128xf32, #tpu.memory_space<hbm>>
      %dma_start3A_183 = arith.constant 0 : i32
      %dma_start3A_184 = tpu.memref_slice %arg4[%add3A_116, %dma_start3A_183] : memref<61440x128xf32, #tpu.memory_space<hbm>> -> memref<128x128xf32, #tpu.memory_space<hbm>>
      tpu.enqueue_dma source(%arg8 : memref<128x128xf32, #tpu.memory_space<vmem>>) target(%dma_start3A_184 : memref<128x128xf32, #tpu.memory_space<hbm>>) target_semaphore(%run_scoped3A : memref<!tpu.dma_semaphore, #tpu.memory_space<semaphore_mem>>)
      %dma_wait3A_185 = arith.constant 0 : i32
      %dma_wait3A_186 = tpu.memref_slice %arg4[%add3A_116, %dma_wait3A_185] : memref<61440x128xf32, #tpu.memory_space<hbm>> -> memref<128x128xf32, #tpu.memory_space<hbm>>
      %dma_wait3A_187 = arith.constant 0 : i32
      %dma_wait3A_188 = tpu.memref_slice %arg4[%add3A_116, %dma_wait3A_187] : memref<61440x128xf32, #tpu.memory_space<hbm>> -> memref<128x128xf32, #tpu.memory_space<hbm>>
      tpu.wait_dma2 semaphore(%run_scoped3A : memref<!tpu.dma_semaphore, #tpu.memory_space<semaphore_mem>>) src(%arg8 : memref<128x128xf32, #tpu.memory_space<vmem>>) dst(%dma_wait3A_188 : memref<128x128xf32, #tpu.memory_space<hbm>>)
      tpu.yield
    }) : () -> ()
    %dma_start3A_117 = arith.constant 1536 : i32
    %dma_start3A_118 = tpu.memref_slice %arg5[%dma_start3A_117] : memref<1920xi32, #tpu.memory_space<vmem>> -> memref<128xi32, #tpu.memory_space<vmem>>
    %dma_start3A_119 = arith.constant 0 : i32
    %dma_start3A_120 = arith.constant 0 : i32
    %dma_start3A_121 = tpu.memref_slice %arg2[%dma_start3A_119, %dma_start3A_120] : memref<20000x128xf32, #tpu.memory_space<hbm>> -> memref<20000x128xf32, #tpu.memory_space<hbm>>
    tpu.enqueue_indirect_dma source(%dma_start3A_121 : memref<20000x128xf32, #tpu.memory_space<hbm>>) target(%arg8 : memref<128x128xf32, #tpu.memory_space<vmem>>) offsets(%dma_start3A_118 : memref<128xi32, #tpu.memory_space<vmem>>) semaphore(%arg13 : memref<!tpu.dma_semaphore, #tpu.memory_space<semaphore_mem>>)
    %dma_wait3A_122 = arith.constant 1024 : i32
    %dma_wait3A_123 = tpu.memref_slice %arg5[%dma_wait3A_122] : memref<1920xi32, #tpu.memory_space<vmem>> -> memref<128xi32, #tpu.memory_space<vmem>>
    %dma_wait3A_124 = arith.constant 0 : i32
    %dma_wait3A_125 = arith.constant 0 : i32
    %dma_wait3A_126 = tpu.memref_slice %arg2[%dma_wait3A_124, %dma_wait3A_125] : memref<20000x128xf32, #tpu.memory_space<hbm>> -> memref<20000x128xf32, #tpu.memory_space<hbm>>
    tpu.wait_indirect_dma semaphore(%arg14 : memref<!tpu.dma_semaphore, #tpu.memory_space<semaphore_mem>>) src(%dma_wait3A_126 : memref<20000x128xf32, #tpu.memory_space<hbm>>) dst(%arg9 : memref<128x128xf32, #tpu.memory_space<vmem>>)
    %add3A_127 = arith.constant 1024 : i32
    %add3A_128 = arith.addi %mul3A_2, %add3A_127 : i32
    "tpu.region"() ({
      %run_scoped3A = tpu.sem_alloc : memref<!tpu.dma_semaphore, #tpu.memory_space<semaphore_mem>>
      %dma_start3A_181 = arith.constant 0 : i32
      %dma_start3A_182 = tpu.memref_slice %arg4[%add3A_128, %dma_start3A_181] : memref<61440x128xf32, #tpu.memory_space<hbm>> -> memref<128x128xf32, #tpu.memory_space<hbm>>
      %dma_start3A_183 = arith.constant 0 : i32
      %dma_start3A_184 = tpu.memref_slice %arg4[%add3A_128, %dma_start3A_183] : memref<61440x128xf32, #tpu.memory_space<hbm>> -> memref<128x128xf32, #tpu.memory_space<hbm>>
      tpu.enqueue_dma source(%arg9 : memref<128x128xf32, #tpu.memory_space<vmem>>) target(%dma_start3A_184 : memref<128x128xf32, #tpu.memory_space<hbm>>) target_semaphore(%run_scoped3A : memref<!tpu.dma_semaphore, #tpu.memory_space<semaphore_mem>>)
      %dma_wait3A_185 = arith.constant 0 : i32
      %dma_wait3A_186 = tpu.memref_slice %arg4[%add3A_128, %dma_wait3A_185] : memref<61440x128xf32, #tpu.memory_space<hbm>> -> memref<128x128xf32, #tpu.memory_space<hbm>>
      %dma_wait3A_187 = arith.constant 0 : i32
      %dma_wait3A_188 = tpu.memref_slice %arg4[%add3A_128, %dma_wait3A_187] : memref<61440x128xf32, #tpu.memory_space<hbm>> -> memref<128x128xf32, #tpu.memory_space<hbm>>
      tpu.wait_dma2 semaphore(%run_scoped3A : memref<!tpu.dma_semaphore, #tpu.memory_space<semaphore_mem>>) src(%arg9 : memref<128x128xf32, #tpu.memory_space<vmem>>) dst(%dma_wait3A_188 : memref<128x128xf32, #tpu.memory_space<hbm>>)
      tpu.yield
    }) : () -> ()
    %dma_start3A_129 = arith.constant 1664 : i32
    %dma_start3A_130 = tpu.memref_slice %arg5[%dma_start3A_129] : memref<1920xi32, #tpu.memory_space<vmem>> -> memref<128xi32, #tpu.memory_space<vmem>>
    %dma_start3A_131 = arith.constant 0 : i32
    %dma_start3A_132 = arith.constant 0 : i32
    %dma_start3A_133 = tpu.memref_slice %arg2[%dma_start3A_131, %dma_start3A_132] : memref<20000x128xf32, #tpu.memory_space<hbm>> -> memref<20000x128xf32, #tpu.memory_space<hbm>>
    tpu.enqueue_indirect_dma source(%dma_start3A_133 : memref<20000x128xf32, #tpu.memory_space<hbm>>) target(%arg9 : memref<128x128xf32, #tpu.memory_space<vmem>>) offsets(%dma_start3A_130 : memref<128xi32, #tpu.memory_space<vmem>>) semaphore(%arg14 : memref<!tpu.dma_semaphore, #tpu.memory_space<semaphore_mem>>)
    %dma_wait3A_134 = arith.constant 1152 : i32
    %dma_wait3A_135 = tpu.memref_slice %arg5[%dma_wait3A_134] : memref<1920xi32, #tpu.memory_space<vmem>> -> memref<128xi32, #tpu.memory_space<vmem>>
    %dma_wait3A_136 = arith.constant 0 : i32
    %dma_wait3A_137 = arith.constant 0 : i32
    %dma_wait3A_138 = tpu.memref_slice %arg2[%dma_wait3A_136, %dma_wait3A_137] : memref<20000x128xf32, #tpu.memory_space<hbm>> -> memref<20000x128xf32, #tpu.memory_space<hbm>>
    tpu.wait_indirect_dma semaphore(%arg15 : memref<!tpu.dma_semaphore, #tpu.memory_space<semaphore_mem>>) src(%dma_wait3A_138 : memref<20000x128xf32, #tpu.memory_space<hbm>>) dst(%arg10 : memref<128x128xf32, #tpu.memory_space<vmem>>)
    %add3A_139 = arith.constant 1152 : i32
    %add3A_140 = arith.addi %mul3A_2, %add3A_139 : i32
    "tpu.region"() ({
      %run_scoped3A = tpu.sem_alloc : memref<!tpu.dma_semaphore, #tpu.memory_space<semaphore_mem>>
      %dma_start3A_181 = arith.constant 0 : i32
      %dma_start3A_182 = tpu.memref_slice %arg4[%add3A_140, %dma_start3A_181] : memref<61440x128xf32, #tpu.memory_space<hbm>> -> memref<128x128xf32, #tpu.memory_space<hbm>>
      %dma_start3A_183 = arith.constant 0 : i32
      %dma_start3A_184 = tpu.memref_slice %arg4[%add3A_140, %dma_start3A_183] : memref<61440x128xf32, #tpu.memory_space<hbm>> -> memref<128x128xf32, #tpu.memory_space<hbm>>
      tpu.enqueue_dma source(%arg10 : memref<128x128xf32, #tpu.memory_space<vmem>>) target(%dma_start3A_184 : memref<128x128xf32, #tpu.memory_space<hbm>>) target_semaphore(%run_scoped3A : memref<!tpu.dma_semaphore, #tpu.memory_space<semaphore_mem>>)
      %dma_wait3A_185 = arith.constant 0 : i32
      %dma_wait3A_186 = tpu.memref_slice %arg4[%add3A_140, %dma_wait3A_185] : memref<61440x128xf32, #tpu.memory_space<hbm>> -> memref<128x128xf32, #tpu.memory_space<hbm>>
      %dma_wait3A_187 = arith.constant 0 : i32
      %dma_wait3A_188 = tpu.memref_slice %arg4[%add3A_140, %dma_wait3A_187] : memref<61440x128xf32, #tpu.memory_space<hbm>> -> memref<128x128xf32, #tpu.memory_space<hbm>>
      tpu.wait_dma2 semaphore(%run_scoped3A : memref<!tpu.dma_semaphore, #tpu.memory_space<semaphore_mem>>) src(%arg10 : memref<128x128xf32, #tpu.memory_space<vmem>>) dst(%dma_wait3A_188 : memref<128x128xf32, #tpu.memory_space<hbm>>)
      tpu.yield
    }) : () -> ()
    %dma_start3A_141 = arith.constant 1792 : i32
    %dma_start3A_142 = tpu.memref_slice %arg5[%dma_start3A_141] : memref<1920xi32, #tpu.memory_space<vmem>> -> memref<128xi32, #tpu.memory_space<vmem>>
    %dma_start3A_143 = arith.constant 0 : i32
    %dma_start3A_144 = arith.constant 0 : i32
    %dma_start3A_145 = tpu.memref_slice %arg2[%dma_start3A_143, %dma_start3A_144] : memref<20000x128xf32, #tpu.memory_space<hbm>> -> memref<20000x128xf32, #tpu.memory_space<hbm>>
    tpu.enqueue_indirect_dma source(%dma_start3A_145 : memref<20000x128xf32, #tpu.memory_space<hbm>>) target(%arg10 : memref<128x128xf32, #tpu.memory_space<vmem>>) offsets(%dma_start3A_142 : memref<128xi32, #tpu.memory_space<vmem>>) semaphore(%arg15 : memref<!tpu.dma_semaphore, #tpu.memory_space<semaphore_mem>>)
    %dma_wait3A_146 = arith.constant 1280 : i32
    %dma_wait3A_147 = tpu.memref_slice %arg5[%dma_wait3A_146] : memref<1920xi32, #tpu.memory_space<vmem>> -> memref<128xi32, #tpu.memory_space<vmem>>
    %dma_wait3A_148 = arith.constant 0 : i32
    %dma_wait3A_149 = arith.constant 0 : i32
    %dma_wait3A_150 = tpu.memref_slice %arg2[%dma_wait3A_148, %dma_wait3A_149] : memref<20000x128xf32, #tpu.memory_space<hbm>> -> memref<20000x128xf32, #tpu.memory_space<hbm>>
    tpu.wait_indirect_dma semaphore(%arg11 : memref<!tpu.dma_semaphore, #tpu.memory_space<semaphore_mem>>) src(%dma_wait3A_150 : memref<20000x128xf32, #tpu.memory_space<hbm>>) dst(%arg6 : memref<128x128xf32, #tpu.memory_space<vmem>>)
    %add3A_151 = arith.constant 1280 : i32
    %add3A_152 = arith.addi %mul3A_2, %add3A_151 : i32
    "tpu.region"() ({
      %run_scoped3A = tpu.sem_alloc : memref<!tpu.dma_semaphore, #tpu.memory_space<semaphore_mem>>
      %dma_start3A_181 = arith.constant 0 : i32
      %dma_start3A_182 = tpu.memref_slice %arg4[%add3A_152, %dma_start3A_181] : memref<61440x128xf32, #tpu.memory_space<hbm>> -> memref<128x128xf32, #tpu.memory_space<hbm>>
      %dma_start3A_183 = arith.constant 0 : i32
      %dma_start3A_184 = tpu.memref_slice %arg4[%add3A_152, %dma_start3A_183] : memref<61440x128xf32, #tpu.memory_space<hbm>> -> memref<128x128xf32, #tpu.memory_space<hbm>>
      tpu.enqueue_dma source(%arg6 : memref<128x128xf32, #tpu.memory_space<vmem>>) target(%dma_start3A_184 : memref<128x128xf32, #tpu.memory_space<hbm>>) target_semaphore(%run_scoped3A : memref<!tpu.dma_semaphore, #tpu.memory_space<semaphore_mem>>)
      %dma_wait3A_185 = arith.constant 0 : i32
      %dma_wait3A_186 = tpu.memref_slice %arg4[%add3A_152, %dma_wait3A_185] : memref<61440x128xf32, #tpu.memory_space<hbm>> -> memref<128x128xf32, #tpu.memory_space<hbm>>
      %dma_wait3A_187 = arith.constant 0 : i32
      %dma_wait3A_188 = tpu.memref_slice %arg4[%add3A_152, %dma_wait3A_187] : memref<61440x128xf32, #tpu.memory_space<hbm>> -> memref<128x128xf32, #tpu.memory_space<hbm>>
      tpu.wait_dma2 semaphore(%run_scoped3A : memref<!tpu.dma_semaphore, #tpu.memory_space<semaphore_mem>>) src(%arg6 : memref<128x128xf32, #tpu.memory_space<vmem>>) dst(%dma_wait3A_188 : memref<128x128xf32, #tpu.memory_space<hbm>>)
      tpu.yield
    }) : () -> ()
    %dma_wait3A_153 = arith.constant 1408 : i32
    %dma_wait3A_154 = tpu.memref_slice %arg5[%dma_wait3A_153] : memref<1920xi32, #tpu.memory_space<vmem>> -> memref<128xi32, #tpu.memory_space<vmem>>
    %dma_wait3A_155 = arith.constant 0 : i32
    %dma_wait3A_156 = arith.constant 0 : i32
    %dma_wait3A_157 = tpu.memref_slice %arg2[%dma_wait3A_155, %dma_wait3A_156] : memref<20000x128xf32, #tpu.memory_space<hbm>> -> memref<20000x128xf32, #tpu.memory_space<hbm>>
    tpu.wait_indirect_dma semaphore(%arg12 : memref<!tpu.dma_semaphore, #tpu.memory_space<semaphore_mem>>) src(%dma_wait3A_157 : memref<20000x128xf32, #tpu.memory_space<hbm>>) dst(%arg7 : memref<128x128xf32, #tpu.memory_space<vmem>>)
    %add3A_158 = arith.constant 1408 : i32
    %add3A_159 = arith.addi %mul3A_2, %add3A_158 : i32
    "tpu.region"() ({
      %run_scoped3A = tpu.sem_alloc : memref<!tpu.dma_semaphore, #tpu.memory_space<semaphore_mem>>
      %dma_start3A_181 = arith.constant 0 : i32
      %dma_start3A_182 = tpu.memref_slice %arg4[%add3A_159, %dma_start3A_181] : memref<61440x128xf32, #tpu.memory_space<hbm>> -> memref<128x128xf32, #tpu.memory_space<hbm>>
      %dma_start3A_183 = arith.constant 0 : i32
      %dma_start3A_184 = tpu.memref_slice %arg4[%add3A_159, %dma_start3A_183] : memref<61440x128xf32, #tpu.memory_space<hbm>> -> memref<128x128xf32, #tpu.memory_space<hbm>>
      tpu.enqueue_dma source(%arg7 : memref<128x128xf32, #tpu.memory_space<vmem>>) target(%dma_start3A_184 : memref<128x128xf32, #tpu.memory_space<hbm>>) target_semaphore(%run_scoped3A : memref<!tpu.dma_semaphore, #tpu.memory_space<semaphore_mem>>)
      %dma_wait3A_185 = arith.constant 0 : i32
      %dma_wait3A_186 = tpu.memref_slice %arg4[%add3A_159, %dma_wait3A_185] : memref<61440x128xf32, #tpu.memory_space<hbm>> -> memref<128x128xf32, #tpu.memory_space<hbm>>
      %dma_wait3A_187 = arith.constant 0 : i32
      %dma_wait3A_188 = tpu.memref_slice %arg4[%add3A_159, %dma_wait3A_187] : memref<61440x128xf32, #tpu.memory_space<hbm>> -> memref<128x128xf32, #tpu.memory_space<hbm>>
      tpu.wait_dma2 semaphore(%run_scoped3A : memref<!tpu.dma_semaphore, #tpu.memory_space<semaphore_mem>>) src(%arg7 : memref<128x128xf32, #tpu.memory_space<vmem>>) dst(%dma_wait3A_188 : memref<128x128xf32, #tpu.memory_space<hbm>>)
      tpu.yield
    }) : () -> ()
    %dma_wait3A_160 = arith.constant 1536 : i32
    %dma_wait3A_161 = tpu.memref_slice %arg5[%dma_wait3A_160] : memref<1920xi32, #tpu.memory_space<vmem>> -> memref<128xi32, #tpu.memory_space<vmem>>
    %dma_wait3A_162 = arith.constant 0 : i32
    %dma_wait3A_163 = arith.constant 0 : i32
    %dma_wait3A_164 = tpu.memref_slice %arg2[%dma_wait3A_162, %dma_wait3A_163] : memref<20000x128xf32, #tpu.memory_space<hbm>> -> memref<20000x128xf32, #tpu.memory_space<hbm>>
    tpu.wait_indirect_dma semaphore(%arg13 : memref<!tpu.dma_semaphore, #tpu.memory_space<semaphore_mem>>) src(%dma_wait3A_164 : memref<20000x128xf32, #tpu.memory_space<hbm>>) dst(%arg8 : memref<128x128xf32, #tpu.memory_space<vmem>>)
    %add3A_165 = arith.constant 1536 : i32
    %add3A_166 = arith.addi %mul3A_2, %add3A_165 : i32
    "tpu.region"() ({
      %run_scoped3A = tpu.sem_alloc : memref<!tpu.dma_semaphore, #tpu.memory_space<semaphore_mem>>
      %dma_start3A_181 = arith.constant 0 : i32
      %dma_start3A_182 = tpu.memref_slice %arg4[%add3A_166, %dma_start3A_181] : memref<61440x128xf32, #tpu.memory_space<hbm>> -> memref<128x128xf32, #tpu.memory_space<hbm>>
      %dma_start3A_183 = arith.constant 0 : i32
      %dma_start3A_184 = tpu.memref_slice %arg4[%add3A_166, %dma_start3A_183] : memref<61440x128xf32, #tpu.memory_space<hbm>> -> memref<128x128xf32, #tpu.memory_space<hbm>>
      tpu.enqueue_dma source(%arg8 : memref<128x128xf32, #tpu.memory_space<vmem>>) target(%dma_start3A_184 : memref<128x128xf32, #tpu.memory_space<hbm>>) target_semaphore(%run_scoped3A : memref<!tpu.dma_semaphore, #tpu.memory_space<semaphore_mem>>)
      %dma_wait3A_185 = arith.constant 0 : i32
      %dma_wait3A_186 = tpu.memref_slice %arg4[%add3A_166, %dma_wait3A_185] : memref<61440x128xf32, #tpu.memory_space<hbm>> -> memref<128x128xf32, #tpu.memory_space<hbm>>
      %dma_wait3A_187 = arith.constant 0 : i32
      %dma_wait3A_188 = tpu.memref_slice %arg4[%add3A_166, %dma_wait3A_187] : memref<61440x128xf32, #tpu.memory_space<hbm>> -> memref<128x128xf32, #tpu.memory_space<hbm>>
      tpu.wait_dma2 semaphore(%run_scoped3A : memref<!tpu.dma_semaphore, #tpu.memory_space<semaphore_mem>>) src(%arg8 : memref<128x128xf32, #tpu.memory_space<vmem>>) dst(%dma_wait3A_188 : memref<128x128xf32, #tpu.memory_space<hbm>>)
      tpu.yield
    }) : () -> ()
    %dma_wait3A_167 = arith.constant 1664 : i32
    %dma_wait3A_168 = tpu.memref_slice %arg5[%dma_wait3A_167] : memref<1920xi32, #tpu.memory_space<vmem>> -> memref<128xi32, #tpu.memory_space<vmem>>
    %dma_wait3A_169 = arith.constant 0 : i32
    %dma_wait3A_170 = arith.constant 0 : i32
    %dma_wait3A_171 = tpu.memref_slice %arg2[%dma_wait3A_169, %dma_wait3A_170] : memref<20000x128xf32, #tpu.memory_space<hbm>> -> memref<20000x128xf32, #tpu.memory_space<hbm>>
    tpu.wait_indirect_dma semaphore(%arg14 : memref<!tpu.dma_semaphore, #tpu.memory_space<semaphore_mem>>) src(%dma_wait3A_171 : memref<20000x128xf32, #tpu.memory_space<hbm>>) dst(%arg9 : memref<128x128xf32, #tpu.memory_space<vmem>>)
    %add3A_172 = arith.constant 1664 : i32
    %add3A_173 = arith.addi %mul3A_2, %add3A_172 : i32
    "tpu.region"() ({
      %run_scoped3A = tpu.sem_alloc : memref<!tpu.dma_semaphore, #tpu.memory_space<semaphore_mem>>
      %dma_start3A_181 = arith.constant 0 : i32
      %dma_start3A_182 = tpu.memref_slice %arg4[%add3A_173, %dma_start3A_181] : memref<61440x128xf32, #tpu.memory_space<hbm>> -> memref<128x128xf32, #tpu.memory_space<hbm>>
      %dma_start3A_183 = arith.constant 0 : i32
      %dma_start3A_184 = tpu.memref_slice %arg4[%add3A_173, %dma_start3A_183] : memref<61440x128xf32, #tpu.memory_space<hbm>> -> memref<128x128xf32, #tpu.memory_space<hbm>>
      tpu.enqueue_dma source(%arg9 : memref<128x128xf32, #tpu.memory_space<vmem>>) target(%dma_start3A_184 : memref<128x128xf32, #tpu.memory_space<hbm>>) target_semaphore(%run_scoped3A : memref<!tpu.dma_semaphore, #tpu.memory_space<semaphore_mem>>)
      %dma_wait3A_185 = arith.constant 0 : i32
      %dma_wait3A_186 = tpu.memref_slice %arg4[%add3A_173, %dma_wait3A_185] : memref<61440x128xf32, #tpu.memory_space<hbm>> -> memref<128x128xf32, #tpu.memory_space<hbm>>
      %dma_wait3A_187 = arith.constant 0 : i32
      %dma_wait3A_188 = tpu.memref_slice %arg4[%add3A_173, %dma_wait3A_187] : memref<61440x128xf32, #tpu.memory_space<hbm>> -> memref<128x128xf32, #tpu.memory_space<hbm>>
      tpu.wait_dma2 semaphore(%run_scoped3A : memref<!tpu.dma_semaphore, #tpu.memory_space<semaphore_mem>>) src(%arg9 : memref<128x128xf32, #tpu.memory_space<vmem>>) dst(%dma_wait3A_188 : memref<128x128xf32, #tpu.memory_space<hbm>>)
      tpu.yield
    }) : () -> ()
    %dma_wait3A_174 = arith.constant 1792 : i32
    %dma_wait3A_175 = tpu.memref_slice %arg5[%dma_wait3A_174] : memref<1920xi32, #tpu.memory_space<vmem>> -> memref<128xi32, #tpu.memory_space<vmem>>
    %dma_wait3A_176 = arith.constant 0 : i32
    %dma_wait3A_177 = arith.constant 0 : i32
    %dma_wait3A_178 = tpu.memref_slice %arg2[%dma_wait3A_176, %dma_wait3A_177] : memref<20000x128xf32, #tpu.memory_space<hbm>> -> memref<20000x128xf32, #tpu.memory_space<hbm>>
    tpu.wait_indirect_dma semaphore(%arg15 : memref<!tpu.dma_semaphore, #tpu.memory_space<semaphore_mem>>) src(%dma_wait3A_178 : memref<20000x128xf32, #tpu.memory_space<hbm>>) dst(%arg10 : memref<128x128xf32, #tpu.memory_space<vmem>>)
    %add3A_179 = arith.constant 1792 : i32
    %add3A_180 = arith.addi %mul3A_2, %add3A_179 : i32
    "tpu.region"() ({
      %run_scoped3A = tpu.sem_alloc : memref<!tpu.dma_semaphore, #tpu.memory_space<semaphore_mem>>
      %dma_start3A_181 = arith.constant 0 : i32
      %dma_start3A_182 = tpu.memref_slice %arg4[%add3A_180, %dma_start3A_181] : memref<61440x128xf32, #tpu.memory_space<hbm>> -> memref<128x128xf32, #tpu.memory_space<hbm>>
      %dma_start3A_183 = arith.constant 0 : i32
      %dma_start3A_184 = tpu.memref_slice %arg4[%add3A_180, %dma_start3A_183] : memref<61440x128xf32, #tpu.memory_space<hbm>> -> memref<128x128xf32, #tpu.memory_space<hbm>>
      tpu.enqueue_dma source(%arg10 : memref<128x128xf32, #tpu.memory_space<vmem>>) target(%dma_start3A_184 : memref<128x128xf32, #tpu.memory_space<hbm>>) target_semaphore(%run_scoped3A : memref<!tpu.dma_semaphore, #tpu.memory_space<semaphore_mem>>)
      %dma_wait3A_185 = arith.constant 0 : i32
      %dma_wait3A_186 = tpu.memref_slice %arg4[%add3A_180, %dma_wait3A_185] : memref<61440x128xf32, #tpu.memory_space<hbm>> -> memref<128x128xf32, #tpu.memory_space<hbm>>
      %dma_wait3A_187 = arith.constant 0 : i32
      %dma_wait3A_188 = tpu.memref_slice %arg4[%add3A_180, %dma_wait3A_187] : memref<61440x128xf32, #tpu.memory_space<hbm>> -> memref<128x128xf32, #tpu.memory_space<hbm>>
      tpu.wait_dma2 semaphore(%run_scoped3A : memref<!tpu.dma_semaphore, #tpu.memory_space<semaphore_mem>>) src(%arg10 : memref<128x128xf32, #tpu.memory_space<vmem>>) dst(%dma_wait3A_188 : memref<128x128xf32, #tpu.memory_space<hbm>>)
      tpu.yield
    }) : () -> ()
    return
  }
}

#map = affine_map<(d0, d1) -> (0, 0)>
#map1 = affine_map<(d0, d1) -> (0)>
module attributes {stable_mosaic.version = 14 : i64} {
  func.func @k(%arg0: i32, %arg1: i32, %arg2: memref<20000x128xi32, #tpu.memory_space<hbm>>, %arg3: memref<61440xi32, #tpu.memory_space<hbm>>, %arg4: memref<61440x128xi32, #tpu.memory_space<hbm>>, %arg5: memref<1920xi32, #tpu.memory_space<vmem>>, %arg6: memref<128x128xi32, #tpu.memory_space<vmem>>, %arg7: memref<128x128xi32, #tpu.memory_space<vmem>>, %arg8: memref<128x128xi32, #tpu.memory_space<vmem>>, %arg9: memref<128x128xi32, #tpu.memory_space<vmem>>, %arg10: memref<128x128xi32, #tpu.memory_space<vmem>>, %arg11: memref<!tpu.dma_semaphore, #tpu.memory_space<semaphore_mem>>, %arg12: memref<!tpu.dma_semaphore, #tpu.memory_space<semaphore_mem>>, %arg13: memref<!tpu.dma_semaphore, #tpu.memory_space<semaphore_mem>>, %arg14: memref<!tpu.dma_semaphore, #tpu.memory_space<semaphore_mem>>, %arg15: memref<!tpu.dma_semaphore, #tpu.memory_space<semaphore_mem>>) attributes {dimension_semantics = [#tpu.dimension_semantics<core_parallel>, #tpu.dimension_semantics<subcore_parallel>], iteration_bounds = array<i64: 2, 16>, scalar_prefetch = 0 : i64, scratch_operands = 11 : i64, tpu.core_type = #tpu.core_type<sc_vector_subcore>, window_params = [{transform_indices = #map}, {transform_indices = #map1}, {transform_indices = #map}]} {
    %mul3A = arith.constant 2 : i32
    %mul3A_0 = arith.muli %arg1, %mul3A : i32
    %add3A = arith.addi %mul3A_0, %arg0 : i32
    %mul3A_1 = arith.constant 1920 : i32
    %mul3A_2 = arith.muli %add3A, %mul3A_1 : i32
    "tpu.region"() ({
      %run_scoped3A = tpu.sem_alloc : memref<!tpu.dma_semaphore, #tpu.memory_space<semaphore_mem>>
      %dma_start3A_181 = tpu.memref_slice %arg3[%mul3A_2] : memref<61440xi32, #tpu.memory_space<hbm>> -> memref<1920xi32, #tpu.memory_space<hbm>>
      %dma_start3A_182 = tpu.memref_slice %arg3[%mul3A_2] : memref<61440xi32, #tpu.memory_space<hbm>> -> memref<1920xi32, #tpu.memory_space<hbm>>
      tpu.enqueue_dma source(%dma_start3A_182 : memref<1920xi32, #tpu.memory_space<hbm>>) target(%arg5 : memref<1920xi32, #tpu.memory_space<vmem>>) target_semaphore(%run_scoped3A : memref<!tpu.dma_semaphore, #tpu.memory_space<semaphore_mem>>)
      %dma_wait3A_183 = tpu.memref_slice %arg3[%mul3A_2] : memref<61440xi32, #tpu.memory_space<hbm>> -> memref<1920xi32, #tpu.memory_space<hbm>>
      %dma_wait3A_184 = tpu.memref_slice %arg3[%mul3A_2] : memref<61440xi32, #tpu.memory_space<hbm>> -> memref<1920xi32, #tpu.memory_space<hbm>>
      tpu.wait_dma2 semaphore(%run_scoped3A : memref<!tpu.dma_semaphore, #tpu.memory_space<semaphore_mem>>) src(%dma_wait3A_184 : memref<1920xi32, #tpu.memory_space<hbm>>) dst(%arg5 : memref<1920xi32, #tpu.memory_space<vmem>>)
      tpu.yield
    }) : () -> ()
    %dma_start3A = arith.constant 0 : i32
    %dma_start3A_3 = tpu.memref_slice %arg5[%dma_start3A] : memref<1920xi32, #tpu.memory_space<vmem>> -> memref<128xi32, #tpu.memory_space<vmem>>
    %dma_start3A_4 = arith.constant 0 : i32
    %dma_start3A_5 = arith.constant 0 : i32
    %dma_start3A_6 = tpu.memref_slice %arg2[%dma_start3A_4, %dma_start3A_5] : memref<20000x128xi32, #tpu.memory_space<hbm>> -> memref<20000x128xi32, #tpu.memory_space<hbm>>
    tpu.enqueue_indirect_dma source(%dma_start3A_6 : memref<20000x128xi32, #tpu.memory_space<hbm>>) target(%arg6 : memref<128x128xi32, #tpu.memory_space<vmem>>) offsets(%dma_start3A_3 : memref<128xi32, #tpu.memory_space<vmem>>) semaphore(%arg11 : memref<!tpu.dma_semaphore, #tpu.memory_space<semaphore_mem>>)
    %dma_start3A_7 = arith.constant 128 : i32
    %dma_start3A_8 = tpu.memref_slice %arg5[%dma_start3A_7] : memref<1920xi32, #tpu.memory_space<vmem>> -> memref<128xi32, #tpu.memory_space<vmem>>
    %dma_start3A_9 = arith.constant 0 : i32
    %dma_start3A_10 = arith.constant 0 : i32
    %dma_start3A_11 = tpu.memref_slice %arg2[%dma_start3A_9, %dma_start3A_10] : memref<20000x128xi32, #tpu.memory_space<hbm>> -> memref<20000x128xi32, #tpu.memory_space<hbm>>
    tpu.enqueue_indirect_dma source(%dma_start3A_11 : memref<20000x128xi32, #tpu.memory_space<hbm>>) target(%arg7 : memref<128x128xi32, #tpu.memory_space<vmem>>) offsets(%dma_start3A_8 : memref<128xi32, #tpu.memory_space<vmem>>) semaphore(%arg12 : memref<!tpu.dma_semaphore, #tpu.memory_space<semaphore_mem>>)
    %dma_start3A_12 = arith.constant 256 : i32
    %dma_start3A_13 = tpu.memref_slice %arg5[%dma_start3A_12] : memref<1920xi32, #tpu.memory_space<vmem>> -> memref<128xi32, #tpu.memory_space<vmem>>
    %dma_start3A_14 = arith.constant 0 : i32
    %dma_start3A_15 = arith.constant 0 : i32
    %dma_start3A_16 = tpu.memref_slice %arg2[%dma_start3A_14, %dma_start3A_15] : memref<20000x128xi32, #tpu.memory_space<hbm>> -> memref<20000x128xi32, #tpu.memory_space<hbm>>
    tpu.enqueue_indirect_dma source(%dma_start3A_16 : memref<20000x128xi32, #tpu.memory_space<hbm>>) target(%arg8 : memref<128x128xi32, #tpu.memory_space<vmem>>) offsets(%dma_start3A_13 : memref<128xi32, #tpu.memory_space<vmem>>) semaphore(%arg13 : memref<!tpu.dma_semaphore, #tpu.memory_space<semaphore_mem>>)
    %dma_start3A_17 = arith.constant 384 : i32
    %dma_start3A_18 = tpu.memref_slice %arg5[%dma_start3A_17] : memref<1920xi32, #tpu.memory_space<vmem>> -> memref<128xi32, #tpu.memory_space<vmem>>
    %dma_start3A_19 = arith.constant 0 : i32
    %dma_start3A_20 = arith.constant 0 : i32
    %dma_start3A_21 = tpu.memref_slice %arg2[%dma_start3A_19, %dma_start3A_20] : memref<20000x128xi32, #tpu.memory_space<hbm>> -> memref<20000x128xi32, #tpu.memory_space<hbm>>
    tpu.enqueue_indirect_dma source(%dma_start3A_21 : memref<20000x128xi32, #tpu.memory_space<hbm>>) target(%arg9 : memref<128x128xi32, #tpu.memory_space<vmem>>) offsets(%dma_start3A_18 : memref<128xi32, #tpu.memory_space<vmem>>) semaphore(%arg14 : memref<!tpu.dma_semaphore, #tpu.memory_space<semaphore_mem>>)
    %dma_start3A_22 = arith.constant 512 : i32
    %dma_start3A_23 = tpu.memref_slice %arg5[%dma_start3A_22] : memref<1920xi32, #tpu.memory_space<vmem>> -> memref<128xi32, #tpu.memory_space<vmem>>
    %dma_start3A_24 = arith.constant 0 : i32
    %dma_start3A_25 = arith.constant 0 : i32
    %dma_start3A_26 = tpu.memref_slice %arg2[%dma_start3A_24, %dma_start3A_25] : memref<20000x128xi32, #tpu.memory_space<hbm>> -> memref<20000x128xi32, #tpu.memory_space<hbm>>
    tpu.enqueue_indirect_dma source(%dma_start3A_26 : memref<20000x128xi32, #tpu.memory_space<hbm>>) target(%arg10 : memref<128x128xi32, #tpu.memory_space<vmem>>) offsets(%dma_start3A_23 : memref<128xi32, #tpu.memory_space<vmem>>) semaphore(%arg15 : memref<!tpu.dma_semaphore, #tpu.memory_space<semaphore_mem>>)
    %dma_wait3A = arith.constant 0 : i32
    %dma_wait3A_27 = tpu.memref_slice %arg5[%dma_wait3A] : memref<1920xi32, #tpu.memory_space<vmem>> -> memref<128xi32, #tpu.memory_space<vmem>>
    %dma_wait3A_28 = arith.constant 0 : i32
    %dma_wait3A_29 = arith.constant 0 : i32
    %dma_wait3A_30 = tpu.memref_slice %arg2[%dma_wait3A_28, %dma_wait3A_29] : memref<20000x128xi32, #tpu.memory_space<hbm>> -> memref<20000x128xi32, #tpu.memory_space<hbm>>
    tpu.wait_indirect_dma semaphore(%arg11 : memref<!tpu.dma_semaphore, #tpu.memory_space<semaphore_mem>>) src(%dma_wait3A_30 : memref<20000x128xi32, #tpu.memory_space<hbm>>) dst(%arg6 : memref<128x128xi32, #tpu.memory_space<vmem>>)
    %add3A_31 = arith.constant 0 : i32
    %add3A_32 = arith.addi %mul3A_2, %add3A_31 : i32
    "tpu.region"() ({
      %run_scoped3A = tpu.sem_alloc : memref<!tpu.dma_semaphore, #tpu.memory_space<semaphore_mem>>
      %dma_start3A_181 = arith.constant 0 : i32
      %dma_start3A_182 = tpu.memref_slice %arg4[%add3A_32, %dma_start3A_181] : memref<61440x128xi32, #tpu.memory_space<hbm>> -> memref<128x128xi32, #tpu.memory_space<hbm>>
      %dma_start3A_183 = arith.constant 0 : i32
      %dma_start3A_184 = tpu.memref_slice %arg4[%add3A_32, %dma_start3A_183] : memref<61440x128xi32, #tpu.memory_space<hbm>> -> memref<128x128xi32, #tpu.memory_space<hbm>>
      tpu.enqueue_dma source(%arg6 : memref<128x128xi32, #tpu.memory_space<vmem>>) target(%dma_start3A_184 : memref<128x128xi32, #tpu.memory_space<hbm>>) target_semaphore(%run_scoped3A : memref<!tpu.dma_semaphore, #tpu.memory_space<semaphore_mem>>)
      %dma_wait3A_185 = arith.constant 0 : i32
      %dma_wait3A_186 = tpu.memref_slice %arg4[%add3A_32, %dma_wait3A_185] : memref<61440x128xi32, #tpu.memory_space<hbm>> -> memref<128x128xi32, #tpu.memory_space<hbm>>
      %dma_wait3A_187 = arith.constant 0 : i32
      %dma_wait3A_188 = tpu.memref_slice %arg4[%add3A_32, %dma_wait3A_187] : memref<61440x128xi32, #tpu.memory_space<hbm>> -> memref<128x128xi32, #tpu.memory_space<hbm>>
      tpu.wait_dma2 semaphore(%run_scoped3A : memref<!tpu.dma_semaphore, #tpu.memory_space<semaphore_mem>>) src(%arg6 : memref<128x128xi32, #tpu.memory_space<vmem>>) dst(%dma_wait3A_188 : memref<128x128xi32, #tpu.memory_space<hbm>>)
      tpu.yield
    }) : () -> ()
    %dma_start3A_33 = arith.constant 640 : i32
    %dma_start3A_34 = tpu.memref_slice %arg5[%dma_start3A_33] : memref<1920xi32, #tpu.memory_space<vmem>> -> memref<128xi32, #tpu.memory_space<vmem>>
    %dma_start3A_35 = arith.constant 0 : i32
    %dma_start3A_36 = arith.constant 0 : i32
    %dma_start3A_37 = tpu.memref_slice %arg2[%dma_start3A_35, %dma_start3A_36] : memref<20000x128xi32, #tpu.memory_space<hbm>> -> memref<20000x128xi32, #tpu.memory_space<hbm>>
    tpu.enqueue_indirect_dma source(%dma_start3A_37 : memref<20000x128xi32, #tpu.memory_space<hbm>>) target(%arg6 : memref<128x128xi32, #tpu.memory_space<vmem>>) offsets(%dma_start3A_34 : memref<128xi32, #tpu.memory_space<vmem>>) semaphore(%arg11 : memref<!tpu.dma_semaphore, #tpu.memory_space<semaphore_mem>>)
    %dma_wait3A_38 = arith.constant 128 : i32
    %dma_wait3A_39 = tpu.memref_slice %arg5[%dma_wait3A_38] : memref<1920xi32, #tpu.memory_space<vmem>> -> memref<128xi32, #tpu.memory_space<vmem>>
    %dma_wait3A_40 = arith.constant 0 : i32
    %dma_wait3A_41 = arith.constant 0 : i32
    %dma_wait3A_42 = tpu.memref_slice %arg2[%dma_wait3A_40, %dma_wait3A_41] : memref<20000x128xi32, #tpu.memory_space<hbm>> -> memref<20000x128xi32, #tpu.memory_space<hbm>>
    tpu.wait_indirect_dma semaphore(%arg12 : memref<!tpu.dma_semaphore, #tpu.memory_space<semaphore_mem>>) src(%dma_wait3A_42 : memref<20000x128xi32, #tpu.memory_space<hbm>>) dst(%arg7 : memref<128x128xi32, #tpu.memory_space<vmem>>)
    %add3A_43 = arith.constant 128 : i32
    %add3A_44 = arith.addi %mul3A_2, %add3A_43 : i32
    "tpu.region"() ({
      %run_scoped3A = tpu.sem_alloc : memref<!tpu.dma_semaphore, #tpu.memory_space<semaphore_mem>>
      %dma_start3A_181 = arith.constant 0 : i32
      %dma_start3A_182 = tpu.memref_slice %arg4[%add3A_44, %dma_start3A_181] : memref<61440x128xi32, #tpu.memory_space<hbm>> -> memref<128x128xi32, #tpu.memory_space<hbm>>
      %dma_start3A_183 = arith.constant 0 : i32
      %dma_start3A_184 = tpu.memref_slice %arg4[%add3A_44, %dma_start3A_183] : memref<61440x128xi32, #tpu.memory_space<hbm>> -> memref<128x128xi32, #tpu.memory_space<hbm>>
      tpu.enqueue_dma source(%arg7 : memref<128x128xi32, #tpu.memory_space<vmem>>) target(%dma_start3A_184 : memref<128x128xi32, #tpu.memory_space<hbm>>) target_semaphore(%run_scoped3A : memref<!tpu.dma_semaphore, #tpu.memory_space<semaphore_mem>>)
      %dma_wait3A_185 = arith.constant 0 : i32
      %dma_wait3A_186 = tpu.memref_slice %arg4[%add3A_44, %dma_wait3A_185] : memref<61440x128xi32, #tpu.memory_space<hbm>> -> memref<128x128xi32, #tpu.memory_space<hbm>>
      %dma_wait3A_187 = arith.constant 0 : i32
      %dma_wait3A_188 = tpu.memref_slice %arg4[%add3A_44, %dma_wait3A_187] : memref<61440x128xi32, #tpu.memory_space<hbm>> -> memref<128x128xi32, #tpu.memory_space<hbm>>
      tpu.wait_dma2 semaphore(%run_scoped3A : memref<!tpu.dma_semaphore, #tpu.memory_space<semaphore_mem>>) src(%arg7 : memref<128x128xi32, #tpu.memory_space<vmem>>) dst(%dma_wait3A_188 : memref<128x128xi32, #tpu.memory_space<hbm>>)
      tpu.yield
    }) : () -> ()
    %dma_start3A_45 = arith.constant 768 : i32
    %dma_start3A_46 = tpu.memref_slice %arg5[%dma_start3A_45] : memref<1920xi32, #tpu.memory_space<vmem>> -> memref<128xi32, #tpu.memory_space<vmem>>
    %dma_start3A_47 = arith.constant 0 : i32
    %dma_start3A_48 = arith.constant 0 : i32
    %dma_start3A_49 = tpu.memref_slice %arg2[%dma_start3A_47, %dma_start3A_48] : memref<20000x128xi32, #tpu.memory_space<hbm>> -> memref<20000x128xi32, #tpu.memory_space<hbm>>
    tpu.enqueue_indirect_dma source(%dma_start3A_49 : memref<20000x128xi32, #tpu.memory_space<hbm>>) target(%arg7 : memref<128x128xi32, #tpu.memory_space<vmem>>) offsets(%dma_start3A_46 : memref<128xi32, #tpu.memory_space<vmem>>) semaphore(%arg12 : memref<!tpu.dma_semaphore, #tpu.memory_space<semaphore_mem>>)
    %dma_wait3A_50 = arith.constant 256 : i32
    %dma_wait3A_51 = tpu.memref_slice %arg5[%dma_wait3A_50] : memref<1920xi32, #tpu.memory_space<vmem>> -> memref<128xi32, #tpu.memory_space<vmem>>
    %dma_wait3A_52 = arith.constant 0 : i32
    %dma_wait3A_53 = arith.constant 0 : i32
    %dma_wait3A_54 = tpu.memref_slice %arg2[%dma_wait3A_52, %dma_wait3A_53] : memref<20000x128xi32, #tpu.memory_space<hbm>> -> memref<20000x128xi32, #tpu.memory_space<hbm>>
    tpu.wait_indirect_dma semaphore(%arg13 : memref<!tpu.dma_semaphore, #tpu.memory_space<semaphore_mem>>) src(%dma_wait3A_54 : memref<20000x128xi32, #tpu.memory_space<hbm>>) dst(%arg8 : memref<128x128xi32, #tpu.memory_space<vmem>>)
    %add3A_55 = arith.constant 256 : i32
    %add3A_56 = arith.addi %mul3A_2, %add3A_55 : i32
    "tpu.region"() ({
      %run_scoped3A = tpu.sem_alloc : memref<!tpu.dma_semaphore, #tpu.memory_space<semaphore_mem>>
      %dma_start3A_181 = arith.constant 0 : i32
      %dma_start3A_182 = tpu.memref_slice %arg4[%add3A_56, %dma_start3A_181] : memref<61440x128xi32, #tpu.memory_space<hbm>> -> memref<128x128xi32, #tpu.memory_space<hbm>>
      %dma_start3A_183 = arith.constant 0 : i32
      %dma_start3A_184 = tpu.memref_slice %arg4[%add3A_56, %dma_start3A_183] : memref<61440x128xi32, #tpu.memory_space<hbm>> -> memref<128x128xi32, #tpu.memory_space<hbm>>
      tpu.enqueue_dma source(%arg8 : memref<128x128xi32, #tpu.memory_space<vmem>>) target(%dma_start3A_184 : memref<128x128xi32, #tpu.memory_space<hbm>>) target_semaphore(%run_scoped3A : memref<!tpu.dma_semaphore, #tpu.memory_space<semaphore_mem>>)
      %dma_wait3A_185 = arith.constant 0 : i32
      %dma_wait3A_186 = tpu.memref_slice %arg4[%add3A_56, %dma_wait3A_185] : memref<61440x128xi32, #tpu.memory_space<hbm>> -> memref<128x128xi32, #tpu.memory_space<hbm>>
      %dma_wait3A_187 = arith.constant 0 : i32
      %dma_wait3A_188 = tpu.memref_slice %arg4[%add3A_56, %dma_wait3A_187] : memref<61440x128xi32, #tpu.memory_space<hbm>> -> memref<128x128xi32, #tpu.memory_space<hbm>>
      tpu.wait_dma2 semaphore(%run_scoped3A : memref<!tpu.dma_semaphore, #tpu.memory_space<semaphore_mem>>) src(%arg8 : memref<128x128xi32, #tpu.memory_space<vmem>>) dst(%dma_wait3A_188 : memref<128x128xi32, #tpu.memory_space<hbm>>)
      tpu.yield
    }) : () -> ()
    %dma_start3A_57 = arith.constant 896 : i32
    %dma_start3A_58 = tpu.memref_slice %arg5[%dma_start3A_57] : memref<1920xi32, #tpu.memory_space<vmem>> -> memref<128xi32, #tpu.memory_space<vmem>>
    %dma_start3A_59 = arith.constant 0 : i32
    %dma_start3A_60 = arith.constant 0 : i32
    %dma_start3A_61 = tpu.memref_slice %arg2[%dma_start3A_59, %dma_start3A_60] : memref<20000x128xi32, #tpu.memory_space<hbm>> -> memref<20000x128xi32, #tpu.memory_space<hbm>>
    tpu.enqueue_indirect_dma source(%dma_start3A_61 : memref<20000x128xi32, #tpu.memory_space<hbm>>) target(%arg8 : memref<128x128xi32, #tpu.memory_space<vmem>>) offsets(%dma_start3A_58 : memref<128xi32, #tpu.memory_space<vmem>>) semaphore(%arg13 : memref<!tpu.dma_semaphore, #tpu.memory_space<semaphore_mem>>)
    %dma_wait3A_62 = arith.constant 384 : i32
    %dma_wait3A_63 = tpu.memref_slice %arg5[%dma_wait3A_62] : memref<1920xi32, #tpu.memory_space<vmem>> -> memref<128xi32, #tpu.memory_space<vmem>>
    %dma_wait3A_64 = arith.constant 0 : i32
    %dma_wait3A_65 = arith.constant 0 : i32
    %dma_wait3A_66 = tpu.memref_slice %arg2[%dma_wait3A_64, %dma_wait3A_65] : memref<20000x128xi32, #tpu.memory_space<hbm>> -> memref<20000x128xi32, #tpu.memory_space<hbm>>
    tpu.wait_indirect_dma semaphore(%arg14 : memref<!tpu.dma_semaphore, #tpu.memory_space<semaphore_mem>>) src(%dma_wait3A_66 : memref<20000x128xi32, #tpu.memory_space<hbm>>) dst(%arg9 : memref<128x128xi32, #tpu.memory_space<vmem>>)
    %add3A_67 = arith.constant 384 : i32
    %add3A_68 = arith.addi %mul3A_2, %add3A_67 : i32
    "tpu.region"() ({
      %run_scoped3A = tpu.sem_alloc : memref<!tpu.dma_semaphore, #tpu.memory_space<semaphore_mem>>
      %dma_start3A_181 = arith.constant 0 : i32
      %dma_start3A_182 = tpu.memref_slice %arg4[%add3A_68, %dma_start3A_181] : memref<61440x128xi32, #tpu.memory_space<hbm>> -> memref<128x128xi32, #tpu.memory_space<hbm>>
      %dma_start3A_183 = arith.constant 0 : i32
      %dma_start3A_184 = tpu.memref_slice %arg4[%add3A_68, %dma_start3A_183] : memref<61440x128xi32, #tpu.memory_space<hbm>> -> memref<128x128xi32, #tpu.memory_space<hbm>>
      tpu.enqueue_dma source(%arg9 : memref<128x128xi32, #tpu.memory_space<vmem>>) target(%dma_start3A_184 : memref<128x128xi32, #tpu.memory_space<hbm>>) target_semaphore(%run_scoped3A : memref<!tpu.dma_semaphore, #tpu.memory_space<semaphore_mem>>)
      %dma_wait3A_185 = arith.constant 0 : i32
      %dma_wait3A_186 = tpu.memref_slice %arg4[%add3A_68, %dma_wait3A_185] : memref<61440x128xi32, #tpu.memory_space<hbm>> -> memref<128x128xi32, #tpu.memory_space<hbm>>
      %dma_wait3A_187 = arith.constant 0 : i32
      %dma_wait3A_188 = tpu.memref_slice %arg4[%add3A_68, %dma_wait3A_187] : memref<61440x128xi32, #tpu.memory_space<hbm>> -> memref<128x128xi32, #tpu.memory_space<hbm>>
      tpu.wait_dma2 semaphore(%run_scoped3A : memref<!tpu.dma_semaphore, #tpu.memory_space<semaphore_mem>>) src(%arg9 : memref<128x128xi32, #tpu.memory_space<vmem>>) dst(%dma_wait3A_188 : memref<128x128xi32, #tpu.memory_space<hbm>>)
      tpu.yield
    }) : () -> ()
    %dma_start3A_69 = arith.constant 1024 : i32
    %dma_start3A_70 = tpu.memref_slice %arg5[%dma_start3A_69] : memref<1920xi32, #tpu.memory_space<vmem>> -> memref<128xi32, #tpu.memory_space<vmem>>
    %dma_start3A_71 = arith.constant 0 : i32
    %dma_start3A_72 = arith.constant 0 : i32
    %dma_start3A_73 = tpu.memref_slice %arg2[%dma_start3A_71, %dma_start3A_72] : memref<20000x128xi32, #tpu.memory_space<hbm>> -> memref<20000x128xi32, #tpu.memory_space<hbm>>
    tpu.enqueue_indirect_dma source(%dma_start3A_73 : memref<20000x128xi32, #tpu.memory_space<hbm>>) target(%arg9 : memref<128x128xi32, #tpu.memory_space<vmem>>) offsets(%dma_start3A_70 : memref<128xi32, #tpu.memory_space<vmem>>) semaphore(%arg14 : memref<!tpu.dma_semaphore, #tpu.memory_space<semaphore_mem>>)
    %dma_wait3A_74 = arith.constant 512 : i32
    %dma_wait3A_75 = tpu.memref_slice %arg5[%dma_wait3A_74] : memref<1920xi32, #tpu.memory_space<vmem>> -> memref<128xi32, #tpu.memory_space<vmem>>
    %dma_wait3A_76 = arith.constant 0 : i32
    %dma_wait3A_77 = arith.constant 0 : i32
    %dma_wait3A_78 = tpu.memref_slice %arg2[%dma_wait3A_76, %dma_wait3A_77] : memref<20000x128xi32, #tpu.memory_space<hbm>> -> memref<20000x128xi32, #tpu.memory_space<hbm>>
    tpu.wait_indirect_dma semaphore(%arg15 : memref<!tpu.dma_semaphore, #tpu.memory_space<semaphore_mem>>) src(%dma_wait3A_78 : memref<20000x128xi32, #tpu.memory_space<hbm>>) dst(%arg10 : memref<128x128xi32, #tpu.memory_space<vmem>>)
    %add3A_79 = arith.constant 512 : i32
    %add3A_80 = arith.addi %mul3A_2, %add3A_79 : i32
    "tpu.region"() ({
      %run_scoped3A = tpu.sem_alloc : memref<!tpu.dma_semaphore, #tpu.memory_space<semaphore_mem>>
      %dma_start3A_181 = arith.constant 0 : i32
      %dma_start3A_182 = tpu.memref_slice %arg4[%add3A_80, %dma_start3A_181] : memref<61440x128xi32, #tpu.memory_space<hbm>> -> memref<128x128xi32, #tpu.memory_space<hbm>>
      %dma_start3A_183 = arith.constant 0 : i32
      %dma_start3A_184 = tpu.memref_slice %arg4[%add3A_80, %dma_start3A_183] : memref<61440x128xi32, #tpu.memory_space<hbm>> -> memref<128x128xi32, #tpu.memory_space<hbm>>
      tpu.enqueue_dma source(%arg10 : memref<128x128xi32, #tpu.memory_space<vmem>>) target(%dma_start3A_184 : memref<128x128xi32, #tpu.memory_space<hbm>>) target_semaphore(%run_scoped3A : memref<!tpu.dma_semaphore, #tpu.memory_space<semaphore_mem>>)
      %dma_wait3A_185 = arith.constant 0 : i32
      %dma_wait3A_186 = tpu.memref_slice %arg4[%add3A_80, %dma_wait3A_185] : memref<61440x128xi32, #tpu.memory_space<hbm>> -> memref<128x128xi32, #tpu.memory_space<hbm>>
      %dma_wait3A_187 = arith.constant 0 : i32
      %dma_wait3A_188 = tpu.memref_slice %arg4[%add3A_80, %dma_wait3A_187] : memref<61440x128xi32, #tpu.memory_space<hbm>> -> memref<128x128xi32, #tpu.memory_space<hbm>>
      tpu.wait_dma2 semaphore(%run_scoped3A : memref<!tpu.dma_semaphore, #tpu.memory_space<semaphore_mem>>) src(%arg10 : memref<128x128xi32, #tpu.memory_space<vmem>>) dst(%dma_wait3A_188 : memref<128x128xi32, #tpu.memory_space<hbm>>)
      tpu.yield
    }) : () -> ()
    %dma_start3A_81 = arith.constant 1152 : i32
    %dma_start3A_82 = tpu.memref_slice %arg5[%dma_start3A_81] : memref<1920xi32, #tpu.memory_space<vmem>> -> memref<128xi32, #tpu.memory_space<vmem>>
    %dma_start3A_83 = arith.constant 0 : i32
    %dma_start3A_84 = arith.constant 0 : i32
    %dma_start3A_85 = tpu.memref_slice %arg2[%dma_start3A_83, %dma_start3A_84] : memref<20000x128xi32, #tpu.memory_space<hbm>> -> memref<20000x128xi32, #tpu.memory_space<hbm>>
    tpu.enqueue_indirect_dma source(%dma_start3A_85 : memref<20000x128xi32, #tpu.memory_space<hbm>>) target(%arg10 : memref<128x128xi32, #tpu.memory_space<vmem>>) offsets(%dma_start3A_82 : memref<128xi32, #tpu.memory_space<vmem>>) semaphore(%arg15 : memref<!tpu.dma_semaphore, #tpu.memory_space<semaphore_mem>>)
    %dma_wait3A_86 = arith.constant 640 : i32
    %dma_wait3A_87 = tpu.memref_slice %arg5[%dma_wait3A_86] : memref<1920xi32, #tpu.memory_space<vmem>> -> memref<128xi32, #tpu.memory_space<vmem>>
    %dma_wait3A_88 = arith.constant 0 : i32
    %dma_wait3A_89 = arith.constant 0 : i32
    %dma_wait3A_90 = tpu.memref_slice %arg2[%dma_wait3A_88, %dma_wait3A_89] : memref<20000x128xi32, #tpu.memory_space<hbm>> -> memref<20000x128xi32, #tpu.memory_space<hbm>>
    tpu.wait_indirect_dma semaphore(%arg11 : memref<!tpu.dma_semaphore, #tpu.memory_space<semaphore_mem>>) src(%dma_wait3A_90 : memref<20000x128xi32, #tpu.memory_space<hbm>>) dst(%arg6 : memref<128x128xi32, #tpu.memory_space<vmem>>)
    %add3A_91 = arith.constant 640 : i32
    %add3A_92 = arith.addi %mul3A_2, %add3A_91 : i32
    "tpu.region"() ({
      %run_scoped3A = tpu.sem_alloc : memref<!tpu.dma_semaphore, #tpu.memory_space<semaphore_mem>>
      %dma_start3A_181 = arith.constant 0 : i32
      %dma_start3A_182 = tpu.memref_slice %arg4[%add3A_92, %dma_start3A_181] : memref<61440x128xi32, #tpu.memory_space<hbm>> -> memref<128x128xi32, #tpu.memory_space<hbm>>
      %dma_start3A_183 = arith.constant 0 : i32
      %dma_start3A_184 = tpu.memref_slice %arg4[%add3A_92, %dma_start3A_183] : memref<61440x128xi32, #tpu.memory_space<hbm>> -> memref<128x128xi32, #tpu.memory_space<hbm>>
      tpu.enqueue_dma source(%arg6 : memref<128x128xi32, #tpu.memory_space<vmem>>) target(%dma_start3A_184 : memref<128x128xi32, #tpu.memory_space<hbm>>) target_semaphore(%run_scoped3A : memref<!tpu.dma_semaphore, #tpu.memory_space<semaphore_mem>>)
      %dma_wait3A_185 = arith.constant 0 : i32
      %dma_wait3A_186 = tpu.memref_slice %arg4[%add3A_92, %dma_wait3A_185] : memref<61440x128xi32, #tpu.memory_space<hbm>> -> memref<128x128xi32, #tpu.memory_space<hbm>>
      %dma_wait3A_187 = arith.constant 0 : i32
      %dma_wait3A_188 = tpu.memref_slice %arg4[%add3A_92, %dma_wait3A_187] : memref<61440x128xi32, #tpu.memory_space<hbm>> -> memref<128x128xi32, #tpu.memory_space<hbm>>
      tpu.wait_dma2 semaphore(%run_scoped3A : memref<!tpu.dma_semaphore, #tpu.memory_space<semaphore_mem>>) src(%arg6 : memref<128x128xi32, #tpu.memory_space<vmem>>) dst(%dma_wait3A_188 : memref<128x128xi32, #tpu.memory_space<hbm>>)
      tpu.yield
    }) : () -> ()
    %dma_start3A_93 = arith.constant 1280 : i32
    %dma_start3A_94 = tpu.memref_slice %arg5[%dma_start3A_93] : memref<1920xi32, #tpu.memory_space<vmem>> -> memref<128xi32, #tpu.memory_space<vmem>>
    %dma_start3A_95 = arith.constant 0 : i32
    %dma_start3A_96 = arith.constant 0 : i32
    %dma_start3A_97 = tpu.memref_slice %arg2[%dma_start3A_95, %dma_start3A_96] : memref<20000x128xi32, #tpu.memory_space<hbm>> -> memref<20000x128xi32, #tpu.memory_space<hbm>>
    tpu.enqueue_indirect_dma source(%dma_start3A_97 : memref<20000x128xi32, #tpu.memory_space<hbm>>) target(%arg6 : memref<128x128xi32, #tpu.memory_space<vmem>>) offsets(%dma_start3A_94 : memref<128xi32, #tpu.memory_space<vmem>>) semaphore(%arg11 : memref<!tpu.dma_semaphore, #tpu.memory_space<semaphore_mem>>)
    %dma_wait3A_98 = arith.constant 768 : i32
    %dma_wait3A_99 = tpu.memref_slice %arg5[%dma_wait3A_98] : memref<1920xi32, #tpu.memory_space<vmem>> -> memref<128xi32, #tpu.memory_space<vmem>>
    %dma_wait3A_100 = arith.constant 0 : i32
    %dma_wait3A_101 = arith.constant 0 : i32
    %dma_wait3A_102 = tpu.memref_slice %arg2[%dma_wait3A_100, %dma_wait3A_101] : memref<20000x128xi32, #tpu.memory_space<hbm>> -> memref<20000x128xi32, #tpu.memory_space<hbm>>
    tpu.wait_indirect_dma semaphore(%arg12 : memref<!tpu.dma_semaphore, #tpu.memory_space<semaphore_mem>>) src(%dma_wait3A_102 : memref<20000x128xi32, #tpu.memory_space<hbm>>) dst(%arg7 : memref<128x128xi32, #tpu.memory_space<vmem>>)
    %add3A_103 = arith.constant 768 : i32
    %add3A_104 = arith.addi %mul3A_2, %add3A_103 : i32
    "tpu.region"() ({
      %run_scoped3A = tpu.sem_alloc : memref<!tpu.dma_semaphore, #tpu.memory_space<semaphore_mem>>
      %dma_start3A_181 = arith.constant 0 : i32
      %dma_start3A_182 = tpu.memref_slice %arg4[%add3A_104, %dma_start3A_181] : memref<61440x128xi32, #tpu.memory_space<hbm>> -> memref<128x128xi32, #tpu.memory_space<hbm>>
      %dma_start3A_183 = arith.constant 0 : i32
      %dma_start3A_184 = tpu.memref_slice %arg4[%add3A_104, %dma_start3A_183] : memref<61440x128xi32, #tpu.memory_space<hbm>> -> memref<128x128xi32, #tpu.memory_space<hbm>>
      tpu.enqueue_dma source(%arg7 : memref<128x128xi32, #tpu.memory_space<vmem>>) target(%dma_start3A_184 : memref<128x128xi32, #tpu.memory_space<hbm>>) target_semaphore(%run_scoped3A : memref<!tpu.dma_semaphore, #tpu.memory_space<semaphore_mem>>)
      %dma_wait3A_185 = arith.constant 0 : i32
      %dma_wait3A_186 = tpu.memref_slice %arg4[%add3A_104, %dma_wait3A_185] : memref<61440x128xi32, #tpu.memory_space<hbm>> -> memref<128x128xi32, #tpu.memory_space<hbm>>
      %dma_wait3A_187 = arith.constant 0 : i32
      %dma_wait3A_188 = tpu.memref_slice %arg4[%add3A_104, %dma_wait3A_187] : memref<61440x128xi32, #tpu.memory_space<hbm>> -> memref<128x128xi32, #tpu.memory_space<hbm>>
      tpu.wait_dma2 semaphore(%run_scoped3A : memref<!tpu.dma_semaphore, #tpu.memory_space<semaphore_mem>>) src(%arg7 : memref<128x128xi32, #tpu.memory_space<vmem>>) dst(%dma_wait3A_188 : memref<128x128xi32, #tpu.memory_space<hbm>>)
      tpu.yield
    }) : () -> ()
    %dma_start3A_105 = arith.constant 1408 : i32
    %dma_start3A_106 = tpu.memref_slice %arg5[%dma_start3A_105] : memref<1920xi32, #tpu.memory_space<vmem>> -> memref<128xi32, #tpu.memory_space<vmem>>
    %dma_start3A_107 = arith.constant 0 : i32
    %dma_start3A_108 = arith.constant 0 : i32
    %dma_start3A_109 = tpu.memref_slice %arg2[%dma_start3A_107, %dma_start3A_108] : memref<20000x128xi32, #tpu.memory_space<hbm>> -> memref<20000x128xi32, #tpu.memory_space<hbm>>
    tpu.enqueue_indirect_dma source(%dma_start3A_109 : memref<20000x128xi32, #tpu.memory_space<hbm>>) target(%arg7 : memref<128x128xi32, #tpu.memory_space<vmem>>) offsets(%dma_start3A_106 : memref<128xi32, #tpu.memory_space<vmem>>) semaphore(%arg12 : memref<!tpu.dma_semaphore, #tpu.memory_space<semaphore_mem>>)
    %dma_wait3A_110 = arith.constant 896 : i32
    %dma_wait3A_111 = tpu.memref_slice %arg5[%dma_wait3A_110] : memref<1920xi32, #tpu.memory_space<vmem>> -> memref<128xi32, #tpu.memory_space<vmem>>
    %dma_wait3A_112 = arith.constant 0 : i32
    %dma_wait3A_113 = arith.constant 0 : i32
    %dma_wait3A_114 = tpu.memref_slice %arg2[%dma_wait3A_112, %dma_wait3A_113] : memref<20000x128xi32, #tpu.memory_space<hbm>> -> memref<20000x128xi32, #tpu.memory_space<hbm>>
    tpu.wait_indirect_dma semaphore(%arg13 : memref<!tpu.dma_semaphore, #tpu.memory_space<semaphore_mem>>) src(%dma_wait3A_114 : memref<20000x128xi32, #tpu.memory_space<hbm>>) dst(%arg8 : memref<128x128xi32, #tpu.memory_space<vmem>>)
    %add3A_115 = arith.constant 896 : i32
    %add3A_116 = arith.addi %mul3A_2, %add3A_115 : i32
    "tpu.region"() ({
      %run_scoped3A = tpu.sem_alloc : memref<!tpu.dma_semaphore, #tpu.memory_space<semaphore_mem>>
      %dma_start3A_181 = arith.constant 0 : i32
      %dma_start3A_182 = tpu.memref_slice %arg4[%add3A_116, %dma_start3A_181] : memref<61440x128xi32, #tpu.memory_space<hbm>> -> memref<128x128xi32, #tpu.memory_space<hbm>>
      %dma_start3A_183 = arith.constant 0 : i32
      %dma_start3A_184 = tpu.memref_slice %arg4[%add3A_116, %dma_start3A_183] : memref<61440x128xi32, #tpu.memory_space<hbm>> -> memref<128x128xi32, #tpu.memory_space<hbm>>
      tpu.enqueue_dma source(%arg8 : memref<128x128xi32, #tpu.memory_space<vmem>>) target(%dma_start3A_184 : memref<128x128xi32, #tpu.memory_space<hbm>>) target_semaphore(%run_scoped3A : memref<!tpu.dma_semaphore, #tpu.memory_space<semaphore_mem>>)
      %dma_wait3A_185 = arith.constant 0 : i32
      %dma_wait3A_186 = tpu.memref_slice %arg4[%add3A_116, %dma_wait3A_185] : memref<61440x128xi32, #tpu.memory_space<hbm>> -> memref<128x128xi32, #tpu.memory_space<hbm>>
      %dma_wait3A_187 = arith.constant 0 : i32
      %dma_wait3A_188 = tpu.memref_slice %arg4[%add3A_116, %dma_wait3A_187] : memref<61440x128xi32, #tpu.memory_space<hbm>> -> memref<128x128xi32, #tpu.memory_space<hbm>>
      tpu.wait_dma2 semaphore(%run_scoped3A : memref<!tpu.dma_semaphore, #tpu.memory_space<semaphore_mem>>) src(%arg8 : memref<128x128xi32, #tpu.memory_space<vmem>>) dst(%dma_wait3A_188 : memref<128x128xi32, #tpu.memory_space<hbm>>)
      tpu.yield
    }) : () -> ()
    %dma_start3A_117 = arith.constant 1536 : i32
    %dma_start3A_118 = tpu.memref_slice %arg5[%dma_start3A_117] : memref<1920xi32, #tpu.memory_space<vmem>> -> memref<128xi32, #tpu.memory_space<vmem>>
    %dma_start3A_119 = arith.constant 0 : i32
    %dma_start3A_120 = arith.constant 0 : i32
    %dma_start3A_121 = tpu.memref_slice %arg2[%dma_start3A_119, %dma_start3A_120] : memref<20000x128xi32, #tpu.memory_space<hbm>> -> memref<20000x128xi32, #tpu.memory_space<hbm>>
    tpu.enqueue_indirect_dma source(%dma_start3A_121 : memref<20000x128xi32, #tpu.memory_space<hbm>>) target(%arg8 : memref<128x128xi32, #tpu.memory_space<vmem>>) offsets(%dma_start3A_118 : memref<128xi32, #tpu.memory_space<vmem>>) semaphore(%arg13 : memref<!tpu.dma_semaphore, #tpu.memory_space<semaphore_mem>>)
    %dma_wait3A_122 = arith.constant 1024 : i32
    %dma_wait3A_123 = tpu.memref_slice %arg5[%dma_wait3A_122] : memref<1920xi32, #tpu.memory_space<vmem>> -> memref<128xi32, #tpu.memory_space<vmem>>
    %dma_wait3A_124 = arith.constant 0 : i32
    %dma_wait3A_125 = arith.constant 0 : i32
    %dma_wait3A_126 = tpu.memref_slice %arg2[%dma_wait3A_124, %dma_wait3A_125] : memref<20000x128xi32, #tpu.memory_space<hbm>> -> memref<20000x128xi32, #tpu.memory_space<hbm>>
    tpu.wait_indirect_dma semaphore(%arg14 : memref<!tpu.dma_semaphore, #tpu.memory_space<semaphore_mem>>) src(%dma_wait3A_126 : memref<20000x128xi32, #tpu.memory_space<hbm>>) dst(%arg9 : memref<128x128xi32, #tpu.memory_space<vmem>>)
    %add3A_127 = arith.constant 1024 : i32
    %add3A_128 = arith.addi %mul3A_2, %add3A_127 : i32
    "tpu.region"() ({
      %run_scoped3A = tpu.sem_alloc : memref<!tpu.dma_semaphore, #tpu.memory_space<semaphore_mem>>
      %dma_start3A_181 = arith.constant 0 : i32
      %dma_start3A_182 = tpu.memref_slice %arg4[%add3A_128, %dma_start3A_181] : memref<61440x128xi32, #tpu.memory_space<hbm>> -> memref<128x128xi32, #tpu.memory_space<hbm>>
      %dma_start3A_183 = arith.constant 0 : i32
      %dma_start3A_184 = tpu.memref_slice %arg4[%add3A_128, %dma_start3A_183] : memref<61440x128xi32, #tpu.memory_space<hbm>> -> memref<128x128xi32, #tpu.memory_space<hbm>>
      tpu.enqueue_dma source(%arg9 : memref<128x128xi32, #tpu.memory_space<vmem>>) target(%dma_start3A_184 : memref<128x128xi32, #tpu.memory_space<hbm>>) target_semaphore(%run_scoped3A : memref<!tpu.dma_semaphore, #tpu.memory_space<semaphore_mem>>)
      %dma_wait3A_185 = arith.constant 0 : i32
      %dma_wait3A_186 = tpu.memref_slice %arg4[%add3A_128, %dma_wait3A_185] : memref<61440x128xi32, #tpu.memory_space<hbm>> -> memref<128x128xi32, #tpu.memory_space<hbm>>
      %dma_wait3A_187 = arith.constant 0 : i32
      %dma_wait3A_188 = tpu.memref_slice %arg4[%add3A_128, %dma_wait3A_187] : memref<61440x128xi32, #tpu.memory_space<hbm>> -> memref<128x128xi32, #tpu.memory_space<hbm>>
      tpu.wait_dma2 semaphore(%run_scoped3A : memref<!tpu.dma_semaphore, #tpu.memory_space<semaphore_mem>>) src(%arg9 : memref<128x128xi32, #tpu.memory_space<vmem>>) dst(%dma_wait3A_188 : memref<128x128xi32, #tpu.memory_space<hbm>>)
      tpu.yield
    }) : () -> ()
    %dma_start3A_129 = arith.constant 1664 : i32
    %dma_start3A_130 = tpu.memref_slice %arg5[%dma_start3A_129] : memref<1920xi32, #tpu.memory_space<vmem>> -> memref<128xi32, #tpu.memory_space<vmem>>
    %dma_start3A_131 = arith.constant 0 : i32
    %dma_start3A_132 = arith.constant 0 : i32
    %dma_start3A_133 = tpu.memref_slice %arg2[%dma_start3A_131, %dma_start3A_132] : memref<20000x128xi32, #tpu.memory_space<hbm>> -> memref<20000x128xi32, #tpu.memory_space<hbm>>
    tpu.enqueue_indirect_dma source(%dma_start3A_133 : memref<20000x128xi32, #tpu.memory_space<hbm>>) target(%arg9 : memref<128x128xi32, #tpu.memory_space<vmem>>) offsets(%dma_start3A_130 : memref<128xi32, #tpu.memory_space<vmem>>) semaphore(%arg14 : memref<!tpu.dma_semaphore, #tpu.memory_space<semaphore_mem>>)
    %dma_wait3A_134 = arith.constant 1152 : i32
    %dma_wait3A_135 = tpu.memref_slice %arg5[%dma_wait3A_134] : memref<1920xi32, #tpu.memory_space<vmem>> -> memref<128xi32, #tpu.memory_space<vmem>>
    %dma_wait3A_136 = arith.constant 0 : i32
    %dma_wait3A_137 = arith.constant 0 : i32
    %dma_wait3A_138 = tpu.memref_slice %arg2[%dma_wait3A_136, %dma_wait3A_137] : memref<20000x128xi32, #tpu.memory_space<hbm>> -> memref<20000x128xi32, #tpu.memory_space<hbm>>
    tpu.wait_indirect_dma semaphore(%arg15 : memref<!tpu.dma_semaphore, #tpu.memory_space<semaphore_mem>>) src(%dma_wait3A_138 : memref<20000x128xi32, #tpu.memory_space<hbm>>) dst(%arg10 : memref<128x128xi32, #tpu.memory_space<vmem>>)
    %add3A_139 = arith.constant 1152 : i32
    %add3A_140 = arith.addi %mul3A_2, %add3A_139 : i32
    "tpu.region"() ({
      %run_scoped3A = tpu.sem_alloc : memref<!tpu.dma_semaphore, #tpu.memory_space<semaphore_mem>>
      %dma_start3A_181 = arith.constant 0 : i32
      %dma_start3A_182 = tpu.memref_slice %arg4[%add3A_140, %dma_start3A_181] : memref<61440x128xi32, #tpu.memory_space<hbm>> -> memref<128x128xi32, #tpu.memory_space<hbm>>
      %dma_start3A_183 = arith.constant 0 : i32
      %dma_start3A_184 = tpu.memref_slice %arg4[%add3A_140, %dma_start3A_183] : memref<61440x128xi32, #tpu.memory_space<hbm>> -> memref<128x128xi32, #tpu.memory_space<hbm>>
      tpu.enqueue_dma source(%arg10 : memref<128x128xi32, #tpu.memory_space<vmem>>) target(%dma_start3A_184 : memref<128x128xi32, #tpu.memory_space<hbm>>) target_semaphore(%run_scoped3A : memref<!tpu.dma_semaphore, #tpu.memory_space<semaphore_mem>>)
      %dma_wait3A_185 = arith.constant 0 : i32
      %dma_wait3A_186 = tpu.memref_slice %arg4[%add3A_140, %dma_wait3A_185] : memref<61440x128xi32, #tpu.memory_space<hbm>> -> memref<128x128xi32, #tpu.memory_space<hbm>>
      %dma_wait3A_187 = arith.constant 0 : i32
      %dma_wait3A_188 = tpu.memref_slice %arg4[%add3A_140, %dma_wait3A_187] : memref<61440x128xi32, #tpu.memory_space<hbm>> -> memref<128x128xi32, #tpu.memory_space<hbm>>
      tpu.wait_dma2 semaphore(%run_scoped3A : memref<!tpu.dma_semaphore, #tpu.memory_space<semaphore_mem>>) src(%arg10 : memref<128x128xi32, #tpu.memory_space<vmem>>) dst(%dma_wait3A_188 : memref<128x128xi32, #tpu.memory_space<hbm>>)
      tpu.yield
    }) : () -> ()
    %dma_start3A_141 = arith.constant 1792 : i32
    %dma_start3A_142 = tpu.memref_slice %arg5[%dma_start3A_141] : memref<1920xi32, #tpu.memory_space<vmem>> -> memref<128xi32, #tpu.memory_space<vmem>>
    %dma_start3A_143 = arith.constant 0 : i32
    %dma_start3A_144 = arith.constant 0 : i32
    %dma_start3A_145 = tpu.memref_slice %arg2[%dma_start3A_143, %dma_start3A_144] : memref<20000x128xi32, #tpu.memory_space<hbm>> -> memref<20000x128xi32, #tpu.memory_space<hbm>>
    tpu.enqueue_indirect_dma source(%dma_start3A_145 : memref<20000x128xi32, #tpu.memory_space<hbm>>) target(%arg10 : memref<128x128xi32, #tpu.memory_space<vmem>>) offsets(%dma_start3A_142 : memref<128xi32, #tpu.memory_space<vmem>>) semaphore(%arg15 : memref<!tpu.dma_semaphore, #tpu.memory_space<semaphore_mem>>)
    %dma_wait3A_146 = arith.constant 1280 : i32
    %dma_wait3A_147 = tpu.memref_slice %arg5[%dma_wait3A_146] : memref<1920xi32, #tpu.memory_space<vmem>> -> memref<128xi32, #tpu.memory_space<vmem>>
    %dma_wait3A_148 = arith.constant 0 : i32
    %dma_wait3A_149 = arith.constant 0 : i32
    %dma_wait3A_150 = tpu.memref_slice %arg2[%dma_wait3A_148, %dma_wait3A_149] : memref<20000x128xi32, #tpu.memory_space<hbm>> -> memref<20000x128xi32, #tpu.memory_space<hbm>>
    tpu.wait_indirect_dma semaphore(%arg11 : memref<!tpu.dma_semaphore, #tpu.memory_space<semaphore_mem>>) src(%dma_wait3A_150 : memref<20000x128xi32, #tpu.memory_space<hbm>>) dst(%arg6 : memref<128x128xi32, #tpu.memory_space<vmem>>)
    %add3A_151 = arith.constant 1280 : i32
    %add3A_152 = arith.addi %mul3A_2, %add3A_151 : i32
    "tpu.region"() ({
      %run_scoped3A = tpu.sem_alloc : memref<!tpu.dma_semaphore, #tpu.memory_space<semaphore_mem>>
      %dma_start3A_181 = arith.constant 0 : i32
      %dma_start3A_182 = tpu.memref_slice %arg4[%add3A_152, %dma_start3A_181] : memref<61440x128xi32, #tpu.memory_space<hbm>> -> memref<128x128xi32, #tpu.memory_space<hbm>>
      %dma_start3A_183 = arith.constant 0 : i32
      %dma_start3A_184 = tpu.memref_slice %arg4[%add3A_152, %dma_start3A_183] : memref<61440x128xi32, #tpu.memory_space<hbm>> -> memref<128x128xi32, #tpu.memory_space<hbm>>
      tpu.enqueue_dma source(%arg6 : memref<128x128xi32, #tpu.memory_space<vmem>>) target(%dma_start3A_184 : memref<128x128xi32, #tpu.memory_space<hbm>>) target_semaphore(%run_scoped3A : memref<!tpu.dma_semaphore, #tpu.memory_space<semaphore_mem>>)
      %dma_wait3A_185 = arith.constant 0 : i32
      %dma_wait3A_186 = tpu.memref_slice %arg4[%add3A_152, %dma_wait3A_185] : memref<61440x128xi32, #tpu.memory_space<hbm>> -> memref<128x128xi32, #tpu.memory_space<hbm>>
      %dma_wait3A_187 = arith.constant 0 : i32
      %dma_wait3A_188 = tpu.memref_slice %arg4[%add3A_152, %dma_wait3A_187] : memref<61440x128xi32, #tpu.memory_space<hbm>> -> memref<128x128xi32, #tpu.memory_space<hbm>>
      tpu.wait_dma2 semaphore(%run_scoped3A : memref<!tpu.dma_semaphore, #tpu.memory_space<semaphore_mem>>) src(%arg6 : memref<128x128xi32, #tpu.memory_space<vmem>>) dst(%dma_wait3A_188 : memref<128x128xi32, #tpu.memory_space<hbm>>)
      tpu.yield
    }) : () -> ()
    %dma_wait3A_153 = arith.constant 1408 : i32
    %dma_wait3A_154 = tpu.memref_slice %arg5[%dma_wait3A_153] : memref<1920xi32, #tpu.memory_space<vmem>> -> memref<128xi32, #tpu.memory_space<vmem>>
    %dma_wait3A_155 = arith.constant 0 : i32
    %dma_wait3A_156 = arith.constant 0 : i32
    %dma_wait3A_157 = tpu.memref_slice %arg2[%dma_wait3A_155, %dma_wait3A_156] : memref<20000x128xi32, #tpu.memory_space<hbm>> -> memref<20000x128xi32, #tpu.memory_space<hbm>>
    tpu.wait_indirect_dma semaphore(%arg12 : memref<!tpu.dma_semaphore, #tpu.memory_space<semaphore_mem>>) src(%dma_wait3A_157 : memref<20000x128xi32, #tpu.memory_space<hbm>>) dst(%arg7 : memref<128x128xi32, #tpu.memory_space<vmem>>)
    %add3A_158 = arith.constant 1408 : i32
    %add3A_159 = arith.addi %mul3A_2, %add3A_158 : i32
    "tpu.region"() ({
      %run_scoped3A = tpu.sem_alloc : memref<!tpu.dma_semaphore, #tpu.memory_space<semaphore_mem>>
      %dma_start3A_181 = arith.constant 0 : i32
      %dma_start3A_182 = tpu.memref_slice %arg4[%add3A_159, %dma_start3A_181] : memref<61440x128xi32, #tpu.memory_space<hbm>> -> memref<128x128xi32, #tpu.memory_space<hbm>>
      %dma_start3A_183 = arith.constant 0 : i32
      %dma_start3A_184 = tpu.memref_slice %arg4[%add3A_159, %dma_start3A_183] : memref<61440x128xi32, #tpu.memory_space<hbm>> -> memref<128x128xi32, #tpu.memory_space<hbm>>
      tpu.enqueue_dma source(%arg7 : memref<128x128xi32, #tpu.memory_space<vmem>>) target(%dma_start3A_184 : memref<128x128xi32, #tpu.memory_space<hbm>>) target_semaphore(%run_scoped3A : memref<!tpu.dma_semaphore, #tpu.memory_space<semaphore_mem>>)
      %dma_wait3A_185 = arith.constant 0 : i32
      %dma_wait3A_186 = tpu.memref_slice %arg4[%add3A_159, %dma_wait3A_185] : memref<61440x128xi32, #tpu.memory_space<hbm>> -> memref<128x128xi32, #tpu.memory_space<hbm>>
      %dma_wait3A_187 = arith.constant 0 : i32
      %dma_wait3A_188 = tpu.memref_slice %arg4[%add3A_159, %dma_wait3A_187] : memref<61440x128xi32, #tpu.memory_space<hbm>> -> memref<128x128xi32, #tpu.memory_space<hbm>>
      tpu.wait_dma2 semaphore(%run_scoped3A : memref<!tpu.dma_semaphore, #tpu.memory_space<semaphore_mem>>) src(%arg7 : memref<128x128xi32, #tpu.memory_space<vmem>>) dst(%dma_wait3A_188 : memref<128x128xi32, #tpu.memory_space<hbm>>)
      tpu.yield
    }) : () -> ()
    %dma_wait3A_160 = arith.constant 1536 : i32
    %dma_wait3A_161 = tpu.memref_slice %arg5[%dma_wait3A_160] : memref<1920xi32, #tpu.memory_space<vmem>> -> memref<128xi32, #tpu.memory_space<vmem>>
    %dma_wait3A_162 = arith.constant 0 : i32
    %dma_wait3A_163 = arith.constant 0 : i32
    %dma_wait3A_164 = tpu.memref_slice %arg2[%dma_wait3A_162, %dma_wait3A_163] : memref<20000x128xi32, #tpu.memory_space<hbm>> -> memref<20000x128xi32, #tpu.memory_space<hbm>>
    tpu.wait_indirect_dma semaphore(%arg13 : memref<!tpu.dma_semaphore, #tpu.memory_space<semaphore_mem>>) src(%dma_wait3A_164 : memref<20000x128xi32, #tpu.memory_space<hbm>>) dst(%arg8 : memref<128x128xi32, #tpu.memory_space<vmem>>)
    %add3A_165 = arith.constant 1536 : i32
    %add3A_166 = arith.addi %mul3A_2, %add3A_165 : i32
    "tpu.region"() ({
      %run_scoped3A = tpu.sem_alloc : memref<!tpu.dma_semaphore, #tpu.memory_space<semaphore_mem>>
      %dma_start3A_181 = arith.constant 0 : i32
      %dma_start3A_182 = tpu.memref_slice %arg4[%add3A_166, %dma_start3A_181] : memref<61440x128xi32, #tpu.memory_space<hbm>> -> memref<128x128xi32, #tpu.memory_space<hbm>>
      %dma_start3A_183 = arith.constant 0 : i32
      %dma_start3A_184 = tpu.memref_slice %arg4[%add3A_166, %dma_start3A_183] : memref<61440x128xi32, #tpu.memory_space<hbm>> -> memref<128x128xi32, #tpu.memory_space<hbm>>
      tpu.enqueue_dma source(%arg8 : memref<128x128xi32, #tpu.memory_space<vmem>>) target(%dma_start3A_184 : memref<128x128xi32, #tpu.memory_space<hbm>>) target_semaphore(%run_scoped3A : memref<!tpu.dma_semaphore, #tpu.memory_space<semaphore_mem>>)
      %dma_wait3A_185 = arith.constant 0 : i32
      %dma_wait3A_186 = tpu.memref_slice %arg4[%add3A_166, %dma_wait3A_185] : memref<61440x128xi32, #tpu.memory_space<hbm>> -> memref<128x128xi32, #tpu.memory_space<hbm>>
      %dma_wait3A_187 = arith.constant 0 : i32
      %dma_wait3A_188 = tpu.memref_slice %arg4[%add3A_166, %dma_wait3A_187] : memref<61440x128xi32, #tpu.memory_space<hbm>> -> memref<128x128xi32, #tpu.memory_space<hbm>>
      tpu.wait_dma2 semaphore(%run_scoped3A : memref<!tpu.dma_semaphore, #tpu.memory_space<semaphore_mem>>) src(%arg8 : memref<128x128xi32, #tpu.memory_space<vmem>>) dst(%dma_wait3A_188 : memref<128x128xi32, #tpu.memory_space<hbm>>)
      tpu.yield
    }) : () -> ()
    %dma_wait3A_167 = arith.constant 1664 : i32
    %dma_wait3A_168 = tpu.memref_slice %arg5[%dma_wait3A_167] : memref<1920xi32, #tpu.memory_space<vmem>> -> memref<128xi32, #tpu.memory_space<vmem>>
    %dma_wait3A_169 = arith.constant 0 : i32
    %dma_wait3A_170 = arith.constant 0 : i32
    %dma_wait3A_171 = tpu.memref_slice %arg2[%dma_wait3A_169, %dma_wait3A_170] : memref<20000x128xi32, #tpu.memory_space<hbm>> -> memref<20000x128xi32, #tpu.memory_space<hbm>>
    tpu.wait_indirect_dma semaphore(%arg14 : memref<!tpu.dma_semaphore, #tpu.memory_space<semaphore_mem>>) src(%dma_wait3A_171 : memref<20000x128xi32, #tpu.memory_space<hbm>>) dst(%arg9 : memref<128x128xi32, #tpu.memory_space<vmem>>)
    %add3A_172 = arith.constant 1664 : i32
    %add3A_173 = arith.addi %mul3A_2, %add3A_172 : i32
    "tpu.region"() ({
      %run_scoped3A = tpu.sem_alloc : memref<!tpu.dma_semaphore, #tpu.memory_space<semaphore_mem>>
      %dma_start3A_181 = arith.constant 0 : i32
      %dma_start3A_182 = tpu.memref_slice %arg4[%add3A_173, %dma_start3A_181] : memref<61440x128xi32, #tpu.memory_space<hbm>> -> memref<128x128xi32, #tpu.memory_space<hbm>>
      %dma_start3A_183 = arith.constant 0 : i32
      %dma_start3A_184 = tpu.memref_slice %arg4[%add3A_173, %dma_start3A_183] : memref<61440x128xi32, #tpu.memory_space<hbm>> -> memref<128x128xi32, #tpu.memory_space<hbm>>
      tpu.enqueue_dma source(%arg9 : memref<128x128xi32, #tpu.memory_space<vmem>>) target(%dma_start3A_184 : memref<128x128xi32, #tpu.memory_space<hbm>>) target_semaphore(%run_scoped3A : memref<!tpu.dma_semaphore, #tpu.memory_space<semaphore_mem>>)
      %dma_wait3A_185 = arith.constant 0 : i32
      %dma_wait3A_186 = tpu.memref_slice %arg4[%add3A_173, %dma_wait3A_185] : memref<61440x128xi32, #tpu.memory_space<hbm>> -> memref<128x128xi32, #tpu.memory_space<hbm>>
      %dma_wait3A_187 = arith.constant 0 : i32
      %dma_wait3A_188 = tpu.memref_slice %arg4[%add3A_173, %dma_wait3A_187] : memref<61440x128xi32, #tpu.memory_space<hbm>> -> memref<128x128xi32, #tpu.memory_space<hbm>>
      tpu.wait_dma2 semaphore(%run_scoped3A : memref<!tpu.dma_semaphore, #tpu.memory_space<semaphore_mem>>) src(%arg9 : memref<128x128xi32, #tpu.memory_space<vmem>>) dst(%dma_wait3A_188 : memref<128x128xi32, #tpu.memory_space<hbm>>)
      tpu.yield
    }) : () -> ()
    %dma_wait3A_174 = arith.constant 1792 : i32
    %dma_wait3A_175 = tpu.memref_slice %arg5[%dma_wait3A_174] : memref<1920xi32, #tpu.memory_space<vmem>> -> memref<128xi32, #tpu.memory_space<vmem>>
    %dma_wait3A_176 = arith.constant 0 : i32
    %dma_wait3A_177 = arith.constant 0 : i32
    %dma_wait3A_178 = tpu.memref_slice %arg2[%dma_wait3A_176, %dma_wait3A_177] : memref<20000x128xi32, #tpu.memory_space<hbm>> -> memref<20000x128xi32, #tpu.memory_space<hbm>>
    tpu.wait_indirect_dma semaphore(%arg15 : memref<!tpu.dma_semaphore, #tpu.memory_space<semaphore_mem>>) src(%dma_wait3A_178 : memref<20000x128xi32, #tpu.memory_space<hbm>>) dst(%arg10 : memref<128x128xi32, #tpu.memory_space<vmem>>)
    %add3A_179 = arith.constant 1792 : i32
    %add3A_180 = arith.addi %mul3A_2, %add3A_179 : i32
    "tpu.region"() ({
      %run_scoped3A = tpu.sem_alloc : memref<!tpu.dma_semaphore, #tpu.memory_space<semaphore_mem>>
      %dma_start3A_181 = arith.constant 0 : i32
      %dma_start3A_182 = tpu.memref_slice %arg4[%add3A_180, %dma_start3A_181] : memref<61440x128xi32, #tpu.memory_space<hbm>> -> memref<128x128xi32, #tpu.memory_space<hbm>>
      %dma_start3A_183 = arith.constant 0 : i32
      %dma_start3A_184 = tpu.memref_slice %arg4[%add3A_180, %dma_start3A_183] : memref<61440x128xi32, #tpu.memory_space<hbm>> -> memref<128x128xi32, #tpu.memory_space<hbm>>
      tpu.enqueue_dma source(%arg10 : memref<128x128xi32, #tpu.memory_space<vmem>>) target(%dma_start3A_184 : memref<128x128xi32, #tpu.memory_space<hbm>>) target_semaphore(%run_scoped3A : memref<!tpu.dma_semaphore, #tpu.memory_space<semaphore_mem>>)
      %dma_wait3A_185 = arith.constant 0 : i32
      %dma_wait3A_186 = tpu.memref_slice %arg4[%add3A_180, %dma_wait3A_185] : memref<61440x128xi32, #tpu.memory_space<hbm>> -> memref<128x128xi32, #tpu.memory_space<hbm>>
      %dma_wait3A_187 = arith.constant 0 : i32
      %dma_wait3A_188 = tpu.memref_slice %arg4[%add3A_180, %dma_wait3A_187] : memref<61440x128xi32, #tpu.memory_space<hbm>> -> memref<128x128xi32, #tpu.memory_space<hbm>>
      tpu.wait_dma2 semaphore(%run_scoped3A : memref<!tpu.dma_semaphore, #tpu.memory_space<semaphore_mem>>) src(%arg10 : memref<128x128xi32, #tpu.memory_space<vmem>>) dst(%dma_wait3A_188 : memref<128x128xi32, #tpu.memory_space<hbm>>)
      tpu.yield
    }) : () -> ()
    return
  }
}

module attributes {stable_mosaic.version = 14 : i64} {
  func.func @_stem_body(%arg0: i32, %arg1: memref<1000x16xf32, #tpu.memory_space<vmem>>, %arg2: memref<16x128xf32, #tpu.memory_space<vmem>>, %arg3: memref<1x128xf32, #tpu.memory_space<vmem>>, %arg4: memref<128x64xf32, #tpu.memory_space<vmem>>, %arg5: memref<1x64xf32, #tpu.memory_space<vmem>>, %arg6: memref<16x128xf32, #tpu.memory_space<vmem>>, %arg7: memref<1x128xf32, #tpu.memory_space<vmem>>, %arg8: memref<128x64xf32, #tpu.memory_space<vmem>>, %arg9: memref<1x64xf32, #tpu.memory_space<vmem>>, %arg10: memref<1000x128xf32, #tpu.memory_space<vmem>>) attributes {dimension_semantics = [#tpu.dimension_semantics<arbitrary>], iteration_bounds = array<i64: 20>, scalar_prefetch = 0 : i64, scratch_operands = 0 : i64, tpu.core_type = #tpu.core_type<tc>, window_params = [{transform_indices = @transform_0, window_bounds = array<i64: 1000, 16>}, {pipeline_mode = #tpu.pipeline_mode<synchronous>, transform_indices = @transform_1, window_bounds = array<i64: 16, 128>}, {pipeline_mode = #tpu.pipeline_mode<synchronous>, transform_indices = @transform_2, window_bounds = array<i64: 1, 128>}, {pipeline_mode = #tpu.pipeline_mode<synchronous>, transform_indices = @transform_3, window_bounds = array<i64: 128, 64>}, {pipeline_mode = #tpu.pipeline_mode<synchronous>, transform_indices = @transform_4, window_bounds = array<i64: 1, 64>}, {pipeline_mode = #tpu.pipeline_mode<synchronous>, transform_indices = @transform_5, window_bounds = array<i64: 16, 128>}, {pipeline_mode = #tpu.pipeline_mode<synchronous>, transform_indices = @transform_6, window_bounds = array<i64: 1, 128>}, {pipeline_mode = #tpu.pipeline_mode<synchronous>, transform_indices = @transform_7, window_bounds = array<i64: 128, 64>}, {pipeline_mode = #tpu.pipeline_mode<synchronous>, transform_indices = @transform_8, window_bounds = array<i64: 1, 64>}, {transform_indices = @transform_9, window_bounds = array<i64: 1000, 128>}]} {
    %get3A = arith.constant 0 : index
    %get3A_0 = arith.constant 0 : index
    %get3A_1 = vector.load %arg1[%get3A, %get3A_0] : memref<1000x16xf32, #tpu.memory_space<vmem>>, vector<1000x16xf32>
    %get3A_2 = arith.constant 0 : index
    %get3A_3 = arith.constant 0 : index
    %get3A_4 = vector.load %arg2[%get3A_2, %get3A_3] : memref<16x128xf32, #tpu.memory_space<vmem>>, vector<16x128xf32>
    %dot_general3A = arith.constant dense<0.000000e+00> : vector<1000x128xf32>
    %dot_general3A_5 = tpu.matmul %get3A_1, %get3A_4, %dot_general3A {dimension_numbers = #tpu.dot_dimension_numbers<[1], [0], [0], [1], [0, 0, 1, 1], [], []>, transpose_lhs_hint = false} : vector<1000x16xf32>, vector<16x128xf32>, vector<1000x128xf32> -> vector<1000x128xf32>
    %get3A_6 = arith.constant 0 : index
    %get3A_7 = arith.constant 0 : index
    %get3A_8 = vector.load %arg3[%get3A_6, %get3A_7] : memref<1x128xf32, #tpu.memory_space<vmem>>, vector<1x128xf32>
    %add3A = vector.broadcast %get3A_8 : vector<1x128xf32> to vector<1000x128xf32>
    %add3A_9 = arith.addf %dot_general3A_5, %add3A : vector<1000x128xf32>
    %max3A = arith.constant 0.000000e+00 : f32
    %max3A_10 = vector.broadcast %max3A : f32 to vector<1000x128xf32>
    %max3A_11 = arith.maximumf %add3A_9, %max3A_10 : vector<1000x128xf32>
    %get3A_12 = arith.constant 0 : index
    %get3A_13 = arith.constant 0 : index
    %get3A_14 = vector.load %arg4[%get3A_12, %get3A_13] : memref<128x64xf32, #tpu.memory_space<vmem>>, vector<128x64xf32>
    %dot_general3A_15 = arith.constant dense<0.000000e+00> : vector<1000x64xf32>
    %dot_general3A_16 = tpu.matmul %max3A_11, %get3A_14, %dot_general3A_15 {dimension_numbers = #tpu.dot_dimension_numbers<[1], [0], [0], [1], [0, 0, 1, 1], [], []>, transpose_lhs_hint = false} : vector<1000x128xf32>, vector<128x64xf32>, vector<1000x64xf32> -> vector<1000x64xf32>
    %get3A_17 = arith.constant 0 : index
    %get3A_18 = arith.constant 0 : index
    %get3A_19 = vector.load %arg5[%get3A_17, %get3A_18] : memref<1x64xf32, #tpu.memory_space<vmem>>, vector<1x64xf32>
    %add3A_20 = vector.broadcast %get3A_19 : vector<1x64xf32> to vector<1000x64xf32>
    %add3A_21 = arith.addf %dot_general3A_16, %add3A_20 : vector<1000x64xf32>
    %max3A_22 = arith.constant 0.000000e+00 : f32
    %max3A_23 = vector.broadcast %max3A_22 : f32 to vector<1000x64xf32>
    %max3A_24 = arith.maximumf %add3A_21, %max3A_23 : vector<1000x64xf32>
    %get3A_25 = arith.constant 0 : index
    %get3A_26 = arith.constant 0 : index
    %get3A_27 = vector.load %arg6[%get3A_25, %get3A_26] : memref<16x128xf32, #tpu.memory_space<vmem>>, vector<16x128xf32>
    %dot_general3A_28 = arith.constant dense<0.000000e+00> : vector<1000x128xf32>
    %dot_general3A_29 = tpu.matmul %get3A_1, %get3A_27, %dot_general3A_28 {dimension_numbers = #tpu.dot_dimension_numbers<[1], [0], [0], [1], [0, 0, 1, 1], [], []>, transpose_lhs_hint = false} : vector<1000x16xf32>, vector<16x128xf32>, vector<1000x128xf32> -> vector<1000x128xf32>
    %get3A_30 = arith.constant 0 : index
    %get3A_31 = arith.constant 0 : index
    %get3A_32 = vector.load %arg7[%get3A_30, %get3A_31] : memref<1x128xf32, #tpu.memory_space<vmem>>, vector<1x128xf32>
    %add3A_33 = vector.broadcast %get3A_32 : vector<1x128xf32> to vector<1000x128xf32>
    %add3A_34 = arith.addf %dot_general3A_29, %add3A_33 : vector<1000x128xf32>
    %max3A_35 = arith.constant 0.000000e+00 : f32
    %max3A_36 = vector.broadcast %max3A_35 : f32 to vector<1000x128xf32>
    %max3A_37 = arith.maximumf %add3A_34, %max3A_36 : vector<1000x128xf32>
    %get3A_38 = arith.constant 0 : index
    %get3A_39 = arith.constant 0 : index
    %get3A_40 = vector.load %arg8[%get3A_38, %get3A_39] : memref<128x64xf32, #tpu.memory_space<vmem>>, vector<128x64xf32>
    %dot_general3A_41 = arith.constant dense<0.000000e+00> : vector<1000x64xf32>
    %dot_general3A_42 = tpu.matmul %max3A_37, %get3A_40, %dot_general3A_41 {dimension_numbers = #tpu.dot_dimension_numbers<[1], [0], [0], [1], [0, 0, 1, 1], [], []>, transpose_lhs_hint = false} : vector<1000x128xf32>, vector<128x64xf32>, vector<1000x64xf32> -> vector<1000x64xf32>
    %get3A_43 = arith.constant 0 : index
    %get3A_44 = arith.constant 0 : index
    %get3A_45 = vector.load %arg9[%get3A_43, %get3A_44] : memref<1x64xf32, #tpu.memory_space<vmem>>, vector<1x64xf32>
    %add3A_46 = vector.broadcast %get3A_45 : vector<1x64xf32> to vector<1000x64xf32>
    %add3A_47 = arith.addf %dot_general3A_42, %add3A_46 : vector<1000x64xf32>
    %max3A_48 = arith.constant 0.000000e+00 : f32
    %max3A_49 = vector.broadcast %max3A_48 : f32 to vector<1000x64xf32>
    %max3A_50 = arith.maximumf %add3A_47, %max3A_49 : vector<1000x64xf32>
    %concatenate3A = tpu.concatenate %max3A_24, %max3A_50 in 1 : vector<1000x64xf32>, vector<1000x64xf32> -> vector<1000x128xf32>
    %swap3A = arith.constant 0 : index
    %swap3A_51 = arith.constant 0 : index
    %swap3A_52 = vector.load %arg10[%swap3A, %swap3A_51] : memref<1000x128xf32, #tpu.memory_space<vmem>>, vector<1000x128xf32>
    tpu.vector_store %arg10[%swap3A, %swap3A_51], %concatenate3A {strides = array<i32>} : memref<1000x128xf32, #tpu.memory_space<vmem>>, vector<1000x128xf32>,
    return
  }
  func.func @transform_0(%arg0: i32) -> (i32, i32) {
    %c0_i32 = arith.constant 0 : i32
    %c0_i32_0 = arith.constant 0 : i32
    return %arg0, %c0_i32 : i32, i32
  }
  func.func @transform_1(%arg0: i32) -> (i32, i32) {
    %c0_i32 = arith.constant 0 : i32
    %c0_i32_0 = arith.constant 0 : i32
    %c0_i32_1 = arith.constant 0 : i32
    return %c0_i32, %c0_i32_0 : i32, i32
  }
  func.func @transform_2(%arg0: i32) -> (i32, i32) {
    %c0_i32 = arith.constant 0 : i32
    %c0_i32_0 = arith.constant 0 : i32
    %c0_i32_1 = arith.constant 0 : i32
    return %c0_i32, %c0_i32_0 : i32, i32
  }
  func.func @transform_3(%arg0: i32) -> (i32, i32) {
    %c0_i32 = arith.constant 0 : i32
    %c0_i32_0 = arith.constant 0 : i32
    %c0_i32_1 = arith.constant 0 : i32
    return %c0_i32, %c0_i32_0 : i32, i32
  }
  func.func @transform_4(%arg0: i32) -> (i32, i32) {
    %c0_i32 = arith.constant 0 : i32
    %c0_i32_0 = arith.constant 0 : i32
    %c0_i32_1 = arith.constant 0 : i32
    return %c0_i32, %c0_i32_0 : i32, i32
  }
  func.func @transform_5(%arg0: i32) -> (i32, i32) {
    %c0_i32 = arith.constant 0 : i32
    %c0_i32_0 = arith.constant 0 : i32
    %c0_i32_1 = arith.constant 0 : i32
    return %c0_i32, %c0_i32_0 : i32, i32
  }
  func.func @transform_6(%arg0: i32) -> (i32, i32) {
    %c0_i32 = arith.constant 0 : i32
    %c0_i32_0 = arith.constant 0 : i32
    %c0_i32_1 = arith.constant 0 : i32
    return %c0_i32, %c0_i32_0 : i32, i32
  }
  func.func @transform_7(%arg0: i32) -> (i32, i32) {
    %c0_i32 = arith.constant 0 : i32
    %c0_i32_0 = arith.constant 0 : i32
    %c0_i32_1 = arith.constant 0 : i32
    return %c0_i32, %c0_i32_0 : i32, i32
  }
  func.func @transform_8(%arg0: i32) -> (i32, i32) {
    %c0_i32 = arith.constant 0 : i32
    %c0_i32_0 = arith.constant 0 : i32
    %c0_i32_1 = arith.constant 0 : i32
    return %c0_i32, %c0_i32_0 : i32, i32
  }
  func.func @transform_9(%arg0: i32) -> (i32, i32) {
    %c0_i32 = arith.constant 0 : i32
    %c0_i32_0 = arith.constant 0 : i32
    return %arg0, %c0_i32 : i32, i32
  }
}

module attributes {stable_mosaic.version = 14 : i64} {
  func.func @_mesh_mm_body(%arg0: i32, %arg1: memref<1000x128xf32, #tpu.memory_space<vmem>>, %arg2: memref<1000x128xf32, #tpu.memory_space<vmem>>, %arg3: memref<1000x128xf32, #tpu.memory_space<vmem>>, %arg4: memref<1000x128xf32, #tpu.memory_space<vmem>>, %arg5: memref<1x128xf32, #tpu.memory_space<vmem>>, %arg6: memref<1x128xf32, #tpu.memory_space<vmem>>, %arg7: memref<512x128xf32, #tpu.memory_space<vmem>>, %arg8: memref<1x128xf32, #tpu.memory_space<vmem>>, %arg9: memref<1000x128xf32, #tpu.memory_space<vmem>>, %arg10: memref<8x128xf32, #tpu.memory_space<vmem>>) attributes {dimension_semantics = [#tpu.dimension_semantics<arbitrary>], iteration_bounds = array<i64: 20>, scalar_prefetch = 0 : i64, scratch_operands = 0 : i64, tpu.core_type = #tpu.core_type<tc>, window_params = [{transform_indices = @transform_0, window_bounds = array<i64: 1000, 128>}, {transform_indices = @transform_1, window_bounds = array<i64: 1000, 128>}, {transform_indices = @transform_2, window_bounds = array<i64: 1000, 128>}, {transform_indices = @transform_3, window_bounds = array<i64: 1000, 128>}, {pipeline_mode = #tpu.pipeline_mode<synchronous>, transform_indices = @transform_4, window_bounds = array<i64: 1, 128>}, {pipeline_mode = #tpu.pipeline_mode<synchronous>, transform_indices = @transform_5, window_bounds = array<i64: 1, 128>}, {pipeline_mode = #tpu.pipeline_mode<synchronous>, transform_indices = @transform_6, window_bounds = array<i64: 512, 128>}, {pipeline_mode = #tpu.pipeline_mode<synchronous>, transform_indices = @transform_7, window_bounds = array<i64: 1, 128>}, {transform_indices = @transform_8, window_bounds = array<i64: 1000, 128>}, {pipeline_mode = #tpu.pipeline_mode<synchronous>, transform_indices = @transform_9, window_bounds = array<i64: 8, 128>}]} {
    %get3A = arith.constant 0 : index
    %get3A_0 = arith.constant 0 : index
    %get3A_1 = vector.load %arg5[%get3A, %get3A_0] : memref<1x128xf32, #tpu.memory_space<vmem>>, vector<1x128xf32>
    %get3A_2 = arith.constant 0 : index
    %get3A_3 = arith.constant 0 : index
    %get3A_4 = vector.load %arg6[%get3A_2, %get3A_3] : memref<1x128xf32, #tpu.memory_space<vmem>>, vector<1x128xf32>
    %get3A_5 = arith.constant 0 : index
    %get3A_6 = arith.constant 0 : index
    %get3A_7 = vector.load %arg8[%get3A_5, %get3A_6] : memref<1x128xf32, #tpu.memory_space<vmem>>, vector<1x128xf32>
    %broadcast_in_dim3A = arith.constant 1.000000e+00 : f32
    %broadcast_in_dim3A_8 = vector.broadcast %broadcast_in_dim3A : f32 to vector<1000x1xf32>
    %mul3A = vector.broadcast %get3A_7 : vector<1x128xf32> to vector<1000x128xf32>
    %mul3A_9 = vector.broadcast %broadcast_in_dim3A_8 : vector<1000x1xf32> to vector<1000x128xf32>
    %mul3A_10 = arith.mulf %mul3A, %mul3A_9 : vector<1000x128xf32>
    %get3A_11 = arith.constant 0 : index
    %get3A_12 = arith.constant 0 : index
    %get3A_13 = vector.load %arg1[%get3A_11, %get3A_12] : memref<1000x128xf32, #tpu.memory_space<vmem>>, vector<1000x128xf32>
    %mul3A_14 = vector.broadcast %get3A_1 : vector<1x128xf32> to vector<1000x128xf32>
    %mul3A_15 = arith.mulf %get3A_13, %mul3A_14 : vector<1000x128xf32>
    %add3A = vector.broadcast %get3A_4 : vector<1x128xf32> to vector<1000x128xf32>
    %add3A_16 = arith.addf %mul3A_15, %add3A : vector<1000x128xf32>
    %max3A = arith.constant 0.000000e+00 : f32
    %max3A_17 = vector.broadcast %max3A : f32 to vector<1000x128xf32>
    %max3A_18 = arith.maximumf %add3A_16, %max3A_17 : vector<1000x128xf32>
    %get3A_19 = arith.constant 0 : index
    %get3A_20 = arith.constant 0 : index
    %get3A_21 = vector.load %arg7[%get3A_19, %get3A_20] : memref<512x128xf32, #tpu.memory_space<vmem>>, vector<128x128xf32>
    %dot_general3A = arith.constant dense<0.000000e+00> : vector<1000x128xf32>
    %dot_general3A_22 = tpu.matmul %max3A_18, %get3A_21, %dot_general3A {dimension_numbers = #tpu.dot_dimension_numbers<[1], [0], [0], [1], [0, 0, 1, 1], [], []>, transpose_lhs_hint = false} : vector<1000x128xf32>, vector<128x128xf32>, vector<1000x128xf32> -> vector<1000x128xf32>
    %add3A_23 = arith.addf %mul3A_10, %dot_general3A_22 : vector<1000x128xf32>
    %get3A_24 = arith.constant 0 : index
    %get3A_25 = arith.constant 0 : index
    %get3A_26 = vector.load %arg2[%get3A_24, %get3A_25] : memref<1000x128xf32, #tpu.memory_space<vmem>>, vector<1000x128xf32>
    %mul3A_27 = vector.broadcast %get3A_1 : vector<1x128xf32> to vector<1000x128xf32>
    %mul3A_28 = arith.mulf %get3A_26, %mul3A_27 : vector<1000x128xf32>
    %add3A_29 = vector.broadcast %get3A_4 : vector<1x128xf32> to vector<1000x128xf32>
    %add3A_30 = arith.addf %mul3A_28, %add3A_29 : vector<1000x128xf32>
    %max3A_31 = arith.constant 0.000000e+00 : f32
    %max3A_32 = vector.broadcast %max3A_31 : f32 to vector<1000x128xf32>
    %max3A_33 = arith.maximumf %add3A_30, %max3A_32 : vector<1000x128xf32>
    %get3A_34 = arith.constant 128 : index
    %get3A_35 = arith.constant 0 : index
    %get3A_36 = vector.load %arg7[%get3A_34, %get3A_35] : memref<512x128xf32, #tpu.memory_space<vmem>>, vector<128x128xf32>
    %dot_general3A_37 = arith.constant dense<0.000000e+00> : vector<1000x128xf32>
    %dot_general3A_38 = tpu.matmul %max3A_33, %get3A_36, %dot_general3A_37 {dimension_numbers = #tpu.dot_dimension_numbers<[1], [0], [0], [1], [0, 0, 1, 1], [], []>, transpose_lhs_hint = false} : vector<1000x128xf32>, vector<128x128xf32>, vector<1000x128xf32> -> vector<1000x128xf32>
    %add3A_39 = arith.addf %add3A_23, %dot_general3A_38 : vector<1000x128xf32>
    %get3A_40 = arith.constant 0 : index
    %get3A_41 = arith.constant 0 : index
    %get3A_42 = vector.load %arg3[%get3A_40, %get3A_41] : memref<1000x128xf32, #tpu.memory_space<vmem>>, vector<1000x128xf32>
    %mul3A_43 = vector.broadcast %get3A_1 : vector<1x128xf32> to vector<1000x128xf32>
    %mul3A_44 = arith.mulf %get3A_42, %mul3A_43 : vector<1000x128xf32>
    %add3A_45 = vector.broadcast %get3A_4 : vector<1x128xf32> to vector<1000x128xf32>
    %add3A_46 = arith.addf %mul3A_44, %add3A_45 : vector<1000x128xf32>
    %max3A_47 = arith.constant 0.000000e+00 : f32
    %max3A_48 = vector.broadcast %max3A_47 : f32 to vector<1000x128xf32>
    %max3A_49 = arith.maximumf %add3A_46, %max3A_48 : vector<1000x128xf32>
    %get3A_50 = arith.constant 256 : index
    %get3A_51 = arith.constant 0 : index
    %get3A_52 = vector.load %arg7[%get3A_50, %get3A_51] : memref<512x128xf32, #tpu.memory_space<vmem>>, vector<128x128xf32>
    %dot_general3A_53 = arith.constant dense<0.000000e+00> : vector<1000x128xf32>
    %dot_general3A_54 = tpu.matmul %max3A_49, %get3A_52, %dot_general3A_53 {dimension_numbers = #tpu.dot_dimension_numbers<[1], [0], [0], [1], [0, 0, 1, 1], [], []>, transpose_lhs_hint = false} : vector<1000x128xf32>, vector<128x128xf32>, vector<1000x128xf32> -> vector<1000x128xf32>
    %add3A_55 = arith.addf %add3A_39, %dot_general3A_54 : vector<1000x128xf32>
    %get3A_56 = arith.constant 0 : index
    %get3A_57 = arith.constant 0 : index
    %get3A_58 = vector.load %arg4[%get3A_56, %get3A_57] : memref<1000x128xf32, #tpu.memory_space<vmem>>, vector<1000x128xf32>
    %mul3A_59 = vector.broadcast %get3A_1 : vector<1x128xf32> to vector<1000x128xf32>
    %mul3A_60 = arith.mulf %get3A_58, %mul3A_59 : vector<1000x128xf32>
    %add3A_61 = vector.broadcast %get3A_4 : vector<1x128xf32> to vector<1000x128xf32>
    %add3A_62 = arith.addf %mul3A_60, %add3A_61 : vector<1000x128xf32>
    %max3A_63 = arith.constant 0.000000e+00 : f32
    %max3A_64 = vector.broadcast %max3A_63 : f32 to vector<1000x128xf32>
    %max3A_65 = arith.maximumf %add3A_62, %max3A_64 : vector<1000x128xf32>
    %get3A_66 = arith.constant 384 : index
    %get3A_67 = arith.constant 0 : index
    %get3A_68 = vector.load %arg7[%get3A_66, %get3A_67] : memref<512x128xf32, #tpu.memory_space<vmem>>, vector<128x128xf32>
    %dot_general3A_69 = arith.constant dense<0.000000e+00> : vector<1000x128xf32>
    %dot_general3A_70 = tpu.matmul %max3A_65, %get3A_68, %dot_general3A_69 {dimension_numbers = #tpu.dot_dimension_numbers<[1], [0], [0], [1], [0, 0, 1, 1], [], []>, transpose_lhs_hint = false} : vector<1000x128xf32>, vector<128x128xf32>, vector<1000x128xf32> -> vector<1000x128xf32>
    %add3A_71 = arith.addf %add3A_55, %dot_general3A_70 : vector<1000x128xf32>
    %swap3A = arith.constant 0 : index
    %swap3A_72 = arith.constant 0 : index
    %swap3A_73 = vector.load %arg9[%swap3A, %swap3A_72] : memref<1000x128xf32, #tpu.memory_space<vmem>>, vector<1000x128xf32>
    tpu.vector_store %arg9[%swap3A, %swap3A_72], %add3A_71 {strides = array<i32>} : memref<1000x128xf32, #tpu.memory_space<vmem>>, vector<1000x128xf32>,
    %eq3A = arith.constant 0 : i32
    %eq3A_74 = arith.cmpi eq, %arg0, %eq3A : i32
    %convert_element_type3A = arith.extui %eq3A_74 : i1 to i32
    %cond3A = arith.constant 0 : i32
    %cond3A_75 = arith.cmpi ne, %convert_element_type3A, %cond3A : i32
    scf.if %cond3A_75 {
      %broadcast_in_dim3A_96 = arith.constant 0.000000e+00 : f32
      %broadcast_in_dim3A_97 = vector.broadcast %broadcast_in_dim3A_96 : f32 to vector<8x128xf32>
      %swap3A_98 = arith.constant 0 : index
      %swap3A_99 = arith.constant 0 : index
      %swap3A_100 = vector.load %arg10[%swap3A_98, %swap3A_99] : memref<8x128xf32, #tpu.memory_space<vmem>>, vector<8x128xf32>
      tpu.vector_store %arg10[%swap3A_98, %swap3A_99], %broadcast_in_dim3A_97 {strides = array<i32>} : memref<8x128xf32, #tpu.memory_space<vmem>>, vector<8x128xf32>,
    } else {
    }
    %get3A_76 = arith.constant 0 : index
    %get3A_77 = arith.constant 0 : index
    %get3A_78 = vector.load %arg10[%get3A_76, %get3A_77] : memref<8x128xf32, #tpu.memory_space<vmem>>, vector<1x128xf32>
    %reduce_sum3A = arith.constant dense<0.000000e+00> : vector<128xf32>
    %reduce_sum3A_79 = vector.multi_reduction <add>, %add3A_71, %reduce_sum3A [0] : vector<1000x128xf32> to vector<128xf32>
    %broadcast_in_dim3A_80 = vector.shape_cast %reduce_sum3A_79 : vector<128xf32> to vector<1x128xf32>
    %add3A_81 = arith.addf %get3A_78, %broadcast_in_dim3A_80 : vector<1x128xf32>
    %swap3A_82 = arith.constant 0 : index
    %swap3A_83 = arith.constant 0 : index
    %swap3A_84 = vector.load %arg10[%swap3A_82, %swap3A_83] : memref<8x128xf32, #tpu.memory_space<vmem>>, vector<1x128xf32>
    tpu.vector_store %arg10[%swap3A_82, %swap3A_83], %add3A_81 {strides = array<i32>} : memref<8x128xf32, #tpu.memory_space<vmem>>, vector<1x128xf32>,
    %get3A_85 = arith.constant 1 : index
    %get3A_86 = arith.constant 0 : index
    %get3A_87 = vector.load %arg10[%get3A_85, %get3A_86] : memref<8x128xf32, #tpu.memory_space<vmem>>, vector<1x128xf32>
    %mul3A_88 = arith.mulf %add3A_71, %add3A_71 : vector<1000x128xf32>
    %reduce_sum3A_89 = arith.constant dense<0.000000e+00> : vector<128xf32>
    %reduce_sum3A_90 = vector.multi_reduction <add>, %mul3A_88, %reduce_sum3A_89 [0] : vector<1000x128xf32> to vector<128xf32>
    %broadcast_in_dim3A_91 = vector.shape_cast %reduce_sum3A_90 : vector<128xf32> to vector<1x128xf32>
    %add3A_92 = arith.addf %get3A_87, %broadcast_in_dim3A_91 : vector<1x128xf32>
    %swap3A_93 = arith.constant 1 : index
    %swap3A_94 = arith.constant 0 : index
    %swap3A_95 = vector.load %arg10[%swap3A_93, %swap3A_94] : memref<8x128xf32, #tpu.memory_space<vmem>>, vector<1x128xf32>
    tpu.vector_store %arg10[%swap3A_93, %swap3A_94], %add3A_92 {strides = array<i32>} : memref<8x128xf32, #tpu.memory_space<vmem>>, vector<1x128xf32>,
    return
  }
  func.func @transform_0(%arg0: i32) -> (i32, i32) {
    %c0_i32 = arith.constant 0 : i32
    %c0_i32_0 = arith.constant 0 : i32
    return %arg0, %c0_i32 : i32, i32
  }
  func.func @transform_1(%arg0: i32) -> (i32, i32) {
    %add3A = arith.constant 0 : i32
    %add3A_0 = arith.addi %add3A, %arg0 : i32
    %c0_i32 = arith.constant 0 : i32
    %c0_i32_1 = arith.constant 0 : i32
    return %add3A_0, %c0_i32 : i32, i32
  }
  func.func @transform_2(%arg0: i32) -> (i32, i32) {
    %add3A = arith.constant 20 : i32
    %add3A_0 = arith.addi %add3A, %arg0 : i32
    %c0_i32 = arith.constant 0 : i32
    %c0_i32_1 = arith.constant 0 : i32
    return %add3A_0, %c0_i32 : i32, i32
  }
  func.func @transform_3(%arg0: i32) -> (i32, i32) {
    %add3A = arith.constant 40 : i32
    %add3A_0 = arith.addi %add3A, %arg0 : i32
    %c0_i32 = arith.constant 0 : i32
    %c0_i32_1 = arith.constant 0 : i32
    return %add3A_0, %c0_i32 : i32, i32
  }
  func.func @transform_4(%arg0: i32) -> (i32, i32) {
    %c0_i32 = arith.constant 0 : i32
    %c0_i32_0 = arith.constant 0 : i32
    %c0_i32_1 = arith.constant 0 : i32
    return %c0_i32, %c0_i32_0 : i32, i32
  }
  func.func @transform_5(%arg0: i32) -> (i32, i32) {
    %c0_i32 = arith.constant 0 : i32
    %c0_i32_0 = arith.constant 0 : i32
    %c0_i32_1 = arith.constant 0 : i32
    return %c0_i32, %c0_i32_0 : i32, i32
  }
  func.func @transform_6(%arg0: i32) -> (i32, i32) {
    %c0_i32 = arith.constant 0 : i32
    %c0_i32_0 = arith.constant 0 : i32
    %c0_i32_1 = arith.constant 0 : i32
    return %c0_i32, %c0_i32_0 : i32, i32
  }
  func.func @transform_7(%arg0: i32) -> (i32, i32) {
    %c0_i32 = arith.constant 0 : i32
    %c0_i32_0 = arith.constant 0 : i32
    %c0_i32_1 = arith.constant 0 : i32
    return %c0_i32, %c0_i32_0 : i32, i32
  }
  func.func @transform_8(%arg0: i32) -> (i32, i32) {
    %c0_i32 = arith.constant 0 : i32
    %c0_i32_0 = arith.constant 0 : i32
    return %arg0, %c0_i32 : i32, i32
  }
  func.func @transform_9(%arg0: i32) -> (i32, i32) {
    %c0_i32 = arith.constant 0 : i32
    %c0_i32_0 = arith.constant 0 : i32
    %c0_i32_1 = arith.constant 0 : i32
    return %c0_i32, %c0_i32_0 : i32, i32
  }
}

module attributes {stable_mosaic.version = 14 : i64} {
  func.func @_mesh_mm_body(%arg0: i32, %arg1: memref<1000x128xf32, #tpu.memory_space<vmem>>, %arg2: memref<1000x128xf32, #tpu.memory_space<vmem>>, %arg3: memref<1000x128xf32, #tpu.memory_space<vmem>>, %arg4: memref<1000x128xf32, #tpu.memory_space<vmem>>, %arg5: memref<1x128xf32, #tpu.memory_space<vmem>>, %arg6: memref<1x128xf32, #tpu.memory_space<vmem>>, %arg7: memref<512x256xf32, #tpu.memory_space<vmem>>, %arg8: memref<1x256xf32, #tpu.memory_space<vmem>>, %arg9: memref<1000x128xi32, #tpu.memory_space<vmem>>, %arg10: memref<8x256xf32, #tpu.memory_space<vmem>>) attributes {dimension_semantics = [#tpu.dimension_semantics<arbitrary>], iteration_bounds = array<i64: 20>, scalar_prefetch = 0 : i64, scratch_operands = 0 : i64, tpu.core_type = #tpu.core_type<tc>, window_params = [{transform_indices = @transform_0, window_bounds = array<i64: 1000, 128>}, {transform_indices = @transform_1, window_bounds = array<i64: 1000, 128>}, {transform_indices = @transform_2, window_bounds = array<i64: 1000, 128>}, {transform_indices = @transform_3, window_bounds = array<i64: 1000, 128>}, {pipeline_mode = #tpu.pipeline_mode<synchronous>, transform_indices = @transform_4, window_bounds = array<i64: 1, 128>}, {pipeline_mode = #tpu.pipeline_mode<synchronous>, transform_indices = @transform_5, window_bounds = array<i64: 1, 128>}, {pipeline_mode = #tpu.pipeline_mode<synchronous>, transform_indices = @transform_6, window_bounds = array<i64: 512, 256>}, {pipeline_mode = #tpu.pipeline_mode<synchronous>, transform_indices = @transform_7, window_bounds = array<i64: 1, 256>}, {transform_indices = @transform_8, window_bounds = array<i64: 1000, 128>}, {pipeline_mode = #tpu.pipeline_mode<synchronous>, transform_indices = @transform_9, window_bounds = array<i64: 8, 256>}]} {
    %get3A = arith.constant 0 : index
    %get3A_0 = arith.constant 0 : index
    %get3A_1 = vector.load %arg5[%get3A, %get3A_0] : memref<1x128xf32, #tpu.memory_space<vmem>>, vector<1x128xf32>
    %get3A_2 = arith.constant 0 : index
    %get3A_3 = arith.constant 0 : index
    %get3A_4 = vector.load %arg6[%get3A_2, %get3A_3] : memref<1x128xf32, #tpu.memory_space<vmem>>, vector<1x128xf32>
    %get3A_5 = arith.constant 0 : index
    %get3A_6 = arith.constant 0 : index
    %get3A_7 = vector.load %arg8[%get3A_5, %get3A_6] : memref<1x256xf32, #tpu.memory_space<vmem>>, vector<1x256xf32>
    %broadcast_in_dim3A = arith.constant 1.000000e+00 : f32
    %broadcast_in_dim3A_8 = vector.broadcast %broadcast_in_dim3A : f32 to vector<1000x1xf32>
    %mul3A = vector.broadcast %get3A_7 : vector<1x256xf32> to vector<1000x256xf32>
    %mul3A_9 = vector.broadcast %broadcast_in_dim3A_8 : vector<1000x1xf32> to vector<1000x256xf32>
    %mul3A_10 = arith.mulf %mul3A, %mul3A_9 : vector<1000x256xf32>
    %get3A_11 = arith.constant 0 : index
    %get3A_12 = arith.constant 0 : index
    %get3A_13 = vector.load %arg1[%get3A_11, %get3A_12] : memref<1000x128xf32, #tpu.memory_space<vmem>>, vector<1000x128xf32>
    %mul3A_14 = vector.broadcast %get3A_1 : vector<1x128xf32> to vector<1000x128xf32>
    %mul3A_15 = arith.mulf %get3A_13, %mul3A_14 : vector<1000x128xf32>
    %add3A = vector.broadcast %get3A_4 : vector<1x128xf32> to vector<1000x128xf32>
    %add3A_16 = arith.addf %mul3A_15, %add3A : vector<1000x128xf32>
    %max3A = arith.constant 0.000000e+00 : f32
    %max3A_17 = vector.broadcast %max3A : f32 to vector<1000x128xf32>
    %max3A_18 = arith.maximumf %add3A_16, %max3A_17 : vector<1000x128xf32>
    %get3A_19 = arith.constant 0 : index
    %get3A_20 = arith.constant 0 : index
    %get3A_21 = vector.load %arg7[%get3A_19, %get3A_20] : memref<512x256xf32, #tpu.memory_space<vmem>>, vector<128x256xf32>
    %dot_general3A = arith.constant dense<0.000000e+00> : vector<1000x256xf32>
    %dot_general3A_22 = tpu.matmul %max3A_18, %get3A_21, %dot_general3A {dimension_numbers = #tpu.dot_dimension_numbers<[1], [0], [0], [1], [0, 0, 1, 1], [], []>, transpose_lhs_hint = false} : vector<1000x128xf32>, vector<128x256xf32>, vector<1000x256xf32> -> vector<1000x256xf32>
    %add3A_23 = arith.addf %mul3A_10, %dot_general3A_22 : vector<1000x256xf32>
    %get3A_24 = arith.constant 0 : index
    %get3A_25 = arith.constant 0 : index
    %get3A_26 = vector.load %arg2[%get3A_24, %get3A_25] : memref<1000x128xf32, #tpu.memory_space<vmem>>, vector<1000x128xf32>
    %mul3A_27 = vector.broadcast %get3A_1 : vector<1x128xf32> to vector<1000x128xf32>
    %mul3A_28 = arith.mulf %get3A_26, %mul3A_27 : vector<1000x128xf32>
    %add3A_29 = vector.broadcast %get3A_4 : vector<1x128xf32> to vector<1000x128xf32>
    %add3A_30 = arith.addf %mul3A_28, %add3A_29 : vector<1000x128xf32>
    %max3A_31 = arith.constant 0.000000e+00 : f32
    %max3A_32 = vector.broadcast %max3A_31 : f32 to vector<1000x128xf32>
    %max3A_33 = arith.maximumf %add3A_30, %max3A_32 : vector<1000x128xf32>
    %get3A_34 = arith.constant 128 : index
    %get3A_35 = arith.constant 0 : index
    %get3A_36 = vector.load %arg7[%get3A_34, %get3A_35] : memref<512x256xf32, #tpu.memory_space<vmem>>, vector<128x256xf32>
    %dot_general3A_37 = arith.constant dense<0.000000e+00> : vector<1000x256xf32>
    %dot_general3A_38 = tpu.matmul %max3A_33, %get3A_36, %dot_general3A_37 {dimension_numbers = #tpu.dot_dimension_numbers<[1], [0], [0], [1], [0, 0, 1, 1], [], []>, transpose_lhs_hint = false} : vector<1000x128xf32>, vector<128x256xf32>, vector<1000x256xf32> -> vector<1000x256xf32>
    %add3A_39 = arith.addf %add3A_23, %dot_general3A_38 : vector<1000x256xf32>
    %get3A_40 = arith.constant 0 : index
    %get3A_41 = arith.constant 0 : index
    %get3A_42 = vector.load %arg3[%get3A_40, %get3A_41] : memref<1000x128xf32, #tpu.memory_space<vmem>>, vector<1000x128xf32>
    %mul3A_43 = vector.broadcast %get3A_1 : vector<1x128xf32> to vector<1000x128xf32>
    %mul3A_44 = arith.mulf %get3A_42, %mul3A_43 : vector<1000x128xf32>
    %add3A_45 = vector.broadcast %get3A_4 : vector<1x128xf32> to vector<1000x128xf32>
    %add3A_46 = arith.addf %mul3A_44, %add3A_45 : vector<1000x128xf32>
    %max3A_47 = arith.constant 0.000000e+00 : f32
    %max3A_48 = vector.broadcast %max3A_47 : f32 to vector<1000x128xf32>
    %max3A_49 = arith.maximumf %add3A_46, %max3A_48 : vector<1000x128xf32>
    %get3A_50 = arith.constant 256 : index
    %get3A_51 = arith.constant 0 : index
    %get3A_52 = vector.load %arg7[%get3A_50, %get3A_51] : memref<512x256xf32, #tpu.memory_space<vmem>>, vector<128x256xf32>
    %dot_general3A_53 = arith.constant dense<0.000000e+00> : vector<1000x256xf32>
    %dot_general3A_54 = tpu.matmul %max3A_49, %get3A_52, %dot_general3A_53 {dimension_numbers = #tpu.dot_dimension_numbers<[1], [0], [0], [1], [0, 0, 1, 1], [], []>, transpose_lhs_hint = false} : vector<1000x128xf32>, vector<128x256xf32>, vector<1000x256xf32> -> vector<1000x256xf32>
    %add3A_55 = arith.addf %add3A_39, %dot_general3A_54 : vector<1000x256xf32>
    %get3A_56 = arith.constant 0 : index
    %get3A_57 = arith.constant 0 : index
    %get3A_58 = vector.load %arg4[%get3A_56, %get3A_57] : memref<1000x128xf32, #tpu.memory_space<vmem>>, vector<1000x128xf32>
    %mul3A_59 = vector.broadcast %get3A_1 : vector<1x128xf32> to vector<1000x128xf32>
    %mul3A_60 = arith.mulf %get3A_58, %mul3A_59 : vector<1000x128xf32>
    %add3A_61 = vector.broadcast %get3A_4 : vector<1x128xf32> to vector<1000x128xf32>
    %add3A_62 = arith.addf %mul3A_60, %add3A_61 : vector<1000x128xf32>
    %max3A_63 = arith.constant 0.000000e+00 : f32
    %max3A_64 = vector.broadcast %max3A_63 : f32 to vector<1000x128xf32>
    %max3A_65 = arith.maximumf %add3A_62, %max3A_64 : vector<1000x128xf32>
    %get3A_66 = arith.constant 384 : index
    %get3A_67 = arith.constant 0 : index
    %get3A_68 = vector.load %arg7[%get3A_66, %get3A_67] : memref<512x256xf32, #tpu.memory_space<vmem>>, vector<128x256xf32>
    %dot_general3A_69 = arith.constant dense<0.000000e+00> : vector<1000x256xf32>
    %dot_general3A_70 = tpu.matmul %max3A_65, %get3A_68, %dot_general3A_69 {dimension_numbers = #tpu.dot_dimension_numbers<[1], [0], [0], [1], [0, 0, 1, 1], [], []>, transpose_lhs_hint = false} : vector<1000x128xf32>, vector<128x256xf32>, vector<1000x256xf32> -> vector<1000x256xf32>
    %add3A_71 = arith.addf %add3A_55, %dot_general3A_70 : vector<1000x256xf32>
    %bitcast_convert_type3A = tpu.bitcast %add3A_71 : vector<1000x256xf32> -> vector<1000x256xi32>
    %add3A_72 = arith.constant 32767 : i32
    %add3A_73 = vector.broadcast %add3A_72 : i32 to vector<1000x256xi32>
    %add3A_74 = arith.addi %bitcast_convert_type3A, %add3A_73 : vector<1000x256xi32>
    %shift_right_logical3A = arith.constant 16 : i32
    %shift_right_logical3A_75 = vector.broadcast %shift_right_logical3A : i32 to vector<1000x256xi32>
    %shift_right_logical3A_76 = arith.shrui %bitcast_convert_type3A, %shift_right_logical3A_75 : vector<1000x256xi32>
    %and3A = arith.constant 1 : i32
    %and3A_77 = vector.broadcast %and3A : i32 to vector<1000x256xi32>
    %and3A_78 = arith.andi %shift_right_logical3A_76, %and3A_77 : vector<1000x256xi32>
    %add3A_79 = arith.addi %add3A_74, %and3A_78 : vector<1000x256xi32>
    %slice3A = vector.extract_strided_slice %add3A_79 {offsets = [0, 0], sizes = [1000, 128], strides = [1, 1]} : vector<1000x256xi32> to vector<1000x128xi32>
    %shift_right_logical3A_80 = arith.constant 16 : i32
    %shift_right_logical3A_81 = vector.broadcast %shift_right_logical3A_80 : i32 to vector<1000x128xi32>
    %shift_right_logical3A_82 = arith.shrui %slice3A, %shift_right_logical3A_81 : vector<1000x128xi32>
    %slice3A_83 = vector.extract_strided_slice %add3A_79 {offsets = [0, 128], sizes = [1000, 128], strides = [1, 1]} : vector<1000x256xi32> to vector<1000x128xi32>
    %and3A_84 = arith.constant -65536 : i32
    %and3A_85 = vector.broadcast %and3A_84 : i32 to vector<1000x128xi32>
    %and3A_86 = arith.andi %slice3A_83, %and3A_85 : vector<1000x128xi32>
    %or3A = arith.ori %shift_right_logical3A_82, %and3A_86 : vector<1000x128xi32>
    %swap3A = arith.constant 0 : index
    %swap3A_87 = arith.constant 0 : index
    %swap3A_88 = vector.load %arg9[%swap3A, %swap3A_87] : memref<1000x128xi32, #tpu.memory_space<vmem>>, vector<1000x128xi32>
    tpu.vector_store %arg9[%swap3A, %swap3A_87], %or3A {strides = array<i32>} : memref<1000x128xi32, #tpu.memory_space<vmem>>, vector<1000x128xi32>,
    %eq3A = arith.constant 0 : i32
    %eq3A_89 = arith.cmpi eq, %arg0, %eq3A : i32
    %convert_element_type3A = arith.extui %eq3A_89 : i1 to i32
    %cond3A = arith.constant 0 : i32
    %cond3A_90 = arith.cmpi ne, %convert_element_type3A, %cond3A : i32
    scf.if %cond3A_90 {
      %broadcast_in_dim3A_111 = arith.constant 0.000000e+00 : f32
      %broadcast_in_dim3A_112 = vector.broadcast %broadcast_in_dim3A_111 : f32 to vector<8x256xf32>
      %swap3A_113 = arith.constant 0 : index
      %swap3A_114 = arith.constant 0 : index
      %swap3A_115 = vector.load %arg10[%swap3A_113, %swap3A_114] : memref<8x256xf32, #tpu.memory_space<vmem>>, vector<8x256xf32>
      tpu.vector_store %arg10[%swap3A_113, %swap3A_114], %broadcast_in_dim3A_112 {strides = array<i32>} : memref<8x256xf32, #tpu.memory_space<vmem>>, vector<8x256xf32>,
    } else {
    }
    %get3A_91 = arith.constant 0 : index
    %get3A_92 = arith.constant 0 : index
    %get3A_93 = vector.load %arg10[%get3A_91, %get3A_92] : memref<8x256xf32, #tpu.memory_space<vmem>>, vector<1x256xf32>
    %reduce_sum3A = arith.constant dense<0.000000e+00> : vector<256xf32>
    %reduce_sum3A_94 = vector.multi_reduction <add>, %add3A_71, %reduce_sum3A [0] : vector<1000x256xf32> to vector<256xf32>
    %broadcast_in_dim3A_95 = vector.shape_cast %reduce_sum3A_94 : vector<256xf32> to vector<1x256xf32>
    %add3A_96 = arith.addf %get3A_93, %broadcast_in_dim3A_95 : vector<1x256xf32>
    %swap3A_97 = arith.constant 0 : index
    %swap3A_98 = arith.constant 0 : index
    %swap3A_99 = vector.load %arg10[%swap3A_97, %swap3A_98] : memref<8x256xf32, #tpu.memory_space<vmem>>, vector<1x256xf32>
    tpu.vector_store %arg10[%swap3A_97, %swap3A_98], %add3A_96 {strides = array<i32>} : memref<8x256xf32, #tpu.memory_space<vmem>>, vector<1x256xf32>,
    %get3A_100 = arith.constant 1 : index
    %get3A_101 = arith.constant 0 : index
    %get3A_102 = vector.load %arg10[%get3A_100, %get3A_101] : memref<8x256xf32, #tpu.memory_space<vmem>>, vector<1x256xf32>
    %mul3A_103 = arith.mulf %add3A_71, %add3A_71 : vector<1000x256xf32>
    %reduce_sum3A_104 = arith.constant dense<0.000000e+00> : vector<256xf32>
    %reduce_sum3A_105 = vector.multi_reduction <add>, %mul3A_103, %reduce_sum3A_104 [0] : vector<1000x256xf32> to vector<256xf32>
    %broadcast_in_dim3A_106 = vector.shape_cast %reduce_sum3A_105 : vector<256xf32> to vector<1x256xf32>
    %add3A_107 = arith.addf %get3A_102, %broadcast_in_dim3A_106 : vector<1x256xf32>
    %swap3A_108 = arith.constant 1 : index
    %swap3A_109 = arith.constant 0 : index
    %swap3A_110 = vector.load %arg10[%swap3A_108, %swap3A_109] : memref<8x256xf32, #tpu.memory_space<vmem>>, vector<1x256xf32>
    tpu.vector_store %arg10[%swap3A_108, %swap3A_109], %add3A_107 {strides = array<i32>} : memref<8x256xf32, #tpu.memory_space<vmem>>, vector<1x256xf32>,
    return
  }
  func.func @transform_0(%arg0: i32) -> (i32, i32) {
    %c0_i32 = arith.constant 0 : i32
    %c0_i32_0 = arith.constant 0 : i32
    return %arg0, %c0_i32 : i32, i32
  }
  func.func @transform_1(%arg0: i32) -> (i32, i32) {
    %add3A = arith.constant 0 : i32
    %add3A_0 = arith.addi %add3A, %arg0 : i32
    %c0_i32 = arith.constant 0 : i32
    %c0_i32_1 = arith.constant 0 : i32
    return %add3A_0, %c0_i32 : i32, i32
  }
  func.func @transform_2(%arg0: i32) -> (i32, i32) {
    %add3A = arith.constant 20 : i32
    %add3A_0 = arith.addi %add3A, %arg0 : i32
    %c0_i32 = arith.constant 0 : i32
    %c0_i32_1 = arith.constant 0 : i32
    return %add3A_0, %c0_i32 : i32, i32
  }
  func.func @transform_3(%arg0: i32) -> (i32, i32) {
    %add3A = arith.constant 40 : i32
    %add3A_0 = arith.addi %add3A, %arg0 : i32
    %c0_i32 = arith.constant 0 : i32
    %c0_i32_1 = arith.constant 0 : i32
    return %add3A_0, %c0_i32 : i32, i32
  }
  func.func @transform_4(%arg0: i32) -> (i32, i32) {
    %c0_i32 = arith.constant 0 : i32
    %c0_i32_0 = arith.constant 0 : i32
    %c0_i32_1 = arith.constant 0 : i32
    return %c0_i32, %c0_i32_0 : i32, i32
  }
  func.func @transform_5(%arg0: i32) -> (i32, i32) {
    %c0_i32 = arith.constant 0 : i32
    %c0_i32_0 = arith.constant 0 : i32
    %c0_i32_1 = arith.constant 0 : i32
    return %c0_i32, %c0_i32_0 : i32, i32
  }
  func.func @transform_6(%arg0: i32) -> (i32, i32) {
    %c0_i32 = arith.constant 0 : i32
    %c0_i32_0 = arith.constant 0 : i32
    %c0_i32_1 = arith.constant 0 : i32
    return %c0_i32, %c0_i32_0 : i32, i32
  }
  func.func @transform_7(%arg0: i32) -> (i32, i32) {
    %c0_i32 = arith.constant 0 : i32
    %c0_i32_0 = arith.constant 0 : i32
    %c0_i32_1 = arith.constant 0 : i32
    return %c0_i32, %c0_i32_0 : i32, i32
  }
  func.func @transform_8(%arg0: i32) -> (i32, i32) {
    %c0_i32 = arith.constant 0 : i32
    %c0_i32_0 = arith.constant 0 : i32
    return %arg0, %c0_i32 : i32, i32
  }
  func.func @transform_9(%arg0: i32) -> (i32, i32) {
    %c0_i32 = arith.constant 0 : i32
    %c0_i32_0 = arith.constant 0 : i32
    %c0_i32_1 = arith.constant 0 : i32
    return %c0_i32, %c0_i32_0 : i32, i32
  }
}

module attributes {stable_mosaic.version = 14 : i64} {
  func.func @_mesh_mm_body(%arg0: i32, %arg1: memref<1000x128xi32, #tpu.memory_space<vmem>>, %arg2: memref<1000x128xi32, #tpu.memory_space<vmem>>, %arg3: memref<1000x128xi32, #tpu.memory_space<vmem>>, %arg4: memref<1000x128xi32, #tpu.memory_space<vmem>>, %arg5: memref<1x256xf32, #tpu.memory_space<vmem>>, %arg6: memref<1x256xf32, #tpu.memory_space<vmem>>, %arg7: memref<1024x256xf32, #tpu.memory_space<vmem>>, %arg8: memref<1x256xf32, #tpu.memory_space<vmem>>, %arg9: memref<1000x128xi32, #tpu.memory_space<vmem>>, %arg10: memref<8x256xf32, #tpu.memory_space<vmem>>) attributes {dimension_semantics = [#tpu.dimension_semantics<arbitrary>], iteration_bounds = array<i64: 20>, scalar_prefetch = 0 : i64, scratch_operands = 0 : i64, tpu.core_type = #tpu.core_type<tc>, window_params = [{transform_indices = @transform_0, window_bounds = array<i64: 1000, 128>}, {transform_indices = @transform_1, window_bounds = array<i64: 1000, 128>}, {transform_indices = @transform_2, window_bounds = array<i64: 1000, 128>}, {transform_indices = @transform_3, window_bounds = array<i64: 1000, 128>}, {pipeline_mode = #tpu.pipeline_mode<synchronous>, transform_indices = @transform_4, window_bounds = array<i64: 1, 256>}, {pipeline_mode = #tpu.pipeline_mode<synchronous>, transform_indices = @transform_5, window_bounds = array<i64: 1, 256>}, {pipeline_mode = #tpu.pipeline_mode<synchronous>, transform_indices = @transform_6, window_bounds = array<i64: 1024, 256>}, {pipeline_mode = #tpu.pipeline_mode<synchronous>, transform_indices = @transform_7, window_bounds = array<i64: 1, 256>}, {transform_indices = @transform_8, window_bounds = array<i64: 1000, 128>}, {pipeline_mode = #tpu.pipeline_mode<synchronous>, transform_indices = @transform_9, window_bounds = array<i64: 8, 256>}]} {
    %get3A = arith.constant 0 : index
    %get3A_0 = arith.constant 0 : index
    %get3A_1 = vector.load %arg5[%get3A, %get3A_0] : memref<1x256xf32, #tpu.memory_space<vmem>>, vector<1x256xf32>
    %get3A_2 = arith.constant 0 : index
    %get3A_3 = arith.constant 0 : index
    %get3A_4 = vector.load %arg6[%get3A_2, %get3A_3] : memref<1x256xf32, #tpu.memory_space<vmem>>, vector<1x256xf32>
    %get3A_5 = arith.constant 0 : index
    %get3A_6 = arith.constant 0 : index
    %get3A_7 = vector.load %arg8[%get3A_5, %get3A_6] : memref<1x256xf32, #tpu.memory_space<vmem>>, vector<1x256xf32>
    %broadcast_in_dim3A = arith.constant 1.000000e+00 : f32
    %broadcast_in_dim3A_8 = vector.broadcast %broadcast_in_dim3A : f32 to vector<1000x1xf32>
    %mul3A = vector.broadcast %get3A_7 : vector<1x256xf32> to vector<1000x256xf32>
    %mul3A_9 = vector.broadcast %broadcast_in_dim3A_8 : vector<1000x1xf32> to vector<1000x256xf32>
    %mul3A_10 = arith.mulf %mul3A, %mul3A_9 : vector<1000x256xf32>
    %get3A_11 = arith.constant 0 : index
    %get3A_12 = arith.constant 0 : index
    %get3A_13 = vector.load %arg1[%get3A_11, %get3A_12] : memref<1000x128xi32, #tpu.memory_space<vmem>>, vector<1000x128xi32>
    %shift_left3A = arith.constant 16 : i32
    %shift_left3A_14 = vector.broadcast %shift_left3A : i32 to vector<1000x128xi32>
    %shift_left3A_15 = arith.shli %get3A_13, %shift_left3A_14 : vector<1000x128xi32>
    %bitcast_convert_type3A = tpu.bitcast %shift_left3A_15 : vector<1000x128xi32> -> vector<1000x128xf32>
    %and3A = arith.constant -65536 : i32
    %and3A_16 = vector.broadcast %and3A : i32 to vector<1000x128xi32>
    %and3A_17 = arith.andi %get3A_13, %and3A_16 : vector<1000x128xi32>
    %bitcast_convert_type3A_18 = tpu.bitcast %and3A_17 : vector<1000x128xi32> -> vector<1000x128xf32>
    %slice3A = vector.extract_strided_slice %get3A_1 {offsets = [0, 0], sizes = [1, 128], strides = [1, 1]} : vector<1x256xf32> to vector<1x128xf32>
    %mul3A_19 = vector.broadcast %slice3A : vector<1x128xf32> to vector<1000x128xf32>
    %mul3A_20 = arith.mulf %bitcast_convert_type3A, %mul3A_19 : vector<1000x128xf32>
    %slice3A_21 = vector.extract_strided_slice %get3A_4 {offsets = [0, 0], sizes = [1, 128], strides = [1, 1]} : vector<1x256xf32> to vector<1x128xf32>
    %add3A = vector.broadcast %slice3A_21 : vector<1x128xf32> to vector<1000x128xf32>
    %add3A_22 = arith.addf %mul3A_20, %add3A : vector<1000x128xf32>
    %max3A = arith.constant 0.000000e+00 : f32
    %max3A_23 = vector.broadcast %max3A : f32 to vector<1000x128xf32>
    %max3A_24 = arith.maximumf %add3A_22, %max3A_23 : vector<1000x128xf32>
    %slice3A_25 = vector.extract_strided_slice %get3A_1 {offsets = [0, 128], sizes = [1, 128], strides = [1, 1]} : vector<1x256xf32> to vector<1x128xf32>
    %mul3A_26 = vector.broadcast %slice3A_25 : vector<1x128xf32> to vector<1000x128xf32>
    %mul3A_27 = arith.mulf %bitcast_convert_type3A_18, %mul3A_26 : vector<1000x128xf32>
    %slice3A_28 = vector.extract_strided_slice %get3A_4 {offsets = [0, 128], sizes = [1, 128], strides = [1, 1]} : vector<1x256xf32> to vector<1x128xf32>
    %add3A_29 = vector.broadcast %slice3A_28 : vector<1x128xf32> to vector<1000x128xf32>
    %add3A_30 = arith.addf %mul3A_27, %add3A_29 : vector<1000x128xf32>
    %max3A_31 = arith.constant 0.000000e+00 : f32
    %max3A_32 = vector.broadcast %max3A_31 : f32 to vector<1000x128xf32>
    %max3A_33 = arith.maximumf %add3A_30, %max3A_32 : vector<1000x128xf32>
    %get3A_34 = arith.constant 0 : index
    %get3A_35 = arith.constant 0 : index
    %get3A_36 = vector.load %arg7[%get3A_34, %get3A_35] : memref<1024x256xf32, #tpu.memory_space<vmem>>, vector<128x256xf32>
    %dot_general3A = arith.constant dense<0.000000e+00> : vector<1000x256xf32>
    %dot_general3A_37 = tpu.matmul %max3A_24, %get3A_36, %dot_general3A {dimension_numbers = #tpu.dot_dimension_numbers<[1], [0], [0], [1], [0, 0, 1, 1], [], []>, transpose_lhs_hint = false} : vector<1000x128xf32>, vector<128x256xf32>, vector<1000x256xf32> -> vector<1000x256xf32>
    %add3A_38 = arith.addf %mul3A_10, %dot_general3A_37 : vector<1000x256xf32>
    %get3A_39 = arith.constant 128 : index
    %get3A_40 = arith.constant 0 : index
    %get3A_41 = vector.load %arg7[%get3A_39, %get3A_40] : memref<1024x256xf32, #tpu.memory_space<vmem>>, vector<128x256xf32>
    %dot_general3A_42 = arith.constant dense<0.000000e+00> : vector<1000x256xf32>
    %dot_general3A_43 = tpu.matmul %max3A_33, %get3A_41, %dot_general3A_42 {dimension_numbers = #tpu.dot_dimension_numbers<[1], [0], [0], [1], [0, 0, 1, 1], [], []>, transpose_lhs_hint = false} : vector<1000x128xf32>, vector<128x256xf32>, vector<1000x256xf32> -> vector<1000x256xf32>
    %add3A_44 = arith.addf %add3A_38, %dot_general3A_43 : vector<1000x256xf32>
    %get3A_45 = arith.constant 0 : index
    %get3A_46 = arith.constant 0 : index
    %get3A_47 = vector.load %arg2[%get3A_45, %get3A_46] : memref<1000x128xi32, #tpu.memory_space<vmem>>, vector<1000x128xi32>
    %shift_left3A_48 = arith.constant 16 : i32
    %shift_left3A_49 = vector.broadcast %shift_left3A_48 : i32 to vector<1000x128xi32>
    %shift_left3A_50 = arith.shli %get3A_47, %shift_left3A_49 : vector<1000x128xi32>
    %bitcast_convert_type3A_51 = tpu.bitcast %shift_left3A_50 : vector<1000x128xi32> -> vector<1000x128xf32>
    %and3A_52 = arith.constant -65536 : i32
    %and3A_53 = vector.broadcast %and3A_52 : i32 to vector<1000x128xi32>
    %and3A_54 = arith.andi %get3A_47, %and3A_53 : vector<1000x128xi32>
    %bitcast_convert_type3A_55 = tpu.bitcast %and3A_54 : vector<1000x128xi32> -> vector<1000x128xf32>
    %slice3A_56 = vector.extract_strided_slice %get3A_1 {offsets = [0, 0], sizes = [1, 128], strides = [1, 1]} : vector<1x256xf32> to vector<1x128xf32>
    %mul3A_57 = vector.broadcast %slice3A_56 : vector<1x128xf32> to vector<1000x128xf32>
    %mul3A_58 = arith.mulf %bitcast_convert_type3A_51, %mul3A_57 : vector<1000x128xf32>
    %slice3A_59 = vector.extract_strided_slice %get3A_4 {offsets = [0, 0], sizes = [1, 128], strides = [1, 1]} : vector<1x256xf32> to vector<1x128xf32>
    %add3A_60 = vector.broadcast %slice3A_59 : vector<1x128xf32> to vector<1000x128xf32>
    %add3A_61 = arith.addf %mul3A_58, %add3A_60 : vector<1000x128xf32>
    %max3A_62 = arith.constant 0.000000e+00 : f32
    %max3A_63 = vector.broadcast %max3A_62 : f32 to vector<1000x128xf32>
    %max3A_64 = arith.maximumf %add3A_61, %max3A_63 : vector<1000x128xf32>
    %slice3A_65 = vector.extract_strided_slice %get3A_1 {offsets = [0, 128], sizes = [1, 128], strides = [1, 1]} : vector<1x256xf32> to vector<1x128xf32>
    %mul3A_66 = vector.broadcast %slice3A_65 : vector<1x128xf32> to vector<1000x128xf32>
    %mul3A_67 = arith.mulf %bitcast_convert_type3A_55, %mul3A_66 : vector<1000x128xf32>
    %slice3A_68 = vector.extract_strided_slice %get3A_4 {offsets = [0, 128], sizes = [1, 128], strides = [1, 1]} : vector<1x256xf32> to vector<1x128xf32>
    %add3A_69 = vector.broadcast %slice3A_68 : vector<1x128xf32> to vector<1000x128xf32>
    %add3A_70 = arith.addf %mul3A_67, %add3A_69 : vector<1000x128xf32>
    %max3A_71 = arith.constant 0.000000e+00 : f32
    %max3A_72 = vector.broadcast %max3A_71 : f32 to vector<1000x128xf32>
    %max3A_73 = arith.maximumf %add3A_70, %max3A_72 : vector<1000x128xf32>
    %get3A_74 = arith.constant 256 : index
    %get3A_75 = arith.constant 0 : index
    %get3A_76 = vector.load %arg7[%get3A_74, %get3A_75] : memref<1024x256xf32, #tpu.memory_space<vmem>>, vector<128x256xf32>
    %dot_general3A_77 = arith.constant dense<0.000000e+00> : vector<1000x256xf32>
    %dot_general3A_78 = tpu.matmul %max3A_64, %get3A_76, %dot_general3A_77 {dimension_numbers = #tpu.dot_dimension_numbers<[1], [0], [0], [1], [0, 0, 1, 1], [], []>, transpose_lhs_hint = false} : vector<1000x128xf32>, vector<128x256xf32>, vector<1000x256xf32> -> vector<1000x256xf32>
    %add3A_79 = arith.addf %add3A_44, %dot_general3A_78 : vector<1000x256xf32>
    %get3A_80 = arith.constant 384 : index
    %get3A_81 = arith.constant 0 : index
    %get3A_82 = vector.load %arg7[%get3A_80, %get3A_81] : memref<1024x256xf32, #tpu.memory_space<vmem>>, vector<128x256xf32>
    %dot_general3A_83 = arith.constant dense<0.000000e+00> : vector<1000x256xf32>
    %dot_general3A_84 = tpu.matmul %max3A_73, %get3A_82, %dot_general3A_83 {dimension_numbers = #tpu.dot_dimension_numbers<[1], [0], [0], [1], [0, 0, 1, 1], [], []>, transpose_lhs_hint = false} : vector<1000x128xf32>, vector<128x256xf32>, vector<1000x256xf32> -> vector<1000x256xf32>
    %add3A_85 = arith.addf %add3A_79, %dot_general3A_84 : vector<1000x256xf32>
    %get3A_86 = arith.constant 0 : index
    %get3A_87 = arith.constant 0 : index
    %get3A_88 = vector.load %arg3[%get3A_86, %get3A_87] : memref<1000x128xi32, #tpu.memory_space<vmem>>, vector<1000x128xi32>
    %shift_left3A_89 = arith.constant 16 : i32
    %shift_left3A_90 = vector.broadcast %shift_left3A_89 : i32 to vector<1000x128xi32>
    %shift_left3A_91 = arith.shli %get3A_88, %shift_left3A_90 : vector<1000x128xi32>
    %bitcast_convert_type3A_92 = tpu.bitcast %shift_left3A_91 : vector<1000x128xi32> -> vector<1000x128xf32>
    %and3A_93 = arith.constant -65536 : i32
    %and3A_94 = vector.broadcast %and3A_93 : i32 to vector<1000x128xi32>
    %and3A_95 = arith.andi %get3A_88, %and3A_94 : vector<1000x128xi32>
    %bitcast_convert_type3A_96 = tpu.bitcast %and3A_95 : vector<1000x128xi32> -> vector<1000x128xf32>
    %slice3A_97 = vector.extract_strided_slice %get3A_1 {offsets = [0, 0], sizes = [1, 128], strides = [1, 1]} : vector<1x256xf32> to vector<1x128xf32>
    %mul3A_98 = vector.broadcast %slice3A_97 : vector<1x128xf32> to vector<1000x128xf32>
    %mul3A_99 = arith.mulf %bitcast_convert_type3A_92, %mul3A_98 : vector<1000x128xf32>
    %slice3A_100 = vector.extract_strided_slice %get3A_4 {offsets = [0, 0], sizes = [1, 128], strides = [1, 1]} : vector<1x256xf32> to vector<1x128xf32>
    %add3A_101 = vector.broadcast %slice3A_100 : vector<1x128xf32> to vector<1000x128xf32>
    %add3A_102 = arith.addf %mul3A_99, %add3A_101 : vector<1000x128xf32>
    %max3A_103 = arith.constant 0.000000e+00 : f32
    %max3A_104 = vector.broadcast %max3A_103 : f32 to vector<1000x128xf32>
    %max3A_105 = arith.maximumf %add3A_102, %max3A_104 : vector<1000x128xf32>
    %slice3A_106 = vector.extract_strided_slice %get3A_1 {offsets = [0, 128], sizes = [1, 128], strides = [1, 1]} : vector<1x256xf32> to vector<1x128xf32>
    %mul3A_107 = vector.broadcast %slice3A_106 : vector<1x128xf32> to vector<1000x128xf32>
    %mul3A_108 = arith.mulf %bitcast_convert_type3A_96, %mul3A_107 : vector<1000x128xf32>
    %slice3A_109 = vector.extract_strided_slice %get3A_4 {offsets = [0, 128], sizes = [1, 128], strides = [1, 1]} : vector<1x256xf32> to vector<1x128xf32>
    %add3A_110 = vector.broadcast %slice3A_109 : vector<1x128xf32> to vector<1000x128xf32>
    %add3A_111 = arith.addf %mul3A_108, %add3A_110 : vector<1000x128xf32>
    %max3A_112 = arith.constant 0.000000e+00 : f32
    %max3A_113 = vector.broadcast %max3A_112 : f32 to vector<1000x128xf32>
    %max3A_114 = arith.maximumf %add3A_111, %max3A_113 : vector<1000x128xf32>
    %get3A_115 = arith.constant 512 : index
    %get3A_116 = arith.constant 0 : index
    %get3A_117 = vector.load %arg7[%get3A_115, %get3A_116] : memref<1024x256xf32, #tpu.memory_space<vmem>>, vector<128x256xf32>
    %dot_general3A_118 = arith.constant dense<0.000000e+00> : vector<1000x256xf32>
    %dot_general3A_119 = tpu.matmul %max3A_105, %get3A_117, %dot_general3A_118 {dimension_numbers = #tpu.dot_dimension_numbers<[1], [0], [0], [1], [0, 0, 1, 1], [], []>, transpose_lhs_hint = false} : vector<1000x128xf32>, vector<128x256xf32>, vector<1000x256xf32> -> vector<1000x256xf32>
    %add3A_120 = arith.addf %add3A_85, %dot_general3A_119 : vector<1000x256xf32>
    %get3A_121 = arith.constant 640 : index
    %get3A_122 = arith.constant 0 : index
    %get3A_123 = vector.load %arg7[%get3A_121, %get3A_122] : memref<1024x256xf32, #tpu.memory_space<vmem>>, vector<128x256xf32>
    %dot_general3A_124 = arith.constant dense<0.000000e+00> : vector<1000x256xf32>
    %dot_general3A_125 = tpu.matmul %max3A_114, %get3A_123, %dot_general3A_124 {dimension_numbers = #tpu.dot_dimension_numbers<[1], [0], [0], [1], [0, 0, 1, 1], [], []>, transpose_lhs_hint = false} : vector<1000x128xf32>, vector<128x256xf32>, vector<1000x256xf32> -> vector<1000x256xf32>
    %add3A_126 = arith.addf %add3A_120, %dot_general3A_125 : vector<1000x256xf32>
    %get3A_127 = arith.constant 0 : index
    %get3A_128 = arith.constant 0 : index
    %get3A_129 = vector.load %arg4[%get3A_127, %get3A_128] : memref<1000x128xi32, #tpu.memory_space<vmem>>, vector<1000x128xi32>
    %shift_left3A_130 = arith.constant 16 : i32
    %shift_left3A_131 = vector.broadcast %shift_left3A_130 : i32 to vector<1000x128xi32>
    %shift_left3A_132 = arith.shli %get3A_129, %shift_left3A_131 : vector<1000x128xi32>
    %bitcast_convert_type3A_133 = tpu.bitcast %shift_left3A_132 : vector<1000x128xi32> -> vector<1000x128xf32>
    %and3A_134 = arith.constant -65536 : i32
    %and3A_135 = vector.broadcast %and3A_134 : i32 to vector<1000x128xi32>
    %and3A_136 = arith.andi %get3A_129, %and3A_135 : vector<1000x128xi32>
    %bitcast_convert_type3A_137 = tpu.bitcast %and3A_136 : vector<1000x128xi32> -> vector<1000x128xf32>
    %slice3A_138 = vector.extract_strided_slice %get3A_1 {offsets = [0, 0], sizes = [1, 128], strides = [1, 1]} : vector<1x256xf32> to vector<1x128xf32>
    %mul3A_139 = vector.broadcast %slice3A_138 : vector<1x128xf32> to vector<1000x128xf32>
    %mul3A_140 = arith.mulf %bitcast_convert_type3A_133, %mul3A_139 : vector<1000x128xf32>
    %slice3A_141 = vector.extract_strided_slice %get3A_4 {offsets = [0, 0], sizes = [1, 128], strides = [1, 1]} : vector<1x256xf32> to vector<1x128xf32>
    %add3A_142 = vector.broadcast %slice3A_141 : vector<1x128xf32> to vector<1000x128xf32>
    %add3A_143 = arith.addf %mul3A_140, %add3A_142 : vector<1000x128xf32>
    %max3A_144 = arith.constant 0.000000e+00 : f32
    %max3A_145 = vector.broadcast %max3A_144 : f32 to vector<1000x128xf32>
    %max3A_146 = arith.maximumf %add3A_143, %max3A_145 : vector<1000x128xf32>
    %slice3A_147 = vector.extract_strided_slice %get3A_1 {offsets = [0, 128], sizes = [1, 128], strides = [1, 1]} : vector<1x256xf32> to vector<1x128xf32>
    %mul3A_148 = vector.broadcast %slice3A_147 : vector<1x128xf32> to vector<1000x128xf32>
    %mul3A_149 = arith.mulf %bitcast_convert_type3A_137, %mul3A_148 : vector<1000x128xf32>
    %slice3A_150 = vector.extract_strided_slice %get3A_4 {offsets = [0, 128], sizes = [1, 128], strides = [1, 1]} : vector<1x256xf32> to vector<1x128xf32>
    %add3A_151 = vector.broadcast %slice3A_150 : vector<1x128xf32> to vector<1000x128xf32>
    %add3A_152 = arith.addf %mul3A_149, %add3A_151 : vector<1000x128xf32>
    %max3A_153 = arith.constant 0.000000e+00 : f32
    %max3A_154 = vector.broadcast %max3A_153 : f32 to vector<1000x128xf32>
    %max3A_155 = arith.maximumf %add3A_152, %max3A_154 : vector<1000x128xf32>
    %get3A_156 = arith.constant 768 : index
    %get3A_157 = arith.constant 0 : index
    %get3A_158 = vector.load %arg7[%get3A_156, %get3A_157] : memref<1024x256xf32, #tpu.memory_space<vmem>>, vector<128x256xf32>
    %dot_general3A_159 = arith.constant dense<0.000000e+00> : vector<1000x256xf32>
    %dot_general3A_160 = tpu.matmul %max3A_146, %get3A_158, %dot_general3A_159 {dimension_numbers = #tpu.dot_dimension_numbers<[1], [0], [0], [1], [0, 0, 1, 1], [], []>, transpose_lhs_hint = false} : vector<1000x128xf32>, vector<128x256xf32>, vector<1000x256xf32> -> vector<1000x256xf32>
    %add3A_161 = arith.addf %add3A_126, %dot_general3A_160 : vector<1000x256xf32>
    %get3A_162 = arith.constant 896 : index
    %get3A_163 = arith.constant 0 : index
    %get3A_164 = vector.load %arg7[%get3A_162, %get3A_163] : memref<1024x256xf32, #tpu.memory_space<vmem>>, vector<128x256xf32>
    %dot_general3A_165 = arith.constant dense<0.000000e+00> : vector<1000x256xf32>
    %dot_general3A_166 = tpu.matmul %max3A_155, %get3A_164, %dot_general3A_165 {dimension_numbers = #tpu.dot_dimension_numbers<[1], [0], [0], [1], [0, 0, 1, 1], [], []>, transpose_lhs_hint = false} : vector<1000x128xf32>, vector<128x256xf32>, vector<1000x256xf32> -> vector<1000x256xf32>
    %add3A_167 = arith.addf %add3A_161, %dot_general3A_166 : vector<1000x256xf32>
    %bitcast_convert_type3A_168 = tpu.bitcast %add3A_167 : vector<1000x256xf32> -> vector<1000x256xi32>
    %add3A_169 = arith.constant 32767 : i32
    %add3A_170 = vector.broadcast %add3A_169 : i32 to vector<1000x256xi32>
    %add3A_171 = arith.addi %bitcast_convert_type3A_168, %add3A_170 : vector<1000x256xi32>
    %shift_right_logical3A = arith.constant 16 : i32
    %shift_right_logical3A_172 = vector.broadcast %shift_right_logical3A : i32 to vector<1000x256xi32>
    %shift_right_logical3A_173 = arith.shrui %bitcast_convert_type3A_168, %shift_right_logical3A_172 : vector<1000x256xi32>
    %and3A_174 = arith.constant 1 : i32
    %and3A_175 = vector.broadcast %and3A_174 : i32 to vector<1000x256xi32>
    %and3A_176 = arith.andi %shift_right_logical3A_173, %and3A_175 : vector<1000x256xi32>
    %add3A_177 = arith.addi %add3A_171, %and3A_176 : vector<1000x256xi32>
    %slice3A_178 = vector.extract_strided_slice %add3A_177 {offsets = [0, 0], sizes = [1000, 128], strides = [1, 1]} : vector<1000x256xi32> to vector<1000x128xi32>
    %shift_right_logical3A_179 = arith.constant 16 : i32
    %shift_right_logical3A_180 = vector.broadcast %shift_right_logical3A_179 : i32 to vector<1000x128xi32>
    %shift_right_logical3A_181 = arith.shrui %slice3A_178, %shift_right_logical3A_180 : vector<1000x128xi32>
    %slice3A_182 = vector.extract_strided_slice %add3A_177 {offsets = [0, 128], sizes = [1000, 128], strides = [1, 1]} : vector<1000x256xi32> to vector<1000x128xi32>
    %and3A_183 = arith.constant -65536 : i32
    %and3A_184 = vector.broadcast %and3A_183 : i32 to vector<1000x128xi32>
    %and3A_185 = arith.andi %slice3A_182, %and3A_184 : vector<1000x128xi32>
    %or3A = arith.ori %shift_right_logical3A_181, %and3A_185 : vector<1000x128xi32>
    %swap3A = arith.constant 0 : index
    %swap3A_186 = arith.constant 0 : index
    %swap3A_187 = vector.load %arg9[%swap3A, %swap3A_186] : memref<1000x128xi32, #tpu.memory_space<vmem>>, vector<1000x128xi32>
    tpu.vector_store %arg9[%swap3A, %swap3A_186], %or3A {strides = array<i32>} : memref<1000x128xi32, #tpu.memory_space<vmem>>, vector<1000x128xi32>,
    %eq3A = arith.constant 0 : i32
    %eq3A_188 = arith.cmpi eq, %arg0, %eq3A : i32
    %convert_element_type3A = arith.extui %eq3A_188 : i1 to i32
    %cond3A = arith.constant 0 : i32
    %cond3A_189 = arith.cmpi ne, %convert_element_type3A, %cond3A : i32
    scf.if %cond3A_189 {
      %broadcast_in_dim3A_210 = arith.constant 0.000000e+00 : f32
      %broadcast_in_dim3A_211 = vector.broadcast %broadcast_in_dim3A_210 : f32 to vector<8x256xf32>
      %swap3A_212 = arith.constant 0 : index
      %swap3A_213 = arith.constant 0 : index
      %swap3A_214 = vector.load %arg10[%swap3A_212, %swap3A_213] : memref<8x256xf32, #tpu.memory_space<vmem>>, vector<8x256xf32>
      tpu.vector_store %arg10[%swap3A_212, %swap3A_213], %broadcast_in_dim3A_211 {strides = array<i32>} : memref<8x256xf32, #tpu.memory_space<vmem>>, vector<8x256xf32>,
    } else {
    }
    %get3A_190 = arith.constant 0 : index
    %get3A_191 = arith.constant 0 : index
    %get3A_192 = vector.load %arg10[%get3A_190, %get3A_191] : memref<8x256xf32, #tpu.memory_space<vmem>>, vector<1x256xf32>
    %reduce_sum3A = arith.constant dense<0.000000e+00> : vector<256xf32>
    %reduce_sum3A_193 = vector.multi_reduction <add>, %add3A_167, %reduce_sum3A [0] : vector<1000x256xf32> to vector<256xf32>
    %broadcast_in_dim3A_194 = vector.shape_cast %reduce_sum3A_193 : vector<256xf32> to vector<1x256xf32>
    %add3A_195 = arith.addf %get3A_192, %broadcast_in_dim3A_194 : vector<1x256xf32>
    %swap3A_196 = arith.constant 0 : index
    %swap3A_197 = arith.constant 0 : index
    %swap3A_198 = vector.load %arg10[%swap3A_196, %swap3A_197] : memref<8x256xf32, #tpu.memory_space<vmem>>, vector<1x256xf32>
    tpu.vector_store %arg10[%swap3A_196, %swap3A_197], %add3A_195 {strides = array<i32>} : memref<8x256xf32, #tpu.memory_space<vmem>>, vector<1x256xf32>,
    %get3A_199 = arith.constant 1 : index
    %get3A_200 = arith.constant 0 : index
    %get3A_201 = vector.load %arg10[%get3A_199, %get3A_200] : memref<8x256xf32, #tpu.memory_space<vmem>>, vector<1x256xf32>
    %mul3A_202 = arith.mulf %add3A_167, %add3A_167 : vector<1000x256xf32>
    %reduce_sum3A_203 = arith.constant dense<0.000000e+00> : vector<256xf32>
    %reduce_sum3A_204 = vector.multi_reduction <add>, %mul3A_202, %reduce_sum3A_203 [0] : vector<1000x256xf32> to vector<256xf32>
    %broadcast_in_dim3A_205 = vector.shape_cast %reduce_sum3A_204 : vector<256xf32> to vector<1x256xf32>
    %add3A_206 = arith.addf %get3A_201, %broadcast_in_dim3A_205 : vector<1x256xf32>
    %swap3A_207 = arith.constant 1 : index
    %swap3A_208 = arith.constant 0 : index
    %swap3A_209 = vector.load %arg10[%swap3A_207, %swap3A_208] : memref<8x256xf32, #tpu.memory_space<vmem>>, vector<1x256xf32>
    tpu.vector_store %arg10[%swap3A_207, %swap3A_208], %add3A_206 {strides = array<i32>} : memref<8x256xf32, #tpu.memory_space<vmem>>, vector<1x256xf32>,
    return
  }
  func.func @transform_0(%arg0: i32) -> (i32, i32) {
    %c0_i32 = arith.constant 0 : i32
    %c0_i32_0 = arith.constant 0 : i32
    return %arg0, %c0_i32 : i32, i32
  }
  func.func @transform_1(%arg0: i32) -> (i32, i32) {
    %add3A = arith.constant 0 : i32
    %add3A_0 = arith.addi %add3A, %arg0 : i32
    %c0_i32 = arith.constant 0 : i32
    %c0_i32_1 = arith.constant 0 : i32
    return %add3A_0, %c0_i32 : i32, i32
  }
  func.func @transform_2(%arg0: i32) -> (i32, i32) {
    %add3A = arith.constant 20 : i32
    %add3A_0 = arith.addi %add3A, %arg0 : i32
    %c0_i32 = arith.constant 0 : i32
    %c0_i32_1 = arith.constant 0 : i32
    return %add3A_0, %c0_i32 : i32, i32
  }
  func.func @transform_3(%arg0: i32) -> (i32, i32) {
    %add3A = arith.constant 40 : i32
    %add3A_0 = arith.addi %add3A, %arg0 : i32
    %c0_i32 = arith.constant 0 : i32
    %c0_i32_1 = arith.constant 0 : i32
    return %add3A_0, %c0_i32 : i32, i32
  }
  func.func @transform_4(%arg0: i32) -> (i32, i32) {
    %c0_i32 = arith.constant 0 : i32
    %c0_i32_0 = arith.constant 0 : i32
    %c0_i32_1 = arith.constant 0 : i32
    return %c0_i32, %c0_i32_0 : i32, i32
  }
  func.func @transform_5(%arg0: i32) -> (i32, i32) {
    %c0_i32 = arith.constant 0 : i32
    %c0_i32_0 = arith.constant 0 : i32
    %c0_i32_1 = arith.constant 0 : i32
    return %c0_i32, %c0_i32_0 : i32, i32
  }
  func.func @transform_6(%arg0: i32) -> (i32, i32) {
    %c0_i32 = arith.constant 0 : i32
    %c0_i32_0 = arith.constant 0 : i32
    %c0_i32_1 = arith.constant 0 : i32
    return %c0_i32, %c0_i32_0 : i32, i32
  }
  func.func @transform_7(%arg0: i32) -> (i32, i32) {
    %c0_i32 = arith.constant 0 : i32
    %c0_i32_0 = arith.constant 0 : i32
    %c0_i32_1 = arith.constant 0 : i32
    return %c0_i32, %c0_i32_0 : i32, i32
  }
  func.func @transform_8(%arg0: i32) -> (i32, i32) {
    %c0_i32 = arith.constant 0 : i32
    %c0_i32_0 = arith.constant 0 : i32
    return %arg0, %c0_i32 : i32, i32
  }
  func.func @transform_9(%arg0: i32) -> (i32, i32) {
    %c0_i32 = arith.constant 0 : i32
    %c0_i32_0 = arith.constant 0 : i32
    %c0_i32_1 = arith.constant 0 : i32
    return %c0_i32, %c0_i32_0 : i32, i32
  }
}

module attributes {stable_mosaic.version = 14 : i64} {
  func.func @_mesh_mm_body(%arg0: i32, %arg1: memref<1000x128xi32, #tpu.memory_space<vmem>>, %arg2: memref<1000x128xi32, #tpu.memory_space<vmem>>, %arg3: memref<1000x128xi32, #tpu.memory_space<vmem>>, %arg4: memref<1000x128xi32, #tpu.memory_space<vmem>>, %arg5: memref<1x256xf32, #tpu.memory_space<vmem>>, %arg6: memref<1x256xf32, #tpu.memory_space<vmem>>, %arg7: memref<1024x512xf32, #tpu.memory_space<vmem>>, %arg8: memref<1x512xf32, #tpu.memory_space<vmem>>, %arg9: memref<1000x512xf32, #tpu.memory_space<vmem>>, %arg10: memref<8x512xf32, #tpu.memory_space<vmem>>) attributes {dimension_semantics = [#tpu.dimension_semantics<arbitrary>], iteration_bounds = array<i64: 20>, scalar_prefetch = 0 : i64, scratch_operands = 0 : i64, tpu.core_type = #tpu.core_type<tc>, window_params = [{transform_indices = @transform_0, window_bounds = array<i64: 1000, 128>}, {transform_indices = @transform_1, window_bounds = array<i64: 1000, 128>}, {transform_indices = @transform_2, window_bounds = array<i64: 1000, 128>}, {transform_indices = @transform_3, window_bounds = array<i64: 1000, 128>}, {pipeline_mode = #tpu.pipeline_mode<synchronous>, transform_indices = @transform_4, window_bounds = array<i64: 1, 256>}, {pipeline_mode = #tpu.pipeline_mode<synchronous>, transform_indices = @transform_5, window_bounds = array<i64: 1, 256>}, {pipeline_mode = #tpu.pipeline_mode<synchronous>, transform_indices = @transform_6, window_bounds = array<i64: 1024, 512>}, {pipeline_mode = #tpu.pipeline_mode<synchronous>, transform_indices = @transform_7, window_bounds = array<i64: 1, 512>}, {transform_indices = @transform_8, window_bounds = array<i64: 1000, 512>}, {pipeline_mode = #tpu.pipeline_mode<synchronous>, transform_indices = @transform_9, window_bounds = array<i64: 8, 512>}]} {
    %get3A = arith.constant 0 : index
    %get3A_0 = arith.constant 0 : index
    %get3A_1 = vector.load %arg5[%get3A, %get3A_0] : memref<1x256xf32, #tpu.memory_space<vmem>>, vector<1x256xf32>
    %get3A_2 = arith.constant 0 : index
    %get3A_3 = arith.constant 0 : index
    %get3A_4 = vector.load %arg6[%get3A_2, %get3A_3] : memref<1x256xf32, #tpu.memory_space<vmem>>, vector<1x256xf32>
    %get3A_5 = arith.constant 0 : index
    %get3A_6 = arith.constant 0 : index
    %get3A_7 = vector.load %arg8[%get3A_5, %get3A_6] : memref<1x512xf32, #tpu.memory_space<vmem>>, vector<1x512xf32>
    %broadcast_in_dim3A = arith.constant 1.000000e+00 : f32
    %broadcast_in_dim3A_8 = vector.broadcast %broadcast_in_dim3A : f32 to vector<1000x1xf32>
    %mul3A = vector.broadcast %get3A_7 : vector<1x512xf32> to vector<1000x512xf32>
    %mul3A_9 = vector.broadcast %broadcast_in_dim3A_8 : vector<1000x1xf32> to vector<1000x512xf32>
    %mul3A_10 = arith.mulf %mul3A, %mul3A_9 : vector<1000x512xf32>
    %get3A_11 = arith.constant 0 : index
    %get3A_12 = arith.constant 0 : index
    %get3A_13 = vector.load %arg1[%get3A_11, %get3A_12] : memref<1000x128xi32, #tpu.memory_space<vmem>>, vector<1000x128xi32>
    %shift_left3A = arith.constant 16 : i32
    %shift_left3A_14 = vector.broadcast %shift_left3A : i32 to vector<1000x128xi32>
    %shift_left3A_15 = arith.shli %get3A_13, %shift_left3A_14 : vector<1000x128xi32>
    %bitcast_convert_type3A = tpu.bitcast %shift_left3A_15 : vector<1000x128xi32> -> vector<1000x128xf32>
    %and3A = arith.constant -65536 : i32
    %and3A_16 = vector.broadcast %and3A : i32 to vector<1000x128xi32>
    %and3A_17 = arith.andi %get3A_13, %and3A_16 : vector<1000x128xi32>
    %bitcast_convert_type3A_18 = tpu.bitcast %and3A_17 : vector<1000x128xi32> -> vector<1000x128xf32>
    %slice3A = vector.extract_strided_slice %get3A_1 {offsets = [0, 0], sizes = [1, 128], strides = [1, 1]} : vector<1x256xf32> to vector<1x128xf32>
    %mul3A_19 = vector.broadcast %slice3A : vector<1x128xf32> to vector<1000x128xf32>
    %mul3A_20 = arith.mulf %bitcast_convert_type3A, %mul3A_19 : vector<1000x128xf32>
    %slice3A_21 = vector.extract_strided_slice %get3A_4 {offsets = [0, 0], sizes = [1, 128], strides = [1, 1]} : vector<1x256xf32> to vector<1x128xf32>
    %add3A = vector.broadcast %slice3A_21 : vector<1x128xf32> to vector<1000x128xf32>
    %add3A_22 = arith.addf %mul3A_20, %add3A : vector<1000x128xf32>
    %max3A = arith.constant 0.000000e+00 : f32
    %max3A_23 = vector.broadcast %max3A : f32 to vector<1000x128xf32>
    %max3A_24 = arith.maximumf %add3A_22, %max3A_23 : vector<1000x128xf32>
    %slice3A_25 = vector.extract_strided_slice %get3A_1 {offsets = [0, 128], sizes = [1, 128], strides = [1, 1]} : vector<1x256xf32> to vector<1x128xf32>
    %mul3A_26 = vector.broadcast %slice3A_25 : vector<1x128xf32> to vector<1000x128xf32>
    %mul3A_27 = arith.mulf %bitcast_convert_type3A_18, %mul3A_26 : vector<1000x128xf32>
    %slice3A_28 = vector.extract_strided_slice %get3A_4 {offsets = [0, 128], sizes = [1, 128], strides = [1, 1]} : vector<1x256xf32> to vector<1x128xf32>
    %add3A_29 = vector.broadcast %slice3A_28 : vector<1x128xf32> to vector<1000x128xf32>
    %add3A_30 = arith.addf %mul3A_27, %add3A_29 : vector<1000x128xf32>
    %max3A_31 = arith.constant 0.000000e+00 : f32
    %max3A_32 = vector.broadcast %max3A_31 : f32 to vector<1000x128xf32>
    %max3A_33 = arith.maximumf %add3A_30, %max3A_32 : vector<1000x128xf32>
    %get3A_34 = arith.constant 0 : index
    %get3A_35 = arith.constant 0 : index
    %get3A_36 = vector.load %arg7[%get3A_34, %get3A_35] : memref<1024x512xf32, #tpu.memory_space<vmem>>, vector<128x512xf32>
    %dot_general3A = arith.constant dense<0.000000e+00> : vector<1000x512xf32>
    %dot_general3A_37 = tpu.matmul %max3A_24, %get3A_36, %dot_general3A {dimension_numbers = #tpu.dot_dimension_numbers<[1], [0], [0], [1], [0, 0, 1, 1], [], []>, transpose_lhs_hint = false} : vector<1000x128xf32>, vector<128x512xf32>, vector<1000x512xf32> -> vector<1000x512xf32>
    %add3A_38 = arith.addf %mul3A_10, %dot_general3A_37 : vector<1000x512xf32>
    %get3A_39 = arith.constant 128 : index
    %get3A_40 = arith.constant 0 : index
    %get3A_41 = vector.load %arg7[%get3A_39, %get3A_40] : memref<1024x512xf32, #tpu.memory_space<vmem>>, vector<128x512xf32>
    %dot_general3A_42 = arith.constant dense<0.000000e+00> : vector<1000x512xf32>
    %dot_general3A_43 = tpu.matmul %max3A_33, %get3A_41, %dot_general3A_42 {dimension_numbers = #tpu.dot_dimension_numbers<[1], [0], [0], [1], [0, 0, 1, 1], [], []>, transpose_lhs_hint = false} : vector<1000x128xf32>, vector<128x512xf32>, vector<1000x512xf32> -> vector<1000x512xf32>
    %add3A_44 = arith.addf %add3A_38, %dot_general3A_43 : vector<1000x512xf32>
    %get3A_45 = arith.constant 0 : index
    %get3A_46 = arith.constant 0 : index
    %get3A_47 = vector.load %arg2[%get3A_45, %get3A_46] : memref<1000x128xi32, #tpu.memory_space<vmem>>, vector<1000x128xi32>
    %shift_left3A_48 = arith.constant 16 : i32
    %shift_left3A_49 = vector.broadcast %shift_left3A_48 : i32 to vector<1000x128xi32>
    %shift_left3A_50 = arith.shli %get3A_47, %shift_left3A_49 : vector<1000x128xi32>
    %bitcast_convert_type3A_51 = tpu.bitcast %shift_left3A_50 : vector<1000x128xi32> -> vector<1000x128xf32>
    %and3A_52 = arith.constant -65536 : i32
    %and3A_53 = vector.broadcast %and3A_52 : i32 to vector<1000x128xi32>
    %and3A_54 = arith.andi %get3A_47, %and3A_53 : vector<1000x128xi32>
    %bitcast_convert_type3A_55 = tpu.bitcast %and3A_54 : vector<1000x128xi32> -> vector<1000x128xf32>
    %slice3A_56 = vector.extract_strided_slice %get3A_1 {offsets = [0, 0], sizes = [1, 128], strides = [1, 1]} : vector<1x256xf32> to vector<1x128xf32>
    %mul3A_57 = vector.broadcast %slice3A_56 : vector<1x128xf32> to vector<1000x128xf32>
    %mul3A_58 = arith.mulf %bitcast_convert_type3A_51, %mul3A_57 : vector<1000x128xf32>
    %slice3A_59 = vector.extract_strided_slice %get3A_4 {offsets = [0, 0], sizes = [1, 128], strides = [1, 1]} : vector<1x256xf32> to vector<1x128xf32>
    %add3A_60 = vector.broadcast %slice3A_59 : vector<1x128xf32> to vector<1000x128xf32>
    %add3A_61 = arith.addf %mul3A_58, %add3A_60 : vector<1000x128xf32>
    %max3A_62 = arith.constant 0.000000e+00 : f32
    %max3A_63 = vector.broadcast %max3A_62 : f32 to vector<1000x128xf32>
    %max3A_64 = arith.maximumf %add3A_61, %max3A_63 : vector<1000x128xf32>
    %slice3A_65 = vector.extract_strided_slice %get3A_1 {offsets = [0, 128], sizes = [1, 128], strides = [1, 1]} : vector<1x256xf32> to vector<1x128xf32>
    %mul3A_66 = vector.broadcast %slice3A_65 : vector<1x128xf32> to vector<1000x128xf32>
    %mul3A_67 = arith.mulf %bitcast_convert_type3A_55, %mul3A_66 : vector<1000x128xf32>
    %slice3A_68 = vector.extract_strided_slice %get3A_4 {offsets = [0, 128], sizes = [1, 128], strides = [1, 1]} : vector<1x256xf32> to vector<1x128xf32>
    %add3A_69 = vector.broadcast %slice3A_68 : vector<1x128xf32> to vector<1000x128xf32>
    %add3A_70 = arith.addf %mul3A_67, %add3A_69 : vector<1000x128xf32>
    %max3A_71 = arith.constant 0.000000e+00 : f32
    %max3A_72 = vector.broadcast %max3A_71 : f32 to vector<1000x128xf32>
    %max3A_73 = arith.maximumf %add3A_70, %max3A_72 : vector<1000x128xf32>
    %get3A_74 = arith.constant 256 : index
    %get3A_75 = arith.constant 0 : index
    %get3A_76 = vector.load %arg7[%get3A_74, %get3A_75] : memref<1024x512xf32, #tpu.memory_space<vmem>>, vector<128x512xf32>
    %dot_general3A_77 = arith.constant dense<0.000000e+00> : vector<1000x512xf32>
    %dot_general3A_78 = tpu.matmul %max3A_64, %get3A_76, %dot_general3A_77 {dimension_numbers = #tpu.dot_dimension_numbers<[1], [0], [0], [1], [0, 0, 1, 1], [], []>, transpose_lhs_hint = false} : vector<1000x128xf32>, vector<128x512xf32>, vector<1000x512xf32> -> vector<1000x512xf32>
    %add3A_79 = arith.addf %add3A_44, %dot_general3A_78 : vector<1000x512xf32>
    %get3A_80 = arith.constant 384 : index
    %get3A_81 = arith.constant 0 : index
    %get3A_82 = vector.load %arg7[%get3A_80, %get3A_81] : memref<1024x512xf32, #tpu.memory_space<vmem>>, vector<128x512xf32>
    %dot_general3A_83 = arith.constant dense<0.000000e+00> : vector<1000x512xf32>
    %dot_general3A_84 = tpu.matmul %max3A_73, %get3A_82, %dot_general3A_83 {dimension_numbers = #tpu.dot_dimension_numbers<[1], [0], [0], [1], [0, 0, 1, 1], [], []>, transpose_lhs_hint = false} : vector<1000x128xf32>, vector<128x512xf32>, vector<1000x512xf32> -> vector<1000x512xf32>
    %add3A_85 = arith.addf %add3A_79, %dot_general3A_84 : vector<1000x512xf32>
    %get3A_86 = arith.constant 0 : index
    %get3A_87 = arith.constant 0 : index
    %get3A_88 = vector.load %arg3[%get3A_86, %get3A_87] : memref<1000x128xi32, #tpu.memory_space<vmem>>, vector<1000x128xi32>
    %shift_left3A_89 = arith.constant 16 : i32
    %shift_left3A_90 = vector.broadcast %shift_left3A_89 : i32 to vector<1000x128xi32>
    %shift_left3A_91 = arith.shli %get3A_88, %shift_left3A_90 : vector<1000x128xi32>
    %bitcast_convert_type3A_92 = tpu.bitcast %shift_left3A_91 : vector<1000x128xi32> -> vector<1000x128xf32>
    %and3A_93 = arith.constant -65536 : i32
    %and3A_94 = vector.broadcast %and3A_93 : i32 to vector<1000x128xi32>
    %and3A_95 = arith.andi %get3A_88, %and3A_94 : vector<1000x128xi32>
    %bitcast_convert_type3A_96 = tpu.bitcast %and3A_95 : vector<1000x128xi32> -> vector<1000x128xf32>
    %slice3A_97 = vector.extract_strided_slice %get3A_1 {offsets = [0, 0], sizes = [1, 128], strides = [1, 1]} : vector<1x256xf32> to vector<1x128xf32>
    %mul3A_98 = vector.broadcast %slice3A_97 : vector<1x128xf32> to vector<1000x128xf32>
    %mul3A_99 = arith.mulf %bitcast_convert_type3A_92, %mul3A_98 : vector<1000x128xf32>
    %slice3A_100 = vector.extract_strided_slice %get3A_4 {offsets = [0, 0], sizes = [1, 128], strides = [1, 1]} : vector<1x256xf32> to vector<1x128xf32>
    %add3A_101 = vector.broadcast %slice3A_100 : vector<1x128xf32> to vector<1000x128xf32>
    %add3A_102 = arith.addf %mul3A_99, %add3A_101 : vector<1000x128xf32>
    %max3A_103 = arith.constant 0.000000e+00 : f32
    %max3A_104 = vector.broadcast %max3A_103 : f32 to vector<1000x128xf32>
    %max3A_105 = arith.maximumf %add3A_102, %max3A_104 : vector<1000x128xf32>
    %slice3A_106 = vector.extract_strided_slice %get3A_1 {offsets = [0, 128], sizes = [1, 128], strides = [1, 1]} : vector<1x256xf32> to vector<1x128xf32>
    %mul3A_107 = vector.broadcast %slice3A_106 : vector<1x128xf32> to vector<1000x128xf32>
    %mul3A_108 = arith.mulf %bitcast_convert_type3A_96, %mul3A_107 : vector<1000x128xf32>
    %slice3A_109 = vector.extract_strided_slice %get3A_4 {offsets = [0, 128], sizes = [1, 128], strides = [1, 1]} : vector<1x256xf32> to vector<1x128xf32>
    %add3A_110 = vector.broadcast %slice3A_109 : vector<1x128xf32> to vector<1000x128xf32>
    %add3A_111 = arith.addf %mul3A_108, %add3A_110 : vector<1000x128xf32>
    %max3A_112 = arith.constant 0.000000e+00 : f32
    %max3A_113 = vector.broadcast %max3A_112 : f32 to vector<1000x128xf32>
    %max3A_114 = arith.maximumf %add3A_111, %max3A_113 : vector<1000x128xf32>
    %get3A_115 = arith.constant 512 : index
    %get3A_116 = arith.constant 0 : index
    %get3A_117 = vector.load %arg7[%get3A_115, %get3A_116] : memref<1024x512xf32, #tpu.memory_space<vmem>>, vector<128x512xf32>
    %dot_general3A_118 = arith.constant dense<0.000000e+00> : vector<1000x512xf32>
    %dot_general3A_119 = tpu.matmul %max3A_105, %get3A_117, %dot_general3A_118 {dimension_numbers = #tpu.dot_dimension_numbers<[1], [0], [0], [1], [0, 0, 1, 1], [], []>, transpose_lhs_hint = false} : vector<1000x128xf32>, vector<128x512xf32>, vector<1000x512xf32> -> vector<1000x512xf32>
    %add3A_120 = arith.addf %add3A_85, %dot_general3A_119 : vector<1000x512xf32>
    %get3A_121 = arith.constant 640 : index
    %get3A_122 = arith.constant 0 : index
    %get3A_123 = vector.load %arg7[%get3A_121, %get3A_122] : memref<1024x512xf32, #tpu.memory_space<vmem>>, vector<128x512xf32>
    %dot_general3A_124 = arith.constant dense<0.000000e+00> : vector<1000x512xf32>
    %dot_general3A_125 = tpu.matmul %max3A_114, %get3A_123, %dot_general3A_124 {dimension_numbers = #tpu.dot_dimension_numbers<[1], [0], [0], [1], [0, 0, 1, 1], [], []>, transpose_lhs_hint = false} : vector<1000x128xf32>, vector<128x512xf32>, vector<1000x512xf32> -> vector<1000x512xf32>
    %add3A_126 = arith.addf %add3A_120, %dot_general3A_125 : vector<1000x512xf32>
    %get3A_127 = arith.constant 0 : index
    %get3A_128 = arith.constant 0 : index
    %get3A_129 = vector.load %arg4[%get3A_127, %get3A_128] : memref<1000x128xi32, #tpu.memory_space<vmem>>, vector<1000x128xi32>
    %shift_left3A_130 = arith.constant 16 : i32
    %shift_left3A_131 = vector.broadcast %shift_left3A_130 : i32 to vector<1000x128xi32>
    %shift_left3A_132 = arith.shli %get3A_129, %shift_left3A_131 : vector<1000x128xi32>
    %bitcast_convert_type3A_133 = tpu.bitcast %shift_left3A_132 : vector<1000x128xi32> -> vector<1000x128xf32>
    %and3A_134 = arith.constant -65536 : i32
    %and3A_135 = vector.broadcast %and3A_134 : i32 to vector<1000x128xi32>
    %and3A_136 = arith.andi %get3A_129, %and3A_135 : vector<1000x128xi32>
    %bitcast_convert_type3A_137 = tpu.bitcast %and3A_136 : vector<1000x128xi32> -> vector<1000x128xf32>
    %slice3A_138 = vector.extract_strided_slice %get3A_1 {offsets = [0, 0], sizes = [1, 128], strides = [1, 1]} : vector<1x256xf32> to vector<1x128xf32>
    %mul3A_139 = vector.broadcast %slice3A_138 : vector<1x128xf32> to vector<1000x128xf32>
    %mul3A_140 = arith.mulf %bitcast_convert_type3A_133, %mul3A_139 : vector<1000x128xf32>
    %slice3A_141 = vector.extract_strided_slice %get3A_4 {offsets = [0, 0], sizes = [1, 128], strides = [1, 1]} : vector<1x256xf32> to vector<1x128xf32>
    %add3A_142 = vector.broadcast %slice3A_141 : vector<1x128xf32> to vector<1000x128xf32>
    %add3A_143 = arith.addf %mul3A_140, %add3A_142 : vector<1000x128xf32>
    %max3A_144 = arith.constant 0.000000e+00 : f32
    %max3A_145 = vector.broadcast %max3A_144 : f32 to vector<1000x128xf32>
    %max3A_146 = arith.maximumf %add3A_143, %max3A_145 : vector<1000x128xf32>
    %slice3A_147 = vector.extract_strided_slice %get3A_1 {offsets = [0, 128], sizes = [1, 128], strides = [1, 1]} : vector<1x256xf32> to vector<1x128xf32>
    %mul3A_148 = vector.broadcast %slice3A_147 : vector<1x128xf32> to vector<1000x128xf32>
    %mul3A_149 = arith.mulf %bitcast_convert_type3A_137, %mul3A_148 : vector<1000x128xf32>
    %slice3A_150 = vector.extract_strided_slice %get3A_4 {offsets = [0, 128], sizes = [1, 128], strides = [1, 1]} : vector<1x256xf32> to vector<1x128xf32>
    %add3A_151 = vector.broadcast %slice3A_150 : vector<1x128xf32> to vector<1000x128xf32>
    %add3A_152 = arith.addf %mul3A_149, %add3A_151 : vector<1000x128xf32>
    %max3A_153 = arith.constant 0.000000e+00 : f32
    %max3A_154 = vector.broadcast %max3A_153 : f32 to vector<1000x128xf32>
    %max3A_155 = arith.maximumf %add3A_152, %max3A_154 : vector<1000x128xf32>
    %get3A_156 = arith.constant 768 : index
    %get3A_157 = arith.constant 0 : index
    %get3A_158 = vector.load %arg7[%get3A_156, %get3A_157] : memref<1024x512xf32, #tpu.memory_space<vmem>>, vector<128x512xf32>
    %dot_general3A_159 = arith.constant dense<0.000000e+00> : vector<1000x512xf32>
    %dot_general3A_160 = tpu.matmul %max3A_146, %get3A_158, %dot_general3A_159 {dimension_numbers = #tpu.dot_dimension_numbers<[1], [0], [0], [1], [0, 0, 1, 1], [], []>, transpose_lhs_hint = false} : vector<1000x128xf32>, vector<128x512xf32>, vector<1000x512xf32> -> vector<1000x512xf32>
    %add3A_161 = arith.addf %add3A_126, %dot_general3A_160 : vector<1000x512xf32>
    %get3A_162 = arith.constant 896 : index
    %get3A_163 = arith.constant 0 : index
    %get3A_164 = vector.load %arg7[%get3A_162, %get3A_163] : memref<1024x512xf32, #tpu.memory_space<vmem>>, vector<128x512xf32>
    %dot_general3A_165 = arith.constant dense<0.000000e+00> : vector<1000x512xf32>
    %dot_general3A_166 = tpu.matmul %max3A_155, %get3A_164, %dot_general3A_165 {dimension_numbers = #tpu.dot_dimension_numbers<[1], [0], [0], [1], [0, 0, 1, 1], [], []>, transpose_lhs_hint = false} : vector<1000x128xf32>, vector<128x512xf32>, vector<1000x512xf32> -> vector<1000x512xf32>
    %add3A_167 = arith.addf %add3A_161, %dot_general3A_166 : vector<1000x512xf32>
    %swap3A = arith.constant 0 : index
    %swap3A_168 = arith.constant 0 : index
    %swap3A_169 = vector.load %arg9[%swap3A, %swap3A_168] : memref<1000x512xf32, #tpu.memory_space<vmem>>, vector<1000x512xf32>
    tpu.vector_store %arg9[%swap3A, %swap3A_168], %add3A_167 {strides = array<i32>} : memref<1000x512xf32, #tpu.memory_space<vmem>>, vector<1000x512xf32>,
    %eq3A = arith.constant 0 : i32
    %eq3A_170 = arith.cmpi eq, %arg0, %eq3A : i32
    %convert_element_type3A = arith.extui %eq3A_170 : i1 to i32
    %cond3A = arith.constant 0 : i32
    %cond3A_171 = arith.cmpi ne, %convert_element_type3A, %cond3A : i32
    scf.if %cond3A_171 {
      %broadcast_in_dim3A_192 = arith.constant 0.000000e+00 : f32
      %broadcast_in_dim3A_193 = vector.broadcast %broadcast_in_dim3A_192 : f32 to vector<8x512xf32>
      %swap3A_194 = arith.constant 0 : index
      %swap3A_195 = arith.constant 0 : index
      %swap3A_196 = vector.load %arg10[%swap3A_194, %swap3A_195] : memref<8x512xf32, #tpu.memory_space<vmem>>, vector<8x512xf32>
      tpu.vector_store %arg10[%swap3A_194, %swap3A_195], %broadcast_in_dim3A_193 {strides = array<i32>} : memref<8x512xf32, #tpu.memory_space<vmem>>, vector<8x512xf32>,
    } else {
    }
    %get3A_172 = arith.constant 0 : index
    %get3A_173 = arith.constant 0 : index
    %get3A_174 = vector.load %arg10[%get3A_172, %get3A_173] : memref<8x512xf32, #tpu.memory_space<vmem>>, vector<1x512xf32>
    %reduce_sum3A = arith.constant dense<0.000000e+00> : vector<512xf32>
    %reduce_sum3A_175 = vector.multi_reduction <add>, %add3A_167, %reduce_sum3A [0] : vector<1000x512xf32> to vector<512xf32>
    %broadcast_in_dim3A_176 = vector.shape_cast %reduce_sum3A_175 : vector<512xf32> to vector<1x512xf32>
    %add3A_177 = arith.addf %get3A_174, %broadcast_in_dim3A_176 : vector<1x512xf32>
    %swap3A_178 = arith.constant 0 : index
    %swap3A_179 = arith.constant 0 : index
    %swap3A_180 = vector.load %arg10[%swap3A_178, %swap3A_179] : memref<8x512xf32, #tpu.memory_space<vmem>>, vector<1x512xf32>
    tpu.vector_store %arg10[%swap3A_178, %swap3A_179], %add3A_177 {strides = array<i32>} : memref<8x512xf32, #tpu.memory_space<vmem>>, vector<1x512xf32>,
    %get3A_181 = arith.constant 1 : index
    %get3A_182 = arith.constant 0 : index
    %get3A_183 = vector.load %arg10[%get3A_181, %get3A_182] : memref<8x512xf32, #tpu.memory_space<vmem>>, vector<1x512xf32>
    %mul3A_184 = arith.mulf %add3A_167, %add3A_167 : vector<1000x512xf32>
    %reduce_sum3A_185 = arith.constant dense<0.000000e+00> : vector<512xf32>
    %reduce_sum3A_186 = vector.multi_reduction <add>, %mul3A_184, %reduce_sum3A_185 [0] : vector<1000x512xf32> to vector<512xf32>
    %broadcast_in_dim3A_187 = vector.shape_cast %reduce_sum3A_186 : vector<512xf32> to vector<1x512xf32>
    %add3A_188 = arith.addf %get3A_183, %broadcast_in_dim3A_187 : vector<1x512xf32>
    %swap3A_189 = arith.constant 1 : index
    %swap3A_190 = arith.constant 0 : index
    %swap3A_191 = vector.load %arg10[%swap3A_189, %swap3A_190] : memref<8x512xf32, #tpu.memory_space<vmem>>, vector<1x512xf32>
    tpu.vector_store %arg10[%swap3A_189, %swap3A_190], %add3A_188 {strides = array<i32>} : memref<8x512xf32, #tpu.memory_space<vmem>>, vector<1x512xf32>,
    return
  }
  func.func @transform_0(%arg0: i32) -> (i32, i32) {
    %c0_i32 = arith.constant 0 : i32
    %c0_i32_0 = arith.constant 0 : i32
    return %arg0, %c0_i32 : i32, i32
  }
  func.func @transform_1(%arg0: i32) -> (i32, i32) {
    %add3A = arith.constant 0 : i32
    %add3A_0 = arith.addi %add3A, %arg0 : i32
    %c0_i32 = arith.constant 0 : i32
    %c0_i32_1 = arith.constant 0 : i32
    return %add3A_0, %c0_i32 : i32, i32
  }
  func.func @transform_2(%arg0: i32) -> (i32, i32) {
    %add3A = arith.constant 20 : i32
    %add3A_0 = arith.addi %add3A, %arg0 : i32
    %c0_i32 = arith.constant 0 : i32
    %c0_i32_1 = arith.constant 0 : i32
    return %add3A_0, %c0_i32 : i32, i32
  }
  func.func @transform_3(%arg0: i32) -> (i32, i32) {
    %add3A = arith.constant 40 : i32
    %add3A_0 = arith.addi %add3A, %arg0 : i32
    %c0_i32 = arith.constant 0 : i32
    %c0_i32_1 = arith.constant 0 : i32
    return %add3A_0, %c0_i32 : i32, i32
  }
  func.func @transform_4(%arg0: i32) -> (i32, i32) {
    %c0_i32 = arith.constant 0 : i32
    %c0_i32_0 = arith.constant 0 : i32
    %c0_i32_1 = arith.constant 0 : i32
    return %c0_i32, %c0_i32_0 : i32, i32
  }
  func.func @transform_5(%arg0: i32) -> (i32, i32) {
    %c0_i32 = arith.constant 0 : i32
    %c0_i32_0 = arith.constant 0 : i32
    %c0_i32_1 = arith.constant 0 : i32
    return %c0_i32, %c0_i32_0 : i32, i32
  }
  func.func @transform_6(%arg0: i32) -> (i32, i32) {
    %c0_i32 = arith.constant 0 : i32
    %c0_i32_0 = arith.constant 0 : i32
    %c0_i32_1 = arith.constant 0 : i32
    return %c0_i32, %c0_i32_0 : i32, i32
  }
  func.func @transform_7(%arg0: i32) -> (i32, i32) {
    %c0_i32 = arith.constant 0 : i32
    %c0_i32_0 = arith.constant 0 : i32
    %c0_i32_1 = arith.constant 0 : i32
    return %c0_i32, %c0_i32_0 : i32, i32
  }
  func.func @transform_8(%arg0: i32) -> (i32, i32) {
    %c0_i32 = arith.constant 0 : i32
    %c0_i32_0 = arith.constant 0 : i32
    return %arg0, %c0_i32 : i32, i32
  }
  func.func @transform_9(%arg0: i32) -> (i32, i32) {
    %c0_i32 = arith.constant 0 : i32
    %c0_i32_0 = arith.constant 0 : i32
    %c0_i32_1 = arith.constant 0 : i32
    return %c0_i32, %c0_i32_0 : i32, i32
  }
}

module attributes {stable_mosaic.version = 14 : i64} {
  func.func @_head_body(%arg0: i32, %arg1: memref<1000x512xf32, #tpu.memory_space<vmem>>, %arg2: memref<1x512xf32, #tpu.memory_space<vmem>>, %arg3: memref<1x512xf32, #tpu.memory_space<vmem>>, %arg4: memref<512x128xf32, #tpu.memory_space<vmem>>, %arg5: memref<8x128xf32, #tpu.memory_space<vmem>>) attributes {dimension_semantics = [#tpu.dimension_semantics<arbitrary>], iteration_bounds = array<i64: 20>, scalar_prefetch = 0 : i64, scratch_operands = 0 : i64, tpu.core_type = #tpu.core_type<tc>, window_params = [{transform_indices = @transform_0, window_bounds = array<i64: 1000, 512>}, {pipeline_mode = #tpu.pipeline_mode<synchronous>, transform_indices = @transform_1, window_bounds = array<i64: 1, 512>}, {pipeline_mode = #tpu.pipeline_mode<synchronous>, transform_indices = @transform_2, window_bounds = array<i64: 1, 512>}, {pipeline_mode = #tpu.pipeline_mode<synchronous>, transform_indices = @transform_3, window_bounds = array<i64: 512, 128>}, {pipeline_mode = #tpu.pipeline_mode<synchronous>, transform_indices = @transform_4, window_bounds = array<i64: 8, 128>}]} {
    %get3A = arith.constant 0 : index
    %get3A_0 = arith.constant 0 : index
    %get3A_1 = vector.load %arg2[%get3A, %get3A_0] : memref<1x512xf32, #tpu.memory_space<vmem>>, vector<1x512xf32>
    %get3A_2 = arith.constant 0 : index
    %get3A_3 = arith.constant 0 : index
    %get3A_4 = vector.load %arg3[%get3A_2, %get3A_3] : memref<1x512xf32, #tpu.memory_space<vmem>>, vector<1x512xf32>
    %get3A_5 = arith.constant 0 : index
    %get3A_6 = arith.constant 0 : index
    %get3A_7 = vector.load %arg1[%get3A_5, %get3A_6] : memref<1000x512xf32, #tpu.memory_space<vmem>>, vector<1000x512xf32>
    %mul3A = vector.broadcast %get3A_1 : vector<1x512xf32> to vector<1000x512xf32>
    %mul3A_8 = arith.mulf %get3A_7, %mul3A : vector<1000x512xf32>
    %add3A = vector.broadcast %get3A_4 : vector<1x512xf32> to vector<1000x512xf32>
    %add3A_9 = arith.addf %mul3A_8, %add3A : vector<1000x512xf32>
    %max3A = arith.constant 0.000000e+00 : f32
    %max3A_10 = vector.broadcast %max3A : f32 to vector<1000x512xf32>
    %max3A_11 = arith.maximumf %add3A_9, %max3A_10 : vector<1000x512xf32>
    %get3A_12 = arith.constant 0 : index
    %get3A_13 = arith.constant 0 : index
    %get3A_14 = vector.load %arg4[%get3A_12, %get3A_13] : memref<512x128xf32, #tpu.memory_space<vmem>>, vector<512x128xf32>
    %dot_general3A = arith.constant dense<0.000000e+00> : vector<1000x128xf32>
    %dot_general3A_15 = tpu.matmul %max3A_11, %get3A_14, %dot_general3A {dimension_numbers = #tpu.dot_dimension_numbers<[1], [0], [0], [1], [0, 0, 1, 1], [], []>, transpose_lhs_hint = false} : vector<1000x512xf32>, vector<512x128xf32>, vector<1000x128xf32> -> vector<1000x128xf32>
    %eq3A = arith.constant 0 : i32
    %eq3A_16 = arith.cmpi eq, %arg0, %eq3A : i32
    %convert_element_type3A = arith.extui %eq3A_16 : i1 to i32
    %cond3A = arith.constant 0 : i32
    %cond3A_17 = arith.cmpi ne, %convert_element_type3A, %cond3A : i32
    scf.if %cond3A_17 {
      %broadcast_in_dim3A_37 = arith.constant 0.000000e+00 : f32
      %broadcast_in_dim3A_38 = vector.broadcast %broadcast_in_dim3A_37 : f32 to vector<8x128xf32>
      %swap3A_39 = arith.constant 0 : index
      %swap3A_40 = arith.constant 0 : index
      %swap3A_41 = vector.load %arg5[%swap3A_39, %swap3A_40] : memref<8x128xf32, #tpu.memory_space<vmem>>, vector<8x128xf32>
      tpu.vector_store %arg5[%swap3A_39, %swap3A_40], %broadcast_in_dim3A_38 {strides = array<i32>} : memref<8x128xf32, #tpu.memory_space<vmem>>, vector<8x128xf32>,
    } else {
    }
    %reduce_sum3A = arith.constant dense<0.000000e+00> : vector<128xf32>
    %reduce_sum3A_18 = vector.multi_reduction <add>, %dot_general3A_15, %reduce_sum3A [0] : vector<1000x128xf32> to vector<128xf32>
    %broadcast_in_dim3A = vector.shape_cast %reduce_sum3A_18 : vector<128xf32> to vector<1x128xf32>
    %lt3A = arith.constant 10 : i32
    %lt3A_19 = arith.cmpi slt, %arg0, %lt3A : i32
    %convert_element_type3A_20 = arith.extui %lt3A_19 : i1 to i32
    %cond3A_21 = arith.constant 0 : i32
    %cond3A_22 = arith.cmpi ne, %convert_element_type3A_20, %cond3A_21 : i32
    scf.if %cond3A_22 {
      %get3A_37 = arith.constant 0 : index
      %get3A_38 = arith.constant 0 : index
      %get3A_39 = vector.load %arg5[%get3A_37, %get3A_38] : memref<8x128xf32, #tpu.memory_space<vmem>>, vector<1x128xf32>
      %add3A_40 = arith.addf %get3A_39, %broadcast_in_dim3A : vector<1x128xf32>
      %swap3A_41 = arith.constant 0 : index
      %swap3A_42 = arith.constant 0 : index
      %swap3A_43 = vector.load %arg5[%swap3A_41, %swap3A_42] : memref<8x128xf32, #tpu.memory_space<vmem>>, vector<1x128xf32>
      tpu.vector_store %arg5[%swap3A_41, %swap3A_42], %add3A_40 {strides = array<i32>} : memref<8x128xf32, #tpu.memory_space<vmem>>, vector<1x128xf32>,
    } else {
    }
    %ge3A = arith.constant 10 : i32
    %ge3A_23 = arith.cmpi sge, %arg0, %ge3A : i32
    %convert_element_type3A_24 = arith.extui %ge3A_23 : i1 to i32
    %cond3A_25 = arith.constant 0 : i32
    %cond3A_26 = arith.cmpi ne, %convert_element_type3A_24, %cond3A_25 : i32
    scf.if %cond3A_26 {
      %get3A_37 = arith.constant 1 : index
      %get3A_38 = arith.constant 0 : index
      %get3A_39 = vector.load %arg5[%get3A_37, %get3A_38] : memref<8x128xf32, #tpu.memory_space<vmem>>, vector<1x128xf32>
      %add3A_40 = arith.addf %get3A_39, %broadcast_in_dim3A : vector<1x128xf32>
      %swap3A_41 = arith.constant 1 : index
      %swap3A_42 = arith.constant 0 : index
      %swap3A_43 = vector.load %arg5[%swap3A_41, %swap3A_42] : memref<8x128xf32, #tpu.memory_space<vmem>>, vector<1x128xf32>
      tpu.vector_store %arg5[%swap3A_41, %swap3A_42], %add3A_40 {strides = array<i32>} : memref<8x128xf32, #tpu.memory_space<vmem>>, vector<1x128xf32>,
    } else {
    }
    %get3A_27 = arith.constant 2 : index
    %get3A_28 = arith.constant 0 : index
    %get3A_29 = vector.load %arg5[%get3A_27, %get3A_28] : memref<8x128xf32, #tpu.memory_space<vmem>>, vector<1x128xf32>
    %mul3A_30 = arith.mulf %dot_general3A_15, %dot_general3A_15 : vector<1000x128xf32>
    %reduce_sum3A_31 = arith.constant dense<0.000000e+00> : vector<128xf32>
    %reduce_sum3A_32 = vector.multi_reduction <add>, %mul3A_30, %reduce_sum3A_31 [0] : vector<1000x128xf32> to vector<128xf32>
    %broadcast_in_dim3A_33 = vector.shape_cast %reduce_sum3A_32 : vector<128xf32> to vector<1x128xf32>
    %add3A_34 = arith.addf %get3A_29, %broadcast_in_dim3A_33 : vector<1x128xf32>
    %swap3A = arith.constant 2 : index
    %swap3A_35 = arith.constant 0 : index
    %swap3A_36 = vector.load %arg5[%swap3A, %swap3A_35] : memref<8x128xf32, #tpu.memory_space<vmem>>, vector<1x128xf32>
    tpu.vector_store %arg5[%swap3A, %swap3A_35], %add3A_34 {strides = array<i32>} : memref<8x128xf32, #tpu.memory_space<vmem>>, vector<1x128xf32>,
    return
  }
  func.func @transform_0(%arg0: i32) -> (i32, i32) {
    %c0_i32 = arith.constant 0 : i32
    %c0_i32_0 = arith.constant 0 : i32
    return %arg0, %c0_i32 : i32, i32
  }
  func.func @transform_1(%arg0: i32) -> (i32, i32) {
    %c0_i32 = arith.constant 0 : i32
    %c0_i32_0 = arith.constant 0 : i32
    %c0_i32_1 = arith.constant 0 : i32
    return %c0_i32, %c0_i32_0 : i32, i32
  }
  func.func @transform_2(%arg0: i32) -> (i32, i32) {
    %c0_i32 = arith.constant 0 : i32
    %c0_i32_0 = arith.constant 0 : i32
    %c0_i32_1 = arith.constant 0 : i32
    return %c0_i32, %c0_i32_0 : i32, i32
  }
  func.func @transform_3(%arg0: i32) -> (i32, i32) {
    %c0_i32 = arith.constant 0 : i32
    %c0_i32_0 = arith.constant 0 : i32
    %c0_i32_1 = arith.constant 0 : i32
    return %c0_i32, %c0_i32_0 : i32, i32
  }
  func.func @transform_4(%arg0: i32) -> (i32, i32) {
    %c0_i32 = arith.constant 0 : i32
    %c0_i32_0 = arith.constant 0 : i32
    %c0_i32_1 = arith.constant 0 : i32
    return %c0_i32, %c0_i32_0 : i32, i32
  }
}

</mosaic_0001>

<sc_bundles>
// kernel: kernel.12.cloned.1.call-start
scs
__scs_entry_jumppad:
0x0: {  	(pc) =	sbr.rel $0x88, $3  }
0x1: {  	(tag) =	ssettag $0x0;
	lr =	simm.s32 $0x1  }
0x2: {  	[smem:$0x3F83] =	sst lr;
	_ =	strace $0xD0000000  }
0x3: {  	_ = 	snop  }
0x4: {  	_ = 	snop  }
0x5: {  	_ = 	snop  }
0x6: {  	_ = 	snop  }
0x7: {  	_ = 	snop  }
__scs_overlays_trampoline_lowered:
0x8: {  	[smem:$0x3F92] =	sst s0  }
0x9: {  	[smem:$0x3F93] =	sst s1  }
0xa: {  	[smem:$0x3F94] =	sst s2  }
0xb: {  	[smem:$0x3F95] =	sst s3  }
0xc: {  	[smem:$0x3F96] =	sst s4  }
0xd: {  	[smem:$0x3F97] =	sst s5  }
0xe: {  	[smem:$0x3F98] =	sst s6  }
0xf: {  	[smem:$0x3F99] =	sst s7  }
0x10: {  	[smem:$0x3F9A] =	sst s8  }
0x11: {  	[smem:$0x3F9B] =	sst s9;
	s0 =	simm.s32 @!p0 $0x0  }
0x12: {  	s1 =	sld [smem:$0x3F81];
	s0 =	simm.s32 @p0 $0x1  }
0x13: {  	[smem:$0x3F9C] =	sst s0;
	s0 =	simm.s32 @!p1 $0x0  }
0x14: {  	s2 =	sld [smem:$0x3F80];
	s0 =	simm.s32 @p1 $0x1  }
0x15: {  	[smem:$0x3F9D] =	sst s0;
	s0 =	simm.s32 @!p2 $0x0  }
0x16: {  	s3 =	sld [smem:$0x3FDB];
	s0 =	simm.s32 @p2 $0x1  }
0x17: {  	s4 =	simm.s32 $0x1BF5;
	[smem:$0x3F9F] =	sst s0  }
0x18: {  	s0 =	sld [smem:$0x3F82];
	_ =	swait.ge [sflag:s4], $0x0  }
0x19: {  	s7 =	sld [smem:$0x3F83]  }
0x1a: {  	s8 =	sadd.s32 $0xFFFFE003, lr  }
0x1b: {  	s9 =	sadd.s32 $0xFFFFFEF7, lr;
	s5 =	simm.s32 $0xFFFFFFFF;
	p2 =	slt.u32 s8, $0xFFFFF086  }
0x1c: {  	p1 =	slt.u32 s9, $0xF7A;
	s5 =	simm.s32 @!p2 $0x0  }
0x1d: {  	s5 =	simm.s32 @p1 $0x1;
	p0 =	seq.s32 s7, s2  }
0x1e: {  	s7 =	smul.u32 @!p0 $0xF7A, s2;
	p2 =	seq.s32 @!p0 s5, $0x0  }
0x1f: {  	s9 =	smul.u32 $0xF7A, s1;
	s8 =	simm.s32 @!p0 $0x1BF5;
	p2 =	por !p2, p0  }
0x20: {  	[sflag:s8] =	ssyncset.s32 @!p0 $0xFFFFF086;
	s6 =	sadd.s32 @!p0 s3, s7;
	s7 =	simm.s32 @!p0 $0x108  }
0x21: {  	s3 =	sadd.s32 s3, s9;
	s6 =	sadd.s32 @!p0 $0x88, s6;
	s7 =	simm.s32 @p2 $0x1082  }
0x22: {  	[simem:s7], [sflag:s8] =	dma.local @!p0 [hbm:s6], $0xF7A  }
0x23: {  	s9 =	sor.u32 $0xD0000000, s2;
	s6 =	simm.s32 $0x108;
	_ =	swait.ge @!p0 [sflag:s8], $0x0  }
0x24: {  	s3 =	sadd.s32 $0x88, s3;
	s6 =	simm.s32 @!p1 $0x1082;
	[sflag:s4] =	ssyncset.s32 $0xFFFFF086  }
0x25: {  	[simem:s6], [sflag:s4] =	dma.local [hbm:s3], $0xF7A  }
0x26: {  	[smem:$0x3F83] =	sst s1;
	(tag) =	ssettag s2;
	_ =	strace s9  }
0x27: {  	s1 =	sld [smem:$0x3F93]  }
0x28: {  	s2 =	sld [smem:$0x3F94]  }
0x29: {  	s4 =	sld [smem:$0x3F96]  }
0x2a: {  	p0 =	seq.s32 s5, $0x0;
	s5 =	sld [smem:$0x3F97]  }
0x2b: {  	s6 =	sld [smem:$0x3F98]  }
0x2c: {  	s7 =	sld [smem:$0x3F99]  }
0x2d: {  	s3 =	simm.s32 $0x108;
	s8 =	sld [smem:$0x3F9A]  }
0x2e: {  	s3 =	simm.s32 @!p0 $0x1082;
	s9 =	sld [smem:$0x3F9B]  }
0x2f: {  	lr =	sadd.s32 s0, s3;
	s0 =	sld [smem:$0x3F92]  }
0x30: {  	s3 =	sld [smem:$0x3F95]  }
0x31: {  	[smem:$0x3F9E] =	sst s10  }
0x32: {  	s10 =	sld [smem:$0x3F9C];
	_ =	sdelay $0x3  }
0x33: {  	p0 =	seq.s32 s10, $0x1;
	s10 =	sld [smem:$0x3F9E];
	_ =	sdelay $0x3  }
0x34: {  	[smem:$0x3F9E] =	sst s10  }
0x35: {  	s10 =	sld [smem:$0x3F9D];
	_ =	sdelay $0x3  }
0x36: {  	p1 =	seq.s32 s10, $0x1;
	s10 =	sld [smem:$0x3F9E];
	_ =	sdelay $0x3  }
0x37: {  	[smem:$0x3F9E] =	sst s10  }
0x38: {  	s10 =	sld [smem:$0x3F9F]  }
0x39: {  	_ = 	snop;
	(pc) =	sbr.ind lr, $3  }
0x3a: {  	_ = 	snop  }
0x3b: {  	_ = 	snop  }
0x3c: {  	p2 =	seq.s32 s10, $0x1;
	s10 =	sld [smem:$0x3F9E]  }
0x3d: {  	_ =	shalt  }
0x3e: {  	_ =	shalt  }
0x3f: {  	_ =	shalt  }
0x40: {  	_ =	shalt  }
0x41: {  	_ =	shalt  }
0x42: {  	_ =	shalt  }
0x43: {  	_ =	shalt  }
0x44: {  	_ =	shalt  }
0x45: {  	_ =	shalt  }
0x46: {  	_ =	shalt  }
0x47: {  	_ =	shalt  }
0x48: {  	_ =	shalt  }
0x49: {  	_ =	shalt  }
0x4a: {  	_ =	shalt  }
0x4b: {  	_ =	shalt  }
0x4c: {  	_ =	shalt  }
0x4d: {  	_ =	shalt  }
0x4e: {  	_ =	shalt  }
0x4f: {  	_ =	shalt  }
0x50: {  	_ =	shalt  }
0x51: {  	_ =	shalt  }
0x52: {  	_ =	shalt  }
0x53: {  	_ =	shalt  }
0x54: {  	_ =	shalt  }
0x55: {  	_ =	shalt  }
0x56: {  	_ =	shalt  }
0x57: {  	_ =	shalt  }
0x58: {  	_ =	shalt  }
0x59: {  	_ =	shalt  }
0x5a: {  	_ =	shalt  }
0x5b: {  	_ =	shalt  }
0x5c: {  	_ =	shalt  }
0x5d: {  	_ =	shalt  }
0x5e: {  	_ =	shalt  }
0x5f: {  	_ =	shalt  }
0x60: {  	_ =	shalt  }
0x61: {  	_ =	shalt  }
0x62: {  	_ =	shalt  }
0x63: {  	_ =	shalt  }
0x64: {  	_ =	shalt  }
0x65: {  	_ =	shalt  }
0x66: {  	_ =	shalt  }
0x67: {  	_ =	shalt  }
0x68: {  	_ =	shalt  }
0x69: {  	_ =	shalt  }
0x6a: {  	_ =	shalt  }
0x6b: {  	_ =	shalt  }
0x6c: {  	_ =	shalt  }
0x6d: {  	_ =	shalt  }
0x6e: {  	_ =	shalt  }
0x6f: {  	_ =	shalt  }
0x70: {  	_ =	shalt  }
0x71: {  	_ =	shalt  }
0x72: {  	_ =	shalt  }
0x73: {  	_ =	shalt  }
0x74: {  	_ =	shalt  }
0x75: {  	_ =	shalt  }
0x76: {  	_ =	shalt  }
0x77: {  	_ =	shalt  }
0x78: {  	_ =	shalt  }
0x79: {  	_ =	shalt  }
0x7a: {  	_ =	shalt  }
0x7b: {  	_ =	shalt  }
0x7c: {  	_ =	shalt  }
0x7d: {  	_ =	shalt  }
0x7e: {  	_ =	shalt  }
0x7f: {  	_ =	shalt  }
0x80: {  	_ =	shalt  }
0x81: {  	_ =	shalt  }
0x82: {  	_ =	shalt  }
0x83: {  	_ =	shalt  }
0x84: {  	_ =	shalt  }
0x85: {  	_ =	shalt  }
0x86: {  	_ =	shalt  }
0x87: {  	_ =	shalt  }
.Lfunc_end0:
.L_simem_size_0:
called_computation_lowered:
.L_overlay_start_0:
0x88: {  	s2 =	sld [smem:$0x3FD9]  }
0x89: {  	s3 =	sld [smem:$0x3FFE];
	_ =	sdelay $0x1  }
0x8a: {  	s1 =	srdreg.scid  }
0x8b: {  	s0 =	sand.u32 $0x1, s1  }
0x8c: {  	s16 =	sshll.u32 s0, $0xA;
	s2 =	sadd.s32 s3, s2  }
0x8d: {  	s2 =	sadd.s32 s2, s16  }
0x8e: {  	[smem:$0x3FAA] =	sst s2  }
0x8f: {  	_ = 	snop  }
0x90: {  	(tm) =	ssettm $0x1  }
0x91: {  	s17 =	sld [smem:$0x3FFB];
	_ =	sdelay $0x3  }
0x92: {  	_ =	strace s17  }
0x93: {  	s2 =	sld [smem:$0x3FFC];
	_ =	sdelay $0x3  }
0x94: {  	_ =	strace s2  }
0x95: {  	s2 =	sld [smem:$0x3FFD];
	_ =	sdelay $0x3  }
0x96: {  	_ =	strace s2  }
0x97: {  	_ =	strace $0x8FFFFFFF  }
0x98: {  	s18 =	sld [smem:$0x3FDB];
	_ =	sdelay $0x1  }
0x99: {  	s19 =	simm.s32 $_scs_section_size  }
0x9a: {  	s4 =	simm.s32 $_size__tile_overlayer_lowered;
	s5 =	simm.s32 $_tile_overlayer_lowered  }
0x9b: {  	s22 =	simm.s32 $0x1BFF;
	s21 =	sshll.u32 s5, $0x1;
	s2 =	sadd.s32 s19, s18  }
0x9c: {  	s6 =	simm.s32 $0x0;
	s20 =	sshll.u32 s4, $0x1;
	s4 =	sadd.s32 s21, s2  }
0x9d: {  	[timem:s6], [sflag:s22] =	dma.local [hbm:s4], s20  }
0x9e: {  	_ =	swait.ge [sflag:s22], s20  }
0x9f: {  	s3 =	ssub.s32 $0x0, s20;
	[sflag:s22] =	ssyncset.done $0x0  }
0xa0: {  	[sflag:s22] =	ssyncadd.s32 s3;
	_ =	sdelay $0x1  }
0xa1: {  	s23 =	simm.s32 $0x1B8B  }
0xa2: {  	_ =	swait.ge [sflag:s23], $0x1  }
0xa3: {  	[sflag:s23] =	ssyncset.done $0x0  }
0xa4: {  	s25 =	simm.s32 $0x1B8E;
	s24 =	sld [smem:$0x3FFE];
	[sflag:s23] =	ssyncadd.s32 $0xFFFFFFFF  }
0xa5: {  	s26 =	simm.s32 $execute0_lowered;
	[smem:$0x3FD2] =	sst s25  }
0xa6: {  	s4 =	sshll.u32 s26, $0x1;
	_ =	strace $0x80000046;
	[dreg:$0x1] =	wrdreg $0xFFFFFFFF  }
0xa7: {  	s28 =	simm.s32 $_size_execute0_lowered;
	s2 =	sadd.s32 s2, s4;
	[dreg:$0x0] =	wrdreg $0x0  }
0xa8: {  	s4 =	sshll.u32 s28, $0x1;
	[dreg:$0x2] =	wrdreg s2  }
0xa9: {  	[dreg:$0x3] =	wrdreg s4  }
0xaa: {  	[dreg:$0x4] =	wrdreg $0xC0  }
0xab: {  	_ =	task [dreg:s6], $0x5FFFF  }
0xac: {  	[dreg:$0x1] =	wrdreg $0xFFFFFFFF  }
0xad: {  	[dreg:$0x0] =	wrdreg $0x60  }
0xae: {  	[dreg:$0x2] =	wrdreg s24  }
0xaf: {  	[dreg:$0x3] =	wrdreg $0x9  }
0xb0: {  	_ =	task.clear_ibuf [dreg:s6], $0x4FFFF;
	_ =	strace $0x90000046  }
0xb1: {  	s29 =	simm.s32 $0x9;
	_ =	strace $0x80000048  }
0xb2: {  	_ =	swait.ge [sflag:s29], $0x1  }
0xb3: {  	[sflag:s29] =	ssyncadd.s32 $0xFFFFFFFF  }
0xb4: {  	_ =	strace $0x90000048  }
0xb5: {  	_ =	sfence  }
0xb6: {  	s30 =	sld [smem:$0x0];
	_ =	sdelay $0x2  }
0xb7: {  	s31 =	sshll.u32 s1, $0xD;
	s1 =	sshrl.u32 s1, $0x2  }
0xb8: {  	s3 =	sand.u32 $0x4000, s31;
	s1 =	sadd.s32 s1, s30  }
0xb9: {  	s0 =	sor.u32 s3, s0;
	s1 =	sshll.u32 s1, $0x11  }
0xba: {  	s0 =	sor.u32 s1, s0  }
0xbb: {  	s0 =	sadd.s32 $0x8F2B, s0  }
0xbc: {  	[sflag:s0] =	ssyncadd.remote.s32 $0x1  }
0xbd: {  	_ =	sfence.sel $0xFFFF  }
0xbe: {  	[dreg:$0x0] =	wrdreg $0xFFFFFFFF;
	(pc) =	sbr.abs _section_cstart, $3  }
0xbf: {  	[dreg:$0x1] =	wrdreg $0xFFFFFFFF  }
0xc0: {  	_ =	task.clear_ibuf [dreg:s6], $0x2FFFF;
	_ =	strace $0x9FFFFFFF  }
0xc1: {  	(tm) =	ssettm $0x7FFFFFFF  }
tec
execute0_lowered:
.L_overlay_start_1:
0x0: {  	(tag) =	ssettag $0x1  }
0x1: {  	s0 =	srdreg.scid  }
0x2: {  	s1 =	stileid.u32;
	s3 =	rddreg [dreg:$0x0]  }
0x3: {  	s2 =	simm.s32 $0x0;
	s12 =	simm.s32 $0x4780;
	s29 =	simm.s32 $0x100  }
0x4: {  	s9 =	simm.s32 $0x8780;
	s0 =	sand.u32 $0x1, s0;
	s1 =	sshll.u32 s1, $0x1  }
0x5: {  	s30 =	simm.s32 $0x180;
	s7 =	simm.s32 $0xC780;
	s1 =	sor.u32 s0, s1  }
0x6: {  	s31 =	simm.s32 $0x200;
	s28 =	simm.s32 $0x280;
	s4 =	smul.u32 $0xF0, s1  }
0x7: {  	s11 =	simm.s32 $0x4;
	s10 =	simm.s32 $0x5;
	s5 =	smul.u32 $0x3C000, s1  }
0x8: {  	p0 =	por $0x0, $0x0;
	[smem:$0x7FF] =	sst s2;
	s1 =	smul.u32 $0x7800, s1  }
0x9: {  	s6 =	sadd.s32 $0x56A00, s3;
	s8 =	sadd.s32 $0x8800, s3;
	_ =	strace $0x80000047  }
0xa: {  	s4 =	sadd.s32 s4, s3;
	s5 =	sshrl.u32 s5, $0x3;
	s1 =	sadd.s32 s6, s1  }
0xb: {  	s4 =	sadd.s32 $0x6A00, s4;
	s13 =	sadd.s32 s6, s5;
	[dreg:$0x3] =	wrdreg s1  }
0xc: {  	s0 =	ssub.s32 $0x2, s0;
	[dreg:$0x2] =	wrdreg s4;
	s14 =	sadd.s32 $0x800, s13  }
0xd: {  	s24 =	sshrl.u32 s0, $0x1;
	s15 =	sadd.s32 $0x1000, s13;
	[dreg:$0x4] =	wrdreg s14  }
0xe: {  	s0 =	ssub.s32 s0, s24;
	s16 =	sadd.s32 $0x1800, s13;
	[dreg:$0x5] =	wrdreg s15  }
0xf: {  	s24 =	simm.s32 $0x400;
	s17 =	sadd.s32 $0x2000, s13;
	[dreg:$0x6] =	wrdreg s16  }
0x10: {  	s0 =	smax.u32 s0, $0x1;
	s18 =	sadd.s32 $0x2800, s13;
	[dreg:$0x7] =	wrdreg s17  }
0x11: {  	s3 =	simm.s32 $0x6;
	s19 =	sadd.s32 $0x3000, s13;
	[dreg:$0x8] =	wrdreg s18  }
0x12: {  	s6 =	simm.s32 $0x10780;
	s20 =	sadd.s32 $0x3800, s13;
	[dreg:$0x9] =	wrdreg s19  }
0x13: {  	p1 =	sne.s32 s0, $0x1;
	s21 =	sadd.s32 $0x4000, s13;
	[dreg:$0xa] =	wrdreg s20  }
0x14: {  	s1 =	sadd.s32 $0xFFFFFFFF, s0;
	s22 =	sadd.s32 $0x4800, s13;
	[dreg:$0xb] =	wrdreg s21  }
0x15: {  	s23 =	sadd.s32 $0x5000, s13;
	s25 =	sadd.s32 $0x5800, s13;
	[dreg:$0xc] =	wrdreg s22  }
0x16: {  	s26 =	sadd.s32 $0x6000, s13;
	s5 =	sadd.s32 $0x6800, s13;
	[dreg:$0xd] =	wrdreg s23  }
0x17: {  	s4 =	sadd.s32 $0x7000, s13;
	s13 =	simm.s32 $0x3;
	[dreg:$0xe] =	wrdreg s25  }
.Ltmp0:
0x18: {  	[dreg:$0xf] =	wrdreg s26;
	s16 =	simm.s32 $0x80;
	(pc) =	sbr.rel @!p1 .LBB2_3-.Ltmp0, $4  }
0x19: {  	s14 =	simm.s32 $0x780;
	s17 =	simm.s32 $0x1;
	s15 =	simm.s32 $0x2  }
0x1a: {  	s26 =	simm.s32 $0x300;
	s25 =	simm.s32 $0x380;
	s23 =	simm.s32 $0x480  }
0x1b: {  	s22 =	simm.s32 $0x500;
	s21 =	simm.s32 $0x580;
	s20 =	simm.s32 $0x600  }
0x1c: {  	s19 =	simm.s32 $0x680;
	s18 =	simm.s32 $0x700;
	s0 =	rddreg [dreg:$0x2]  }
0x1d: {  	[tilespmem:s2], [sflag:$0x6] =	stream.linear.gather [hbm4b:s0+s2], $0x780, $0x38;
	[tilespmem:$0x14780] =	vst v63  }
0x1e: {  	_ =	swait.ge [sflag:s3], $0x780  }
0x1f: {  	[sflag:s3] =	ssyncset.done $0x0  }
0x20: {  	[sflag:s3] =	ssyncadd.s32 $0xFFFFF880  }
0x21: {  	[tilespmem:s14], [sflag:$0x1] =	stream.indirect.gather [hbm4b:s8+s16], $0x80, s2, s16, $0xb8;
	[tilespmem:$0x14780] =	vst v63  }
0x22: {  	_ = 	snop  }
0x23: {  	[tilespmem:s12], [sflag:$0x2] =	stream.indirect.gather [hbm4b:s8+s16], $0x80, s16, s16, $0xb8;
	[tilespmem:$0x14780] =	vst v63  }
0x24: {  	_ = 	snop  }
0x25: {  	[tilespmem:s9], [sflag:$0x3] =	stream.indirect.gather [hbm4b:s8+s16], $0x80, s29, s16, $0xb8;
	[tilespmem:$0x14780] =	vst v63  }
0x26: {  	_ = 	snop  }
0x27: {  	[tilespmem:s7], [sflag:$0x4] =	stream.indirect.gather [hbm4b:s8+s16], $0x80, s30, s16, $0xb8;
	[tilespmem:$0x14780] =	vst v63  }
0x28: {  	_ = 	snop  }
0x29: {  	[tilespmem:s6], [sflag:$0x5] =	stream.indirect.gather [hbm4b:s8+s16], $0x80, s31, s16, $0xb8;
	[tilespmem:$0x14780] =	vst v63  }
0x2a: {  	_ =	swait.ge [sflag:s17], $0x4000  }
0x2b: {  	[sflag:s17] =	ssyncset.done $0x0  }
0x2c: {  	s0 =	rddreg [dreg:$0x3];
	[sflag:s17] =	ssyncadd.s32 $0xFFFFC000  }
0x2d: {  	[hbm4b:s0+s2] =	stream.linear.scatter [tilespmem:s14], [sflag:$0x6], $0x4000, $0x38;
	[tilespmem:$0x14780] =	vst v63  }
0x2e: {  	_ =	swait.ge [sflag:s3], $0x4000  }
0x2f: {  	[sflag:s3] =	ssyncset.done $0x0  }
0x30: {  	[sflag:s3] =	ssyncadd.s32 $0xFFFFC000  }
0x31: {  	[tilespmem:s14], [sflag:$0x1] =	stream.indirect.gather [hbm4b:s8+s16], $0x80, s28, s16, $0xb8;
	[tilespmem:$0x14780] =	vst v63  }
0x32: {  	_ =	swait.ge [sflag:s15], $0x4000  }
0x33: {  	[sflag:s15] =	ssyncset.done $0x0  }
0x34: {  	s0 =	rddreg [dreg:$0x4];
	[sflag:s15] =	ssyncadd.s32 $0xFFFFC000  }
0x35: {  	[hbm4b:s0+s2] =	stream.linear.scatter [tilespmem:s12], [sflag:$0x6], $0x4000, $0x38;
	[tilespmem:$0x14780] =	vst v63  }
0x36: {  	_ =	swait.ge [sflag:s3], $0x4000  }
0x37: {  	[sflag:s3] =	ssyncset.done $0x0  }
0x38: {  	[sflag:s3] =	ssyncadd.s32 $0xFFFFC000  }
0x39: {  	[tilespmem:s12], [sflag:$0x2] =	stream.indirect.gather [hbm4b:s8+s16], $0x80, s26, s16, $0xb8;
	[tilespmem:$0x14780] =	vst v63  }
0x3a: {  	_ =	swait.ge [sflag:s13], $0x4000  }
0x3b: {  	[sflag:s13] =	ssyncset.done $0x0  }
0x3c: {  	s0 =	rddreg [dreg:$0x5];
	[sflag:s13] =	ssyncadd.s32 $0xFFFFC000  }
0x3d: {  	[hbm4b:s0+s2] =	stream.linear.scatter [tilespmem:s9], [sflag:$0x6], $0x4000, $0x38;
	[tilespmem:$0x14780] =	vst v63  }
0x3e: {  	_ =	swait.ge [sflag:s3], $0x4000  }
0x3f: {  	[sflag:s3] =	ssyncset.done $0x0  }
0x40: {  	[sflag:s3] =	ssyncadd.s32 $0xFFFFC000  }
0x41: {  	[tilespmem:s9], [sflag:$0x3] =	stream.indirect.gather [hbm4b:s8+s16], $0x80, s25, s16, $0xb8;
	[tilespmem:$0x14780] =	vst v63  }
0x42: {  	_ =	swait.ge [sflag:s11], $0x4000  }
0x43: {  	[sflag:s11] =	ssyncset.done $0x0  }
0x44: {  	s0 =	rddreg [dreg:$0x6];
	[sflag:s11] =	ssyncadd.s32 $0xFFFFC000  }
0x45: {  	[hbm4b:s0+s2] =	stream.linear.scatter [tilespmem:s7], [sflag:$0x6], $0x4000, $0x38;
	[tilespmem:$0x14780] =	vst v63  }
0x46: {  	_ =	swait.ge [sflag:s3], $0x4000  }
0x47: {  	[sflag:s3] =	ssyncset.done $0x0  }
0x48: {  	[sflag:s3] =	ssyncadd.s32 $0xFFFFC000  }
0x49: {  	[tilespmem:s7], [sflag:$0x4] =	stream.indirect.gather [hbm4b:s8+s16], $0x80, s24, s16, $0xb8;
	[tilespmem:$0x14780] =	vst v63  }
0x4a: {  	_ =	swait.ge [sflag:s10], $0x4000  }
0x4b: {  	[sflag:s10] =	ssyncset.done $0x0  }
0x4c: {  	s0 =	rddreg [dreg:$0x7];
	[sflag:s10] =	ssyncadd.s32 $0xFFFFC000  }
0x4d: {  	[hbm4b:s0+s2] =	stream.linear.scatter [tilespmem:s6], [sflag:$0x6], $0x4000, $0x38;
	[tilespmem:$0x14780] =	vst v63  }
0x4e: {  	_ =	swait.ge [sflag:s3], $0x4000  }
0x4f: {  	[sflag:s3] =	ssyncset.done $0x0  }
0x50: {  	[sflag:s3] =	ssyncadd.s32 $0xFFFFC000  }
0x51: {  	[tilespmem:s6], [sflag:$0x5] =	stream.indirect.gather [hbm4b:s8+s16], $0x80, s23, s16, $0xb8;
	[tilespmem:$0x14780] =	vst v63  }
0x52: {  	_ =	swait.ge [sflag:s17], $0x4000  }
0x53: {  	[sflag:s17] =	ssyncset.done $0x0  }
0x54: {  	s0 =	rddreg [dreg:$0x8];
	[sflag:s17] =	ssyncadd.s32 $0xFFFFC000  }
0x55: {  	[hbm4b:s0+s2] =	stream.linear.scatter [tilespmem:s14], [sflag:$0x6], $0x4000, $0x38;
	[tilespmem:$0x14780] =	vst v63  }
0x56: {  	_ =	swait.ge [sflag:s3], $0x4000  }
0x57: {  	[sflag:s3] =	ssyncset.done $0x0  }
0x58: {  	[sflag:s3] =	ssyncadd.s32 $0xFFFFC000  }
0x59: {  	[tilespmem:s14], [sflag:$0x1] =	stream.indirect.gather [hbm4b:s8+s16], $0x80, s22, s16, $0xb8;
	[tilespmem:$0x14780] =	vst v63  }
0x5a: {  	_ =	swait.ge [sflag:s15], $0x4000  }
0x5b: {  	[sflag:s15] =	ssyncset.done $0x0  }
0x5c: {  	s0 =	rddreg [dreg:$0x9];
	[sflag:s15] =	ssyncadd.s32 $0xFFFFC000  }
0x5d: {  	[hbm4b:s0+s2] =	stream.linear.scatter [tilespmem:s12], [sflag:$0x6], $0x4000, $0x38;
	[tilespmem:$0x14780] =	vst v63  }
0x5e: {  	_ =	swait.ge [sflag:s3], $0x4000  }
0x5f: {  	[sflag:s3] =	ssyncset.done $0x0  }
0x60: {  	[sflag:s3] =	ssyncadd.s32 $0xFFFFC000  }
0x61: {  	[tilespmem:s12], [sflag:$0x2] =	stream.indirect.gather [hbm4b:s8+s16], $0x80, s21, s16, $0xb8;
	[tilespmem:$0x14780] =	vst v63  }
0x62: {  	_ =	swait.ge [sflag:s13], $0x4000  }
0x63: {  	[sflag:s13] =	ssyncset.done $0x0  }
0x64: {  	s0 =	rddreg [dreg:$0xa];
	[sflag:s13] =	ssyncadd.s32 $0xFFFFC000  }
0x65: {  	[hbm4b:s0+s2] =	stream.linear.scatter [tilespmem:s9], [sflag:$0x6], $0x4000, $0x38;
	[tilespmem:$0x14780] =	vst v63  }
0x66: {  	_ =	swait.ge [sflag:s3], $0x4000  }
0x67: {  	[sflag:s3] =	ssyncset.done $0x0  }
0x68: {  	[sflag:s3] =	ssyncadd.s32 $0xFFFFC000  }
0x69: {  	[tilespmem:s9], [sflag:$0x3] =	stream.indirect.gather [hbm4b:s8+s16], $0x80, s20, s16, $0xb8;
	[tilespmem:$0x14780] =	vst v63  }
0x6a: {  	_ =	swait.ge [sflag:s11], $0x4000  }
0x6b: {  	[sflag:s11] =	ssyncset.done $0x0  }
0x6c: {  	s0 =	rddreg [dreg:$0xb];
	[sflag:s11] =	ssyncadd.s32 $0xFFFFC000  }
0x6d: {  	[hbm4b:s0+s2] =	stream.linear.scatter [tilespmem:s7], [sflag:$0x6], $0x4000, $0x38;
	[tilespmem:$0x14780] =	vst v63  }
0x6e: {  	_ =	swait.ge [sflag:s3], $0x4000  }
0x6f: {  	[sflag:s3] =	ssyncset.done $0x0  }
0x70: {  	[sflag:s3] =	ssyncadd.s32 $0xFFFFC000  }
0x71: {  	[tilespmem:s7], [sflag:$0x4] =	stream.indirect.gather [hbm4b:s8+s16], $0x80, s19, s16, $0xb8;
	[tilespmem:$0x14780] =	vst v63  }
0x72: {  	_ =	swait.ge [sflag:s10], $0x4000  }
0x73: {  	[sflag:s10] =	ssyncset.done $0x0  }
0x74: {  	s0 =	rddreg [dreg:$0xc];
	[sflag:s10] =	ssyncadd.s32 $0xFFFFC000  }
0x75: {  	[hbm4b:s0+s2] =	stream.linear.scatter [tilespmem:s6], [sflag:$0x6], $0x4000, $0x38;
	[tilespmem:$0x14780] =	vst v63  }
0x76: {  	_ =	swait.ge [sflag:s3], $0x4000  }
0x77: {  	[sflag:s3] =	ssyncset.done $0x0  }
0x78: {  	[sflag:s3] =	ssyncadd.s32 $0xFFFFC000  }
0x79: {  	[tilespmem:s6], [sflag:$0x5] =	stream.indirect.gather [hbm4b:s8+s16], $0x80, s18, s16, $0xb8;
	[tilespmem:$0x14780] =	vst v63  }
0x7a: {  	_ =	swait.ge [sflag:s17], $0x4000  }
0x7b: {  	[sflag:s17] =	ssyncset.done $0x0  }
0x7c: {  	s0 =	rddreg [dreg:$0xd];
	[sflag:s17] =	ssyncadd.s32 $0xFFFFC000  }
0x7d: {  	[hbm4b:s0+s2] =	stream.linear.scatter [tilespmem:s14], [sflag:$0x6], $0x4000, $0x38;
	[tilespmem:$0x14780] =	vst v63  }
0x7e: {  	_ =	swait.ge [sflag:s3], $0x4000  }
0x7f: {  	[sflag:s3] =	ssyncset.done $0x0  }
0x80: {  	[sflag:s3] =	ssyncadd.s32 $0xFFFFC000  }
0x81: {  	_ =	swait.ge [sflag:s15], $0x4000  }
0x82: {  	[sflag:s15] =	ssyncset.done $0x0  }
0x83: {  	s0 =	rddreg [dreg:$0xe];
	[sflag:s15] =	ssyncadd.s32 $0xFFFFC000  }
0x84: {  	[hbm4b:s0+s2] =	stream.linear.scatter [tilespmem:s12], [sflag:$0x6], $0x4000, $0x38;
	[tilespmem:$0x14780] =	vst v63  }
0x85: {  	_ =	swait.ge [sflag:s3], $0x4000  }
0x86: {  	[sflag:s3] =	ssyncset.done $0x0  }
0x87: {  	[sflag:s3] =	ssyncadd.s32 $0xFFFFC000  }
0x88: {  	_ =	swait.ge [sflag:s13], $0x4000  }
0x89: {  	[sflag:s13] =	ssyncset.done $0x0  }
0x8a: {  	s0 =	rddreg [dreg:$0xf];
	[sflag:s13] =	ssyncadd.s32 $0xFFFFC000  }
0x8b: {  	[hbm4b:s0+s2] =	stream.linear.scatter [tilespmem:s9], [sflag:$0x6], $0x4000, $0x38;
	[tilespmem:$0x14780] =	vst v63  }
0x8c: {  	_ =	swait.ge [sflag:s3], $0x4000  }
0x8d: {  	[sflag:s3] =	ssyncset.done $0x0  }
0x8e: {  	[sflag:s3] =	ssyncadd.s32 $0xFFFFC000  }
0x8f: {  	_ =	swait.ge [sflag:s11], $0x4000  }
0x90: {  	[sflag:s11] =	ssyncset.done $0x0  }
0x91: {  	[sflag:s11] =	ssyncadd.s32 $0xFFFFC000  }
0x92: {  	[hbm4b:s5+s2] =	stream.linear.scatter [tilespmem:s7], [sflag:$0x6], $0x4000, $0x38;
	[tilespmem:$0x14780] =	vst v63  }
0x93: {  	_ =	swait.ge [sflag:s3], $0x4000  }
0x94: {  	[sflag:s3] =	ssyncset.done $0x0  }
0x95: {  	[sflag:s3] =	ssyncadd.s32 $0xFFFFC000  }
0x96: {  	p1 =	sne.s32 s1, $0x1;
	_ =	swait.ge [sflag:s10], $0x4000  }
.Ltmp1:
0x97: {  	[sflag:s10] =	ssyncset.done $0x0;
	(pc) =	sbr.rel @!p1 .LBB2_3-.Ltmp1, $4  }
0x98: {  	[sflag:s10] =	ssyncadd.s32 $0xFFFFC000  }
0x99: {  	[hbm4b:s4+s2] =	stream.linear.scatter [tilespmem:s6], [sflag:$0x6], $0x4000, $0x38;
	[tilespmem:$0x14780] =	vst v63  }
0x9a: {  	s1 =	sadd.s32 $0xFFFFFFFF, s1;
	_ =	swait.ge [sflag:s3], $0x4000  }
0x9b: {  	p0 =	por $0x1, $0x1;
	s0 =	rddreg [dreg:$0x2];
	[sflag:s3] =	ssyncset.done $0x0  }
.LBB2_2:
0x9c: {  	[sflag:s3] =	ssyncadd.s32 $0xFFFFC000  }
0x9d: {  	[tilespmem:s2], [sflag:$0x6] =	stream.linear.gather [hbm4b:s0+s2], $0x780, $0x38;
	[tilespmem:$0x14780] =	vst v63  }
0x9e: {  	_ =	swait.ge [sflag:s3], $0x780  }
0x9f: {  	[sflag:s3] =	ssyncset.done $0x0  }
0xa0: {  	[sflag:s3] =	ssyncadd.s32 $0xFFFFF880  }
0xa1: {  	[tilespmem:s14], [sflag:$0x1] =	stream.indirect.gather [hbm4b:s8+s16], $0x80, s2, s16, $0xb8;
	[tilespmem:$0x14780] =	vst v63  }
0xa2: {  	_ = 	snop  }
0xa3: {  	[tilespmem:s12], [sflag:$0x2] =	stream.indirect.gather [hbm4b:s8+s16], $0x80, s16, s16, $0xb8;
	[tilespmem:$0x14780] =	vst v63  }
0xa4: {  	_ = 	snop  }
0xa5: {  	[tilespmem:s9], [sflag:$0x3] =	stream.indirect.gather [hbm4b:s8+s16], $0x80, s29, s16, $0xb8;
	[tilespmem:$0x14780] =	vst v63  }
0xa6: {  	_ = 	snop  }
0xa7: {  	[tilespmem:s7], [sflag:$0x4] =	stream.indirect.gather [hbm4b:s8+s16], $0x80, s30, s16, $0xb8;
	[tilespmem:$0x14780] =	vst v63  }
0xa8: {  	_ = 	snop  }
0xa9: {  	[tilespmem:s6], [sflag:$0x5] =	stream.indirect.gather [hbm4b:s8+s16], $0x80, s31, s16, $0xb8;
	[tilespmem:$0x14780] =	vst v63  }
0xaa: {  	_ =	swait.ge [sflag:s17], $0x4000  }
0xab: {  	[sflag:s17] =	ssyncset.done $0x0  }
0xac: {  	s0 =	rddreg [dreg:$0x3];
	[sflag:s17] =	ssyncadd.s32 $0xFFFFC000  }
0xad: {  	[hbm4b:s0+s2] =	stream.linear.scatter [tilespmem:s14], [sflag:$0x6], $0x4000, $0x38;
	[tilespmem:$0x14780] =	vst v63  }
0xae: {  	_ =	swait.ge [sflag:s3], $0x4000  }
0xaf: {  	[sflag:s3] =	ssyncset.done $0x0  }
0xb0: {  	[sflag:s3] =	ssyncadd.s32 $0xFFFFC000  }
0xb1: {  	[tilespmem:s14], [sflag:$0x1] =	stream.indirect.gather [hbm4b:s8+s16], $0x80, s28, s16, $0xb8;
	[tilespmem:$0x14780] =	vst v63  }
0xb2: {  	_ =	swait.ge [sflag:s15], $0x4000  }
0xb3: {  	[sflag:s15] =	ssyncset.done $0x0  }
0xb4: {  	s0 =	rddreg [dreg:$0x4];
	[sflag:s15] =	ssyncadd.s32 $0xFFFFC000  }
0xb5: {  	[hbm4b:s0+s2] =	stream.linear.scatter [tilespmem:s12], [sflag:$0x6], $0x4000, $0x38;
	[tilespmem:$0x14780] =	vst v63  }
0xb6: {  	_ =	swait.ge [sflag:s3], $0x4000  }
0xb7: {  	[sflag:s3] =	ssyncset.done $0x0  }
0xb8: {  	[sflag:s3] =	ssyncadd.s32 $0xFFFFC000  }
0xb9: {  	[tilespmem:s12], [sflag:$0x2] =	stream.indirect.gather [hbm4b:s8+s16], $0x80, s26, s16, $0xb8;
	[tilespmem:$0x14780] =	vst v63  }
0xba: {  	_ =	swait.ge [sflag:s13], $0x4000  }
0xbb: {  	[sflag:s13] =	ssyncset.done $0x0  }
0xbc: {  	s0 =	rddreg [dreg:$0x5];
	[sflag:s13] =	ssyncadd.s32 $0xFFFFC000  }
0xbd: {  	[hbm4b:s0+s2] =	stream.linear.scatter [tilespmem:s9], [sflag:$0x6], $0x4000, $0x38;
	[tilespmem:$0x14780] =	vst v63  }
0xbe: {  	_ =	swait.ge [sflag:s3], $0x4000  }
0xbf: {  	[sflag:s3] =	ssyncset.done $0x0  }
0xc0: {  	[sflag:s3] =	ssyncadd.s32 $0xFFFFC000  }
0xc1: {  	[tilespmem:s9], [sflag:$0x3] =	stream.indirect.gather [hbm4b:s8+s16], $0x80, s25, s16, $0xb8;
	[tilespmem:$0x14780] =	vst v63  }
0xc2: {  	_ =	swait.ge [sflag:s11], $0x4000  }
0xc3: {  	[sflag:s11] =	ssyncset.done $0x0  }
0xc4: {  	s0 =	rddreg [dreg:$0x6];
	[sflag:s11] =	ssyncadd.s32 $0xFFFFC000  }
0xc5: {  	[hbm4b:s0+s2] =	stream.linear.scatter [tilespmem:s7], [sflag:$0x6], $0x4000, $0x38;
	[tilespmem:$0x14780] =	vst v63  }
0xc6: {  	_ =	swait.ge [sflag:s3], $0x4000  }
0xc7: {  	[sflag:s3] =	ssyncset.done $0x0  }
0xc8: {  	[sflag:s3] =	ssyncadd.s32 $0xFFFFC000  }
0xc9: {  	[tilespmem:s7], [sflag:$0x4] =	stream.indirect.gather [hbm4b:s8+s16], $0x80, s24, s16, $0xb8;
	[tilespmem:$0x14780] =	vst v63  }
0xca: {  	_ =	swait.ge [sflag:s10], $0x4000  }
0xcb: {  	[sflag:s10] =	ssyncset.done $0x0  }
0xcc: {  	s0 =	rddreg [dreg:$0x7];
	[sflag:s10] =	ssyncadd.s32 $0xFFFFC000  }
0xcd: {  	[hbm4b:s0+s2] =	stream.linear.scatter [tilespmem:s6], [sflag:$0x6], $0x4000, $0x38;
	[tilespmem:$0x14780] =	vst v63  }
0xce: {  	_ =	swait.ge [sflag:s3], $0x4000  }
0xcf: {  	[sflag:s3] =	ssyncset.done $0x0  }
0xd0: {  	[sflag:s3] =	ssyncadd.s32 $0xFFFFC000  }
0xd1: {  	[tilespmem:s6], [sflag:$0x5] =	stream.indirect.gather [hbm4b:s8+s16], $0x80, s23, s16, $0xb8;
	[tilespmem:$0x14780] =	vst v63  }
0xd2: {  	_ =	swait.ge [sflag:s17], $0x4000  }
0xd3: {  	[sflag:s17] =	ssyncset.done $0x0  }
0xd4: {  	s0 =	rddreg [dreg:$0x8];
	[sflag:s17] =	ssyncadd.s32 $0xFFFFC000  }
0xd5: {  	[hbm4b:s0+s2] =	stream.linear.scatter [tilespmem:s14], [sflag:$0x6], $0x4000, $0x38;
	[tilespmem:$0x14780] =	vst v63  }
0xd6: {  	_ =	swait.ge [sflag:s3], $0x4000  }
0xd7: {  	[sflag:s3] =	ssyncset.done $0x0  }
0xd8: {  	[sflag:s3] =	ssyncadd.s32 $0xFFFFC000  }
0xd9: {  	[tilespmem:s14], [sflag:$0x1] =	stream.indirect.gather [hbm4b:s8+s16], $0x80, s22, s16, $0xb8;
	[tilespmem:$0x14780] =	vst v63  }
0xda: {  	_ =	swait.ge [sflag:s15], $0x4000  }
0xdb: {  	[sflag:s15] =	ssyncset.done $0x0  }
0xdc: {  	s0 =	rddreg [dreg:$0x9];
	[sflag:s15] =	ssyncadd.s32 $0xFFFFC000  }
0xdd: {  	[hbm4b:s0+s2] =	stream.linear.scatter [tilespmem:s12], [sflag:$0x6], $0x4000, $0x38;
	[tilespmem:$0x14780] =	vst v63  }
0xde: {  	_ =	swait.ge [sflag:s3], $0x4000  }
0xdf: {  	[sflag:s3] =	ssyncset.done $0x0  }
0xe0: {  	[sflag:s3] =	ssyncadd.s32 $0xFFFFC000  }
0xe1: {  	[tilespmem:s12], [sflag:$0x2] =	stream.indirect.gather [hbm4b:s8+s16], $0x80, s21, s16, $0xb8;
	[tilespmem:$0x14780] =	vst v63  }
0xe2: {  	_ =	swait.ge [sflag:s13], $0x4000  }
0xe3: {  	[sflag:s13] =	ssyncset.done $0x0  }
0xe4: {  	s0 =	rddreg [dreg:$0xa];
	[sflag:s13] =	ssyncadd.s32 $0xFFFFC000  }
0xe5: {  	[hbm4b:s0+s2] =	stream.linear.scatter [tilespmem:s9], [sflag:$0x6], $0x4000, $0x38;
	[tilespmem:$0x14780] =	vst v63  }
0xe6: {  	_ =	swait.ge [sflag:s3], $0x4000  }
0xe7: {  	[sflag:s3] =	ssyncset.done $0x0  }
0xe8: {  	[sflag:s3] =	ssyncadd.s32 $0xFFFFC000  }
0xe9: {  	[tilespmem:s9], [sflag:$0x3] =	stream.indirect.gather [hbm4b:s8+s16], $0x80, s20, s16, $0xb8;
	[tilespmem:$0x14780] =	vst v63  }
0xea: {  	_ =	swait.ge [sflag:s11], $0x4000  }
0xeb: {  	[sflag:s11] =	ssyncset.done $0x0  }
0xec: {  	s0 =	rddreg [dreg:$0xb];
	[sflag:s11] =	ssyncadd.s32 $0xFFFFC000  }
0xed: {  	[hbm4b:s0+s2] =	stream.linear.scatter [tilespmem:s7], [sflag:$0x6], $0x4000, $0x38;
	[tilespmem:$0x14780] =	vst v63  }
0xee: {  	_ =	swait.ge [sflag:s3], $0x4000  }
0xef: {  	[sflag:s3] =	ssyncset.done $0x0  }
0xf0: {  	[sflag:s3] =	ssyncadd.s32 $0xFFFFC000  }
0xf1: {  	[tilespmem:s7], [sflag:$0x4] =	stream.indirect.gather [hbm4b:s8+s16], $0x80, s19, s16, $0xb8;
	[tilespmem:$0x14780] =	vst v63  }
0xf2: {  	_ =	swait.ge [sflag:s10], $0x4000  }
0xf3: {  	[sflag:s10] =	ssyncset.done $0x0  }
0xf4: {  	s0 =	rddreg [dreg:$0xc];
	[sflag:s10] =	ssyncadd.s32 $0xFFFFC000  }
0xf5: {  	[hbm4b:s0+s2] =	stream.linear.scatter [tilespmem:s6], [sflag:$0x6], $0x4000, $0x38;
	[tilespmem:$0x14780] =	vst v63  }
0xf6: {  	_ =	swait.ge [sflag:s3], $0x4000  }
0xf7: {  	[sflag:s3] =	ssyncset.done $0x0  }
0xf8: {  	[sflag:s3] =	ssyncadd.s32 $0xFFFFC000  }
0xf9: {  	[tilespmem:s6], [sflag:$0x5] =	stream.indirect.gather [hbm4b:s8+s16], $0x80, s18, s16, $0xb8;
	[tilespmem:$0x14780] =	vst v63  }
0xfa: {  	_ =	swait.ge [sflag:s17], $0x4000  }
0xfb: {  	[sflag:s17] =	ssyncset.done $0x0  }
0xfc: {  	s0 =	rddreg [dreg:$0xd];
	[sflag:s17] =	ssyncadd.s32 $0xFFFFC000  }
0xfd: {  	[hbm4b:s0+s2] =	stream.linear.scatter [tilespmem:s14], [sflag:$0x6], $0x4000, $0x38;
	[tilespmem:$0x14780] =	vst v63  }
0xfe: {  	_ =	swait.ge [sflag:s3], $0x4000  }
0xff: {  	[sflag:s3] =	ssyncset.done $0x0  }
0x100: {  	[sflag:s3] =	ssyncadd.s32 $0xFFFFC000  }
0x101: {  	_ =	swait.ge [sflag:s15], $0x4000  }
0x102: {  	[sflag:s15] =	ssyncset.done $0x0  }
0x103: {  	s0 =	rddreg [dreg:$0xe];
	[sflag:s15] =	ssyncadd.s32 $0xFFFFC000  }
0x104: {  	[hbm4b:s0+s2] =	stream.linear.scatter [tilespmem:s12], [sflag:$0x6], $0x4000, $0x38;
	[tilespmem:$0x14780] =	vst v63  }
0x105: {  	_ =	swait.ge [sflag:s3], $0x4000  }
0x106: {  	[sflag:s3] =	ssyncset.done $0x0  }
0x107: {  	[sflag:s3] =	ssyncadd.s32 $0xFFFFC000  }
0x108: {  	_ =	swait.ge [sflag:s13], $0x4000  }
0x109: {  	[sflag:s13] =	ssyncset.done $0x0  }
0x10a: {  	s0 =	rddreg [dreg:$0xf];
	[sflag:s13] =	ssyncadd.s32 $0xFFFFC000  }
0x10b: {  	[hbm4b:s0+s2] =	stream.linear.scatter [tilespmem:s9], [sflag:$0x6], $0x4000, $0x38;
	[tilespmem:$0x14780] =	vst v63  }
0x10c: {  	_ =	swait.ge [sflag:s3], $0x4000  }
0x10d: {  	[sflag:s3] =	ssyncset.done $0x0  }
0x10e: {  	[sflag:s3] =	ssyncadd.s32 $0xFFFFC000  }
0x10f: {  	_ =	swait.ge [sflag:s11], $0x4000  }
0x110: {  	[sflag:s11] =	ssyncset.done $0x0  }
0x111: {  	[sflag:s11] =	ssyncadd.s32 $0xFFFFC000  }
0x112: {  	[hbm4b:s5+s2] =	stream.linear.scatter [tilespmem:s7], [sflag:$0x6], $0x4000, $0x38;
	[tilespmem:$0x14780] =	vst v63  }
0x113: {  	_ =	swait.ge [sflag:s3], $0x4000  }
0x114: {  	[sflag:s3] =	ssyncset.done $0x0  }
0x115: {  	[sflag:s3] =	ssyncadd.s32 $0xFFFFC000  }
0x116: {  	p1 =	sne.s32 s1, $0x1;
	_ =	swait.ge [sflag:s10], $0x4000  }
.Ltmp2:
0x117: {  	[sflag:s10] =	ssyncset.done $0x0;
	(pc) =	sbr.rel @p1 .LBB2_2-.Ltmp2, $4  }
0x118: {  	[sflag:s10] =	ssyncadd.s32 $0xFFFFC000  }
0x119: {  	[hbm4b:s4+s2] =	stream.linear.scatter [tilespmem:s6], [sflag:$0x6], $0x4000, $0x38;
	[tilespmem:$0x14780] =	vst v63  }
0x11a: {  	_ =	swait.ge [sflag:s3], $0x4000  }
0x11b: {  	s1 =	sadd.s32 $0xFFFFFFFF, s1;
	s0 =	rddreg [dreg:$0x2];
	[sflag:s3] =	ssyncset.done $0x0  }
.LBB2_3:
0x11c: {  	[sflag:s3] =	ssyncadd.s32 @p0 $0xFFFFC000  }
0x11d: {  	[tilespmem:s2], [sflag:$0x6] =	stream.linear.gather [hbm4b:s0+s2], $0x780, $0x38;
	[tilespmem:$0x14780] =	vst v63  }
0x11e: {  	_ =	swait.ge [sflag:s3], $0x780  }
0x11f: {  	[sflag:s3] =	ssyncset.done $0x0  }
0x120: {  	[sflag:s3] =	ssyncadd.s32 $0xFFFFF880  }
0x121: {  	[tilespmem:s14], [sflag:$0x1] =	stream.indirect.gather [hbm4b:s8+s16], $0x80, s2, s16, $0xb8;
	[tilespmem:$0x14780] =	vst v63  }
0x122: {  	_ = 	snop  }
0x123: {  	[tilespmem:s12], [sflag:$0x2] =	stream.indirect.gather [hbm4b:s8+s16], $0x80, s16, s16, $0xb8;
	[tilespmem:$0x14780] =	vst v63  }
0x124: {  	_ = 	snop  }
0x125: {  	[tilespmem:s9], [sflag:$0x3] =	stream.indirect.gather [hbm4b:s8+s16], $0x80, s29, s16, $0xb8;
	[tilespmem:$0x14780] =	vst v63  }
0x126: {  	_ = 	snop  }
0x127: {  	[tilespmem:s7], [sflag:$0x4] =	stream.indirect.gather [hbm4b:s8+s16], $0x80, s30, s16, $0xb8;
	[tilespmem:$0x14780] =	vst v63  }
0x128: {  	_ = 	snop  }
0x129: {  	[tilespmem:s6], [sflag:$0x5] =	stream.indirect.gather [hbm4b:s8+s16], $0x80, s31, s16, $0xb8;
	[tilespmem:$0x14780] =	vst v63  }
0x12a: {  	_ =	swait.ge [sflag:s17], $0x4000  }
0x12b: {  	[sflag:s17] =	ssyncset.done $0x0  }
0x12c: {  	s1 =	rddreg [dreg:$0x3];
	[sflag:s17] =	ssyncadd.s32 $0xFFFFC000  }
0x12d: {  	[hbm4b:s1+s2] =	stream.linear.scatter [tilespmem:s14], [sflag:$0x6], $0x4000, $0x38;
	[tilespmem:$0x14780] =	vst v63  }
0x12e: {  	_ =	swait.ge [sflag:s3], $0x4000  }
0x12f: {  	[sflag:s3] =	ssyncset.done $0x0  }
0x130: {  	[sflag:s3] =	ssyncadd.s32 $0xFFFFC000  }
0x131: {  	[tilespmem:s14], [sflag:$0x1] =	stream.indirect.gather [hbm4b:s8+s16], $0x80, s28, s16, $0xb8;
	[tilespmem:$0x14780] =	vst v63  }
0x132: {  	_ =	swait.ge [sflag:s15], $0x4000  }
0x133: {  	[sflag:s15] =	ssyncset.done $0x0  }
0x134: {  	s28 =	rddreg [dreg:$0x4];
	[sflag:s15] =	ssyncadd.s32 $0xFFFFC000  }
0x135: {  	[hbm4b:s28+s2] =	stream.linear.scatter [tilespmem:s12], [sflag:$0x6], $0x4000, $0x38;
	[tilespmem:$0x14780] =	vst v63  }
0x136: {  	_ =	swait.ge [sflag:s3], $0x4000  }
0x137: {  	[sflag:s3] =	ssyncset.done $0x0  }
0x138: {  	[sflag:s3] =	ssyncadd.s32 $0xFFFFC000  }
0x139: {  	[tilespmem:s12], [sflag:$0x2] =	stream.indirect.gather [hbm4b:s8+s16], $0x80, s26, s16, $0xb8;
	[tilespmem:$0x14780] =	vst v63  }
0x13a: {  	_ =	swait.ge [sflag:s13], $0x4000  }
0x13b: {  	[sflag:s13] =	ssyncset.done $0x0  }
0x13c: {  	s29 =	rddreg [dreg:$0x5];
	[sflag:s13] =	ssyncadd.s32 $0xFFFFC000  }
0x13d: {  	[hbm4b:s29+s2] =	stream.linear.scatter [tilespmem:s9], [sflag:$0x6], $0x4000, $0x38;
	[tilespmem:$0x14780] =	vst v63  }
0x13e: {  	_ =	swait.ge [sflag:s3], $0x4000  }
0x13f: {  	[sflag:s3] =	ssyncset.done $0x0  }
0x140: {  	[sflag:s3] =	ssyncadd.s32 $0xFFFFC000  }
0x141: {  	[tilespmem:s9], [sflag:$0x3] =	stream.indirect.gather [hbm4b:s8+s16], $0x80, s25, s16, $0xb8;
	[tilespmem:$0x14780] =	vst v63  }
0x142: {  	_ =	swait.ge [sflag:s11], $0x4000  }
0x143: {  	[sflag:s11] =	ssyncset.done $0x0  }
0x144: {  	s30 =	rddreg [dreg:$0x6];
	[sflag:s11] =	ssyncadd.s32 $0xFFFFC000  }
0x145: {  	[hbm4b:s30+s2] =	stream.linear.scatter [tilespmem:s7], [sflag:$0x6], $0x4000, $0x38;
	[tilespmem:$0x14780] =	vst v63  }
0x146: {  	_ =	swait.ge [sflag:s3], $0x4000  }
0x147: {  	[sflag:s3] =	ssyncset.done $0x0  }
0x148: {  	[sflag:s3] =	ssyncadd.s32 $0xFFFFC000  }
0x149: {  	[tilespmem:s7], [sflag:$0x4] =	stream.indirect.gather [hbm4b:s8+s16], $0x80, s24, s16, $0xb8;
	[tilespmem:$0x14780] =	vst v63  }
0x14a: {  	_ =	swait.ge [sflag:s10], $0x4000  }
0x14b: {  	[sflag:s10] =	ssyncset.done $0x0  }
0x14c: {  	s31 =	rddreg [dreg:$0x7];
	[sflag:s10] =	ssyncadd.s32 $0xFFFFC000  }
0x14d: {  	[hbm4b:s31+s2] =	stream.linear.scatter [tilespmem:s6], [sflag:$0x6], $0x4000, $0x38;
	[tilespmem:$0x14780] =	vst v63  }
0x14e: {  	_ =	swait.ge [sflag:s3], $0x4000  }
0x14f: {  	[sflag:s3] =	ssyncset.done $0x0  }
0x150: {  	[sflag:s3] =	ssyncadd.s32 $0xFFFFC000  }
0x151: {  	[tilespmem:s6], [sflag:$0x5] =	stream.indirect.gather [hbm4b:s8+s16], $0x80, s23, s16, $0xb8;
	[tilespmem:$0x14780] =	vst v63  }
0x152: {  	_ =	swait.ge [sflag:s17], $0x4000  }
0x153: {  	[sflag:s17] =	ssyncset.done $0x0  }
0x154: {  	s1 =	rddreg [dreg:$0x8];
	[sflag:s17] =	ssyncadd.s32 $0xFFFFC000  }
0x155: {  	[hbm4b:s1+s2] =	stream.linear.scatter [tilespmem:s14], [sflag:$0x6], $0x4000, $0x38;
	[tilespmem:$0x14780] =	vst v63  }
0x156: {  	_ =	swait.ge [sflag:s3], $0x4000  }
0x157: {  	[sflag:s3] =	ssyncset.done $0x0  }
0x158: {  	[sflag:s3] =	ssyncadd.s32 $0xFFFFC000  }
0x159: {  	[tilespmem:s14], [sflag:$0x1] =	stream.indirect.gather [hbm4b:s8+s16], $0x80, s22, s16, $0xb8;
	[tilespmem:$0x14780] =	vst v63  }
0x15a: {  	_ =	swait.ge [sflag:s15], $0x4000  }
0x15b: {  	[sflag:s15] =	ssyncset.done $0x0  }
0x15c: {  	s23 =	rddreg [dreg:$0x9];
	[sflag:s15] =	ssyncadd.s32 $0xFFFFC000  }
0x15d: {  	[hbm4b:s23+s2] =	stream.linear.scatter [tilespmem:s12], [sflag:$0x6], $0x4000, $0x38;
	[tilespmem:$0x14780] =	vst v63  }
0x15e: {  	_ =	swait.ge [sflag:s3], $0x4000  }
0x15f: {  	[sflag:s3] =	ssyncset.done $0x0  }
0x160: {  	[sflag:s3] =	ssyncadd.s32 $0xFFFFC000  }
0x161: {  	[tilespmem:s12], [sflag:$0x2] =	stream.indirect.gather [hbm4b:s8+s16], $0x80, s21, s16, $0xb8;
	[tilespmem:$0x14780] =	vst v63  }
0x162: {  	_ =	swait.ge [sflag:s13], $0x4000  }
0x163: {  	[sflag:s13] =	ssyncset.done $0x0  }
0x164: {  	s24 =	rddreg [dreg:$0xa];
	[sflag:s13] =	ssyncadd.s32 $0xFFFFC000  }
0x165: {  	[hbm4b:s24+s2] =	stream.linear.scatter [tilespmem:s9], [sflag:$0x6], $0x4000, $0x38;
	[tilespmem:$0x14780] =	vst v63  }
0x166: {  	_ =	swait.ge [sflag:s3], $0x4000  }
0x167: {  	[sflag:s3] =	ssyncset.done $0x0  }
0x168: {  	[sflag:s3] =	ssyncadd.s32 $0xFFFFC000  }
0x169: {  	[tilespmem:s9], [sflag:$0x3] =	stream.indirect.gather [hbm4b:s8+s16], $0x80, s20, s16, $0xb8;
	[tilespmem:$0x14780] =	vst v63  }
0x16a: {  	_ =	swait.ge [sflag:s11], $0x4000  }
0x16b: {  	[sflag:s11] =	ssyncset.done $0x0  }
0x16c: {  	s25 =	rddreg [dreg:$0xb];
	[sflag:s11] =	ssyncadd.s32 $0xFFFFC000  }
0x16d: {  	[hbm4b:s25+s2] =	stream.linear.scatter [tilespmem:s7], [sflag:$0x6], $0x4000, $0x38;
	[tilespmem:$0x14780] =	vst v63  }
0x16e: {  	_ =	swait.ge [sflag:s3], $0x4000  }
0x16f: {  	[sflag:s3] =	ssyncset.done $0x0  }
0x170: {  	[sflag:s3] =	ssyncadd.s32 $0xFFFFC000  }
0x171: {  	[tilespmem:s7], [sflag:$0x4] =	stream.indirect.gather [hbm4b:s8+s16], $0x80, s19, s16, $0xb8;
	[tilespmem:$0x14780] =	vst v63  }
0x172: {  	_ =	swait.ge [sflag:s10], $0x4000  }
0x173: {  	[sflag:s10] =	ssyncset.done $0x0  }
0x174: {  	s26 =	rddreg [dreg:$0xc];
	[sflag:s10] =	ssyncadd.s32 $0xFFFFC000  }
0x175: {  	[hbm4b:s26+s2] =	stream.linear.scatter [tilespmem:s6], [sflag:$0x6], $0x4000, $0x38;
	[tilespmem:$0x14780] =	vst v63  }
0x176: {  	_ =	swait.ge [sflag:s3], $0x4000  }
0x177: {  	[sflag:s3] =	ssyncset.done $0x0  }
0x178: {  	[sflag:s3] =	ssyncadd.s32 $0xFFFFC000  }
0x179: {  	[tilespmem:s6], [sflag:$0x5] =	stream.indirect.gather [hbm4b:s8+s16], $0x80, s18, s16, $0xb8;
	[tilespmem:$0x14780] =	vst v63  }
0x17a: {  	_ =	swait.ge [sflag:s17], $0x4000  }
0x17b: {  	[sflag:s17] =	ssyncset.done $0x0  }
0x17c: {  	s28 =	rddreg [dreg:$0xd];
	[sflag:s17] =	ssyncadd.s32 $0xFFFFC000  }
0x17d: {  	[hbm4b:s28+s2] =	stream.linear.scatter [tilespmem:s14], [sflag:$0x6], $0x4000, $0x38;
	[tilespmem:$0x14780] =	vst v63  }
0x17e: {  	_ =	swait.ge [sflag:s3], $0x4000  }
0x17f: {  	[sflag:s3] =	ssyncset.done $0x0  }
0x180: {  	[sflag:s3] =	ssyncadd.s32 $0xFFFFC000  }
0x181: {  	_ =	swait.ge [sflag:s15], $0x4000  }
0x182: {  	[sflag:s15] =	ssyncset.done $0x0  }
0x183: {  	s29 =	rddreg [dreg:$0xe];
	[sflag:s15] =	ssyncadd.s32 $0xFFFFC000  }
0x184: {  	[hbm4b:s29+s2] =	stream.linear.scatter [tilespmem:s12], [sflag:$0x6], $0x4000, $0x38;
	[tilespmem:$0x14780] =	vst v63  }
0x185: {  	_ =	swait.ge [sflag:s3], $0x4000  }
0x186: {  	[sflag:s3] =	ssyncset.done $0x0  }
0x187: {  	[sflag:s3] =	ssyncadd.s32 $0xFFFFC000  }
0x188: {  	_ =	swait.ge [sflag:s13], $0x4000  }
0x189: {  	[sflag:s13] =	ssyncset.done $0x0  }
0x18a: {  	s30 =	rddreg [dreg:$0xf];
	[sflag:s13] =	ssyncadd.s32 $0xFFFFC000  }
0x18b: {  	[hbm4b:s30+s2] =	stream.linear.scatter [tilespmem:s9], [sflag:$0x6], $0x4000, $0x38;
	[tilespmem:$0x14780] =	vst v63  }
0x18c: {  	_ =	swait.ge [sflag:s3], $0x4000  }
0x18d: {  	[sflag:s3] =	ssyncset.done $0x0  }
0x18e: {  	[sflag:s3] =	ssyncadd.s32 $0xFFFFC000  }
0x18f: {  	_ =	swait.ge [sflag:s11], $0x4000  }
0x190: {  	[sflag:s11] =	ssyncset.done $0x0  }
0x191: {  	[sflag:s11] =	ssyncadd.s32 $0xFFFFC000  }
0x192: {  	[hbm4b:s5+s2] =	stream.linear.scatter [tilespmem:s7], [sflag:$0x6], $0x4000, $0x38;
	[tilespmem:$0x14780] =	vst v63  }
0x193: {  	_ =	swait.ge [sflag:s3], $0x4000  }
0x194: {  	[sflag:s3] =	ssyncset.done $0x0  }
0x195: {  	[sflag:s3] =	ssyncadd.s32 $0xFFFFC000  }
0x196: {  	_ =	swait.ge [sflag:s10], $0x4000  }
0x197: {  	[sflag:s10] =	ssyncset.done $0x0  }
0x198: {  	[sflag:s10] =	ssyncadd.s32 $0xFFFFC000  }
0x199: {  	[hbm4b:s4+s2] =	stream.linear.scatter [tilespmem:s6], [sflag:$0x6], $0x4000, $0x38;
	[tilespmem:$0x14780] =	vst v63  }
0x19a: {  	_ =	swait.ge [sflag:s3], $0x4000  }
0x19b: {  	[sflag:s3] =	ssyncset.done $0x0  }
0x19c: {  	[sflag:s3] =	ssyncadd.s32 $0xFFFFC000  }
0x19d: {  	_ =	sfence.sel $0x180000  }
0x19e: {  	[bflag:$0x0] =	sbarrier.arrive $0xFFFF  }
0x19f: {  	_ =	strace $0x90000047  }
0x1a0: {  	s31 =	stileid.u32;
	[bflag:$0x2] =	sbarrier.arrive $0xFFFF  }
0x1a1: {  	p0 =	sne.s32 s31, $0x0;
	s0 =	rddreg [dreg:$0x1]  }
0x1a2: {  	s0 =	sadd.s32 @!p0 $0x100000, s0  }
0x1a3: {  	[sflag:s0] =	ssyncadd.tile.s32 @!p0 $0x1;
	_ =	shalt  }
.Lfunc_end2:
_tile_overlayer_lowered:
.L_overlay_start_2:
0x1a4: {  	(tag) =	ssettag $0x2  }
0x1a5: {  	s0 =	rddreg [dreg:$0x0];
	s2 =	stileid.u32  }
0x1a6: {  	s1 =	rddreg [dreg:$0x1];
	p0 =	sne.s32 s2, $0x0  }
0x1a7: {  	s3 =	rddreg [dreg:$0x2];
	[bflag:$0x3] =	sbarrier.arrive $0xFFFF;
	s2 =	simm.s32 @!p0 $0x1C06  }
0x1a8: {  	[timem:s3], [sflag:s2] =	dma.local @!p0 [hbm:s0], s1  }
0x1a9: {  	s0 =	simm.s32 @!p0 $0x6  }
0x1aa: {  	_ =	swait.ge @!p0 [sflag:s0], s1  }
0x1ab: {  	s1 =	ssub.s32 @!p0 $0x0, s1;
	[sflag:s0] =	ssyncset.done @!p0 $0x0  }
0x1ac: {  	[sflag:s0] =	ssyncadd.s32 @!p0 s1  }
0x1ad: {  	[bflag:$0x3] =	sbarrier.arrive $0xFFFF  }
0x1ae: {  	_ =	shalt  }

// kernel: kernel.15.cloned.1.call-start
scs
__scs_entry_jumppad:
0x0: {  	(pc) =	sbr.rel $0x88, $3  }
0x1: {  	(tag) =	ssettag $0x0;
	lr =	simm.s32 $0x1  }
0x2: {  	[smem:$0x3F83] =	sst lr;
	_ =	strace $0xD0000000  }
0x3: {  	_ = 	snop  }
0x4: {  	_ = 	snop  }
0x5: {  	_ = 	snop  }
0x6: {  	_ = 	snop  }
0x7: {  	_ = 	snop  }
__scs_overlays_trampoline_lowered:
0x8: {  	[smem:$0x3F92] =	sst s0  }
0x9: {  	[smem:$0x3F93] =	sst s1  }
0xa: {  	[smem:$0x3F94] =	sst s2  }
0xb: {  	[smem:$0x3F95] =	sst s3  }
0xc: {  	[smem:$0x3F96] =	sst s4  }
0xd: {  	[smem:$0x3F97] =	sst s5  }
0xe: {  	[smem:$0x3F98] =	sst s6  }
0xf: {  	[smem:$0x3F99] =	sst s7  }
0x10: {  	[smem:$0x3F9A] =	sst s8  }
0x11: {  	[smem:$0x3F9B] =	sst s9;
	s0 =	simm.s32 @!p0 $0x0  }
0x12: {  	s1 =	sld [smem:$0x3F81];
	s0 =	simm.s32 @p0 $0x1  }
0x13: {  	[smem:$0x3F9C] =	sst s0;
	s0 =	simm.s32 @!p1 $0x0  }
0x14: {  	s2 =	sld [smem:$0x3F80];
	s0 =	simm.s32 @p1 $0x1  }
0x15: {  	[smem:$0x3F9D] =	sst s0;
	s0 =	simm.s32 @!p2 $0x0  }
0x16: {  	s3 =	sld [smem:$0x3FDB];
	s0 =	simm.s32 @p2 $0x1  }
0x17: {  	s4 =	simm.s32 $0x1BF5;
	[smem:$0x3F9F] =	sst s0  }
0x18: {  	s0 =	sld [smem:$0x3F82];
	_ =	swait.ge [sflag:s4], $0x0  }
0x19: {  	s7 =	sld [smem:$0x3F83]  }
0x1a: {  	s8 =	sadd.s32 $0xFFFFE003, lr  }
0x1b: {  	s9 =	sadd.s32 $0xFFFFFEF7, lr;
	s5 =	simm.s32 $0xFFFFFFFF;
	p2 =	slt.u32 s8, $0xFFFFF086  }
0x1c: {  	p1 =	slt.u32 s9, $0xF7A;
	s5 =	simm.s32 @!p2 $0x0  }
0x1d: {  	s5 =	simm.s32 @p1 $0x1;
	p0 =	seq.s32 s7, s2  }
0x1e: {  	s7 =	smul.u32 @!p0 $0xF7A, s2;
	p2 =	seq.s32 @!p0 s5, $0x0  }
0x1f: {  	s9 =	smul.u32 $0xF7A, s1;
	s8 =	simm.s32 @!p0 $0x1BF5;
	p2 =	por !p2, p0  }
0x20: {  	[sflag:s8] =	ssyncset.s32 @!p0 $0xFFFFF086;
	s6 =	sadd.s32 @!p0 s3, s7;
	s7 =	simm.s32 @!p0 $0x108  }
0x21: {  	s3 =	sadd.s32 s3, s9;
	s6 =	sadd.s32 @!p0 $0x88, s6;
	s7 =	simm.s32 @p2 $0x1082  }
0x22: {  	[simem:s7], [sflag:s8] =	dma.local @!p0 [hbm:s6], $0xF7A  }
0x23: {  	s9 =	sor.u32 $0xD0000000, s2;
	s6 =	simm.s32 $0x108;
	_ =	swait.ge @!p0 [sflag:s8], $0x0  }
0x24: {  	s3 =	sadd.s32 $0x88, s3;
	s6 =	simm.s32 @!p1 $0x1082;
	[sflag:s4] =	ssyncset.s32 $0xFFFFF086  }
0x25: {  	[simem:s6], [sflag:s4] =	dma.local [hbm:s3], $0xF7A  }
0x26: {  	[smem:$0x3F83] =	sst s1;
	(tag) =	ssettag s2;
	_ =	strace s9  }
0x27: {  	s1 =	sld [smem:$0x3F93]  }
0x28: {  	s2 =	sld [smem:$0x3F94]  }
0x29: {  	s4 =	sld [smem:$0x3F96]  }
0x2a: {  	p0 =	seq.s32 s5, $0x0;
	s5 =	sld [smem:$0x3F97]  }
0x2b: {  	s6 =	sld [smem:$0x3F98]  }
0x2c: {  	s7 =	sld [smem:$0x3F99]  }
0x2d: {  	s3 =	simm.s32 $0x108;
	s8 =	sld [smem:$0x3F9A]  }
0x2e: {  	s3 =	simm.s32 @!p0 $0x1082;
	s9 =	sld [smem:$0x3F9B]  }
0x2f: {  	lr =	sadd.s32 s0, s3;
	s0 =	sld [smem:$0x3F92]  }
0x30: {  	s3 =	sld [smem:$0x3F95]  }
0x31: {  	[smem:$0x3F9E] =	sst s10  }
0x32: {  	s10 =	sld [smem:$0x3F9C];
	_ =	sdelay $0x3  }
0x33: {  	p0 =	seq.s32 s10, $0x1;
	s10 =	sld [smem:$0x3F9E];
	_ =	sdelay $0x3  }
0x34: {  	[smem:$0x3F9E] =	sst s10  }
0x35: {  	s10 =	sld [smem:$0x3F9D];
	_ =	sdelay $0x3  }
0x36: {  	p1 =	seq.s32 s10, $0x1;
	s10 =	sld [smem:$0x3F9E];
	_ =	sdelay $0x3  }
0x37: {  	[smem:$0x3F9E] =	sst s10  }
0x38: {  	s10 =	sld [smem:$0x3F9F]  }
0x39: {  	_ = 	snop;
	(pc) =	sbr.ind lr, $3  }
0x3a: {  	_ = 	snop  }
0x3b: {  	_ = 	snop  }
0x3c: {  	p2 =	seq.s32 s10, $0x1;
	s10 =	sld [smem:$0x3F9E]  }
0x3d: {  	_ =	shalt  }
0x3e: {  	_ =	shalt  }
0x3f: {  	_ =	shalt  }
0x40: {  	_ =	shalt  }
0x41: {  	_ =	shalt  }
0x42: {  	_ =	shalt  }
0x43: {  	_ =	shalt  }
0x44: {  	_ =	shalt  }
0x45: {  	_ =	shalt  }
0x46: {  	_ =	shalt  }
0x47: {  	_ =	shalt  }
0x48: {  	_ =	shalt  }
0x49: {  	_ =	shalt  }
0x4a: {  	_ =	shalt  }
0x4b: {  	_ =	shalt  }
0x4c: {  	_ =	shalt  }
0x4d: {  	_ =	shalt  }
0x4e: {  	_ =	shalt  }
0x4f: {  	_ =	shalt  }
0x50: {  	_ =	shalt  }
0x51: {  	_ =	shalt  }
0x52: {  	_ =	shalt  }
0x53: {  	_ =	shalt  }
0x54: {  	_ =	shalt  }
0x55: {  	_ =	shalt  }
0x56: {  	_ =	shalt  }
0x57: {  	_ =	shalt  }
0x58: {  	_ =	shalt  }
0x59: {  	_ =	shalt  }
0x5a: {  	_ =	shalt  }
0x5b: {  	_ =	shalt  }
0x5c: {  	_ =	shalt  }
0x5d: {  	_ =	shalt  }
0x5e: {  	_ =	shalt  }
0x5f: {  	_ =	shalt  }
0x60: {  	_ =	shalt  }
0x61: {  	_ =	shalt  }
0x62: {  	_ =	shalt  }
0x63: {  	_ =	shalt  }
0x64: {  	_ =	shalt  }
0x65: {  	_ =	shalt  }
0x66: {  	_ =	shalt  }
0x67: {  	_ =	shalt  }
0x68: {  	_ =	shalt  }
0x69: {  	_ =	shalt  }
0x6a: {  	_ =	shalt  }
0x6b: {  	_ =	shalt  }
0x6c: {  	_ =	shalt  }
0x6d: {  	_ =	shalt  }
0x6e: {  	_ =	shalt  }
0x6f: {  	_ =	shalt  }
0x70: {  	_ =	shalt  }
0x71: {  	_ =	shalt  }
0x72: {  	_ =	shalt  }
0x73: {  	_ =	shalt  }
0x74: {  	_ =	shalt  }
0x75: {  	_ =	shalt  }
0x76: {  	_ =	shalt  }
0x77: {  	_ =	shalt  }
0x78: {  	_ =	shalt  }
0x79: {  	_ =	shalt  }
0x7a: {  	_ =	shalt  }
0x7b: {  	_ =	shalt  }
0x7c: {  	_ =	shalt  }
0x7d: {  	_ =	shalt  }
0x7e: {  	_ =	shalt  }
0x7f: {  	_ =	shalt  }
0x80: {  	_ =	shalt  }
0x81: {  	_ =	shalt  }
0x82: {  	_ =	shalt  }
0x83: {  	_ =	shalt  }
0x84: {  	_ =	shalt  }
0x85: {  	_ =	shalt  }
0x86: {  	_ =	shalt  }
0x87: {  	_ =	shalt  }
.Lfunc_end0:
.L_simem_size_0:
called_computation.1_lowered:
.L_overlay_start_0:
0x88: {  	s2 =	sld [smem:$0x3FD9]  }
0x89: {  	s3 =	sld [smem:$0x3FFE];
	_ =	sdelay $0x1  }
0x8a: {  	s1 =	srdreg.scid  }
0x8b: {  	s0 =	sand.u32 $0x1, s1  }
0x8c: {  	s16 =	sshll.u32 s0, $0xA;
	s2 =	sadd.s32 s3, s2  }
0x8d: {  	s2 =	sadd.s32 s2, s16  }
0x8e: {  	[smem:$0x3FAA] =	sst s2  }
0x8f: {  	_ = 	snop  }
0x90: {  	(tm) =	ssettm $0x1  }
0x91: {  	s17 =	sld [smem:$0x3FFB];
	_ =	sdelay $0x3  }
0x92: {  	_ =	strace s17  }
0x93: {  	s2 =	sld [smem:$0x3FFC];
	_ =	sdelay $0x3  }
0x94: {  	_ =	strace s2  }
0x95: {  	s2 =	sld [smem:$0x3FFD];
	_ =	sdelay $0x3  }
0x96: {  	_ =	strace s2  }
0x97: {  	_ =	strace $0x8FFFFFFF  }
0x98: {  	s18 =	sld [smem:$0x3FDB];
	_ =	sdelay $0x1  }
0x99: {  	s19 =	simm.s32 $_scs_section_size  }
0x9a: {  	s4 =	simm.s32 $_size__tile_overlayer_lowered;
	s5 =	simm.s32 $_tile_overlayer_lowered  }
0x9b: {  	s22 =	simm.s32 $0x1BFF;
	s21 =	sshll.u32 s5, $0x1;
	s2 =	sadd.s32 s19, s18  }
0x9c: {  	s6 =	simm.s32 $0x0;
	s20 =	sshll.u32 s4, $0x1;
	s4 =	sadd.s32 s21, s2  }
0x9d: {  	[timem:s6], [sflag:s22] =	dma.local [hbm:s4], s20  }
0x9e: {  	_ =	swait.ge [sflag:s22], s20  }
0x9f: {  	s3 =	ssub.s32 $0x0, s20;
	[sflag:s22] =	ssyncset.done $0x0  }
0xa0: {  	[sflag:s22] =	ssyncadd.s32 s3;
	_ =	sdelay $0x1  }
0xa1: {  	s23 =	simm.s32 $0x1B8B  }
0xa2: {  	_ =	swait.ge [sflag:s23], $0x1  }
0xa3: {  	[sflag:s23] =	ssyncset.done $0x0  }
0xa4: {  	s25 =	simm.s32 $0x1B8E;
	s24 =	sld [smem:$0x3FFE];
	[sflag:s23] =	ssyncadd.s32 $0xFFFFFFFF  }
0xa5: {  	s26 =	simm.s32 $execute0_lowered;
	[smem:$0x3FD2] =	sst s25  }
0xa6: {  	s4 =	sshll.u32 s26, $0x1;
	_ =	strace $0x80000049;
	[dreg:$0x1] =	wrdreg $0xFFFFFFFF  }
0xa7: {  	s28 =	simm.s32 $_size_execute0_lowered;
	s2 =	sadd.s32 s2, s4;
	[dreg:$0x0] =	wrdreg $0x0  }
0xa8: {  	s4 =	sshll.u32 s28, $0x1;
	[dreg:$0x2] =	wrdreg s2  }
0xa9: {  	[dreg:$0x3] =	wrdreg s4  }
0xaa: {  	[dreg:$0x4] =	wrdreg $0xC0  }
0xab: {  	_ =	task [dreg:s6], $0x5FFFF  }
0xac: {  	[dreg:$0x1] =	wrdreg $0xFFFFFFFF  }
0xad: {  	[dreg:$0x0] =	wrdreg $0x60  }
0xae: {  	[dreg:$0x2] =	wrdreg s24  }
0xaf: {  	[dreg:$0x3] =	wrdreg $0x9  }
0xb0: {  	_ =	task.clear_ibuf [dreg:s6], $0x4FFFF;
	_ =	strace $0x90000049  }
0xb1: {  	s29 =	simm.s32 $0x9;
	_ =	strace $0x8000004B  }
0xb2: {  	_ =	swait.ge [sflag:s29], $0x1  }
0xb3: {  	[sflag:s29] =	ssyncadd.s32 $0xFFFFFFFF  }
0xb4: {  	_ =	strace $0x9000004B  }
0xb5: {  	_ =	sfence  }
0xb6: {  	s30 =	sld [smem:$0x0];
	_ =	sdelay $0x2  }
0xb7: {  	s31 =	sshll.u32 s1, $0xD;
	s1 =	sshrl.u32 s1, $0x2  }
0xb8: {  	s3 =	sand.u32 $0x4000, s31;
	s1 =	sadd.s32 s1, s30  }
0xb9: {  	s0 =	sor.u32 s3, s0;
	s1 =	sshll.u32 s1, $0x11  }
0xba: {  	s0 =	sor.u32 s1, s0  }
0xbb: {  	s0 =	sadd.s32 $0x8F2B, s0  }
0xbc: {  	[sflag:s0] =	ssyncadd.remote.s32 $0x1  }
0xbd: {  	_ =	sfence.sel $0xFFFF  }
0xbe: {  	[dreg:$0x0] =	wrdreg $0xFFFFFFFF;
	(pc) =	sbr.abs _section_cstart, $3  }
0xbf: {  	[dreg:$0x1] =	wrdreg $0xFFFFFFFF  }
0xc0: {  	_ =	task.clear_ibuf [dreg:s6], $0x2FFFF;
	_ =	strace $0x9FFFFFFF  }
0xc1: {  	(tm) =	ssettm $0x7FFFFFFF  }
tec
execute0_lowered:
.L_overlay_start_1:
0x0: {  	(tag) =	ssettag $0x1  }
0x1: {  	s0 =	srdreg.scid  }
0x2: {  	s1 =	stileid.u32;
	s3 =	rddreg [dreg:$0x0]  }
0x3: {  	s2 =	simm.s32 $0x0;
	s12 =	simm.s32 $0x4780;
	s29 =	simm.s32 $0x100  }
0x4: {  	s9 =	simm.s32 $0x8780;
	s0 =	sand.u32 $0x1, s0;
	s1 =	sshll.u32 s1, $0x1  }
0x5: {  	s30 =	simm.s32 $0x180;
	s7 =	simm.s32 $0xC780;
	s1 =	sor.u32 s0, s1  }
0x6: {  	s31 =	simm.s32 $0x200;
	s28 =	simm.s32 $0x280;
	s4 =	smul.u32 $0xF0, s1  }
0x7: {  	s11 =	simm.s32 $0x4;
	s10 =	simm.s32 $0x5;
	s5 =	smul.u32 $0x3C000, s1  }
0x8: {  	p0 =	por $0x0, $0x0;
	[smem:$0x7FF] =	sst s2;
	s1 =	smul.u32 $0x7800, s1  }
0x9: {  	s6 =	sadd.s32 $0x56A00, s3;
	s8 =	sadd.s32 $0x8800, s3;
	_ =	strace $0x8000004A  }
0xa: {  	s4 =	sadd.s32 s4, s3;
	s5 =	sshrl.u32 s5, $0x3;
	s1 =	sadd.s32 s6, s1  }
0xb: {  	s4 =	sadd.s32 $0x6A00, s4;
	s13 =	sadd.s32 s6, s5;
	[dreg:$0x3] =	wrdreg s1  }
0xc: {  	s0 =	ssub.s32 $0x2, s0;
	[dreg:$0x2] =	wrdreg s4;
	s14 =	sadd.s32 $0x800, s13  }
0xd: {  	s24 =	sshrl.u32 s0, $0x1;
	s15 =	sadd.s32 $0x1000, s13;
	[dreg:$0x4] =	wrdreg s14  }
0xe: {  	s0 =	ssub.s32 s0, s24;
	s16 =	sadd.s32 $0x1800, s13;
	[dreg:$0x5] =	wrdreg s15  }
0xf: {  	s24 =	simm.s32 $0x400;
	s17 =	sadd.s32 $0x2000, s13;
	[dreg:$0x6] =	wrdreg s16  }
0x10: {  	s0 =	smax.u32 s0, $0x1;
	s18 =	sadd.s32 $0x2800, s13;
	[dreg:$0x7] =	wrdreg s17  }
0x11: {  	s3 =	simm.s32 $0x6;
	s19 =	sadd.s32 $0x3000, s13;
	[dreg:$0x8] =	wrdreg s18  }
0x12: {  	s6 =	simm.s32 $0x10780;
	s20 =	sadd.s32 $0x3800, s13;
	[dreg:$0x9] =	wrdreg s19  }
0x13: {  	p1 =	sne.s32 s0, $0x1;
	s21 =	sadd.s32 $0x4000, s13;
	[dreg:$0xa] =	wrdreg s20  }
0x14: {  	s1 =	sadd.s32 $0xFFFFFFFF, s0;
	s22 =	sadd.s32 $0x4800, s13;
	[dreg:$0xb] =	wrdreg s21  }
0x15: {  	s23 =	sadd.s32 $0x5000, s13;
	s25 =	sadd.s32 $0x5800, s13;
	[dreg:$0xc] =	wrdreg s22  }
0x16: {  	s26 =	sadd.s32 $0x6000, s13;
	s5 =	sadd.s32 $0x6800, s13;
	[dreg:$0xd] =	wrdreg s23  }
0x17: {  	s4 =	sadd.s32 $0x7000, s13;
	s13 =	simm.s32 $0x3;
	[dreg:$0xe] =	wrdreg s25  }
.Ltmp0:
0x18: {  	[dreg:$0xf] =	wrdreg s26;
	s16 =	simm.s32 $0x80;
	(pc) =	sbr.rel @!p1 .LBB2_3-.Ltmp0, $4  }
0x19: {  	s14 =	simm.s32 $0x780;
	s17 =	simm.s32 $0x1;
	s15 =	simm.s32 $0x2  }
0x1a: {  	s26 =	simm.s32 $0x300;
	s25 =	simm.s32 $0x380;
	s23 =	simm.s32 $0x480  }
0x1b: {  	s22 =	simm.s32 $0x500;
	s21 =	simm.s32 $0x580;
	s20 =	simm.s32 $0x600  }
0x1c: {  	s19 =	simm.s32 $0x680;
	s18 =	simm.s32 $0x700;
	s0 =	rddreg [dreg:$0x2]  }
0x1d: {  	[tilespmem:s2], [sflag:$0x6] =	stream.linear.gather [hbm4b:s0+s2], $0x780, $0x38;
	[tilespmem:$0x14780] =	vst v63  }
0x1e: {  	_ =	swait.ge [sflag:s3], $0x780  }
0x1f: {  	[sflag:s3] =	ssyncset.done $0x0  }
0x20: {  	[sflag:s3] =	ssyncadd.s32 $0xFFFFF880  }
0x21: {  	[tilespmem:s14], [sflag:$0x1] =	stream.indirect.gather [hbm4b:s8+s16], $0x80, s2, s16, $0xb8;
	[tilespmem:$0x14780] =	vst v63  }
0x22: {  	_ = 	snop  }
0x23: {  	[tilespmem:s12], [sflag:$0x2] =	stream.indirect.gather [hbm4b:s8+s16], $0x80, s16, s16, $0xb8;
	[tilespmem:$0x14780] =	vst v63  }
0x24: {  	_ = 	snop  }
0x25: {  	[tilespmem:s9], [sflag:$0x3] =	stream.indirect.gather [hbm4b:s8+s16], $0x80, s29, s16, $0xb8;
	[tilespmem:$0x14780] =	vst v63  }
0x26: {  	_ = 	snop  }
0x27: {  	[tilespmem:s7], [sflag:$0x4] =	stream.indirect.gather [hbm4b:s8+s16], $0x80, s30, s16, $0xb8;
	[tilespmem:$0x14780] =	vst v63  }
0x28: {  	_ = 	snop  }
0x29: {  	[tilespmem:s6], [sflag:$0x5] =	stream.indirect.gather [hbm4b:s8+s16], $0x80, s31, s16, $0xb8;
	[tilespmem:$0x14780] =	vst v63  }
0x2a: {  	_ =	swait.ge [sflag:s17], $0x4000  }
0x2b: {  	[sflag:s17] =	ssyncset.done $0x0  }
0x2c: {  	s0 =	rddreg [dreg:$0x3];
	[sflag:s17] =	ssyncadd.s32 $0xFFFFC000  }
0x2d: {  	[hbm4b:s0+s2] =	stream.linear.scatter [tilespmem:s14], [sflag:$0x6], $0x4000, $0x38;
	[tilespmem:$0x14780] =	vst v63  }
0x2e: {  	_ =	swait.ge [sflag:s3], $0x4000  }
0x2f: {  	[sflag:s3] =	ssyncset.done $0x0  }
0x30: {  	[sflag:s3] =	ssyncadd.s32 $0xFFFFC000  }
0x31: {  	[tilespmem:s14], [sflag:$0x1] =	stream.indirect.gather [hbm4b:s8+s16], $0x80, s28, s16, $0xb8;
	[tilespmem:$0x14780] =	vst v63  }
0x32: {  	_ =	swait.ge [sflag:s15], $0x4000  }
0x33: {  	[sflag:s15] =	ssyncset.done $0x0  }
0x34: {  	s0 =	rddreg [dreg:$0x4];
	[sflag:s15] =	ssyncadd.s32 $0xFFFFC000  }
0x35: {  	[hbm4b:s0+s2] =	stream.linear.scatter [tilespmem:s12], [sflag:$0x6], $0x4000, $0x38;
	[tilespmem:$0x14780] =	vst v63  }
0x36: {  	_ =	swait.ge [sflag:s3], $0x4000  }
0x37: {  	[sflag:s3] =	ssyncset.done $0x0  }
0x38: {  	[sflag:s3] =	ssyncadd.s32 $0xFFFFC000  }
0x39: {  	[tilespmem:s12], [sflag:$0x2] =	stream.indirect.gather [hbm4b:s8+s16], $0x80, s26, s16, $0xb8;
	[tilespmem:$0x14780] =	vst v63  }
0x3a: {  	_ =	swait.ge [sflag:s13], $0x4000  }
0x3b: {  	[sflag:s13] =	ssyncset.done $0x0  }
0x3c: {  	s0 =	rddreg [dreg:$0x5];
	[sflag:s13] =	ssyncadd.s32 $0xFFFFC000  }
0x3d: {  	[hbm4b:s0+s2] =	stream.linear.scatter [tilespmem:s9], [sflag:$0x6], $0x4000, $0x38;
	[tilespmem:$0x14780] =	vst v63  }
0x3e: {  	_ =	swait.ge [sflag:s3], $0x4000  }
0x3f: {  	[sflag:s3] =	ssyncset.done $0x0  }
0x40: {  	[sflag:s3] =	ssyncadd.s32 $0xFFFFC000  }
0x41: {  	[tilespmem:s9], [sflag:$0x3] =	stream.indirect.gather [hbm4b:s8+s16], $0x80, s25, s16, $0xb8;
	[tilespmem:$0x14780] =	vst v63  }
0x42: {  	_ =	swait.ge [sflag:s11], $0x4000  }
0x43: {  	[sflag:s11] =	ssyncset.done $0x0  }
0x44: {  	s0 =	rddreg [dreg:$0x6];
	[sflag:s11] =	ssyncadd.s32 $0xFFFFC000  }
0x45: {  	[hbm4b:s0+s2] =	stream.linear.scatter [tilespmem:s7], [sflag:$0x6], $0x4000, $0x38;
	[tilespmem:$0x14780] =	vst v63  }
0x46: {  	_ =	swait.ge [sflag:s3], $0x4000  }
0x47: {  	[sflag:s3] =	ssyncset.done $0x0  }
0x48: {  	[sflag:s3] =	ssyncadd.s32 $0xFFFFC000  }
0x49: {  	[tilespmem:s7], [sflag:$0x4] =	stream.indirect.gather [hbm4b:s8+s16], $0x80, s24, s16, $0xb8;
	[tilespmem:$0x14780] =	vst v63  }
0x4a: {  	_ =	swait.ge [sflag:s10], $0x4000  }
0x4b: {  	[sflag:s10] =	ssyncset.done $0x0  }
0x4c: {  	s0 =	rddreg [dreg:$0x7];
	[sflag:s10] =	ssyncadd.s32 $0xFFFFC000  }
0x4d: {  	[hbm4b:s0+s2] =	stream.linear.scatter [tilespmem:s6], [sflag:$0x6], $0x4000, $0x38;
	[tilespmem:$0x14780] =	vst v63  }
0x4e: {  	_ =	swait.ge [sflag:s3], $0x4000  }
0x4f: {  	[sflag:s3] =	ssyncset.done $0x0  }
0x50: {  	[sflag:s3] =	ssyncadd.s32 $0xFFFFC000  }
0x51: {  	[tilespmem:s6], [sflag:$0x5] =	stream.indirect.gather [hbm4b:s8+s16], $0x80, s23, s16, $0xb8;
	[tilespmem:$0x14780] =	vst v63  }
0x52: {  	_ =	swait.ge [sflag:s17], $0x4000  }
0x53: {  	[sflag:s17] =	ssyncset.done $0x0  }
0x54: {  	s0 =	rddreg [dreg:$0x8];
	[sflag:s17] =	ssyncadd.s32 $0xFFFFC000  }
0x55: {  	[hbm4b:s0+s2] =	stream.linear.scatter [tilespmem:s14], [sflag:$0x6], $0x4000, $0x38;
	[tilespmem:$0x14780] =	vst v63  }
0x56: {  	_ =	swait.ge [sflag:s3], $0x4000  }
0x57: {  	[sflag:s3] =	ssyncset.done $0x0  }
0x58: {  	[sflag:s3] =	ssyncadd.s32 $0xFFFFC000  }
0x59: {  	[tilespmem:s14], [sflag:$0x1] =	stream.indirect.gather [hbm4b:s8+s16], $0x80, s22, s16, $0xb8;
	[tilespmem:$0x14780] =	vst v63  }
0x5a: {  	_ =	swait.ge [sflag:s15], $0x4000  }
0x5b: {  	[sflag:s15] =	ssyncset.done $0x0  }
0x5c: {  	s0 =	rddreg [dreg:$0x9];
	[sflag:s15] =	ssyncadd.s32 $0xFFFFC000  }
0x5d: {  	[hbm4b:s0+s2] =	stream.linear.scatter [tilespmem:s12], [sflag:$0x6], $0x4000, $0x38;
	[tilespmem:$0x14780] =	vst v63  }
0x5e: {  	_ =	swait.ge [sflag:s3], $0x4000  }
0x5f: {  	[sflag:s3] =	ssyncset.done $0x0  }
0x60: {  	[sflag:s3] =	ssyncadd.s32 $0xFFFFC000  }
0x61: {  	[tilespmem:s12], [sflag:$0x2] =	stream.indirect.gather [hbm4b:s8+s16], $0x80, s21, s16, $0xb8;
	[tilespmem:$0x14780] =	vst v63  }
0x62: {  	_ =	swait.ge [sflag:s13], $0x4000  }
0x63: {  	[sflag:s13] =	ssyncset.done $0x0  }
0x64: {  	s0 =	rddreg [dreg:$0xa];
	[sflag:s13] =	ssyncadd.s32 $0xFFFFC000  }
0x65: {  	[hbm4b:s0+s2] =	stream.linear.scatter [tilespmem:s9], [sflag:$0x6], $0x4000, $0x38;
	[tilespmem:$0x14780] =	vst v63  }
0x66: {  	_ =	swait.ge [sflag:s3], $0x4000  }
0x67: {  	[sflag:s3] =	ssyncset.done $0x0  }
0x68: {  	[sflag:s3] =	ssyncadd.s32 $0xFFFFC000  }
0x69: {  	[tilespmem:s9], [sflag:$0x3] =	stream.indirect.gather [hbm4b:s8+s16], $0x80, s20, s16, $0xb8;
	[tilespmem:$0x14780] =	vst v63  }
0x6a: {  	_ =	swait.ge [sflag:s11], $0x4000  }
0x6b: {  	[sflag:s11] =	ssyncset.done $0x0  }
0x6c: {  	s0 =	rddreg [dreg:$0xb];
	[sflag:s11] =	ssyncadd.s32 $0xFFFFC000  }
0x6d: {  	[hbm4b:s0+s2] =	stream.linear.scatter [tilespmem:s7], [sflag:$0x6], $0x4000, $0x38;
	[tilespmem:$0x14780] =	vst v63  }
0x6e: {  	_ =	swait.ge [sflag:s3], $0x4000  }
0x6f: {  	[sflag:s3] =	ssyncset.done $0x0  }
0x70: {  	[sflag:s3] =	ssyncadd.s32 $0xFFFFC000  }
0x71: {  	[tilespmem:s7], [sflag:$0x4] =	stream.indirect.gather [hbm4b:s8+s16], $0x80, s19, s16, $0xb8;
	[tilespmem:$0x14780] =	vst v63  }
0x72: {  	_ =	swait.ge [sflag:s10], $0x4000  }
0x73: {  	[sflag:s10] =	ssyncset.done $0x0  }
0x74: {  	s0 =	rddreg [dreg:$0xc];
	[sflag:s10] =	ssyncadd.s32 $0xFFFFC000  }
0x75: {  	[hbm4b:s0+s2] =	stream.linear.scatter [tilespmem:s6], [sflag:$0x6], $0x4000, $0x38;
	[tilespmem:$0x14780] =	vst v63  }
0x76: {  	_ =	swait.ge [sflag:s3], $0x4000  }
0x77: {  	[sflag:s3] =	ssyncset.done $0x0  }
0x78: {  	[sflag:s3] =	ssyncadd.s32 $0xFFFFC000  }
0x79: {  	[tilespmem:s6], [sflag:$0x5] =	stream.indirect.gather [hbm4b:s8+s16], $0x80, s18, s16, $0xb8;
	[tilespmem:$0x14780] =	vst v63  }
0x7a: {  	_ =	swait.ge [sflag:s17], $0x4000  }
0x7b: {  	[sflag:s17] =	ssyncset.done $0x0  }
0x7c: {  	s0 =	rddreg [dreg:$0xd];
	[sflag:s17] =	ssyncadd.s32 $0xFFFFC000  }
0x7d: {  	[hbm4b:s0+s2] =	stream.linear.scatter [tilespmem:s14], [sflag:$0x6], $0x4000, $0x38;
	[tilespmem:$0x14780] =	vst v63  }
0x7e: {  	_ =	swait.ge [sflag:s3], $0x4000  }
0x7f: {  	[sflag:s3] =	ssyncset.done $0x0  }
0x80: {  	[sflag:s3] =	ssyncadd.s32 $0xFFFFC000  }
0x81: {  	_ =	swait.ge [sflag:s15], $0x4000  }
0x82: {  	[sflag:s15] =	ssyncset.done $0x0  }
0x83: {  	s0 =	rddreg [dreg:$0xe];
	[sflag:s15] =	ssyncadd.s32 $0xFFFFC000  }
0x84: {  	[hbm4b:s0+s2] =	stream.linear.scatter [tilespmem:s12], [sflag:$0x6], $0x4000, $0x38;
	[tilespmem:$0x14780] =	vst v63  }
0x85: {  	_ =	swait.ge [sflag:s3], $0x4000  }
0x86: {  	[sflag:s3] =	ssyncset.done $0x0  }
0x87: {  	[sflag:s3] =	ssyncadd.s32 $0xFFFFC000  }
0x88: {  	_ =	swait.ge [sflag:s13], $0x4000  }
0x89: {  	[sflag:s13] =	ssyncset.done $0x0  }
0x8a: {  	s0 =	rddreg [dreg:$0xf];
	[sflag:s13] =	ssyncadd.s32 $0xFFFFC000  }
0x8b: {  	[hbm4b:s0+s2] =	stream.linear.scatter [tilespmem:s9], [sflag:$0x6], $0x4000, $0x38;
	[tilespmem:$0x14780] =	vst v63  }
0x8c: {  	_ =	swait.ge [sflag:s3], $0x4000  }
0x8d: {  	[sflag:s3] =	ssyncset.done $0x0  }
0x8e: {  	[sflag:s3] =	ssyncadd.s32 $0xFFFFC000  }
0x8f: {  	_ =	swait.ge [sflag:s11], $0x4000  }
0x90: {  	[sflag:s11] =	ssyncset.done $0x0  }
0x91: {  	[sflag:s11] =	ssyncadd.s32 $0xFFFFC000  }
0x92: {  	[hbm4b:s5+s2] =	stream.linear.scatter [tilespmem:s7], [sflag:$0x6], $0x4000, $0x38;
	[tilespmem:$0x14780] =	vst v63  }
0x93: {  	_ =	swait.ge [sflag:s3], $0x4000  }
0x94: {  	[sflag:s3] =	ssyncset.done $0x0  }
0x95: {  	[sflag:s3] =	ssyncadd.s32 $0xFFFFC000  }
0x96: {  	p1 =	sne.s32 s1, $0x1;
	_ =	swait.ge [sflag:s10], $0x4000  }
.Ltmp1:
0x97: {  	[sflag:s10] =	ssyncset.done $0x0;
	(pc) =	sbr.rel @!p1 .LBB2_3-.Ltmp1, $4  }
0x98: {  	[sflag:s10] =	ssyncadd.s32 $0xFFFFC000  }
0x99: {  	[hbm4b:s4+s2] =	stream.linear.scatter [tilespmem:s6], [sflag:$0x6], $0x4000, $0x38;
	[tilespmem:$0x14780] =	vst v63  }
0x9a: {  	s1 =	sadd.s32 $0xFFFFFFFF, s1;
	_ =	swait.ge [sflag:s3], $0x4000  }
0x9b: {  	p0 =	por $0x1, $0x1;
	s0 =	rddreg [dreg:$0x2];
	[sflag:s3] =	ssyncset.done $0x0  }
.LBB2_2:
0x9c: {  	[sflag:s3] =	ssyncadd.s32 $0xFFFFC000  }
0x9d: {  	[tilespmem:s2], [sflag:$0x6] =	stream.linear.gather [hbm4b:s0+s2], $0x780, $0x38;
	[tilespmem:$0x14780] =	vst v63  }
0x9e: {  	_ =	swait.ge [sflag:s3], $0x780  }
0x9f: {  	[sflag:s3] =	ssyncset.done $0x0  }
0xa0: {  	[sflag:s3] =	ssyncadd.s32 $0xFFFFF880  }
0xa1: {  	[tilespmem:s14], [sflag:$0x1] =	stream.indirect.gather [hbm4b:s8+s16], $0x80, s2, s16, $0xb8;
	[tilespmem:$0x14780] =	vst v63  }
0xa2: {  	_ = 	snop  }
0xa3: {  	[tilespmem:s12], [sflag:$0x2] =	stream.indirect.gather [hbm4b:s8+s16], $0x80, s16, s16, $0xb8;
	[tilespmem:$0x14780] =	vst v63  }
0xa4: {  	_ = 	snop  }
0xa5: {  	[tilespmem:s9], [sflag:$0x3] =	stream.indirect.gather [hbm4b:s8+s16], $0x80, s29, s16, $0xb8;
	[tilespmem:$0x14780] =	vst v63  }
0xa6: {  	_ = 	snop  }
0xa7: {  	[tilespmem:s7], [sflag:$0x4] =	stream.indirect.gather [hbm4b:s8+s16], $0x80, s30, s16, $0xb8;
	[tilespmem:$0x14780] =	vst v63  }
0xa8: {  	_ = 	snop  }
0xa9: {  	[tilespmem:s6], [sflag:$0x5] =	stream.indirect.gather [hbm4b:s8+s16], $0x80, s31, s16, $0xb8;
	[tilespmem:$0x14780] =	vst v63  }
0xaa: {  	_ =	swait.ge [sflag:s17], $0x4000  }
0xab: {  	[sflag:s17] =	ssyncset.done $0x0  }
0xac: {  	s0 =	rddreg [dreg:$0x3];
	[sflag:s17] =	ssyncadd.s32 $0xFFFFC000  }
0xad: {  	[hbm4b:s0+s2] =	stream.linear.scatter [tilespmem:s14], [sflag:$0x6], $0x4000, $0x38;
	[tilespmem:$0x14780] =	vst v63  }
0xae: {  	_ =	swait.ge [sflag:s3], $0x4000  }
0xaf: {  	[sflag:s3] =	ssyncset.done $0x0  }
0xb0: {  	[sflag:s3] =	ssyncadd.s32 $0xFFFFC000  }
0xb1: {  	[tilespmem:s14], [sflag:$0x1] =	stream.indirect.gather [hbm4b:s8+s16], $0x80, s28, s16, $0xb8;
	[tilespmem:$0x14780] =	vst v63  }
0xb2: {  	_ =	swait.ge [sflag:s15], $0x4000  }
0xb3: {  	[sflag:s15] =	ssyncset.done $0x0  }
0xb4: {  	s0 =	rddreg [dreg:$0x4];
	[sflag:s15] =	ssyncadd.s32 $0xFFFFC000  }
0xb5: {  	[hbm4b:s0+s2] =	stream.linear.scatter [tilespmem:s12], [sflag:$0x6], $0x4000, $0x38;
	[tilespmem:$0x14780] =	vst v63  }
0xb6: {  	_ =	swait.ge [sflag:s3], $0x4000  }
0xb7: {  	[sflag:s3] =	ssyncset.done $0x0  }
0xb8: {  	[sflag:s3] =	ssyncadd.s32 $0xFFFFC000  }
0xb9: {  	[tilespmem:s12], [sflag:$0x2] =	stream.indirect.gather [hbm4b:s8+s16], $0x80, s26, s16, $0xb8;
	[tilespmem:$0x14780] =	vst v63  }
0xba: {  	_ =	swait.ge [sflag:s13], $0x4000  }
0xbb: {  	[sflag:s13] =	ssyncset.done $0x0  }
0xbc: {  	s0 =	rddreg [dreg:$0x5];
	[sflag:s13] =	ssyncadd.s32 $0xFFFFC000  }
0xbd: {  	[hbm4b:s0+s2] =	stream.linear.scatter [tilespmem:s9], [sflag:$0x6], $0x4000, $0x38;
	[tilespmem:$0x14780] =	vst v63  }
0xbe: {  	_ =	swait.ge [sflag:s3], $0x4000  }
0xbf: {  	[sflag:s3] =	ssyncset.done $0x0  }
0xc0: {  	[sflag:s3] =	ssyncadd.s32 $0xFFFFC000  }
0xc1: {  	[tilespmem:s9], [sflag:$0x3] =	stream.indirect.gather [hbm4b:s8+s16], $0x80, s25, s16, $0xb8;
	[tilespmem:$0x14780] =	vst v63  }
0xc2: {  	_ =	swait.ge [sflag:s11], $0x4000  }
0xc3: {  	[sflag:s11] =	ssyncset.done $0x0  }
0xc4: {  	s0 =	rddreg [dreg:$0x6];
	[sflag:s11] =	ssyncadd.s32 $0xFFFFC000  }
0xc5: {  	[hbm4b:s0+s2] =	stream.linear.scatter [tilespmem:s7], [sflag:$0x6], $0x4000, $0x38;
	[tilespmem:$0x14780] =	vst v63  }
0xc6: {  	_ =	swait.ge [sflag:s3], $0x4000  }
0xc7: {  	[sflag:s3] =	ssyncset.done $0x0  }
0xc8: {  	[sflag:s3] =	ssyncadd.s32 $0xFFFFC000  }
0xc9: {  	[tilespmem:s7], [sflag:$0x4] =	stream.indirect.gather [hbm4b:s8+s16], $0x80, s24, s16, $0xb8;
	[tilespmem:$0x14780] =	vst v63  }
0xca: {  	_ =	swait.ge [sflag:s10], $0x4000  }
0xcb: {  	[sflag:s10] =	ssyncset.done $0x0  }
0xcc: {  	s0 =	rddreg [dreg:$0x7];
	[sflag:s10] =	ssyncadd.s32 $0xFFFFC000  }
0xcd: {  	[hbm4b:s0+s2] =	stream.linear.scatter [tilespmem:s6], [sflag:$0x6], $0x4000, $0x38;
	[tilespmem:$0x14780] =	vst v63  }
0xce: {  	_ =	swait.ge [sflag:s3], $0x4000  }
0xcf: {  	[sflag:s3] =	ssyncset.done $0x0  }
0xd0: {  	[sflag:s3] =	ssyncadd.s32 $0xFFFFC000  }
0xd1: {  	[tilespmem:s6], [sflag:$0x5] =	stream.indirect.gather [hbm4b:s8+s16], $0x80, s23, s16, $0xb8;
	[tilespmem:$0x14780] =	vst v63  }
0xd2: {  	_ =	swait.ge [sflag:s17], $0x4000  }
0xd3: {  	[sflag:s17] =	ssyncset.done $0x0  }
0xd4: {  	s0 =	rddreg [dreg:$0x8];
	[sflag:s17] =	ssyncadd.s32 $0xFFFFC000  }
0xd5: {  	[hbm4b:s0+s2] =	stream.linear.scatter [tilespmem:s14], [sflag:$0x6], $0x4000, $0x38;
	[tilespmem:$0x14780] =	vst v63  }
0xd6: {  	_ =	swait.ge [sflag:s3], $0x4000  }
0xd7: {  	[sflag:s3] =	ssyncset.done $0x0  }
0xd8: {  	[sflag:s3] =	ssyncadd.s32 $0xFFFFC000  }
0xd9: {  	[tilespmem:s14], [sflag:$0x1] =	stream.indirect.gather [hbm4b:s8+s16], $0x80, s22, s16, $0xb8;
	[tilespmem:$0x14780] =	vst v63  }
0xda: {  	_ =	swait.ge [sflag:s15], $0x4000  }
0xdb: {  	[sflag:s15] =	ssyncset.done $0x0  }
0xdc: {  	s0 =	rddreg [dreg:$0x9];
	[sflag:s15] =	ssyncadd.s32 $0xFFFFC000  }
0xdd: {  	[hbm4b:s0+s2] =	stream.linear.scatter [tilespmem:s12], [sflag:$0x6], $0x4000, $0x38;
	[tilespmem:$0x14780] =	vst v63  }
0xde: {  	_ =	swait.ge [sflag:s3], $0x4000  }
0xdf: {  	[sflag:s3] =	ssyncset.done $0x0  }
0xe0: {  	[sflag:s3] =	ssyncadd.s32 $0xFFFFC000  }
0xe1: {  	[tilespmem:s12], [sflag:$0x2] =	stream.indirect.gather [hbm4b:s8+s16], $0x80, s21, s16, $0xb8;
	[tilespmem:$0x14780] =	vst v63  }
0xe2: {  	_ =	swait.ge [sflag:s13], $0x4000  }
0xe3: {  	[sflag:s13] =	ssyncset.done $0x0  }
0xe4: {  	s0 =	rddreg [dreg:$0xa];
	[sflag:s13] =	ssyncadd.s32 $0xFFFFC000  }
0xe5: {  	[hbm4b:s0+s2] =	stream.linear.scatter [tilespmem:s9], [sflag:$0x6], $0x4000, $0x38;
	[tilespmem:$0x14780] =	vst v63  }
0xe6: {  	_ =	swait.ge [sflag:s3], $0x4000  }
0xe7: {  	[sflag:s3] =	ssyncset.done $0x0  }
0xe8: {  	[sflag:s3] =	ssyncadd.s32 $0xFFFFC000  }
0xe9: {  	[tilespmem:s9], [sflag:$0x3] =	stream.indirect.gather [hbm4b:s8+s16], $0x80, s20, s16, $0xb8;
	[tilespmem:$0x14780] =	vst v63  }
0xea: {  	_ =	swait.ge [sflag:s11], $0x4000  }
0xeb: {  	[sflag:s11] =	ssyncset.done $0x0  }
0xec: {  	s0 =	rddreg [dreg:$0xb];
	[sflag:s11] =	ssyncadd.s32 $0xFFFFC000  }
0xed: {  	[hbm4b:s0+s2] =	stream.linear.scatter [tilespmem:s7], [sflag:$0x6], $0x4000, $0x38;
	[tilespmem:$0x14780] =	vst v63  }
0xee: {  	_ =	swait.ge [sflag:s3], $0x4000  }
0xef: {  	[sflag:s3] =	ssyncset.done $0x0  }
0xf0: {  	[sflag:s3] =	ssyncadd.s32 $0xFFFFC000  }
0xf1: {  	[tilespmem:s7], [sflag:$0x4] =	stream.indirect.gather [hbm4b:s8+s16], $0x80, s19, s16, $0xb8;
	[tilespmem:$0x14780] =	vst v63  }
0xf2: {  	_ =	swait.ge [sflag:s10], $0x4000  }
0xf3: {  	[sflag:s10] =	ssyncset.done $0x0  }
0xf4: {  	s0 =	rddreg [dreg:$0xc];
	[sflag:s10] =	ssyncadd.s32 $0xFFFFC000  }
0xf5: {  	[hbm4b:s0+s2] =	stream.linear.scatter [tilespmem:s6], [sflag:$0x6], $0x4000, $0x38;
	[tilespmem:$0x14780] =	vst v63  }
0xf6: {  	_ =	swait.ge [sflag:s3], $0x4000  }
0xf7: {  	[sflag:s3] =	ssyncset.done $0x0  }
0xf8: {  	[sflag:s3] =	ssyncadd.s32 $0xFFFFC000  }
0xf9: {  	[tilespmem:s6], [sflag:$0x5] =	stream.indirect.gather [hbm4b:s8+s16], $0x80, s18, s16, $0xb8;
	[tilespmem:$0x14780] =	vst v63  }
0xfa: {  	_ =	swait.ge [sflag:s17], $0x4000  }
0xfb: {  	[sflag:s17] =	ssyncset.done $0x0  }
0xfc: {  	s0 =	rddreg [dreg:$0xd];
	[sflag:s17] =	ssyncadd.s32 $0xFFFFC000  }
0xfd: {  	[hbm4b:s0+s2] =	stream.linear.scatter [tilespmem:s14], [sflag:$0x6], $0x4000, $0x38;
	[tilespmem:$0x14780] =	vst v63  }
0xfe: {  	_ =	swait.ge [sflag:s3], $0x4000  }
0xff: {  	[sflag:s3] =	ssyncset.done $0x0  }
0x100: {  	[sflag:s3] =	ssyncadd.s32 $0xFFFFC000  }
0x101: {  	_ =	swait.ge [sflag:s15], $0x4000  }
0x102: {  	[sflag:s15] =	ssyncset.done $0x0  }
0x103: {  	s0 =	rddreg [dreg:$0xe];
	[sflag:s15] =	ssyncadd.s32 $0xFFFFC000  }
0x104: {  	[hbm4b:s0+s2] =	stream.linear.scatter [tilespmem:s12], [sflag:$0x6], $0x4000, $0x38;
	[tilespmem:$0x14780] =	vst v63  }
0x105: {  	_ =	swait.ge [sflag:s3], $0x4000  }
0x106: {  	[sflag:s3] =	ssyncset.done $0x0  }
0x107: {  	[sflag:s3] =	ssyncadd.s32 $0xFFFFC000  }
0x108: {  	_ =	swait.ge [sflag:s13], $0x4000  }
0x109: {  	[sflag:s13] =	ssyncset.done $0x0  }
0x10a: {  	s0 =	rddreg [dreg:$0xf];
	[sflag:s13] =	ssyncadd.s32 $0xFFFFC000  }
0x10b: {  	[hbm4b:s0+s2] =	stream.linear.scatter [tilespmem:s9], [sflag:$0x6], $0x4000, $0x38;
	[tilespmem:$0x14780] =	vst v63  }
0x10c: {  	_ =	swait.ge [sflag:s3], $0x4000  }
0x10d: {  	[sflag:s3] =	ssyncset.done $0x0  }
0x10e: {  	[sflag:s3] =	ssyncadd.s32 $0xFFFFC000  }
0x10f: {  	_ =	swait.ge [sflag:s11], $0x4000  }
0x110: {  	[sflag:s11] =	ssyncset.done $0x0  }
0x111: {  	[sflag:s11] =	ssyncadd.s32 $0xFFFFC000  }
0x112: {  	[hbm4b:s5+s2] =	stream.linear.scatter [tilespmem:s7], [sflag:$0x6], $0x4000, $0x38;
	[tilespmem:$0x14780] =	vst v63  }
0x113: {  	_ =	swait.ge [sflag:s3], $0x4000  }
0x114: {  	[sflag:s3] =	ssyncset.done $0x0  }
0x115: {  	[sflag:s3] =	ssyncadd.s32 $0xFFFFC000  }
0x116: {  	p1 =	sne.s32 s1, $0x1;
	_ =	swait.ge [sflag:s10], $0x4000  }
.Ltmp2:
0x117: {  	[sflag:s10] =	ssyncset.done $0x0;
	(pc) =	sbr.rel @p1 .LBB2_2-.Ltmp2, $4  }
0x118: {  	[sflag:s10] =	ssyncadd.s32 $0xFFFFC000  }
0x119: {  	[hbm4b:s4+s2] =	stream.linear.scatter [tilespmem:s6], [sflag:$0x6], $0x4000, $0x38;
	[tilespmem:$0x14780] =	vst v63  }
0x11a: {  	_ =	swait.ge [sflag:s3], $0x4000  }
0x11b: {  	s1 =	sadd.s32 $0xFFFFFFFF, s1;
	s0 =	rddreg [dreg:$0x2];
	[sflag:s3] =	ssyncset.done $0x0  }
.LBB2_3:
0x11c: {  	[sflag:s3] =	ssyncadd.s32 @p0 $0xFFFFC000  }
0x11d: {  	[tilespmem:s2], [sflag:$0x6] =	stream.linear.gather [hbm4b:s0+s2], $0x780, $0x38;
	[tilespmem:$0x14780] =	vst v63  }
0x11e: {  	_ =	swait.ge [sflag:s3], $0x780  }
0x11f: {  	[sflag:s3] =	ssyncset.done $0x0  }
0x120: {  	[sflag:s3] =	ssyncadd.s32 $0xFFFFF880  }
0x121: {  	[tilespmem:s14], [sflag:$0x1] =	stream.indirect.gather [hbm4b:s8+s16], $0x80, s2, s16, $0xb8;
	[tilespmem:$0x14780] =	vst v63  }
0x122: {  	_ = 	snop  }
0x123: {  	[tilespmem:s12], [sflag:$0x2] =	stream.indirect.gather [hbm4b:s8+s16], $0x80, s16, s16, $0xb8;
	[tilespmem:$0x14780] =	vst v63  }
0x124: {  	_ = 	snop  }
0x125: {  	[tilespmem:s9], [sflag:$0x3] =	stream.indirect.gather [hbm4b:s8+s16], $0x80, s29, s16, $0xb8;
	[tilespmem:$0x14780] =	vst v63  }
0x126: {  	_ = 	snop  }
0x127: {  	[tilespmem:s7], [sflag:$0x4] =	stream.indirect.gather [hbm4b:s8+s16], $0x80, s30, s16, $0xb8;
	[tilespmem:$0x14780] =	vst v63  }
0x128: {  	_ = 	snop  }
0x129: {  	[tilespmem:s6], [sflag:$0x5] =	stream.indirect.gather [hbm4b:s8+s16], $0x80, s31, s16, $0xb8;
	[tilespmem:$0x14780] =	vst v63  }
0x12a: {  	_ =	swait.ge [sflag:s17], $0x4000  }
0x12b: {  	[sflag:s17] =	ssyncset.done $0x0  }
0x12c: {  	s1 =	rddreg [dreg:$0x3];
	[sflag:s17] =	ssyncadd.s32 $0xFFFFC000  }
0x12d: {  	[hbm4b:s1+s2] =	stream.linear.scatter [tilespmem:s14], [sflag:$0x6], $0x4000, $0x38;
	[tilespmem:$0x14780] =	vst v63  }
0x12e: {  	_ =	swait.ge [sflag:s3], $0x4000  }
0x12f: {  	[sflag:s3] =	ssyncset.done $0x0  }
0x130: {  	[sflag:s3] =	ssyncadd.s32 $0xFFFFC000  }
0x131: {  	[tilespmem:s14], [sflag:$0x1] =	stream.indirect.gather [hbm4b:s8+s16], $0x80, s28, s16, $0xb8;
	[tilespmem:$0x14780] =	vst v63  }
0x132: {  	_ =	swait.ge [sflag:s15], $0x4000  }
0x133: {  	[sflag:s15] =	ssyncset.done $0x0  }
0x134: {  	s28 =	rddreg [dreg:$0x4];
	[sflag:s15] =	ssyncadd.s32 $0xFFFFC000  }
0x135: {  	[hbm4b:s28+s2] =	stream.linear.scatter [tilespmem:s12], [sflag:$0x6], $0x4000, $0x38;
	[tilespmem:$0x14780] =	vst v63  }
0x136: {  	_ =	swait.ge [sflag:s3], $0x4000  }
0x137: {  	[sflag:s3] =	ssyncset.done $0x0  }
0x138: {  	[sflag:s3] =	ssyncadd.s32 $0xFFFFC000  }
0x139: {  	[tilespmem:s12], [sflag:$0x2] =	stream.indirect.gather [hbm4b:s8+s16], $0x80, s26, s16, $0xb8;
	[tilespmem:$0x14780] =	vst v63  }
0x13a: {  	_ =	swait.ge [sflag:s13], $0x4000  }
0x13b: {  	[sflag:s13] =	ssyncset.done $0x0  }
0x13c: {  	s29 =	rddreg [dreg:$0x5];
	[sflag:s13] =	ssyncadd.s32 $0xFFFFC000  }
0x13d: {  	[hbm4b:s29+s2] =	stream.linear.scatter [tilespmem:s9], [sflag:$0x6], $0x4000, $0x38;
	[tilespmem:$0x14780] =	vst v63  }
0x13e: {  	_ =	swait.ge [sflag:s3], $0x4000  }
0x13f: {  	[sflag:s3] =	ssyncset.done $0x0  }
0x140: {  	[sflag:s3] =	ssyncadd.s32 $0xFFFFC000  }
0x141: {  	[tilespmem:s9], [sflag:$0x3] =	stream.indirect.gather [hbm4b:s8+s16], $0x80, s25, s16, $0xb8;
	[tilespmem:$0x14780] =	vst v63  }
0x142: {  	_ =	swait.ge [sflag:s11], $0x4000  }
0x143: {  	[sflag:s11] =	ssyncset.done $0x0  }
0x144: {  	s30 =	rddreg [dreg:$0x6];
	[sflag:s11] =	ssyncadd.s32 $0xFFFFC000  }
0x145: {  	[hbm4b:s30+s2] =	stream.linear.scatter [tilespmem:s7], [sflag:$0x6], $0x4000, $0x38;
	[tilespmem:$0x14780] =	vst v63  }
0x146: {  	_ =	swait.ge [sflag:s3], $0x4000  }
0x147: {  	[sflag:s3] =	ssyncset.done $0x0  }
0x148: {  	[sflag:s3] =	ssyncadd.s32 $0xFFFFC000  }
0x149: {  	[tilespmem:s7], [sflag:$0x4] =	stream.indirect.gather [hbm4b:s8+s16], $0x80, s24, s16, $0xb8;
	[tilespmem:$0x14780] =	vst v63  }
0x14a: {  	_ =	swait.ge [sflag:s10], $0x4000  }
0x14b: {  	[sflag:s10] =	ssyncset.done $0x0  }
0x14c: {  	s31 =	rddreg [dreg:$0x7];
	[sflag:s10] =	ssyncadd.s32 $0xFFFFC000  }
0x14d: {  	[hbm4b:s31+s2] =	stream.linear.scatter [tilespmem:s6], [sflag:$0x6], $0x4000, $0x38;
	[tilespmem:$0x14780] =	vst v63  }
0x14e: {  	_ =	swait.ge [sflag:s3], $0x4000  }
0x14f: {  	[sflag:s3] =	ssyncset.done $0x0  }
0x150: {  	[sflag:s3] =	ssyncadd.s32 $0xFFFFC000  }
0x151: {  	[tilespmem:s6], [sflag:$0x5] =	stream.indirect.gather [hbm4b:s8+s16], $0x80, s23, s16, $0xb8;
	[tilespmem:$0x14780] =	vst v63  }
0x152: {  	_ =	swait.ge [sflag:s17], $0x4000  }
0x153: {  	[sflag:s17] =	ssyncset.done $0x0  }
0x154: {  	s1 =	rddreg [dreg:$0x8];
	[sflag:s17] =	ssyncadd.s32 $0xFFFFC000  }
0x155: {  	[hbm4b:s1+s2] =	stream.linear.scatter [tilespmem:s14], [sflag:$0x6], $0x4000, $0x38;
	[tilespmem:$0x14780] =	vst v63  }
0x156: {  	_ =	swait.ge [sflag:s3], $0x4000  }
0x157: {  	[sflag:s3] =	ssyncset.done $0x0  }
0x158: {  	[sflag:s3] =	ssyncadd.s32 $0xFFFFC000  }
0x159: {  	[tilespmem:s14], [sflag:$0x1] =	stream.indirect.gather [hbm4b:s8+s16], $0x80, s22, s16, $0xb8;
	[tilespmem:$0x14780] =	vst v63  }
0x15a: {  	_ =	swait.ge [sflag:s15], $0x4000  }
0x15b: {  	[sflag:s15] =	ssyncset.done $0x0  }
0x15c: {  	s23 =	rddreg [dreg:$0x9];
	[sflag:s15] =	ssyncadd.s32 $0xFFFFC000  }
0x15d: {  	[hbm4b:s23+s2] =	stream.linear.scatter [tilespmem:s12], [sflag:$0x6], $0x4000, $0x38;
	[tilespmem:$0x14780] =	vst v63  }
0x15e: {  	_ =	swait.ge [sflag:s3], $0x4000  }
0x15f: {  	[sflag:s3] =	ssyncset.done $0x0  }
0x160: {  	[sflag:s3] =	ssyncadd.s32 $0xFFFFC000  }
0x161: {  	[tilespmem:s12], [sflag:$0x2] =	stream.indirect.gather [hbm4b:s8+s16], $0x80, s21, s16, $0xb8;
	[tilespmem:$0x14780] =	vst v63  }
0x162: {  	_ =	swait.ge [sflag:s13], $0x4000  }
0x163: {  	[sflag:s13] =	ssyncset.done $0x0  }
0x164: {  	s24 =	rddreg [dreg:$0xa];
	[sflag:s13] =	ssyncadd.s32 $0xFFFFC000  }
0x165: {  	[hbm4b:s24+s2] =	stream.linear.scatter [tilespmem:s9], [sflag:$0x6], $0x4000, $0x38;
	[tilespmem:$0x14780] =	vst v63  }
0x166: {  	_ =	swait.ge [sflag:s3], $0x4000  }
0x167: {  	[sflag:s3] =	ssyncset.done $0x0  }
0x168: {  	[sflag:s3] =	ssyncadd.s32 $0xFFFFC000  }
0x169: {  	[tilespmem:s9], [sflag:$0x3] =	stream.indirect.gather [hbm4b:s8+s16], $0x80, s20, s16, $0xb8;
	[tilespmem:$0x14780] =	vst v63  }
0x16a: {  	_ =	swait.ge [sflag:s11], $0x4000  }
0x16b: {  	[sflag:s11] =	ssyncset.done $0x0  }
0x16c: {  	s25 =	rddreg [dreg:$0xb];
	[sflag:s11] =	ssyncadd.s32 $0xFFFFC000  }
0x16d: {  	[hbm4b:s25+s2] =	stream.linear.scatter [tilespmem:s7], [sflag:$0x6], $0x4000, $0x38;
	[tilespmem:$0x14780] =	vst v63  }
0x16e: {  	_ =	swait.ge [sflag:s3], $0x4000  }
0x16f: {  	[sflag:s3] =	ssyncset.done $0x0  }
0x170: {  	[sflag:s3] =	ssyncadd.s32 $0xFFFFC000  }
0x171: {  	[tilespmem:s7], [sflag:$0x4] =	stream.indirect.gather [hbm4b:s8+s16], $0x80, s19, s16, $0xb8;
	[tilespmem:$0x14780] =	vst v63  }
0x172: {  	_ =	swait.ge [sflag:s10], $0x4000  }
0x173: {  	[sflag:s10] =	ssyncset.done $0x0  }
0x174: {  	s26 =	rddreg [dreg:$0xc];
	[sflag:s10] =	ssyncadd.s32 $0xFFFFC000  }
0x175: {  	[hbm4b:s26+s2] =	stream.linear.scatter [tilespmem:s6], [sflag:$0x6], $0x4000, $0x38;
	[tilespmem:$0x14780] =	vst v63  }
0x176: {  	_ =	swait.ge [sflag:s3], $0x4000  }
0x177: {  	[sflag:s3] =	ssyncset.done $0x0  }
0x178: {  	[sflag:s3] =	ssyncadd.s32 $0xFFFFC000  }
0x179: {  	[tilespmem:s6], [sflag:$0x5] =	stream.indirect.gather [hbm4b:s8+s16], $0x80, s18, s16, $0xb8;
	[tilespmem:$0x14780] =	vst v63  }
0x17a: {  	_ =	swait.ge [sflag:s17], $0x4000  }
0x17b: {  	[sflag:s17] =	ssyncset.done $0x0  }
0x17c: {  	s28 =	rddreg [dreg:$0xd];
	[sflag:s17] =	ssyncadd.s32 $0xFFFFC000  }
0x17d: {  	[hbm4b:s28+s2] =	stream.linear.scatter [tilespmem:s14], [sflag:$0x6], $0x4000, $0x38;
	[tilespmem:$0x14780] =	vst v63  }
0x17e: {  	_ =	swait.ge [sflag:s3], $0x4000  }
0x17f: {  	[sflag:s3] =	ssyncset.done $0x0  }
0x180: {  	[sflag:s3] =	ssyncadd.s32 $0xFFFFC000  }
0x181: {  	_ =	swait.ge [sflag:s15], $0x4000  }
0x182: {  	[sflag:s15] =	ssyncset.done $0x0  }
0x183: {  	s29 =	rddreg [dreg:$0xe];
	[sflag:s15] =	ssyncadd.s32 $0xFFFFC000  }
0x184: {  	[hbm4b:s29+s2] =	stream.linear.scatter [tilespmem:s12], [sflag:$0x6], $0x4000, $0x38;
	[tilespmem:$0x14780] =	vst v63  }
0x185: {  	_ =	swait.ge [sflag:s3], $0x4000  }
0x186: {  	[sflag:s3] =	ssyncset.done $0x0  }
0x187: {  	[sflag:s3] =	ssyncadd.s32 $0xFFFFC000  }
0x188: {  	_ =	swait.ge [sflag:s13], $0x4000  }
0x189: {  	[sflag:s13] =	ssyncset.done $0x0  }
0x18a: {  	s30 =	rddreg [dreg:$0xf];
	[sflag:s13] =	ssyncadd.s32 $0xFFFFC000  }
0x18b: {  	[hbm4b:s30+s2] =	stream.linear.scatter [tilespmem:s9], [sflag:$0x6], $0x4000, $0x38;
	[tilespmem:$0x14780] =	vst v63  }
0x18c: {  	_ =	swait.ge [sflag:s3], $0x4000  }
0x18d: {  	[sflag:s3] =	ssyncset.done $0x0  }
0x18e: {  	[sflag:s3] =	ssyncadd.s32 $0xFFFFC000  }
0x18f: {  	_ =	swait.ge [sflag:s11], $0x4000  }
0x190: {  	[sflag:s11] =	ssyncset.done $0x0  }
0x191: {  	[sflag:s11] =	ssyncadd.s32 $0xFFFFC000  }
0x192: {  	[hbm4b:s5+s2] =	stream.linear.scatter [tilespmem:s7], [sflag:$0x6], $0x4000, $0x38;
	[tilespmem:$0x14780] =	vst v63  }
0x193: {  	_ =	swait.ge [sflag:s3], $0x4000  }
0x194: {  	[sflag:s3] =	ssyncset.done $0x0  }
0x195: {  	[sflag:s3] =	ssyncadd.s32 $0xFFFFC000  }
0x196: {  	_ =	swait.ge [sflag:s10], $0x4000  }
0x197: {  	[sflag:s10] =	ssyncset.done $0x0  }
0x198: {  	[sflag:s10] =	ssyncadd.s32 $0xFFFFC000  }
0x199: {  	[hbm4b:s4+s2] =	stream.linear.scatter [tilespmem:s6], [sflag:$0x6], $0x4000, $0x38;
	[tilespmem:$0x14780] =	vst v63  }
0x19a: {  	_ =	swait.ge [sflag:s3], $0x4000  }
0x19b: {  	[sflag:s3] =	ssyncset.done $0x0  }
0x19c: {  	[sflag:s3] =	ssyncadd.s32 $0xFFFFC000  }
0x19d: {  	_ =	sfence.sel $0x180000  }
0x19e: {  	[bflag:$0x0] =	sbarrier.arrive $0xFFFF  }
0x19f: {  	_ =	strace $0x9000004A  }
0x1a0: {  	s31 =	stileid.u32;
	[bflag:$0x2] =	sbarrier.arrive $0xFFFF  }
0x1a1: {  	p0 =	sne.s32 s31, $0x0;
	s0 =	rddreg [dreg:$0x1]  }
0x1a2: {  	s0 =	sadd.s32 @!p0 $0x100000, s0  }
0x1a3: {  	[sflag:s0] =	ssyncadd.tile.s32 @!p0 $0x1;
	_ =	shalt  }
.Lfunc_end2:
_tile_overlayer_lowered:
.L_overlay_start_2:
0x1a4: {  	(tag) =	ssettag $0x2  }
0x1a5: {  	s0 =	rddreg [dreg:$0x0];
	s2 =	stileid.u32  }
0x1a6: {  	s1 =	rddreg [dreg:$0x1];
	p0 =	sne.s32 s2, $0x0  }
0x1a7: {  	s3 =	rddreg [dreg:$0x2];
	[bflag:$0x3] =	sbarrier.arrive $0xFFFF;
	s2 =	simm.s32 @!p0 $0x1C06  }
0x1a8: {  	[timem:s3], [sflag:s2] =	dma.local @!p0 [hbm:s0], s1  }
0x1a9: {  	s0 =	simm.s32 @!p0 $0x6  }
0x1aa: {  	_ =	swait.ge @!p0 [sflag:s0], s1  }
0x1ab: {  	s1 =	ssub.s32 @!p0 $0x0, s1;
	[sflag:s0] =	ssyncset.done @!p0 $0x0  }
0x1ac: {  	[sflag:s0] =	ssyncadd.s32 @!p0 s1  }
0x1ad: {  	[bflag:$0x3] =	sbarrier.arrive $0xFFFF  }
0x1ae: {  	_ =	shalt  }

// kernel: kernel.18.cloned.1.call-start
scs
__scs_entry_jumppad:
0x0: {  	(pc) =	sbr.rel $0x88, $3  }
0x1: {  	(tag) =	ssettag $0x0;
	lr =	simm.s32 $0x1  }
0x2: {  	[smem:$0x3F83] =	sst lr;
	_ =	strace $0xD0000000  }
0x3: {  	_ = 	snop  }
0x4: {  	_ = 	snop  }
0x5: {  	_ = 	snop  }
0x6: {  	_ = 	snop  }
0x7: {  	_ = 	snop  }
__scs_overlays_trampoline_lowered:
0x8: {  	[smem:$0x3F92] =	sst s0  }
0x9: {  	[smem:$0x3F93] =	sst s1  }
0xa: {  	[smem:$0x3F94] =	sst s2  }
0xb: {  	[smem:$0x3F95] =	sst s3  }
0xc: {  	[smem:$0x3F96] =	sst s4  }
0xd: {  	[smem:$0x3F97] =	sst s5  }
0xe: {  	[smem:$0x3F98] =	sst s6  }
0xf: {  	[smem:$0x3F99] =	sst s7  }
0x10: {  	[smem:$0x3F9A] =	sst s8  }
0x11: {  	[smem:$0x3F9B] =	sst s9;
	s0 =	simm.s32 @!p0 $0x0  }
0x12: {  	s1 =	sld [smem:$0x3F81];
	s0 =	simm.s32 @p0 $0x1  }
0x13: {  	[smem:$0x3F9C] =	sst s0;
	s0 =	simm.s32 @!p1 $0x0  }
0x14: {  	s2 =	sld [smem:$0x3F80];
	s0 =	simm.s32 @p1 $0x1  }
0x15: {  	[smem:$0x3F9D] =	sst s0;
	s0 =	simm.s32 @!p2 $0x0  }
0x16: {  	s3 =	sld [smem:$0x3FDB];
	s0 =	simm.s32 @p2 $0x1  }
0x17: {  	s4 =	simm.s32 $0x1BF5;
	[smem:$0x3F9F] =	sst s0  }
0x18: {  	s0 =	sld [smem:$0x3F82];
	_ =	swait.ge [sflag:s4], $0x0  }
0x19: {  	s7 =	sld [smem:$0x3F83]  }
0x1a: {  	s8 =	sadd.s32 $0xFFFFE003, lr  }
0x1b: {  	s9 =	sadd.s32 $0xFFFFFEF7, lr;
	s5 =	simm.s32 $0xFFFFFFFF;
	p2 =	slt.u32 s8, $0xFFFFF086  }
0x1c: {  	p1 =	slt.u32 s9, $0xF7A;
	s5 =	simm.s32 @!p2 $0x0  }
0x1d: {  	s5 =	simm.s32 @p1 $0x1;
	p0 =	seq.s32 s7, s2  }
0x1e: {  	s7 =	smul.u32 @!p0 $0xF7A, s2;
	p2 =	seq.s32 @!p0 s5, $0x0  }
0x1f: {  	s9 =	smul.u32 $0xF7A, s1;
	s8 =	simm.s32 @!p0 $0x1BF5;
	p2 =	por !p2, p0  }
0x20: {  	[sflag:s8] =	ssyncset.s32 @!p0 $0xFFFFF086;
	s6 =	sadd.s32 @!p0 s3, s7;
	s7 =	simm.s32 @!p0 $0x108  }
0x21: {  	s3 =	sadd.s32 s3, s9;
	s6 =	sadd.s32 @!p0 $0x88, s6;
	s7 =	simm.s32 @p2 $0x1082  }
0x22: {  	[simem:s7], [sflag:s8] =	dma.local @!p0 [hbm:s6], $0xF7A  }
0x23: {  	s9 =	sor.u32 $0xD0000000, s2;
	s6 =	simm.s32 $0x108;
	_ =	swait.ge @!p0 [sflag:s8], $0x0  }
0x24: {  	s3 =	sadd.s32 $0x88, s3;
	s6 =	simm.s32 @!p1 $0x1082;
	[sflag:s4] =	ssyncset.s32 $0xFFFFF086  }
0x25: {  	[simem:s6], [sflag:s4] =	dma.local [hbm:s3], $0xF7A  }
0x26: {  	[smem:$0x3F83] =	sst s1;
	(tag) =	ssettag s2;
	_ =	strace s9  }
0x27: {  	s1 =	sld [smem:$0x3F93]  }
0x28: {  	s2 =	sld [smem:$0x3F94]  }
0x29: {  	s4 =	sld [smem:$0x3F96]  }
0x2a: {  	p0 =	seq.s32 s5, $0x0;
	s5 =	sld [smem:$0x3F97]  }
0x2b: {  	s6 =	sld [smem:$0x3F98]  }
0x2c: {  	s7 =	sld [smem:$0x3F99]  }
0x2d: {  	s3 =	simm.s32 $0x108;
	s8 =	sld [smem:$0x3F9A]  }
0x2e: {  	s3 =	simm.s32 @!p0 $0x1082;
	s9 =	sld [smem:$0x3F9B]  }
0x2f: {  	lr =	sadd.s32 s0, s3;
	s0 =	sld [smem:$0x3F92]  }
0x30: {  	s3 =	sld [smem:$0x3F95]  }
0x31: {  	[smem:$0x3F9E] =	sst s10  }
0x32: {  	s10 =	sld [smem:$0x3F9C];
	_ =	sdelay $0x3  }
0x33: {  	p0 =	seq.s32 s10, $0x1;
	s10 =	sld [smem:$0x3F9E];
	_ =	sdelay $0x3  }
0x34: {  	[smem:$0x3F9E] =	sst s10  }
0x35: {  	s10 =	sld [smem:$0x3F9D];
	_ =	sdelay $0x3  }
0x36: {  	p1 =	seq.s32 s10, $0x1;
	s10 =	sld [smem:$0x3F9E];
	_ =	sdelay $0x3  }
0x37: {  	[smem:$0x3F9E] =	sst s10  }
0x38: {  	s10 =	sld [smem:$0x3F9F]  }
0x39: {  	_ = 	snop;
	(pc) =	sbr.ind lr, $3  }
0x3a: {  	_ = 	snop  }
0x3b: {  	_ = 	snop  }
0x3c: {  	p2 =	seq.s32 s10, $0x1;
	s10 =	sld [smem:$0x3F9E]  }
0x3d: {  	_ =	shalt  }
0x3e: {  	_ =	shalt  }
0x3f: {  	_ =	shalt  }
0x40: {  	_ =	shalt  }
0x41: {  	_ =	shalt  }
0x42: {  	_ =	shalt  }
0x43: {  	_ =	shalt  }
0x44: {  	_ =	shalt  }
0x45: {  	_ =	shalt  }
0x46: {  	_ =	shalt  }
0x47: {  	_ =	shalt  }
0x48: {  	_ =	shalt  }
0x49: {  	_ =	shalt  }
0x4a: {  	_ =	shalt  }
0x4b: {  	_ =	shalt  }
0x4c: {  	_ =	shalt  }
0x4d: {  	_ =	shalt  }
0x4e: {  	_ =	shalt  }
0x4f: {  	_ =	shalt  }
0x50: {  	_ =	shalt  }
0x51: {  	_ =	shalt  }
0x52: {  	_ =	shalt  }
0x53: {  	_ =	shalt  }
0x54: {  	_ =	shalt  }
0x55: {  	_ =	shalt  }
0x56: {  	_ =	shalt  }
0x57: {  	_ =	shalt  }
0x58: {  	_ =	shalt  }
0x59: {  	_ =	shalt  }
0x5a: {  	_ =	shalt  }
0x5b: {  	_ =	shalt  }
0x5c: {  	_ =	shalt  }
0x5d: {  	_ =	shalt  }
0x5e: {  	_ =	shalt  }
0x5f: {  	_ =	shalt  }
0x60: {  	_ =	shalt  }
0x61: {  	_ =	shalt  }
0x62: {  	_ =	shalt  }
0x63: {  	_ =	shalt  }
0x64: {  	_ =	shalt  }
0x65: {  	_ =	shalt  }
0x66: {  	_ =	shalt  }
0x67: {  	_ =	shalt  }
0x68: {  	_ =	shalt  }
0x69: {  	_ =	shalt  }
0x6a: {  	_ =	shalt  }
0x6b: {  	_ =	shalt  }
0x6c: {  	_ =	shalt  }
0x6d: {  	_ =	shalt  }
0x6e: {  	_ =	shalt  }
0x6f: {  	_ =	shalt  }
0x70: {  	_ =	shalt  }
0x71: {  	_ =	shalt  }
0x72: {  	_ =	shalt  }
0x73: {  	_ =	shalt  }
0x74: {  	_ =	shalt  }
0x75: {  	_ =	shalt  }
0x76: {  	_ =	shalt  }
0x77: {  	_ =	shalt  }
0x78: {  	_ =	shalt  }
0x79: {  	_ =	shalt  }
0x7a: {  	_ =	shalt  }
0x7b: {  	_ =	shalt  }
0x7c: {  	_ =	shalt  }
0x7d: {  	_ =	shalt  }
0x7e: {  	_ =	shalt  }
0x7f: {  	_ =	shalt  }
0x80: {  	_ =	shalt  }
0x81: {  	_ =	shalt  }
0x82: {  	_ =	shalt  }
0x83: {  	_ =	shalt  }
0x84: {  	_ =	shalt  }
0x85: {  	_ =	shalt  }
0x86: {  	_ =	shalt  }
0x87: {  	_ =	shalt  }
.Lfunc_end0:
.L_simem_size_0:
called_computation.2_lowered:
.L_overlay_start_0:
0x88: {  	s2 =	sld [smem:$0x3FD9]  }
0x89: {  	s3 =	sld [smem:$0x3FFE];
	_ =	sdelay $0x1  }
0x8a: {  	s1 =	srdreg.scid  }
0x8b: {  	s0 =	sand.u32 $0x1, s1  }
0x8c: {  	s16 =	sshll.u32 s0, $0xA;
	s2 =	sadd.s32 s3, s2  }
0x8d: {  	s2 =	sadd.s32 s2, s16  }
0x8e: {  	[smem:$0x3FAA] =	sst s2  }
0x8f: {  	_ = 	snop  }
0x90: {  	(tm) =	ssettm $0x1  }
0x91: {  	s17 =	sld [smem:$0x3FFB];
	_ =	sdelay $0x3  }
0x92: {  	_ =	strace s17  }
0x93: {  	s2 =	sld [smem:$0x3FFC];
	_ =	sdelay $0x3  }
0x94: {  	_ =	strace s2  }
0x95: {  	s2 =	sld [smem:$0x3FFD];
	_ =	sdelay $0x3  }
0x96: {  	_ =	strace s2  }
0x97: {  	_ =	strace $0x8FFFFFFF  }
0x98: {  	s18 =	sld [smem:$0x3FDB];
	_ =	sdelay $0x1  }
0x99: {  	s19 =	simm.s32 $_scs_section_size  }
0x9a: {  	s4 =	simm.s32 $_size__tile_overlayer_lowered;
	s5 =	simm.s32 $_tile_overlayer_lowered  }
0x9b: {  	s22 =	simm.s32 $0x1BFF;
	s21 =	sshll.u32 s5, $0x1;
	s2 =	sadd.s32 s19, s18  }
0x9c: {  	s6 =	simm.s32 $0x0;
	s20 =	sshll.u32 s4, $0x1;
	s4 =	sadd.s32 s21, s2  }
0x9d: {  	[timem:s6], [sflag:s22] =	dma.local [hbm:s4], s20  }
0x9e: {  	_ =	swait.ge [sflag:s22], s20  }
0x9f: {  	s3 =	ssub.s32 $0x0, s20;
	[sflag:s22] =	ssyncset.done $0x0  }
0xa0: {  	[sflag:s22] =	ssyncadd.s32 s3;
	_ =	sdelay $0x1  }
0xa1: {  	s23 =	simm.s32 $0x1B8B  }
0xa2: {  	_ =	swait.ge [sflag:s23], $0x1  }
0xa3: {  	[sflag:s23] =	ssyncset.done $0x0  }
0xa4: {  	s25 =	simm.s32 $0x1B8E;
	s24 =	sld [smem:$0x3FFE];
	[sflag:s23] =	ssyncadd.s32 $0xFFFFFFFF  }
0xa5: {  	s26 =	simm.s32 $execute0_lowered;
	[smem:$0x3FD2] =	sst s25  }
0xa6: {  	s4 =	sshll.u32 s26, $0x1;
	_ =	strace $0x8000004C;
	[dreg:$0x1] =	wrdreg $0xFFFFFFFF  }
0xa7: {  	s28 =	simm.s32 $_size_execute0_lowered;
	s2 =	sadd.s32 s2, s4;
	[dreg:$0x0] =	wrdreg $0x0  }
0xa8: {  	s4 =	sshll.u32 s28, $0x1;
	[dreg:$0x2] =	wrdreg s2  }
0xa9: {  	[dreg:$0x3] =	wrdreg s4  }
0xaa: {  	[dreg:$0x4] =	wrdreg $0xC0  }
0xab: {  	_ =	task [dreg:s6], $0x5FFFF  }
0xac: {  	[dreg:$0x1] =	wrdreg $0xFFFFFFFF  }
0xad: {  	[dreg:$0x0] =	wrdreg $0x60  }
0xae: {  	[dreg:$0x2] =	wrdreg s24  }
0xaf: {  	[dreg:$0x3] =	wrdreg $0x9  }
0xb0: {  	_ =	task.clear_ibuf [dreg:s6], $0x4FFFF;
	_ =	strace $0x9000004C  }
0xb1: {  	s29 =	simm.s32 $0x9;
	_ =	strace $0x8000004E  }
0xb2: {  	_ =	swait.ge [sflag:s29], $0x1  }
0xb3: {  	[sflag:s29] =	ssyncadd.s32 $0xFFFFFFFF  }
0xb4: {  	_ =	strace $0x9000004E  }
0xb5: {  	_ =	sfence  }
0xb6: {  	s30 =	sld [smem:$0x0];
	_ =	sdelay $0x2  }
0xb7: {  	s31 =	sshll.u32 s1, $0xD;
	s1 =	sshrl.u32 s1, $0x2  }
0xb8: {  	s3 =	sand.u32 $0x4000, s31;
	s1 =	sadd.s32 s1, s30  }
0xb9: {  	s0 =	sor.u32 s3, s0;
	s1 =	sshll.u32 s1, $0x11  }
0xba: {  	s0 =	sor.u32 s1, s0  }
0xbb: {  	s0 =	sadd.s32 $0x8F2B, s0  }
0xbc: {  	[sflag:s0] =	ssyncadd.remote.s32 $0x1  }
0xbd: {  	_ =	sfence.sel $0xFFFF  }
0xbe: {  	[dreg:$0x0] =	wrdreg $0xFFFFFFFF;
	(pc) =	sbr.abs _section_cstart, $3  }
0xbf: {  	[dreg:$0x1] =	wrdreg $0xFFFFFFFF  }
0xc0: {  	_ =	task.clear_ibuf [dreg:s6], $0x2FFFF;
	_ =	strace $0x9FFFFFFF  }
0xc1: {  	(tm) =	ssettm $0x7FFFFFFF  }
tec
execute0_lowered:
.L_overlay_start_1:
0x0: {  	(tag) =	ssettag $0x1  }
0x1: {  	s0 =	srdreg.scid  }
0x2: {  	s1 =	stileid.u32;
	s3 =	rddreg [dreg:$0x0]  }
0x3: {  	s2 =	simm.s32 $0x0;
	s12 =	simm.s32 $0x4780;
	s29 =	simm.s32 $0x100  }
0x4: {  	s9 =	simm.s32 $0x8780;
	s0 =	sand.u32 $0x1, s0;
	s1 =	sshll.u32 s1, $0x1  }
0x5: {  	s30 =	simm.s32 $0x180;
	s7 =	simm.s32 $0xC780;
	s1 =	sor.u32 s0, s1  }
0x6: {  	s31 =	simm.s32 $0x200;
	s28 =	simm.s32 $0x280;
	s4 =	smul.u32 $0xF0, s1  }
0x7: {  	s11 =	simm.s32 $0x4;
	s10 =	simm.s32 $0x5;
	s5 =	smul.u32 $0x3C000, s1  }
0x8: {  	p0 =	por $0x0, $0x0;
	[smem:$0x7FF] =	sst s2;
	s1 =	smul.u32 $0x7800, s1  }
0x9: {  	s6 =	sadd.s32 $0x56A00, s3;
	s8 =	sadd.s32 $0x8800, s3;
	_ =	strace $0x8000004D  }
0xa: {  	s4 =	sadd.s32 s4, s3;
	s5 =	sshrl.u32 s5, $0x3;
	s1 =	sadd.s32 s6, s1  }
0xb: {  	s4 =	sadd.s32 $0x6A00, s4;
	s13 =	sadd.s32 s6, s5;
	[dreg:$0x3] =	wrdreg s1  }
0xc: {  	s0 =	ssub.s32 $0x2, s0;
	[dreg:$0x2] =	wrdreg s4;
	s14 =	sadd.s32 $0x800, s13  }
0xd: {  	s24 =	sshrl.u32 s0, $0x1;
	s15 =	sadd.s32 $0x1000, s13;
	[dreg:$0x4] =	wrdreg s14  }
0xe: {  	s0 =	ssub.s32 s0, s24;
	s16 =	sadd.s32 $0x1800, s13;
	[dreg:$0x5] =	wrdreg s15  }
0xf: {  	s24 =	simm.s32 $0x400;
	s17 =	sadd.s32 $0x2000, s13;
	[dreg:$0x6] =	wrdreg s16  }
0x10: {  	s0 =	smax.u32 s0, $0x1;
	s18 =	sadd.s32 $0x2800, s13;
	[dreg:$0x7] =	wrdreg s17  }
0x11: {  	s3 =	simm.s32 $0x6;
	s19 =	sadd.s32 $0x3000, s13;
	[dreg:$0x8] =	wrdreg s18  }
0x12: {  	s6 =	simm.s32 $0x10780;
	s20 =	sadd.s32 $0x3800, s13;
	[dreg:$0x9] =	wrdreg s19  }
0x13: {  	p1 =	sne.s32 s0, $0x1;
	s21 =	sadd.s32 $0x4000, s13;
	[dreg:$0xa] =	wrdreg s20  }
0x14: {  	s1 =	sadd.s32 $0xFFFFFFFF, s0;
	s22 =	sadd.s32 $0x4800, s13;
	[dreg:$0xb] =	wrdreg s21  }
0x15: {  	s23 =	sadd.s32 $0x5000, s13;
	s25 =	sadd.s32 $0x5800, s13;
	[dreg:$0xc] =	wrdreg s22  }
0x16: {  	s26 =	sadd.s32 $0x6000, s13;
	s5 =	sadd.s32 $0x6800, s13;
	[dreg:$0xd] =	wrdreg s23  }
0x17: {  	s4 =	sadd.s32 $0x7000, s13;
	s13 =	simm.s32 $0x3;
	[dreg:$0xe] =	wrdreg s25  }
.Ltmp0:
0x18: {  	[dreg:$0xf] =	wrdreg s26;
	s16 =	simm.s32 $0x80;
	(pc) =	sbr.rel @!p1 .LBB2_3-.Ltmp0, $4  }
0x19: {  	s14 =	simm.s32 $0x780;
	s17 =	simm.s32 $0x1;
	s15 =	simm.s32 $0x2  }
0x1a: {  	s26 =	simm.s32 $0x300;
	s25 =	simm.s32 $0x380;
	s23 =	simm.s32 $0x480  }
0x1b: {  	s22 =	simm.s32 $0x500;
	s21 =	simm.s32 $0x580;
	s20 =	simm.s32 $0x600  }
0x1c: {  	s19 =	simm.s32 $0x680;
	s18 =	simm.s32 $0x700;
	s0 =	rddreg [dreg:$0x2]  }
0x1d: {  	[tilespmem:s2], [sflag:$0x6] =	stream.linear.gather [hbm4b:s0+s2], $0x780, $0x38;
	[tilespmem:$0x14780] =	vst v63  }
0x1e: {  	_ =	swait.ge [sflag:s3], $0x780  }
0x1f: {  	[sflag:s3] =	ssyncset.done $0x0  }
0x20: {  	[sflag:s3] =	ssyncadd.s32 $0xFFFFF880  }
0x21: {  	[tilespmem:s14], [sflag:$0x1] =	stream.indirect.gather [hbm4b:s8+s16], $0x80, s2, s16, $0xb8;
	[tilespmem:$0x14780] =	vst v63  }
0x22: {  	_ = 	snop  }
0x23: {  	[tilespmem:s12], [sflag:$0x2] =	stream.indirect.gather [hbm4b:s8+s16], $0x80, s16, s16, $0xb8;
	[tilespmem:$0x14780] =	vst v63  }
0x24: {  	_ = 	snop  }
0x25: {  	[tilespmem:s9], [sflag:$0x3] =	stream.indirect.gather [hbm4b:s8+s16], $0x80, s29, s16, $0xb8;
	[tilespmem:$0x14780] =	vst v63  }
0x26: {  	_ = 	snop  }
0x27: {  	[tilespmem:s7], [sflag:$0x4] =	stream.indirect.gather [hbm4b:s8+s16], $0x80, s30, s16, $0xb8;
	[tilespmem:$0x14780] =	vst v63  }
0x28: {  	_ = 	snop  }
0x29: {  	[tilespmem:s6], [sflag:$0x5] =	stream.indirect.gather [hbm4b:s8+s16], $0x80, s31, s16, $0xb8;
	[tilespmem:$0x14780] =	vst v63  }
0x2a: {  	_ =	swait.ge [sflag:s17], $0x4000  }
0x2b: {  	[sflag:s17] =	ssyncset.done $0x0  }
0x2c: {  	s0 =	rddreg [dreg:$0x3];
	[sflag:s17] =	ssyncadd.s32 $0xFFFFC000  }
0x2d: {  	[hbm4b:s0+s2] =	stream.linear.scatter [tilespmem:s14], [sflag:$0x6], $0x4000, $0x38;
	[tilespmem:$0x14780] =	vst v63  }
0x2e: {  	_ =	swait.ge [sflag:s3], $0x4000  }
0x2f: {  	[sflag:s3] =	ssyncset.done $0x0  }
0x30: {  	[sflag:s3] =	ssyncadd.s32 $0xFFFFC000  }
0x31: {  	[tilespmem:s14], [sflag:$0x1] =	stream.indirect.gather [hbm4b:s8+s16], $0x80, s28, s16, $0xb8;
	[tilespmem:$0x14780] =	vst v63  }
0x32: {  	_ =	swait.ge [sflag:s15], $0x4000  }
0x33: {  	[sflag:s15] =	ssyncset.done $0x0  }
0x34: {  	s0 =	rddreg [dreg:$0x4];
	[sflag:s15] =	ssyncadd.s32 $0xFFFFC000  }
0x35: {  	[hbm4b:s0+s2] =	stream.linear.scatter [tilespmem:s12], [sflag:$0x6], $0x4000, $0x38;
	[tilespmem:$0x14780] =	vst v63  }
0x36: {  	_ =	swait.ge [sflag:s3], $0x4000  }
0x37: {  	[sflag:s3] =	ssyncset.done $0x0  }
0x38: {  	[sflag:s3] =	ssyncadd.s32 $0xFFFFC000  }
0x39: {  	[tilespmem:s12], [sflag:$0x2] =	stream.indirect.gather [hbm4b:s8+s16], $0x80, s26, s16, $0xb8;
	[tilespmem:$0x14780] =	vst v63  }
0x3a: {  	_ =	swait.ge [sflag:s13], $0x4000  }
0x3b: {  	[sflag:s13] =	ssyncset.done $0x0  }
0x3c: {  	s0 =	rddreg [dreg:$0x5];
	[sflag:s13] =	ssyncadd.s32 $0xFFFFC000  }
0x3d: {  	[hbm4b:s0+s2] =	stream.linear.scatter [tilespmem:s9], [sflag:$0x6], $0x4000, $0x38;
	[tilespmem:$0x14780] =	vst v63  }
0x3e: {  	_ =	swait.ge [sflag:s3], $0x4000  }
0x3f: {  	[sflag:s3] =	ssyncset.done $0x0  }
0x40: {  	[sflag:s3] =	ssyncadd.s32 $0xFFFFC000  }
0x41: {  	[tilespmem:s9], [sflag:$0x3] =	stream.indirect.gather [hbm4b:s8+s16], $0x80, s25, s16, $0xb8;
	[tilespmem:$0x14780] =	vst v63  }
0x42: {  	_ =	swait.ge [sflag:s11], $0x4000  }
0x43: {  	[sflag:s11] =	ssyncset.done $0x0  }
0x44: {  	s0 =	rddreg [dreg:$0x6];
	[sflag:s11] =	ssyncadd.s32 $0xFFFFC000  }
0x45: {  	[hbm4b:s0+s2] =	stream.linear.scatter [tilespmem:s7], [sflag:$0x6], $0x4000, $0x38;
	[tilespmem:$0x14780] =	vst v63  }
0x46: {  	_ =	swait.ge [sflag:s3], $0x4000  }
0x47: {  	[sflag:s3] =	ssyncset.done $0x0  }
0x48: {  	[sflag:s3] =	ssyncadd.s32 $0xFFFFC000  }
0x49: {  	[tilespmem:s7], [sflag:$0x4] =	stream.indirect.gather [hbm4b:s8+s16], $0x80, s24, s16, $0xb8;
	[tilespmem:$0x14780] =	vst v63  }
0x4a: {  	_ =	swait.ge [sflag:s10], $0x4000  }
0x4b: {  	[sflag:s10] =	ssyncset.done $0x0  }
0x4c: {  	s0 =	rddreg [dreg:$0x7];
	[sflag:s10] =	ssyncadd.s32 $0xFFFFC000  }
0x4d: {  	[hbm4b:s0+s2] =	stream.linear.scatter [tilespmem:s6], [sflag:$0x6], $0x4000, $0x38;
	[tilespmem:$0x14780] =	vst v63  }
0x4e: {  	_ =	swait.ge [sflag:s3], $0x4000  }
0x4f: {  	[sflag:s3] =	ssyncset.done $0x0  }
0x50: {  	[sflag:s3] =	ssyncadd.s32 $0xFFFFC000  }
0x51: {  	[tilespmem:s6], [sflag:$0x5] =	stream.indirect.gather [hbm4b:s8+s16], $0x80, s23, s16, $0xb8;
	[tilespmem:$0x14780] =	vst v63  }
0x52: {  	_ =	swait.ge [sflag:s17], $0x4000  }
0x53: {  	[sflag:s17] =	ssyncset.done $0x0  }
0x54: {  	s0 =	rddreg [dreg:$0x8];
	[sflag:s17] =	ssyncadd.s32 $0xFFFFC000  }
0x55: {  	[hbm4b:s0+s2] =	stream.linear.scatter [tilespmem:s14], [sflag:$0x6], $0x4000, $0x38;
	[tilespmem:$0x14780] =	vst v63  }
0x56: {  	_ =	swait.ge [sflag:s3], $0x4000  }
0x57: {  	[sflag:s3] =	ssyncset.done $0x0  }
0x58: {  	[sflag:s3] =	ssyncadd.s32 $0xFFFFC000  }
0x59: {  	[tilespmem:s14], [sflag:$0x1] =	stream.indirect.gather [hbm4b:s8+s16], $0x80, s22, s16, $0xb8;
	[tilespmem:$0x14780] =	vst v63  }
0x5a: {  	_ =	swait.ge [sflag:s15], $0x4000  }
0x5b: {  	[sflag:s15] =	ssyncset.done $0x0  }
0x5c: {  	s0 =	rddreg [dreg:$0x9];
	[sflag:s15] =	ssyncadd.s32 $0xFFFFC000  }
0x5d: {  	[hbm4b:s0+s2] =	stream.linear.scatter [tilespmem:s12], [sflag:$0x6], $0x4000, $0x38;
	[tilespmem:$0x14780] =	vst v63  }
0x5e: {  	_ =	swait.ge [sflag:s3], $0x4000  }
0x5f: {  	[sflag:s3] =	ssyncset.done $0x0  }
0x60: {  	[sflag:s3] =	ssyncadd.s32 $0xFFFFC000  }
0x61: {  	[tilespmem:s12], [sflag:$0x2] =	stream.indirect.gather [hbm4b:s8+s16], $0x80, s21, s16, $0xb8;
	[tilespmem:$0x14780] =	vst v63  }
0x62: {  	_ =	swait.ge [sflag:s13], $0x4000  }
0x63: {  	[sflag:s13] =	ssyncset.done $0x0  }
0x64: {  	s0 =	rddreg [dreg:$0xa];
	[sflag:s13] =	ssyncadd.s32 $0xFFFFC000  }
0x65: {  	[hbm4b:s0+s2] =	stream.linear.scatter [tilespmem:s9], [sflag:$0x6], $0x4000, $0x38;
	[tilespmem:$0x14780] =	vst v63  }
0x66: {  	_ =	swait.ge [sflag:s3], $0x4000  }
0x67: {  	[sflag:s3] =	ssyncset.done $0x0  }
0x68: {  	[sflag:s3] =	ssyncadd.s32 $0xFFFFC000  }
0x69: {  	[tilespmem:s9], [sflag:$0x3] =	stream.indirect.gather [hbm4b:s8+s16], $0x80, s20, s16, $0xb8;
	[tilespmem:$0x14780] =	vst v63  }
0x6a: {  	_ =	swait.ge [sflag:s11], $0x4000  }
0x6b: {  	[sflag:s11] =	ssyncset.done $0x0  }
0x6c: {  	s0 =	rddreg [dreg:$0xb];
	[sflag:s11] =	ssyncadd.s32 $0xFFFFC000  }
0x6d: {  	[hbm4b:s0+s2] =	stream.linear.scatter [tilespmem:s7], [sflag:$0x6], $0x4000, $0x38;
	[tilespmem:$0x14780] =	vst v63  }
0x6e: {  	_ =	swait.ge [sflag:s3], $0x4000  }
0x6f: {  	[sflag:s3] =	ssyncset.done $0x0  }
0x70: {  	[sflag:s3] =	ssyncadd.s32 $0xFFFFC000  }
0x71: {  	[tilespmem:s7], [sflag:$0x4] =	stream.indirect.gather [hbm4b:s8+s16], $0x80, s19, s16, $0xb8;
	[tilespmem:$0x14780] =	vst v63  }
0x72: {  	_ =	swait.ge [sflag:s10], $0x4000  }
0x73: {  	[sflag:s10] =	ssyncset.done $0x0  }
0x74: {  	s0 =	rddreg [dreg:$0xc];
	[sflag:s10] =	ssyncadd.s32 $0xFFFFC000  }
0x75: {  	[hbm4b:s0+s2] =	stream.linear.scatter [tilespmem:s6], [sflag:$0x6], $0x4000, $0x38;
	[tilespmem:$0x14780] =	vst v63  }
0x76: {  	_ =	swait.ge [sflag:s3], $0x4000  }
0x77: {  	[sflag:s3] =	ssyncset.done $0x0  }
0x78: {  	[sflag:s3] =	ssyncadd.s32 $0xFFFFC000  }
0x79: {  	[tilespmem:s6], [sflag:$0x5] =	stream.indirect.gather [hbm4b:s8+s16], $0x80, s18, s16, $0xb8;
	[tilespmem:$0x14780] =	vst v63  }
0x7a: {  	_ =	swait.ge [sflag:s17], $0x4000  }
0x7b: {  	[sflag:s17] =	ssyncset.done $0x0  }
0x7c: {  	s0 =	rddreg [dreg:$0xd];
	[sflag:s17] =	ssyncadd.s32 $0xFFFFC000  }
0x7d: {  	[hbm4b:s0+s2] =	stream.linear.scatter [tilespmem:s14], [sflag:$0x6], $0x4000, $0x38;
	[tilespmem:$0x14780] =	vst v63  }
0x7e: {  	_ =	swait.ge [sflag:s3], $0x4000  }
0x7f: {  	[sflag:s3] =	ssyncset.done $0x0  }
0x80: {  	[sflag:s3] =	ssyncadd.s32 $0xFFFFC000  }
0x81: {  	_ =	swait.ge [sflag:s15], $0x4000  }
0x82: {  	[sflag:s15] =	ssyncset.done $0x0  }
0x83: {  	s0 =	rddreg [dreg:$0xe];
	[sflag:s15] =	ssyncadd.s32 $0xFFFFC000  }
0x84: {  	[hbm4b:s0+s2] =	stream.linear.scatter [tilespmem:s12], [sflag:$0x6], $0x4000, $0x38;
	[tilespmem:$0x14780] =	vst v63  }
0x85: {  	_ =	swait.ge [sflag:s3], $0x4000  }
0x86: {  	[sflag:s3] =	ssyncset.done $0x0  }
0x87: {  	[sflag:s3] =	ssyncadd.s32 $0xFFFFC000  }
0x88: {  	_ =	swait.ge [sflag:s13], $0x4000  }
0x89: {  	[sflag:s13] =	ssyncset.done $0x0  }
0x8a: {  	s0 =	rddreg [dreg:$0xf];
	[sflag:s13] =	ssyncadd.s32 $0xFFFFC000  }
0x8b: {  	[hbm4b:s0+s2] =	stream.linear.scatter [tilespmem:s9], [sflag:$0x6], $0x4000, $0x38;
	[tilespmem:$0x14780] =	vst v63  }
0x8c: {  	_ =	swait.ge [sflag:s3], $0x4000  }
0x8d: {  	[sflag:s3] =	ssyncset.done $0x0  }
0x8e: {  	[sflag:s3] =	ssyncadd.s32 $0xFFFFC000  }
0x8f: {  	_ =	swait.ge [sflag:s11], $0x4000  }
0x90: {  	[sflag:s11] =	ssyncset.done $0x0  }
0x91: {  	[sflag:s11] =	ssyncadd.s32 $0xFFFFC000  }
0x92: {  	[hbm4b:s5+s2] =	stream.linear.scatter [tilespmem:s7], [sflag:$0x6], $0x4000, $0x38;
	[tilespmem:$0x14780] =	vst v63  }
0x93: {  	_ =	swait.ge [sflag:s3], $0x4000  }
0x94: {  	[sflag:s3] =	ssyncset.done $0x0  }
0x95: {  	[sflag:s3] =	ssyncadd.s32 $0xFFFFC000  }
0x96: {  	p1 =	sne.s32 s1, $0x1;
	_ =	swait.ge [sflag:s10], $0x4000  }
.Ltmp1:
0x97: {  	[sflag:s10] =	ssyncset.done $0x0;
	(pc) =	sbr.rel @!p1 .LBB2_3-.Ltmp1, $4  }
0x98: {  	[sflag:s10] =	ssyncadd.s32 $0xFFFFC000  }
0x99: {  	[hbm4b:s4+s2] =	stream.linear.scatter [tilespmem:s6], [sflag:$0x6], $0x4000, $0x38;
	[tilespmem:$0x14780] =	vst v63  }
0x9a: {  	s1 =	sadd.s32 $0xFFFFFFFF, s1;
	_ =	swait.ge [sflag:s3], $0x4000  }
0x9b: {  	p0 =	por $0x1, $0x1;
	s0 =	rddreg [dreg:$0x2];
	[sflag:s3] =	ssyncset.done $0x0  }
.LBB2_2:
0x9c: {  	[sflag:s3] =	ssyncadd.s32 $0xFFFFC000  }
0x9d: {  	[tilespmem:s2], [sflag:$0x6] =	stream.linear.gather [hbm4b:s0+s2], $0x780, $0x38;
	[tilespmem:$0x14780] =	vst v63  }
0x9e: {  	_ =	swait.ge [sflag:s3], $0x780  }
0x9f: {  	[sflag:s3] =	ssyncset.done $0x0  }
0xa0: {  	[sflag:s3] =	ssyncadd.s32 $0xFFFFF880  }
0xa1: {  	[tilespmem:s14], [sflag:$0x1] =	stream.indirect.gather [hbm4b:s8+s16], $0x80, s2, s16, $0xb8;
	[tilespmem:$0x14780] =	vst v63  }
0xa2: {  	_ = 	snop  }
0xa3: {  	[tilespmem:s12], [sflag:$0x2] =	stream.indirect.gather [hbm4b:s8+s16], $0x80, s16, s16, $0xb8;
	[tilespmem:$0x14780] =	vst v63  }
0xa4: {  	_ = 	snop  }
0xa5: {  	[tilespmem:s9], [sflag:$0x3] =	stream.indirect.gather [hbm4b:s8+s16], $0x80, s29, s16, $0xb8;
	[tilespmem:$0x14780] =	vst v63  }
0xa6: {  	_ = 	snop  }
0xa7: {  	[tilespmem:s7], [sflag:$0x4] =	stream.indirect.gather [hbm4b:s8+s16], $0x80, s30, s16, $0xb8;
	[tilespmem:$0x14780] =	vst v63  }
0xa8: {  	_ = 	snop  }
0xa9: {  	[tilespmem:s6], [sflag:$0x5] =	stream.indirect.gather [hbm4b:s8+s16], $0x80, s31, s16, $0xb8;
	[tilespmem:$0x14780] =	vst v63  }
0xaa: {  	_ =	swait.ge [sflag:s17], $0x4000  }
0xab: {  	[sflag:s17] =	ssyncset.done $0x0  }
0xac: {  	s0 =	rddreg [dreg:$0x3];
	[sflag:s17] =	ssyncadd.s32 $0xFFFFC000  }
0xad: {  	[hbm4b:s0+s2] =	stream.linear.scatter [tilespmem:s14], [sflag:$0x6], $0x4000, $0x38;
	[tilespmem:$0x14780] =	vst v63  }
0xae: {  	_ =	swait.ge [sflag:s3], $0x4000  }
0xaf: {  	[sflag:s3] =	ssyncset.done $0x0  }
0xb0: {  	[sflag:s3] =	ssyncadd.s32 $0xFFFFC000  }
0xb1: {  	[tilespmem:s14], [sflag:$0x1] =	stream.indirect.gather [hbm4b:s8+s16], $0x80, s28, s16, $0xb8;
	[tilespmem:$0x14780] =	vst v63  }
0xb2: {  	_ =	swait.ge [sflag:s15], $0x4000  }
0xb3: {  	[sflag:s15] =	ssyncset.done $0x0  }
0xb4: {  	s0 =	rddreg [dreg:$0x4];
	[sflag:s15] =	ssyncadd.s32 $0xFFFFC000  }
0xb5: {  	[hbm4b:s0+s2] =	stream.linear.scatter [tilespmem:s12], [sflag:$0x6], $0x4000, $0x38;
	[tilespmem:$0x14780] =	vst v63  }
0xb6: {  	_ =	swait.ge [sflag:s3], $0x4000  }
0xb7: {  	[sflag:s3] =	ssyncset.done $0x0  }
0xb8: {  	[sflag:s3] =	ssyncadd.s32 $0xFFFFC000  }
0xb9: {  	[tilespmem:s12], [sflag:$0x2] =	stream.indirect.gather [hbm4b:s8+s16], $0x80, s26, s16, $0xb8;
	[tilespmem:$0x14780] =	vst v63  }
0xba: {  	_ =	swait.ge [sflag:s13], $0x4000  }
0xbb: {  	[sflag:s13] =	ssyncset.done $0x0  }
0xbc: {  	s0 =	rddreg [dreg:$0x5];
	[sflag:s13] =	ssyncadd.s32 $0xFFFFC000  }
0xbd: {  	[hbm4b:s0+s2] =	stream.linear.scatter [tilespmem:s9], [sflag:$0x6], $0x4000, $0x38;
	[tilespmem:$0x14780] =	vst v63  }
0xbe: {  	_ =	swait.ge [sflag:s3], $0x4000  }
0xbf: {  	[sflag:s3] =	ssyncset.done $0x0  }
0xc0: {  	[sflag:s3] =	ssyncadd.s32 $0xFFFFC000  }
0xc1: {  	[tilespmem:s9], [sflag:$0x3] =	stream.indirect.gather [hbm4b:s8+s16], $0x80, s25, s16, $0xb8;
	[tilespmem:$0x14780] =	vst v63  }
0xc2: {  	_ =	swait.ge [sflag:s11], $0x4000  }
0xc3: {  	[sflag:s11] =	ssyncset.done $0x0  }
0xc4: {  	s0 =	rddreg [dreg:$0x6];
	[sflag:s11] =	ssyncadd.s32 $0xFFFFC000  }
0xc5: {  	[hbm4b:s0+s2] =	stream.linear.scatter [tilespmem:s7], [sflag:$0x6], $0x4000, $0x38;
	[tilespmem:$0x14780] =	vst v63  }
0xc6: {  	_ =	swait.ge [sflag:s3], $0x4000  }
0xc7: {  	[sflag:s3] =	ssyncset.done $0x0  }
0xc8: {  	[sflag:s3] =	ssyncadd.s32 $0xFFFFC000  }
0xc9: {  	[tilespmem:s7], [sflag:$0x4] =	stream.indirect.gather [hbm4b:s8+s16], $0x80, s24, s16, $0xb8;
	[tilespmem:$0x14780] =	vst v63  }
0xca: {  	_ =	swait.ge [sflag:s10], $0x4000  }
0xcb: {  	[sflag:s10] =	ssyncset.done $0x0  }
0xcc: {  	s0 =	rddreg [dreg:$0x7];
	[sflag:s10] =	ssyncadd.s32 $0xFFFFC000  }
0xcd: {  	[hbm4b:s0+s2] =	stream.linear.scatter [tilespmem:s6], [sflag:$0x6], $0x4000, $0x38;
	[tilespmem:$0x14780] =	vst v63  }
0xce: {  	_ =	swait.ge [sflag:s3], $0x4000  }
0xcf: {  	[sflag:s3] =	ssyncset.done $0x0  }
0xd0: {  	[sflag:s3] =	ssyncadd.s32 $0xFFFFC000  }
0xd1: {  	[tilespmem:s6], [sflag:$0x5] =	stream.indirect.gather [hbm4b:s8+s16], $0x80, s23, s16, $0xb8;
	[tilespmem:$0x14780] =	vst v63  }
0xd2: {  	_ =	swait.ge [sflag:s17], $0x4000  }
0xd3: {  	[sflag:s17] =	ssyncset.done $0x0  }
0xd4: {  	s0 =	rddreg [dreg:$0x8];
	[sflag:s17] =	ssyncadd.s32 $0xFFFFC000  }
0xd5: {  	[hbm4b:s0+s2] =	stream.linear.scatter [tilespmem:s14], [sflag:$0x6], $0x4000, $0x38;
	[tilespmem:$0x14780] =	vst v63  }
0xd6: {  	_ =	swait.ge [sflag:s3], $0x4000  }
0xd7: {  	[sflag:s3] =	ssyncset.done $0x0  }
0xd8: {  	[sflag:s3] =	ssyncadd.s32 $0xFFFFC000  }
0xd9: {  	[tilespmem:s14], [sflag:$0x1] =	stream.indirect.gather [hbm4b:s8+s16], $0x80, s22, s16, $0xb8;
	[tilespmem:$0x14780] =	vst v63  }
0xda: {  	_ =	swait.ge [sflag:s15], $0x4000  }
0xdb: {  	[sflag:s15] =	ssyncset.done $0x0  }
0xdc: {  	s0 =	rddreg [dreg:$0x9];
	[sflag:s15] =	ssyncadd.s32 $0xFFFFC000  }
0xdd: {  	[hbm4b:s0+s2] =	stream.linear.scatter [tilespmem:s12], [sflag:$0x6], $0x4000, $0x38;
	[tilespmem:$0x14780] =	vst v63  }
0xde: {  	_ =	swait.ge [sflag:s3], $0x4000  }
0xdf: {  	[sflag:s3] =	ssyncset.done $0x0  }
0xe0: {  	[sflag:s3] =	ssyncadd.s32 $0xFFFFC000  }
0xe1: {  	[tilespmem:s12], [sflag:$0x2] =	stream.indirect.gather [hbm4b:s8+s16], $0x80, s21, s16, $0xb8;
	[tilespmem:$0x14780] =	vst v63  }
0xe2: {  	_ =	swait.ge [sflag:s13], $0x4000  }
0xe3: {  	[sflag:s13] =	ssyncset.done $0x0  }
0xe4: {  	s0 =	rddreg [dreg:$0xa];
	[sflag:s13] =	ssyncadd.s32 $0xFFFFC000  }
0xe5: {  	[hbm4b:s0+s2] =	stream.linear.scatter [tilespmem:s9], [sflag:$0x6], $0x4000, $0x38;
	[tilespmem:$0x14780] =	vst v63  }
0xe6: {  	_ =	swait.ge [sflag:s3], $0x4000  }
0xe7: {  	[sflag:s3] =	ssyncset.done $0x0  }
0xe8: {  	[sflag:s3] =	ssyncadd.s32 $0xFFFFC000  }
0xe9: {  	[tilespmem:s9], [sflag:$0x3] =	stream.indirect.gather [hbm4b:s8+s16], $0x80, s20, s16, $0xb8;
	[tilespmem:$0x14780] =	vst v63  }
0xea: {  	_ =	swait.ge [sflag:s11], $0x4000  }
0xeb: {  	[sflag:s11] =	ssyncset.done $0x0  }
0xec: {  	s0 =	rddreg [dreg:$0xb];
	[sflag:s11] =	ssyncadd.s32 $0xFFFFC000  }
0xed: {  	[hbm4b:s0+s2] =	stream.linear.scatter [tilespmem:s7], [sflag:$0x6], $0x4000, $0x38;
	[tilespmem:$0x14780] =	vst v63  }
0xee: {  	_ =	swait.ge [sflag:s3], $0x4000  }
0xef: {  	[sflag:s3] =	ssyncset.done $0x0  }
0xf0: {  	[sflag:s3] =	ssyncadd.s32 $0xFFFFC000  }
0xf1: {  	[tilespmem:s7], [sflag:$0x4] =	stream.indirect.gather [hbm4b:s8+s16], $0x80, s19, s16, $0xb8;
	[tilespmem:$0x14780] =	vst v63  }
0xf2: {  	_ =	swait.ge [sflag:s10], $0x4000  }
0xf3: {  	[sflag:s10] =	ssyncset.done $0x0  }
0xf4: {  	s0 =	rddreg [dreg:$0xc];
	[sflag:s10] =	ssyncadd.s32 $0xFFFFC000  }
0xf5: {  	[hbm4b:s0+s2] =	stream.linear.scatter [tilespmem:s6], [sflag:$0x6], $0x4000, $0x38;
	[tilespmem:$0x14780] =	vst v63  }
0xf6: {  	_ =	swait.ge [sflag:s3], $0x4000  }
0xf7: {  	[sflag:s3] =	ssyncset.done $0x0  }
0xf8: {  	[sflag:s3] =	ssyncadd.s32 $0xFFFFC000  }
0xf9: {  	[tilespmem:s6], [sflag:$0x5] =	stream.indirect.gather [hbm4b:s8+s16], $0x80, s18, s16, $0xb8;
	[tilespmem:$0x14780] =	vst v63  }
0xfa: {  	_ =	swait.ge [sflag:s17], $0x4000  }
0xfb: {  	[sflag:s17] =	ssyncset.done $0x0  }
0xfc: {  	s0 =	rddreg [dreg:$0xd];
	[sflag:s17] =	ssyncadd.s32 $0xFFFFC000  }
0xfd: {  	[hbm4b:s0+s2] =	stream.linear.scatter [tilespmem:s14], [sflag:$0x6], $0x4000, $0x38;
	[tilespmem:$0x14780] =	vst v63  }
0xfe: {  	_ =	swait.ge [sflag:s3], $0x4000  }
0xff: {  	[sflag:s3] =	ssyncset.done $0x0  }
0x100: {  	[sflag:s3] =	ssyncadd.s32 $0xFFFFC000  }
0x101: {  	_ =	swait.ge [sflag:s15], $0x4000  }
0x102: {  	[sflag:s15] =	ssyncset.done $0x0  }
0x103: {  	s0 =	rddreg [dreg:$0xe];
	[sflag:s15] =	ssyncadd.s32 $0xFFFFC000  }
0x104: {  	[hbm4b:s0+s2] =	stream.linear.scatter [tilespmem:s12], [sflag:$0x6], $0x4000, $0x38;
	[tilespmem:$0x14780] =	vst v63  }
0x105: {  	_ =	swait.ge [sflag:s3], $0x4000  }
0x106: {  	[sflag:s3] =	ssyncset.done $0x0  }
0x107: {  	[sflag:s3] =	ssyncadd.s32 $0xFFFFC000  }
0x108: {  	_ =	swait.ge [sflag:s13], $0x4000  }
0x109: {  	[sflag:s13] =	ssyncset.done $0x0  }
0x10a: {  	s0 =	rddreg [dreg:$0xf];
	[sflag:s13] =	ssyncadd.s32 $0xFFFFC000  }
0x10b: {  	[hbm4b:s0+s2] =	stream.linear.scatter [tilespmem:s9], [sflag:$0x6], $0x4000, $0x38;
	[tilespmem:$0x14780] =	vst v63  }
0x10c: {  	_ =	swait.ge [sflag:s3], $0x4000  }
0x10d: {  	[sflag:s3] =	ssyncset.done $0x0  }
0x10e: {  	[sflag:s3] =	ssyncadd.s32 $0xFFFFC000  }
0x10f: {  	_ =	swait.ge [sflag:s11], $0x4000  }
0x110: {  	[sflag:s11] =	ssyncset.done $0x0  }
0x111: {  	[sflag:s11] =	ssyncadd.s32 $0xFFFFC000  }
0x112: {  	[hbm4b:s5+s2] =	stream.linear.scatter [tilespmem:s7], [sflag:$0x6], $0x4000, $0x38;
	[tilespmem:$0x14780] =	vst v63  }
0x113: {  	_ =	swait.ge [sflag:s3], $0x4000  }
0x114: {  	[sflag:s3] =	ssyncset.done $0x0  }
0x115: {  	[sflag:s3] =	ssyncadd.s32 $0xFFFFC000  }
0x116: {  	p1 =	sne.s32 s1, $0x1;
	_ =	swait.ge [sflag:s10], $0x4000  }
.Ltmp2:
0x117: {  	[sflag:s10] =	ssyncset.done $0x0;
	(pc) =	sbr.rel @p1 .LBB2_2-.Ltmp2, $4  }
0x118: {  	[sflag:s10] =	ssyncadd.s32 $0xFFFFC000  }
0x119: {  	[hbm4b:s4+s2] =	stream.linear.scatter [tilespmem:s6], [sflag:$0x6], $0x4000, $0x38;
	[tilespmem:$0x14780] =	vst v63  }
0x11a: {  	_ =	swait.ge [sflag:s3], $0x4000  }
0x11b: {  	s1 =	sadd.s32 $0xFFFFFFFF, s1;
	s0 =	rddreg [dreg:$0x2];
	[sflag:s3] =	ssyncset.done $0x0  }
.LBB2_3:
0x11c: {  	[sflag:s3] =	ssyncadd.s32 @p0 $0xFFFFC000  }
0x11d: {  	[tilespmem:s2], [sflag:$0x6] =	stream.linear.gather [hbm4b:s0+s2], $0x780, $0x38;
	[tilespmem:$0x14780] =	vst v63  }
0x11e: {  	_ =	swait.ge [sflag:s3], $0x780  }
0x11f: {  	[sflag:s3] =	ssyncset.done $0x0  }
0x120: {  	[sflag:s3] =	ssyncadd.s32 $0xFFFFF880  }
0x121: {  	[tilespmem:s14], [sflag:$0x1] =	stream.indirect.gather [hbm4b:s8+s16], $0x80, s2, s16, $0xb8;
	[tilespmem:$0x14780] =	vst v63  }
0x122: {  	_ = 	snop  }
0x123: {  	[tilespmem:s12], [sflag:$0x2] =	stream.indirect.gather [hbm4b:s8+s16], $0x80, s16, s16, $0xb8;
	[tilespmem:$0x14780] =	vst v63  }
0x124: {  	_ = 	snop  }
0x125: {  	[tilespmem:s9], [sflag:$0x3] =	stream.indirect.gather [hbm4b:s8+s16], $0x80, s29, s16, $0xb8;
	[tilespmem:$0x14780] =	vst v63  }
0x126: {  	_ = 	snop  }
0x127: {  	[tilespmem:s7], [sflag:$0x4] =	stream.indirect.gather [hbm4b:s8+s16], $0x80, s30, s16, $0xb8;
	[tilespmem:$0x14780] =	vst v63  }
0x128: {  	_ = 	snop  }
0x129: {  	[tilespmem:s6], [sflag:$0x5] =	stream.indirect.gather [hbm4b:s8+s16], $0x80, s31, s16, $0xb8;
	[tilespmem:$0x14780] =	vst v63  }
0x12a: {  	_ =	swait.ge [sflag:s17], $0x4000  }
0x12b: {  	[sflag:s17] =	ssyncset.done $0x0  }
0x12c: {  	s1 =	rddreg [dreg:$0x3];
	[sflag:s17] =	ssyncadd.s32 $0xFFFFC000  }
0x12d: {  	[hbm4b:s1+s2] =	stream.linear.scatter [tilespmem:s14], [sflag:$0x6], $0x4000, $0x38;
	[tilespmem:$0x14780] =	vst v63  }
0x12e: {  	_ =	swait.ge [sflag:s3], $0x4000  }
0x12f: {  	[sflag:s3] =	ssyncset.done $0x0  }
0x130: {  	[sflag:s3] =	ssyncadd.s32 $0xFFFFC000  }
0x131: {  	[tilespmem:s14], [sflag:$0x1] =	stream.indirect.gather [hbm4b:s8+s16], $0x80, s28, s16, $0xb8;
	[tilespmem:$0x14780] =	vst v63  }
0x132: {  	_ =	swait.ge [sflag:s15], $0x4000  }
0x133: {  	[sflag:s15] =	ssyncset.done $0x0  }
0x134: {  	s28 =	rddreg [dreg:$0x4];
	[sflag:s15] =	ssyncadd.s32 $0xFFFFC000  }
0x135: {  	[hbm4b:s28+s2] =	stream.linear.scatter [tilespmem:s12], [sflag:$0x6], $0x4000, $0x38;
	[tilespmem:$0x14780] =	vst v63  }
0x136: {  	_ =	swait.ge [sflag:s3], $0x4000  }
0x137: {  	[sflag:s3] =	ssyncset.done $0x0  }
0x138: {  	[sflag:s3] =	ssyncadd.s32 $0xFFFFC000  }
0x139: {  	[tilespmem:s12], [sflag:$0x2] =	stream.indirect.gather [hbm4b:s8+s16], $0x80, s26, s16, $0xb8;
	[tilespmem:$0x14780] =	vst v63  }
0x13a: {  	_ =	swait.ge [sflag:s13], $0x4000  }
0x13b: {  	[sflag:s13] =	ssyncset.done $0x0  }
0x13c: {  	s29 =	rddreg [dreg:$0x5];
	[sflag:s13] =	ssyncadd.s32 $0xFFFFC000  }
0x13d: {  	[hbm4b:s29+s2] =	stream.linear.scatter [tilespmem:s9], [sflag:$0x6], $0x4000, $0x38;
	[tilespmem:$0x14780] =	vst v63  }
0x13e: {  	_ =	swait.ge [sflag:s3], $0x4000  }
0x13f: {  	[sflag:s3] =	ssyncset.done $0x0  }
0x140: {  	[sflag:s3] =	ssyncadd.s32 $0xFFFFC000  }
0x141: {  	[tilespmem:s9], [sflag:$0x3] =	stream.indirect.gather [hbm4b:s8+s16], $0x80, s25, s16, $0xb8;
	[tilespmem:$0x14780] =	vst v63  }
0x142: {  	_ =	swait.ge [sflag:s11], $0x4000  }
0x143: {  	[sflag:s11] =	ssyncset.done $0x0  }
0x144: {  	s30 =	rddreg [dreg:$0x6];
	[sflag:s11] =	ssyncadd.s32 $0xFFFFC000  }
0x145: {  	[hbm4b:s30+s2] =	stream.linear.scatter [tilespmem:s7], [sflag:$0x6], $0x4000, $0x38;
	[tilespmem:$0x14780] =	vst v63  }
0x146: {  	_ =	swait.ge [sflag:s3], $0x4000  }
0x147: {  	[sflag:s3] =	ssyncset.done $0x0  }
0x148: {  	[sflag:s3] =	ssyncadd.s32 $0xFFFFC000  }
0x149: {  	[tilespmem:s7], [sflag:$0x4] =	stream.indirect.gather [hbm4b:s8+s16], $0x80, s24, s16, $0xb8;
	[tilespmem:$0x14780] =	vst v63  }
0x14a: {  	_ =	swait.ge [sflag:s10], $0x4000  }
0x14b: {  	[sflag:s10] =	ssyncset.done $0x0  }
0x14c: {  	s31 =	rddreg [dreg:$0x7];
	[sflag:s10] =	ssyncadd.s32 $0xFFFFC000  }
0x14d: {  	[hbm4b:s31+s2] =	stream.linear.scatter [tilespmem:s6], [sflag:$0x6], $0x4000, $0x38;
	[tilespmem:$0x14780] =	vst v63  }
0x14e: {  	_ =	swait.ge [sflag:s3], $0x4000  }
0x14f: {  	[sflag:s3] =	ssyncset.done $0x0  }
0x150: {  	[sflag:s3] =	ssyncadd.s32 $0xFFFFC000  }
0x151: {  	[tilespmem:s6], [sflag:$0x5] =	stream.indirect.gather [hbm4b:s8+s16], $0x80, s23, s16, $0xb8;
	[tilespmem:$0x14780] =	vst v63  }
0x152: {  	_ =	swait.ge [sflag:s17], $0x4000  }
0x153: {  	[sflag:s17] =	ssyncset.done $0x0  }
0x154: {  	s1 =	rddreg [dreg:$0x8];
	[sflag:s17] =	ssyncadd.s32 $0xFFFFC000  }
0x155: {  	[hbm4b:s1+s2] =	stream.linear.scatter [tilespmem:s14], [sflag:$0x6], $0x4000, $0x38;
	[tilespmem:$0x14780] =	vst v63  }
0x156: {  	_ =	swait.ge [sflag:s3], $0x4000  }
0x157: {  	[sflag:s3] =	ssyncset.done $0x0  }
0x158: {  	[sflag:s3] =	ssyncadd.s32 $0xFFFFC000  }
0x159: {  	[tilespmem:s14], [sflag:$0x1] =	stream.indirect.gather [hbm4b:s8+s16], $0x80, s22, s16, $0xb8;
	[tilespmem:$0x14780] =	vst v63  }
0x15a: {  	_ =	swait.ge [sflag:s15], $0x4000  }
0x15b: {  	[sflag:s15] =	ssyncset.done $0x0  }
0x15c: {  	s23 =	rddreg [dreg:$0x9];
	[sflag:s15] =	ssyncadd.s32 $0xFFFFC000  }
0x15d: {  	[hbm4b:s23+s2] =	stream.linear.scatter [tilespmem:s12], [sflag:$0x6], $0x4000, $0x38;
	[tilespmem:$0x14780] =	vst v63  }
0x15e: {  	_ =	swait.ge [sflag:s3], $0x4000  }
0x15f: {  	[sflag:s3] =	ssyncset.done $0x0  }
0x160: {  	[sflag:s3] =	ssyncadd.s32 $0xFFFFC000  }
0x161: {  	[tilespmem:s12], [sflag:$0x2] =	stream.indirect.gather [hbm4b:s8+s16], $0x80, s21, s16, $0xb8;
	[tilespmem:$0x14780] =	vst v63  }
0x162: {  	_ =	swait.ge [sflag:s13], $0x4000  }
0x163: {  	[sflag:s13] =	ssyncset.done $0x0  }
0x164: {  	s24 =	rddreg [dreg:$0xa];
	[sflag:s13] =	ssyncadd.s32 $0xFFFFC000  }
0x165: {  	[hbm4b:s24+s2] =	stream.linear.scatter [tilespmem:s9], [sflag:$0x6], $0x4000, $0x38;
	[tilespmem:$0x14780] =	vst v63  }
0x166: {  	_ =	swait.ge [sflag:s3], $0x4000  }
0x167: {  	[sflag:s3] =	ssyncset.done $0x0  }
0x168: {  	[sflag:s3] =	ssyncadd.s32 $0xFFFFC000  }
0x169: {  	[tilespmem:s9], [sflag:$0x3] =	stream.indirect.gather [hbm4b:s8+s16], $0x80, s20, s16, $0xb8;
	[tilespmem:$0x14780] =	vst v63  }
0x16a: {  	_ =	swait.ge [sflag:s11], $0x4000  }
0x16b: {  	[sflag:s11] =	ssyncset.done $0x0  }
0x16c: {  	s25 =	rddreg [dreg:$0xb];
	[sflag:s11] =	ssyncadd.s32 $0xFFFFC000  }
0x16d: {  	[hbm4b:s25+s2] =	stream.linear.scatter [tilespmem:s7], [sflag:$0x6], $0x4000, $0x38;
	[tilespmem:$0x14780] =	vst v63  }
0x16e: {  	_ =	swait.ge [sflag:s3], $0x4000  }
0x16f: {  	[sflag:s3] =	ssyncset.done $0x0  }
0x170: {  	[sflag:s3] =	ssyncadd.s32 $0xFFFFC000  }
0x171: {  	[tilespmem:s7], [sflag:$0x4] =	stream.indirect.gather [hbm4b:s8+s16], $0x80, s19, s16, $0xb8;
	[tilespmem:$0x14780] =	vst v63  }
0x172: {  	_ =	swait.ge [sflag:s10], $0x4000  }
0x173: {  	[sflag:s10] =	ssyncset.done $0x0  }
0x174: {  	s26 =	rddreg [dreg:$0xc];
	[sflag:s10] =	ssyncadd.s32 $0xFFFFC000  }
0x175: {  	[hbm4b:s26+s2] =	stream.linear.scatter [tilespmem:s6], [sflag:$0x6], $0x4000, $0x38;
	[tilespmem:$0x14780] =	vst v63  }
0x176: {  	_ =	swait.ge [sflag:s3], $0x4000  }
0x177: {  	[sflag:s3] =	ssyncset.done $0x0  }
0x178: {  	[sflag:s3] =	ssyncadd.s32 $0xFFFFC000  }
0x179: {  	[tilespmem:s6], [sflag:$0x5] =	stream.indirect.gather [hbm4b:s8+s16], $0x80, s18, s16, $0xb8;
	[tilespmem:$0x14780] =	vst v63  }
0x17a: {  	_ =	swait.ge [sflag:s17], $0x4000  }
0x17b: {  	[sflag:s17] =	ssyncset.done $0x0  }
0x17c: {  	s28 =	rddreg [dreg:$0xd];
	[sflag:s17] =	ssyncadd.s32 $0xFFFFC000  }
0x17d: {  	[hbm4b:s28+s2] =	stream.linear.scatter [tilespmem:s14], [sflag:$0x6], $0x4000, $0x38;
	[tilespmem:$0x14780] =	vst v63  }
0x17e: {  	_ =	swait.ge [sflag:s3], $0x4000  }
0x17f: {  	[sflag:s3] =	ssyncset.done $0x0  }
0x180: {  	[sflag:s3] =	ssyncadd.s32 $0xFFFFC000  }
0x181: {  	_ =	swait.ge [sflag:s15], $0x4000  }
0x182: {  	[sflag:s15] =	ssyncset.done $0x0  }
0x183: {  	s29 =	rddreg [dreg:$0xe];
	[sflag:s15] =	ssyncadd.s32 $0xFFFFC000  }
0x184: {  	[hbm4b:s29+s2] =	stream.linear.scatter [tilespmem:s12], [sflag:$0x6], $0x4000, $0x38;
	[tilespmem:$0x14780] =	vst v63  }
0x185: {  	_ =	swait.ge [sflag:s3], $0x4000  }
0x186: {  	[sflag:s3] =	ssyncset.done $0x0  }
0x187: {  	[sflag:s3] =	ssyncadd.s32 $0xFFFFC000  }
0x188: {  	_ =	swait.ge [sflag:s13], $0x4000  }
0x189: {  	[sflag:s13] =	ssyncset.done $0x0  }
0x18a: {  	s30 =	rddreg [dreg:$0xf];
	[sflag:s13] =	ssyncadd.s32 $0xFFFFC000  }
0x18b: {  	[hbm4b:s30+s2] =	stream.linear.scatter [tilespmem:s9], [sflag:$0x6], $0x4000, $0x38;
	[tilespmem:$0x14780] =	vst v63  }
0x18c: {  	_ =	swait.ge [sflag:s3], $0x4000  }
0x18d: {  	[sflag:s3] =	ssyncset.done $0x0  }
0x18e: {  	[sflag:s3] =	ssyncadd.s32 $0xFFFFC000  }
0x18f: {  	_ =	swait.ge [sflag:s11], $0x4000  }
0x190: {  	[sflag:s11] =	ssyncset.done $0x0  }
0x191: {  	[sflag:s11] =	ssyncadd.s32 $0xFFFFC000  }
0x192: {  	[hbm4b:s5+s2] =	stream.linear.scatter [tilespmem:s7], [sflag:$0x6], $0x4000, $0x38;
	[tilespmem:$0x14780] =	vst v63  }
0x193: {  	_ =	swait.ge [sflag:s3], $0x4000  }
0x194: {  	[sflag:s3] =	ssyncset.done $0x0  }
0x195: {  	[sflag:s3] =	ssyncadd.s32 $0xFFFFC000  }
0x196: {  	_ =	swait.ge [sflag:s10], $0x4000  }
0x197: {  	[sflag:s10] =	ssyncset.done $0x0  }
0x198: {  	[sflag:s10] =	ssyncadd.s32 $0xFFFFC000  }
0x199: {  	[hbm4b:s4+s2] =	stream.linear.scatter [tilespmem:s6], [sflag:$0x6], $0x4000, $0x38;
	[tilespmem:$0x14780] =	vst v63  }
0x19a: {  	_ =	swait.ge [sflag:s3], $0x4000  }
0x19b: {  	[sflag:s3] =	ssyncset.done $0x0  }
0x19c: {  	[sflag:s3] =	ssyncadd.s32 $0xFFFFC000  }
0x19d: {  	_ =	sfence.sel $0x180000  }
0x19e: {  	[bflag:$0x0] =	sbarrier.arrive $0xFFFF  }
0x19f: {  	_ =	strace $0x9000004D  }
0x1a0: {  	s31 =	stileid.u32;
	[bflag:$0x2] =	sbarrier.arrive $0xFFFF  }
0x1a1: {  	p0 =	sne.s32 s31, $0x0;
	s0 =	rddreg [dreg:$0x1]  }
0x1a2: {  	s0 =	sadd.s32 @!p0 $0x100000, s0  }
0x1a3: {  	[sflag:s0] =	ssyncadd.tile.s32 @!p0 $0x1;
	_ =	shalt  }
.Lfunc_end2:
_tile_overlayer_lowered:
.L_overlay_start_2:
0x1a4: {  	(tag) =	ssettag $0x2  }
0x1a5: {  	s0 =	rddreg [dreg:$0x0];
	s2 =	stileid.u32  }
0x1a6: {  	s1 =	rddreg [dreg:$0x1];
	p0 =	sne.s32 s2, $0x0  }
0x1a7: {  	s3 =	rddreg [dreg:$0x2];
	[bflag:$0x3] =	sbarrier.arrive $0xFFFF;
	s2 =	simm.s32 @!p0 $0x1C06  }
0x1a8: {  	[timem:s3], [sflag:s2] =	dma.local @!p0 [hbm:s0], s1  }
0x1a9: {  	s0 =	simm.s32 @!p0 $0x6  }
0x1aa: {  	_ =	swait.ge @!p0 [sflag:s0], s1  }
0x1ab: {  	s1 =	ssub.s32 @!p0 $0x0, s1;
	[sflag:s0] =	ssyncset.done @!p0 $0x0  }
0x1ac: {  	[sflag:s0] =	ssyncadd.s32 @!p0 s1  }
0x1ad: {  	[bflag:$0x3] =	sbarrier.arrive $0xFFFF  }
0x1ae: {  	_ =	shalt  }

// kernel: kernel.21.cloned.1.call-start
scs
__scs_entry_jumppad:
0x0: {  	(pc) =	sbr.rel $0x88, $3  }
0x1: {  	(tag) =	ssettag $0x0;
	lr =	simm.s32 $0x1  }
0x2: {  	[smem:$0x3F83] =	sst lr;
	_ =	strace $0xD0000000  }
0x3: {  	_ = 	snop  }
0x4: {  	_ = 	snop  }
0x5: {  	_ = 	snop  }
0x6: {  	_ = 	snop  }
0x7: {  	_ = 	snop  }
__scs_overlays_trampoline_lowered:
0x8: {  	[smem:$0x3F92] =	sst s0  }
0x9: {  	[smem:$0x3F93] =	sst s1  }
0xa: {  	[smem:$0x3F94] =	sst s2  }
0xb: {  	[smem:$0x3F95] =	sst s3  }
0xc: {  	[smem:$0x3F96] =	sst s4  }
0xd: {  	[smem:$0x3F97] =	sst s5  }
0xe: {  	[smem:$0x3F98] =	sst s6  }
0xf: {  	[smem:$0x3F99] =	sst s7  }
0x10: {  	[smem:$0x3F9A] =	sst s8  }
0x11: {  	[smem:$0x3F9B] =	sst s9;
	s0 =	simm.s32 @!p0 $0x0  }
0x12: {  	s1 =	sld [smem:$0x3F81];
	s0 =	simm.s32 @p0 $0x1  }
0x13: {  	[smem:$0x3F9C] =	sst s0;
	s0 =	simm.s32 @!p1 $0x0  }
0x14: {  	s2 =	sld [smem:$0x3F80];
	s0 =	simm.s32 @p1 $0x1  }
0x15: {  	[smem:$0x3F9D] =	sst s0;
	s0 =	simm.s32 @!p2 $0x0  }
0x16: {  	s3 =	sld [smem:$0x3FDB];
	s0 =	simm.s32 @p2 $0x1  }
0x17: {  	s4 =	simm.s32 $0x1BF5;
	[smem:$0x3F9F] =	sst s0  }
0x18: {  	s0 =	sld [smem:$0x3F82];
	_ =	swait.ge [sflag:s4], $0x0  }
0x19: {  	s7 =	sld [smem:$0x3F83]  }
0x1a: {  	s8 =	sadd.s32 $0xFFFFE003, lr  }
0x1b: {  	s9 =	sadd.s32 $0xFFFFFEF7, lr;
	s5 =	simm.s32 $0xFFFFFFFF;
	p2 =	slt.u32 s8, $0xFFFFF086  }
0x1c: {  	p1 =	slt.u32 s9, $0xF7A;
	s5 =	simm.s32 @!p2 $0x0  }
0x1d: {  	s5 =	simm.s32 @p1 $0x1;
	p0 =	seq.s32 s7, s2  }
0x1e: {  	s7 =	smul.u32 @!p0 $0xF7A, s2;
	p2 =	seq.s32 @!p0 s5, $0x0  }
0x1f: {  	s9 =	smul.u32 $0xF7A, s1;
	s8 =	simm.s32 @!p0 $0x1BF5;
	p2 =	por !p2, p0  }
0x20: {  	[sflag:s8] =	ssyncset.s32 @!p0 $0xFFFFF086;
	s6 =	sadd.s32 @!p0 s3, s7;
	s7 =	simm.s32 @!p0 $0x108  }
0x21: {  	s3 =	sadd.s32 s3, s9;
	s6 =	sadd.s32 @!p0 $0x88, s6;
	s7 =	simm.s32 @p2 $0x1082  }
0x22: {  	[simem:s7], [sflag:s8] =	dma.local @!p0 [hbm:s6], $0xF7A  }
0x23: {  	s9 =	sor.u32 $0xD0000000, s2;
	s6 =	simm.s32 $0x108;
	_ =	swait.ge @!p0 [sflag:s8], $0x0  }
0x24: {  	s3 =	sadd.s32 $0x88, s3;
	s6 =	simm.s32 @!p1 $0x1082;
	[sflag:s4] =	ssyncset.s32 $0xFFFFF086  }
0x25: {  	[simem:s6], [sflag:s4] =	dma.local [hbm:s3], $0xF7A  }
0x26: {  	[smem:$0x3F83] =	sst s1;
	(tag) =	ssettag s2;
	_ =	strace s9  }
0x27: {  	s1 =	sld [smem:$0x3F93]  }
0x28: {  	s2 =	sld [smem:$0x3F94]  }
0x29: {  	s4 =	sld [smem:$0x3F96]  }
0x2a: {  	p0 =	seq.s32 s5, $0x0;
	s5 =	sld [smem:$0x3F97]  }
0x2b: {  	s6 =	sld [smem:$0x3F98]  }
0x2c: {  	s7 =	sld [smem:$0x3F99]  }
0x2d: {  	s3 =	simm.s32 $0x108;
	s8 =	sld [smem:$0x3F9A]  }
0x2e: {  	s3 =	simm.s32 @!p0 $0x1082;
	s9 =	sld [smem:$0x3F9B]  }
0x2f: {  	lr =	sadd.s32 s0, s3;
	s0 =	sld [smem:$0x3F92]  }
0x30: {  	s3 =	sld [smem:$0x3F95]  }
0x31: {  	[smem:$0x3F9E] =	sst s10  }
0x32: {  	s10 =	sld [smem:$0x3F9C];
	_ =	sdelay $0x3  }
0x33: {  	p0 =	seq.s32 s10, $0x1;
	s10 =	sld [smem:$0x3F9E];
	_ =	sdelay $0x3  }
0x34: {  	[smem:$0x3F9E] =	sst s10  }
0x35: {  	s10 =	sld [smem:$0x3F9D];
	_ =	sdelay $0x3  }
0x36: {  	p1 =	seq.s32 s10, $0x1;
	s10 =	sld [smem:$0x3F9E];
	_ =	sdelay $0x3  }
0x37: {  	[smem:$0x3F9E] =	sst s10  }
0x38: {  	s10 =	sld [smem:$0x3F9F]  }
0x39: {  	_ = 	snop;
	(pc) =	sbr.ind lr, $3  }
0x3a: {  	_ = 	snop  }
0x3b: {  	_ = 	snop  }
0x3c: {  	p2 =	seq.s32 s10, $0x1;
	s10 =	sld [smem:$0x3F9E]  }
0x3d: {  	_ =	shalt  }
0x3e: {  	_ =	shalt  }
0x3f: {  	_ =	shalt  }
0x40: {  	_ =	shalt  }
0x41: {  	_ =	shalt  }
0x42: {  	_ =	shalt  }
0x43: {  	_ =	shalt  }
0x44: {  	_ =	shalt  }
0x45: {  	_ =	shalt  }
0x46: {  	_ =	shalt  }
0x47: {  	_ =	shalt  }
0x48: {  	_ =	shalt  }
0x49: {  	_ =	shalt  }
0x4a: {  	_ =	shalt  }
0x4b: {  	_ =	shalt  }
0x4c: {  	_ =	shalt  }
0x4d: {  	_ =	shalt  }
0x4e: {  	_ =	shalt  }
0x4f: {  	_ =	shalt  }
0x50: {  	_ =	shalt  }
0x51: {  	_ =	shalt  }
0x52: {  	_ =	shalt  }
0x53: {  	_ =	shalt  }
0x54: {  	_ =	shalt  }
0x55: {  	_ =	shalt  }
0x56: {  	_ =	shalt  }
0x57: {  	_ =	shalt  }
0x58: {  	_ =	shalt  }
0x59: {  	_ =	shalt  }
0x5a: {  	_ =	shalt  }
0x5b: {  	_ =	shalt  }
0x5c: {  	_ =	shalt  }
0x5d: {  	_ =	shalt  }
0x5e: {  	_ =	shalt  }
0x5f: {  	_ =	shalt  }
0x60: {  	_ =	shalt  }
0x61: {  	_ =	shalt  }
0x62: {  	_ =	shalt  }
0x63: {  	_ =	shalt  }
0x64: {  	_ =	shalt  }
0x65: {  	_ =	shalt  }
0x66: {  	_ =	shalt  }
0x67: {  	_ =	shalt  }
0x68: {  	_ =	shalt  }
0x69: {  	_ =	shalt  }
0x6a: {  	_ =	shalt  }
0x6b: {  	_ =	shalt  }
0x6c: {  	_ =	shalt  }
0x6d: {  	_ =	shalt  }
0x6e: {  	_ =	shalt  }
0x6f: {  	_ =	shalt  }
0x70: {  	_ =	shalt  }
0x71: {  	_ =	shalt  }
0x72: {  	_ =	shalt  }
0x73: {  	_ =	shalt  }
0x74: {  	_ =	shalt  }
0x75: {  	_ =	shalt  }
0x76: {  	_ =	shalt  }
0x77: {  	_ =	shalt  }
0x78: {  	_ =	shalt  }
0x79: {  	_ =	shalt  }
0x7a: {  	_ =	shalt  }
0x7b: {  	_ =	shalt  }
0x7c: {  	_ =	shalt  }
0x7d: {  	_ =	shalt  }
0x7e: {  	_ =	shalt  }
0x7f: {  	_ =	shalt  }
0x80: {  	_ =	shalt  }
0x81: {  	_ =	shalt  }
0x82: {  	_ =	shalt  }
0x83: {  	_ =	shalt  }
0x84: {  	_ =	shalt  }
0x85: {  	_ =	shalt  }
0x86: {  	_ =	shalt  }
0x87: {  	_ =	shalt  }
.Lfunc_end0:
.L_simem_size_0:
called_computation.3_lowered:
.L_overlay_start_0:
0x88: {  	s2 =	sld [smem:$0x3FD9]  }
0x89: {  	s3 =	sld [smem:$0x3FFE];
	_ =	sdelay $0x1  }
0x8a: {  	s1 =	srdreg.scid  }
0x8b: {  	s0 =	sand.u32 $0x1, s1  }
0x8c: {  	s16 =	sshll.u32 s0, $0xA;
	s2 =	sadd.s32 s3, s2  }
0x8d: {  	s2 =	sadd.s32 s2, s16  }
0x8e: {  	[smem:$0x3FAA] =	sst s2  }
0x8f: {  	_ = 	snop  }
0x90: {  	(tm) =	ssettm $0x1  }
0x91: {  	s17 =	sld [smem:$0x3FFB];
	_ =	sdelay $0x3  }
0x92: {  	_ =	strace s17  }
0x93: {  	s2 =	sld [smem:$0x3FFC];
	_ =	sdelay $0x3  }
0x94: {  	_ =	strace s2  }
0x95: {  	s2 =	sld [smem:$0x3FFD];
	_ =	sdelay $0x3  }
0x96: {  	_ =	strace s2  }
0x97: {  	_ =	strace $0x8FFFFFFF  }
0x98: {  	s18 =	sld [smem:$0x3FDB];
	_ =	sdelay $0x1  }
0x99: {  	s19 =	simm.s32 $_scs_section_size  }
0x9a: {  	s4 =	simm.s32 $_size__tile_overlayer_lowered;
	s5 =	simm.s32 $_tile_overlayer_lowered  }
0x9b: {  	s22 =	simm.s32 $0x1BFF;
	s21 =	sshll.u32 s5, $0x1;
	s2 =	sadd.s32 s19, s18  }
0x9c: {  	s6 =	simm.s32 $0x0;
	s20 =	sshll.u32 s4, $0x1;
	s4 =	sadd.s32 s21, s2  }
0x9d: {  	[timem:s6], [sflag:s22] =	dma.local [hbm:s4], s20  }
0x9e: {  	_ =	swait.ge [sflag:s22], s20  }
0x9f: {  	s3 =	ssub.s32 $0x0, s20;
	[sflag:s22] =	ssyncset.done $0x0  }
0xa0: {  	[sflag:s22] =	ssyncadd.s32 s3;
	_ =	sdelay $0x1  }
0xa1: {  	s23 =	simm.s32 $0x1B8B  }
0xa2: {  	_ =	swait.ge [sflag:s23], $0x1  }
0xa3: {  	[sflag:s23] =	ssyncset.done $0x0  }
0xa4: {  	s25 =	simm.s32 $0x1B8E;
	s24 =	sld [smem:$0x3FFE];
	[sflag:s23] =	ssyncadd.s32 $0xFFFFFFFF  }
0xa5: {  	s26 =	simm.s32 $execute0_lowered;
	[smem:$0x3FD2] =	sst s25  }
0xa6: {  	s4 =	sshll.u32 s26, $0x1;
	_ =	strace $0x8000004F;
	[dreg:$0x1] =	wrdreg $0xFFFFFFFF  }
0xa7: {  	s28 =	simm.s32 $_size_execute0_lowered;
	s2 =	sadd.s32 s2, s4;
	[dreg:$0x0] =	wrdreg $0x0  }
0xa8: {  	s4 =	sshll.u32 s28, $0x1;
	[dreg:$0x2] =	wrdreg s2  }
0xa9: {  	[dreg:$0x3] =	wrdreg s4  }
0xaa: {  	[dreg:$0x4] =	wrdreg $0xC0  }
0xab: {  	_ =	task [dreg:s6], $0x5FFFF  }
0xac: {  	[dreg:$0x1] =	wrdreg $0xFFFFFFFF  }
0xad: {  	[dreg:$0x0] =	wrdreg $0x60  }
0xae: {  	[dreg:$0x2] =	wrdreg s24  }
0xaf: {  	[dreg:$0x3] =	wrdreg $0x9  }
0xb0: {  	_ =	task.clear_ibuf [dreg:s6], $0x4FFFF;
	_ =	strace $0x9000004F  }
0xb1: {  	s29 =	simm.s32 $0x9;
	_ =	strace $0x80000051  }
0xb2: {  	_ =	swait.ge [sflag:s29], $0x1  }
0xb3: {  	[sflag:s29] =	ssyncadd.s32 $0xFFFFFFFF  }
0xb4: {  	_ =	strace $0x90000051  }
0xb5: {  	_ =	sfence  }
0xb6: {  	s30 =	sld [smem:$0x0];
	_ =	sdelay $0x2  }
0xb7: {  	s31 =	sshll.u32 s1, $0xD;
	s1 =	sshrl.u32 s1, $0x2  }
0xb8: {  	s3 =	sand.u32 $0x4000, s31;
	s1 =	sadd.s32 s1, s30  }
0xb9: {  	s0 =	sor.u32 s3, s0;
	s1 =	sshll.u32 s1, $0x11  }
0xba: {  	s0 =	sor.u32 s1, s0  }
0xbb: {  	s0 =	sadd.s32 $0x8F2B, s0  }
0xbc: {  	[sflag:s0] =	ssyncadd.remote.s32 $0x1  }
0xbd: {  	_ =	sfence.sel $0xFFFF  }
0xbe: {  	[dreg:$0x0] =	wrdreg $0xFFFFFFFF;
	(pc) =	sbr.abs _section_cstart, $3  }
0xbf: {  	[dreg:$0x1] =	wrdreg $0xFFFFFFFF  }
0xc0: {  	_ =	task.clear_ibuf [dreg:s6], $0x2FFFF;
	_ =	strace $0x9FFFFFFF  }
0xc1: {  	(tm) =	ssettm $0x7FFFFFFF  }
tec
execute0_lowered:
.L_overlay_start_1:
0x0: {  	(tag) =	ssettag $0x1  }
0x1: {  	s0 =	srdreg.scid  }
0x2: {  	s1 =	stileid.u32;
	s3 =	rddreg [dreg:$0x0]  }
0x3: {  	s2 =	simm.s32 $0x0;
	s12 =	simm.s32 $0x4780;
	s29 =	simm.s32 $0x100  }
0x4: {  	s9 =	simm.s32 $0x8780;
	s0 =	sand.u32 $0x1, s0;
	s1 =	sshll.u32 s1, $0x1  }
0x5: {  	s30 =	simm.s32 $0x180;
	s7 =	simm.s32 $0xC780;
	s1 =	sor.u32 s0, s1  }
0x6: {  	s31 =	simm.s32 $0x200;
	s28 =	simm.s32 $0x280;
	s4 =	smul.u32 $0xF0, s1  }
0x7: {  	s11 =	simm.s32 $0x4;
	s10 =	simm.s32 $0x5;
	s5 =	smul.u32 $0x3C000, s1  }
0x8: {  	p0 =	por $0x0, $0x0;
	[smem:$0x7FF] =	sst s2;
	s1 =	smul.u32 $0x7800, s1  }
0x9: {  	s6 =	sadd.s32 $0x56A00, s3;
	s8 =	sadd.s32 $0x8800, s3;
	_ =	strace $0x80000050  }
0xa: {  	s4 =	sadd.s32 s4, s3;
	s5 =	sshrl.u32 s5, $0x3;
	s1 =	sadd.s32 s6, s1  }
0xb: {  	s4 =	sadd.s32 $0x6A00, s4;
	s13 =	sadd.s32 s6, s5;
	[dreg:$0x3] =	wrdreg s1  }
0xc: {  	s0 =	ssub.s32 $0x2, s0;
	[dreg:$0x2] =	wrdreg s4;
	s14 =	sadd.s32 $0x800, s13  }
0xd: {  	s24 =	sshrl.u32 s0, $0x1;
	s15 =	sadd.s32 $0x1000, s13;
	[dreg:$0x4] =	wrdreg s14  }
0xe: {  	s0 =	ssub.s32 s0, s24;
	s16 =	sadd.s32 $0x1800, s13;
	[dreg:$0x5] =	wrdreg s15  }
0xf: {  	s24 =	simm.s32 $0x400;
	s17 =	sadd.s32 $0x2000, s13;
	[dreg:$0x6] =	wrdreg s16  }
0x10: {  	s0 =	smax.u32 s0, $0x1;
	s18 =	sadd.s32 $0x2800, s13;
	[dreg:$0x7] =	wrdreg s17  }
0x11: {  	s3 =	simm.s32 $0x6;
	s19 =	sadd.s32 $0x3000, s13;
	[dreg:$0x8] =	wrdreg s18  }
0x12: {  	s6 =	simm.s32 $0x10780;
	s20 =	sadd.s32 $0x3800, s13;
	[dreg:$0x9] =	wrdreg s19  }
0x13: {  	p1 =	sne.s32 s0, $0x1;
	s21 =	sadd.s32 $0x4000, s13;
	[dreg:$0xa] =	wrdreg s20  }
0x14: {  	s1 =	sadd.s32 $0xFFFFFFFF, s0;
	s22 =	sadd.s32 $0x4800, s13;
	[dreg:$0xb] =	wrdreg s21  }
0x15: {  	s23 =	sadd.s32 $0x5000, s13;
	s25 =	sadd.s32 $0x5800, s13;
	[dreg:$0xc] =	wrdreg s22  }
0x16: {  	s26 =	sadd.s32 $0x6000, s13;
	s5 =	sadd.s32 $0x6800, s13;
	[dreg:$0xd] =	wrdreg s23  }
0x17: {  	s4 =	sadd.s32 $0x7000, s13;
	s13 =	simm.s32 $0x3;
	[dreg:$0xe] =	wrdreg s25  }
.Ltmp0:
0x18: {  	[dreg:$0xf] =	wrdreg s26;
	s16 =	simm.s32 $0x80;
	(pc) =	sbr.rel @!p1 .LBB2_3-.Ltmp0, $4  }
0x19: {  	s14 =	simm.s32 $0x780;
	s17 =	simm.s32 $0x1;
	s15 =	simm.s32 $0x2  }
0x1a: {  	s26 =	simm.s32 $0x300;
	s25 =	simm.s32 $0x380;
	s23 =	simm.s32 $0x480  }
0x1b: {  	s22 =	simm.s32 $0x500;
	s21 =	simm.s32 $0x580;
	s20 =	simm.s32 $0x600  }
0x1c: {  	s19 =	simm.s32 $0x680;
	s18 =	simm.s32 $0x700;
	s0 =	rddreg [dreg:$0x2]  }
0x1d: {  	[tilespmem:s2], [sflag:$0x6] =	stream.linear.gather [hbm4b:s0+s2], $0x780, $0x38;
	[tilespmem:$0x14780] =	vst v63  }
0x1e: {  	_ =	swait.ge [sflag:s3], $0x780  }
0x1f: {  	[sflag:s3] =	ssyncset.done $0x0  }
0x20: {  	[sflag:s3] =	ssyncadd.s32 $0xFFFFF880  }
0x21: {  	[tilespmem:s14], [sflag:$0x1] =	stream.indirect.gather [hbm4b:s8+s16], $0x80, s2, s16, $0xb8;
	[tilespmem:$0x14780] =	vst v63  }
0x22: {  	_ = 	snop  }
0x23: {  	[tilespmem:s12], [sflag:$0x2] =	stream.indirect.gather [hbm4b:s8+s16], $0x80, s16, s16, $0xb8;
	[tilespmem:$0x14780] =	vst v63  }
0x24: {  	_ = 	snop  }
0x25: {  	[tilespmem:s9], [sflag:$0x3] =	stream.indirect.gather [hbm4b:s8+s16], $0x80, s29, s16, $0xb8;
	[tilespmem:$0x14780] =	vst v63  }
0x26: {  	_ = 	snop  }
0x27: {  	[tilespmem:s7], [sflag:$0x4] =	stream.indirect.gather [hbm4b:s8+s16], $0x80, s30, s16, $0xb8;
	[tilespmem:$0x14780] =	vst v63  }
0x28: {  	_ = 	snop  }
0x29: {  	[tilespmem:s6], [sflag:$0x5] =	stream.indirect.gather [hbm4b:s8+s16], $0x80, s31, s16, $0xb8;
	[tilespmem:$0x14780] =	vst v63  }
0x2a: {  	_ =	swait.ge [sflag:s17], $0x4000  }
0x2b: {  	[sflag:s17] =	ssyncset.done $0x0  }
0x2c: {  	s0 =	rddreg [dreg:$0x3];
	[sflag:s17] =	ssyncadd.s32 $0xFFFFC000  }
0x2d: {  	[hbm4b:s0+s2] =	stream.linear.scatter [tilespmem:s14], [sflag:$0x6], $0x4000, $0x38;
	[tilespmem:$0x14780] =	vst v63  }
0x2e: {  	_ =	swait.ge [sflag:s3], $0x4000  }
0x2f: {  	[sflag:s3] =	ssyncset.done $0x0  }
0x30: {  	[sflag:s3] =	ssyncadd.s32 $0xFFFFC000  }
0x31: {  	[tilespmem:s14], [sflag:$0x1] =	stream.indirect.gather [hbm4b:s8+s16], $0x80, s28, s16, $0xb8;
	[tilespmem:$0x14780] =	vst v63  }
0x32: {  	_ =	swait.ge [sflag:s15], $0x4000  }
0x33: {  	[sflag:s15] =	ssyncset.done $0x0  }
0x34: {  	s0 =	rddreg [dreg:$0x4];
	[sflag:s15] =	ssyncadd.s32 $0xFFFFC000  }
0x35: {  	[hbm4b:s0+s2] =	stream.linear.scatter [tilespmem:s12], [sflag:$0x6], $0x4000, $0x38;
	[tilespmem:$0x14780] =	vst v63  }
0x36: {  	_ =	swait.ge [sflag:s3], $0x4000  }
0x37: {  	[sflag:s3] =	ssyncset.done $0x0  }
0x38: {  	[sflag:s3] =	ssyncadd.s32 $0xFFFFC000  }
0x39: {  	[tilespmem:s12], [sflag:$0x2] =	stream.indirect.gather [hbm4b:s8+s16], $0x80, s26, s16, $0xb8;
	[tilespmem:$0x14780] =	vst v63  }
0x3a: {  	_ =	swait.ge [sflag:s13], $0x4000  }
0x3b: {  	[sflag:s13] =	ssyncset.done $0x0  }
0x3c: {  	s0 =	rddreg [dreg:$0x5];
	[sflag:s13] =	ssyncadd.s32 $0xFFFFC000  }
0x3d: {  	[hbm4b:s0+s2] =	stream.linear.scatter [tilespmem:s9], [sflag:$0x6], $0x4000, $0x38;
	[tilespmem:$0x14780] =	vst v63  }
0x3e: {  	_ =	swait.ge [sflag:s3], $0x4000  }
0x3f: {  	[sflag:s3] =	ssyncset.done $0x0  }
0x40: {  	[sflag:s3] =	ssyncadd.s32 $0xFFFFC000  }
0x41: {  	[tilespmem:s9], [sflag:$0x3] =	stream.indirect.gather [hbm4b:s8+s16], $0x80, s25, s16, $0xb8;
	[tilespmem:$0x14780] =	vst v63  }
0x42: {  	_ =	swait.ge [sflag:s11], $0x4000  }
0x43: {  	[sflag:s11] =	ssyncset.done $0x0  }
0x44: {  	s0 =	rddreg [dreg:$0x6];
	[sflag:s11] =	ssyncadd.s32 $0xFFFFC000  }
0x45: {  	[hbm4b:s0+s2] =	stream.linear.scatter [tilespmem:s7], [sflag:$0x6], $0x4000, $0x38;
	[tilespmem:$0x14780] =	vst v63  }
0x46: {  	_ =	swait.ge [sflag:s3], $0x4000  }
0x47: {  	[sflag:s3] =	ssyncset.done $0x0  }
0x48: {  	[sflag:s3] =	ssyncadd.s32 $0xFFFFC000  }
0x49: {  	[tilespmem:s7], [sflag:$0x4] =	stream.indirect.gather [hbm4b:s8+s16], $0x80, s24, s16, $0xb8;
	[tilespmem:$0x14780] =	vst v63  }
0x4a: {  	_ =	swait.ge [sflag:s10], $0x4000  }
0x4b: {  	[sflag:s10] =	ssyncset.done $0x0  }
0x4c: {  	s0 =	rddreg [dreg:$0x7];
	[sflag:s10] =	ssyncadd.s32 $0xFFFFC000  }
0x4d: {  	[hbm4b:s0+s2] =	stream.linear.scatter [tilespmem:s6], [sflag:$0x6], $0x4000, $0x38;
	[tilespmem:$0x14780] =	vst v63  }
0x4e: {  	_ =	swait.ge [sflag:s3], $0x4000  }
0x4f: {  	[sflag:s3] =	ssyncset.done $0x0  }
0x50: {  	[sflag:s3] =	ssyncadd.s32 $0xFFFFC000  }
0x51: {  	[tilespmem:s6], [sflag:$0x5] =	stream.indirect.gather [hbm4b:s8+s16], $0x80, s23, s16, $0xb8;
	[tilespmem:$0x14780] =	vst v63  }
0x52: {  	_ =	swait.ge [sflag:s17], $0x4000  }
0x53: {  	[sflag:s17] =	ssyncset.done $0x0  }
0x54: {  	s0 =	rddreg [dreg:$0x8];
	[sflag:s17] =	ssyncadd.s32 $0xFFFFC000  }
0x55: {  	[hbm4b:s0+s2] =	stream.linear.scatter [tilespmem:s14], [sflag:$0x6], $0x4000, $0x38;
	[tilespmem:$0x14780] =	vst v63  }
0x56: {  	_ =	swait.ge [sflag:s3], $0x4000  }
0x57: {  	[sflag:s3] =	ssyncset.done $0x0  }
0x58: {  	[sflag:s3] =	ssyncadd.s32 $0xFFFFC000  }
0x59: {  	[tilespmem:s14], [sflag:$0x1] =	stream.indirect.gather [hbm4b:s8+s16], $0x80, s22, s16, $0xb8;
	[tilespmem:$0x14780] =	vst v63  }
0x5a: {  	_ =	swait.ge [sflag:s15], $0x4000  }
0x5b: {  	[sflag:s15] =	ssyncset.done $0x0  }
0x5c: {  	s0 =	rddreg [dreg:$0x9];
	[sflag:s15] =	ssyncadd.s32 $0xFFFFC000  }
0x5d: {  	[hbm4b:s0+s2] =	stream.linear.scatter [tilespmem:s12], [sflag:$0x6], $0x4000, $0x38;
	[tilespmem:$0x14780] =	vst v63  }
0x5e: {  	_ =	swait.ge [sflag:s3], $0x4000  }
0x5f: {  	[sflag:s3] =	ssyncset.done $0x0  }
0x60: {  	[sflag:s3] =	ssyncadd.s32 $0xFFFFC000  }
0x61: {  	[tilespmem:s12], [sflag:$0x2] =	stream.indirect.gather [hbm4b:s8+s16], $0x80, s21, s16, $0xb8;
	[tilespmem:$0x14780] =	vst v63  }
0x62: {  	_ =	swait.ge [sflag:s13], $0x4000  }
0x63: {  	[sflag:s13] =	ssyncset.done $0x0  }
0x64: {  	s0 =	rddreg [dreg:$0xa];
	[sflag:s13] =	ssyncadd.s32 $0xFFFFC000  }
0x65: {  	[hbm4b:s0+s2] =	stream.linear.scatter [tilespmem:s9], [sflag:$0x6], $0x4000, $0x38;
	[tilespmem:$0x14780] =	vst v63  }
0x66: {  	_ =	swait.ge [sflag:s3], $0x4000  }
0x67: {  	[sflag:s3] =	ssyncset.done $0x0  }
0x68: {  	[sflag:s3] =	ssyncadd.s32 $0xFFFFC000  }
0x69: {  	[tilespmem:s9], [sflag:$0x3] =	stream.indirect.gather [hbm4b:s8+s16], $0x80, s20, s16, $0xb8;
	[tilespmem:$0x14780] =	vst v63  }
0x6a: {  	_ =	swait.ge [sflag:s11], $0x4000  }
0x6b: {  	[sflag:s11] =	ssyncset.done $0x0  }
0x6c: {  	s0 =	rddreg [dreg:$0xb];
	[sflag:s11] =	ssyncadd.s32 $0xFFFFC000  }
0x6d: {  	[hbm4b:s0+s2] =	stream.linear.scatter [tilespmem:s7], [sflag:$0x6], $0x4000, $0x38;
	[tilespmem:$0x14780] =	vst v63  }
0x6e: {  	_ =	swait.ge [sflag:s3], $0x4000  }
0x6f: {  	[sflag:s3] =	ssyncset.done $0x0  }
0x70: {  	[sflag:s3] =	ssyncadd.s32 $0xFFFFC000  }
0x71: {  	[tilespmem:s7], [sflag:$0x4] =	stream.indirect.gather [hbm4b:s8+s16], $0x80, s19, s16, $0xb8;
	[tilespmem:$0x14780] =	vst v63  }
0x72: {  	_ =	swait.ge [sflag:s10], $0x4000  }
0x73: {  	[sflag:s10] =	ssyncset.done $0x0  }
0x74: {  	s0 =	rddreg [dreg:$0xc];
	[sflag:s10] =	ssyncadd.s32 $0xFFFFC000  }
0x75: {  	[hbm4b:s0+s2] =	stream.linear.scatter [tilespmem:s6], [sflag:$0x6], $0x4000, $0x38;
	[tilespmem:$0x14780] =	vst v63  }
0x76: {  	_ =	swait.ge [sflag:s3], $0x4000  }
0x77: {  	[sflag:s3] =	ssyncset.done $0x0  }
0x78: {  	[sflag:s3] =	ssyncadd.s32 $0xFFFFC000  }
0x79: {  	[tilespmem:s6], [sflag:$0x5] =	stream.indirect.gather [hbm4b:s8+s16], $0x80, s18, s16, $0xb8;
	[tilespmem:$0x14780] =	vst v63  }
0x7a: {  	_ =	swait.ge [sflag:s17], $0x4000  }
0x7b: {  	[sflag:s17] =	ssyncset.done $0x0  }
0x7c: {  	s0 =	rddreg [dreg:$0xd];
	[sflag:s17] =	ssyncadd.s32 $0xFFFFC000  }
0x7d: {  	[hbm4b:s0+s2] =	stream.linear.scatter [tilespmem:s14], [sflag:$0x6], $0x4000, $0x38;
	[tilespmem:$0x14780] =	vst v63  }
0x7e: {  	_ =	swait.ge [sflag:s3], $0x4000  }
0x7f: {  	[sflag:s3] =	ssyncset.done $0x0  }
0x80: {  	[sflag:s3] =	ssyncadd.s32 $0xFFFFC000  }
0x81: {  	_ =	swait.ge [sflag:s15], $0x4000  }
0x82: {  	[sflag:s15] =	ssyncset.done $0x0  }
0x83: {  	s0 =	rddreg [dreg:$0xe];
	[sflag:s15] =	ssyncadd.s32 $0xFFFFC000  }
0x84: {  	[hbm4b:s0+s2] =	stream.linear.scatter [tilespmem:s12], [sflag:$0x6], $0x4000, $0x38;
	[tilespmem:$0x14780] =	vst v63  }
0x85: {  	_ =	swait.ge [sflag:s3], $0x4000  }
0x86: {  	[sflag:s3] =	ssyncset.done $0x0  }
0x87: {  	[sflag:s3] =	ssyncadd.s32 $0xFFFFC000  }
0x88: {  	_ =	swait.ge [sflag:s13], $0x4000  }
0x89: {  	[sflag:s13] =	ssyncset.done $0x0  }
0x8a: {  	s0 =	rddreg [dreg:$0xf];
	[sflag:s13] =	ssyncadd.s32 $0xFFFFC000  }
0x8b: {  	[hbm4b:s0+s2] =	stream.linear.scatter [tilespmem:s9], [sflag:$0x6], $0x4000, $0x38;
	[tilespmem:$0x14780] =	vst v63  }
0x8c: {  	_ =	swait.ge [sflag:s3], $0x4000  }
0x8d: {  	[sflag:s3] =	ssyncset.done $0x0  }
0x8e: {  	[sflag:s3] =	ssyncadd.s32 $0xFFFFC000  }
0x8f: {  	_ =	swait.ge [sflag:s11], $0x4000  }
0x90: {  	[sflag:s11] =	ssyncset.done $0x0  }
0x91: {  	[sflag:s11] =	ssyncadd.s32 $0xFFFFC000  }
0x92: {  	[hbm4b:s5+s2] =	stream.linear.scatter [tilespmem:s7], [sflag:$0x6], $0x4000, $0x38;
	[tilespmem:$0x14780] =	vst v63  }
0x93: {  	_ =	swait.ge [sflag:s3], $0x4000  }
0x94: {  	[sflag:s3] =	ssyncset.done $0x0  }
0x95: {  	[sflag:s3] =	ssyncadd.s32 $0xFFFFC000  }
0x96: {  	p1 =	sne.s32 s1, $0x1;
	_ =	swait.ge [sflag:s10], $0x4000  }
.Ltmp1:
0x97: {  	[sflag:s10] =	ssyncset.done $0x0;
	(pc) =	sbr.rel @!p1 .LBB2_3-.Ltmp1, $4  }
0x98: {  	[sflag:s10] =	ssyncadd.s32 $0xFFFFC000  }
0x99: {  	[hbm4b:s4+s2] =	stream.linear.scatter [tilespmem:s6], [sflag:$0x6], $0x4000, $0x38;
	[tilespmem:$0x14780] =	vst v63  }
0x9a: {  	s1 =	sadd.s32 $0xFFFFFFFF, s1;
	_ =	swait.ge [sflag:s3], $0x4000  }
0x9b: {  	p0 =	por $0x1, $0x1;
	s0 =	rddreg [dreg:$0x2];
	[sflag:s3] =	ssyncset.done $0x0  }
.LBB2_2:
0x9c: {  	[sflag:s3] =	ssyncadd.s32 $0xFFFFC000  }
0x9d: {  	[tilespmem:s2], [sflag:$0x6] =	stream.linear.gather [hbm4b:s0+s2], $0x780, $0x38;
	[tilespmem:$0x14780] =	vst v63  }
0x9e: {  	_ =	swait.ge [sflag:s3], $0x780  }
0x9f: {  	[sflag:s3] =	ssyncset.done $0x0  }
0xa0: {  	[sflag:s3] =	ssyncadd.s32 $0xFFFFF880  }
0xa1: {  	[tilespmem:s14], [sflag:$0x1] =	stream.indirect.gather [hbm4b:s8+s16], $0x80, s2, s16, $0xb8;
	[tilespmem:$0x14780] =	vst v63  }
0xa2: {  	_ = 	snop  }
0xa3: {  	[tilespmem:s12], [sflag:$0x2] =	stream.indirect.gather [hbm4b:s8+s16], $0x80, s16, s16, $0xb8;
	[tilespmem:$0x14780] =	vst v63  }
0xa4: {  	_ = 	snop  }
0xa5: {  	[tilespmem:s9], [sflag:$0x3] =	stream.indirect.gather [hbm4b:s8+s16], $0x80, s29, s16, $0xb8;
	[tilespmem:$0x14780] =	vst v63  }
0xa6: {  	_ = 	snop  }
0xa7: {  	[tilespmem:s7], [sflag:$0x4] =	stream.indirect.gather [hbm4b:s8+s16], $0x80, s30, s16, $0xb8;
	[tilespmem:$0x14780] =	vst v63  }
0xa8: {  	_ = 	snop  }
0xa9: {  	[tilespmem:s6], [sflag:$0x5] =	stream.indirect.gather [hbm4b:s8+s16], $0x80, s31, s16, $0xb8;
	[tilespmem:$0x14780] =	vst v63  }
0xaa: {  	_ =	swait.ge [sflag:s17], $0x4000  }
0xab: {  	[sflag:s17] =	ssyncset.done $0x0  }
0xac: {  	s0 =	rddreg [dreg:$0x3];
	[sflag:s17] =	ssyncadd.s32 $0xFFFFC000  }
0xad: {  	[hbm4b:s0+s2] =	stream.linear.scatter [tilespmem:s14], [sflag:$0x6], $0x4000, $0x38;
	[tilespmem:$0x14780] =	vst v63  }
0xae: {  	_ =	swait.ge [sflag:s3], $0x4000  }
0xaf: {  	[sflag:s3] =	ssyncset.done $0x0  }
0xb0: {  	[sflag:s3] =	ssyncadd.s32 $0xFFFFC000  }
0xb1: {  	[tilespmem:s14], [sflag:$0x1] =	stream.indirect.gather [hbm4b:s8+s16], $0x80, s28, s16, $0xb8;
	[tilespmem:$0x14780] =	vst v63  }
0xb2: {  	_ =	swait.ge [sflag:s15], $0x4000  }
0xb3: {  	[sflag:s15] =	ssyncset.done $0x0  }
0xb4: {  	s0 =	rddreg [dreg:$0x4];
	[sflag:s15] =	ssyncadd.s32 $0xFFFFC000  }
0xb5: {  	[hbm4b:s0+s2] =	stream.linear.scatter [tilespmem:s12], [sflag:$0x6], $0x4000, $0x38;
	[tilespmem:$0x14780] =	vst v63  }
0xb6: {  	_ =	swait.ge [sflag:s3], $0x4000  }
0xb7: {  	[sflag:s3] =	ssyncset.done $0x0  }
0xb8: {  	[sflag:s3] =	ssyncadd.s32 $0xFFFFC000  }
0xb9: {  	[tilespmem:s12], [sflag:$0x2] =	stream.indirect.gather [hbm4b:s8+s16], $0x80, s26, s16, $0xb8;
	[tilespmem:$0x14780] =	vst v63  }
0xba: {  	_ =	swait.ge [sflag:s13], $0x4000  }
0xbb: {  	[sflag:s13] =	ssyncset.done $0x0  }
0xbc: {  	s0 =	rddreg [dreg:$0x5];
	[sflag:s13] =	ssyncadd.s32 $0xFFFFC000  }
0xbd: {  	[hbm4b:s0+s2] =	stream.linear.scatter [tilespmem:s9], [sflag:$0x6], $0x4000, $0x38;
	[tilespmem:$0x14780] =	vst v63  }
0xbe: {  	_ =	swait.ge [sflag:s3], $0x4000  }
0xbf: {  	[sflag:s3] =	ssyncset.done $0x0  }
0xc0: {  	[sflag:s3] =	ssyncadd.s32 $0xFFFFC000  }
0xc1: {  	[tilespmem:s9], [sflag:$0x3] =	stream.indirect.gather [hbm4b:s8+s16], $0x80, s25, s16, $0xb8;
	[tilespmem:$0x14780] =	vst v63  }
0xc2: {  	_ =	swait.ge [sflag:s11], $0x4000  }
0xc3: {  	[sflag:s11] =	ssyncset.done $0x0  }
0xc4: {  	s0 =	rddreg [dreg:$0x6];
	[sflag:s11] =	ssyncadd.s32 $0xFFFFC000  }
0xc5: {  	[hbm4b:s0+s2] =	stream.linear.scatter [tilespmem:s7], [sflag:$0x6], $0x4000, $0x38;
	[tilespmem:$0x14780] =	vst v63  }
0xc6: {  	_ =	swait.ge [sflag:s3], $0x4000  }
0xc7: {  	[sflag:s3] =	ssyncset.done $0x0  }
0xc8: {  	[sflag:s3] =	ssyncadd.s32 $0xFFFFC000  }
0xc9: {  	[tilespmem:s7], [sflag:$0x4] =	stream.indirect.gather [hbm4b:s8+s16], $0x80, s24, s16, $0xb8;
	[tilespmem:$0x14780] =	vst v63  }
0xca: {  	_ =	swait.ge [sflag:s10], $0x4000  }
0xcb: {  	[sflag:s10] =	ssyncset.done $0x0  }
0xcc: {  	s0 =	rddreg [dreg:$0x7];
	[sflag:s10] =	ssyncadd.s32 $0xFFFFC000  }
0xcd: {  	[hbm4b:s0+s2] =	stream.linear.scatter [tilespmem:s6], [sflag:$0x6], $0x4000, $0x38;
	[tilespmem:$0x14780] =	vst v63  }
0xce: {  	_ =	swait.ge [sflag:s3], $0x4000  }
0xcf: {  	[sflag:s3] =	ssyncset.done $0x0  }
0xd0: {  	[sflag:s3] =	ssyncadd.s32 $0xFFFFC000  }
0xd1: {  	[tilespmem:s6], [sflag:$0x5] =	stream.indirect.gather [hbm4b:s8+s16], $0x80, s23, s16, $0xb8;
	[tilespmem:$0x14780] =	vst v63  }
0xd2: {  	_ =	swait.ge [sflag:s17], $0x4000  }
0xd3: {  	[sflag:s17] =	ssyncset.done $0x0  }
0xd4: {  	s0 =	rddreg [dreg:$0x8];
	[sflag:s17] =	ssyncadd.s32 $0xFFFFC000  }
0xd5: {  	[hbm4b:s0+s2] =	stream.linear.scatter [tilespmem:s14], [sflag:$0x6], $0x4000, $0x38;
	[tilespmem:$0x14780] =	vst v63  }
0xd6: {  	_ =	swait.ge [sflag:s3], $0x4000  }
0xd7: {  	[sflag:s3] =	ssyncset.done $0x0  }
0xd8: {  	[sflag:s3] =	ssyncadd.s32 $0xFFFFC000  }
0xd9: {  	[tilespmem:s14], [sflag:$0x1] =	stream.indirect.gather [hbm4b:s8+s16], $0x80, s22, s16, $0xb8;
	[tilespmem:$0x14780] =	vst v63  }
0xda: {  	_ =	swait.ge [sflag:s15], $0x4000  }
0xdb: {  	[sflag:s15] =	ssyncset.done $0x0  }
0xdc: {  	s0 =	rddreg [dreg:$0x9];
	[sflag:s15] =	ssyncadd.s32 $0xFFFFC000  }
0xdd: {  	[hbm4b:s0+s2] =	stream.linear.scatter [tilespmem:s12], [sflag:$0x6], $0x4000, $0x38;
	[tilespmem:$0x14780] =	vst v63  }
0xde: {  	_ =	swait.ge [sflag:s3], $0x4000  }
0xdf: {  	[sflag:s3] =	ssyncset.done $0x0  }
0xe0: {  	[sflag:s3] =	ssyncadd.s32 $0xFFFFC000  }
0xe1: {  	[tilespmem:s12], [sflag:$0x2] =	stream.indirect.gather [hbm4b:s8+s16], $0x80, s21, s16, $0xb8;
	[tilespmem:$0x14780] =	vst v63  }
0xe2: {  	_ =	swait.ge [sflag:s13], $0x4000  }
0xe3: {  	[sflag:s13] =	ssyncset.done $0x0  }
0xe4: {  	s0 =	rddreg [dreg:$0xa];
	[sflag:s13] =	ssyncadd.s32 $0xFFFFC000  }
0xe5: {  	[hbm4b:s0+s2] =	stream.linear.scatter [tilespmem:s9], [sflag:$0x6], $0x4000, $0x38;
	[tilespmem:$0x14780] =	vst v63  }
0xe6: {  	_ =	swait.ge [sflag:s3], $0x4000  }
0xe7: {  	[sflag:s3] =	ssyncset.done $0x0  }
0xe8: {  	[sflag:s3] =	ssyncadd.s32 $0xFFFFC000  }
0xe9: {  	[tilespmem:s9], [sflag:$0x3] =	stream.indirect.gather [hbm4b:s8+s16], $0x80, s20, s16, $0xb8;
	[tilespmem:$0x14780] =	vst v63  }
0xea: {  	_ =	swait.ge [sflag:s11], $0x4000  }
0xeb: {  	[sflag:s11] =	ssyncset.done $0x0  }
0xec: {  	s0 =	rddreg [dreg:$0xb];
	[sflag:s11] =	ssyncadd.s32 $0xFFFFC000  }
0xed: {  	[hbm4b:s0+s2] =	stream.linear.scatter [tilespmem:s7], [sflag:$0x6], $0x4000, $0x38;
	[tilespmem:$0x14780] =	vst v63  }
0xee: {  	_ =	swait.ge [sflag:s3], $0x4000  }
0xef: {  	[sflag:s3] =	ssyncset.done $0x0  }
0xf0: {  	[sflag:s3] =	ssyncadd.s32 $0xFFFFC000  }
0xf1: {  	[tilespmem:s7], [sflag:$0x4] =	stream.indirect.gather [hbm4b:s8+s16], $0x80, s19, s16, $0xb8;
	[tilespmem:$0x14780] =	vst v63  }
0xf2: {  	_ =	swait.ge [sflag:s10], $0x4000  }
0xf3: {  	[sflag:s10] =	ssyncset.done $0x0  }
0xf4: {  	s0 =	rddreg [dreg:$0xc];
	[sflag:s10] =	ssyncadd.s32 $0xFFFFC000  }
0xf5: {  	[hbm4b:s0+s2] =	stream.linear.scatter [tilespmem:s6], [sflag:$0x6], $0x4000, $0x38;
	[tilespmem:$0x14780] =	vst v63  }
0xf6: {  	_ =	swait.ge [sflag:s3], $0x4000  }
0xf7: {  	[sflag:s3] =	ssyncset.done $0x0  }
0xf8: {  	[sflag:s3] =	ssyncadd.s32 $0xFFFFC000  }
0xf9: {  	[tilespmem:s6], [sflag:$0x5] =	stream.indirect.gather [hbm4b:s8+s16], $0x80, s18, s16, $0xb8;
	[tilespmem:$0x14780] =	vst v63  }
0xfa: {  	_ =	swait.ge [sflag:s17], $0x4000  }
0xfb: {  	[sflag:s17] =	ssyncset.done $0x0  }
0xfc: {  	s0 =	rddreg [dreg:$0xd];
	[sflag:s17] =	ssyncadd.s32 $0xFFFFC000  }
0xfd: {  	[hbm4b:s0+s2] =	stream.linear.scatter [tilespmem:s14], [sflag:$0x6], $0x4000, $0x38;
	[tilespmem:$0x14780] =	vst v63  }
0xfe: {  	_ =	swait.ge [sflag:s3], $0x4000  }
0xff: {  	[sflag:s3] =	ssyncset.done $0x0  }
0x100: {  	[sflag:s3] =	ssyncadd.s32 $0xFFFFC000  }
0x101: {  	_ =	swait.ge [sflag:s15], $0x4000  }
0x102: {  	[sflag:s15] =	ssyncset.done $0x0  }
0x103: {  	s0 =	rddreg [dreg:$0xe];
	[sflag:s15] =	ssyncadd.s32 $0xFFFFC000  }
0x104: {  	[hbm4b:s0+s2] =	stream.linear.scatter [tilespmem:s12], [sflag:$0x6], $0x4000, $0x38;
	[tilespmem:$0x14780] =	vst v63  }
0x105: {  	_ =	swait.ge [sflag:s3], $0x4000  }
0x106: {  	[sflag:s3] =	ssyncset.done $0x0  }
0x107: {  	[sflag:s3] =	ssyncadd.s32 $0xFFFFC000  }
0x108: {  	_ =	swait.ge [sflag:s13], $0x4000  }
0x109: {  	[sflag:s13] =	ssyncset.done $0x0  }
0x10a: {  	s0 =	rddreg [dreg:$0xf];
	[sflag:s13] =	ssyncadd.s32 $0xFFFFC000  }
0x10b: {  	[hbm4b:s0+s2] =	stream.linear.scatter [tilespmem:s9], [sflag:$0x6], $0x4000, $0x38;
	[tilespmem:$0x14780] =	vst v63  }
0x10c: {  	_ =	swait.ge [sflag:s3], $0x4000  }
0x10d: {  	[sflag:s3] =	ssyncset.done $0x0  }
0x10e: {  	[sflag:s3] =	ssyncadd.s32 $0xFFFFC000  }
0x10f: {  	_ =	swait.ge [sflag:s11], $0x4000  }
0x110: {  	[sflag:s11] =	ssyncset.done $0x0  }
0x111: {  	[sflag:s11] =	ssyncadd.s32 $0xFFFFC000  }
0x112: {  	[hbm4b:s5+s2] =	stream.linear.scatter [tilespmem:s7], [sflag:$0x6], $0x4000, $0x38;
	[tilespmem:$0x14780] =	vst v63  }
0x113: {  	_ =	swait.ge [sflag:s3], $0x4000  }
0x114: {  	[sflag:s3] =	ssyncset.done $0x0  }
0x115: {  	[sflag:s3] =	ssyncadd.s32 $0xFFFFC000  }
0x116: {  	p1 =	sne.s32 s1, $0x1;
	_ =	swait.ge [sflag:s10], $0x4000  }
.Ltmp2:
0x117: {  	[sflag:s10] =	ssyncset.done $0x0;
	(pc) =	sbr.rel @p1 .LBB2_2-.Ltmp2, $4  }
0x118: {  	[sflag:s10] =	ssyncadd.s32 $0xFFFFC000  }
0x119: {  	[hbm4b:s4+s2] =	stream.linear.scatter [tilespmem:s6], [sflag:$0x6], $0x4000, $0x38;
	[tilespmem:$0x14780] =	vst v63  }
0x11a: {  	_ =	swait.ge [sflag:s3], $0x4000  }
0x11b: {  	s1 =	sadd.s32 $0xFFFFFFFF, s1;
	s0 =	rddreg [dreg:$0x2];
	[sflag:s3] =	ssyncset.done $0x0  }
.LBB2_3:
0x11c: {  	[sflag:s3] =	ssyncadd.s32 @p0 $0xFFFFC000  }
0x11d: {  	[tilespmem:s2], [sflag:$0x6] =	stream.linear.gather [hbm4b:s0+s2], $0x780, $0x38;
	[tilespmem:$0x14780] =	vst v63  }
0x11e: {  	_ =	swait.ge [sflag:s3], $0x780  }
0x11f: {  	[sflag:s3] =	ssyncset.done $0x0  }
0x120: {  	[sflag:s3] =	ssyncadd.s32 $0xFFFFF880  }
0x121: {  	[tilespmem:s14], [sflag:$0x1] =	stream.indirect.gather [hbm4b:s8+s16], $0x80, s2, s16, $0xb8;
	[tilespmem:$0x14780] =	vst v63  }
0x122: {  	_ = 	snop  }
0x123: {  	[tilespmem:s12], [sflag:$0x2] =	stream.indirect.gather [hbm4b:s8+s16], $0x80, s16, s16, $0xb8;
	[tilespmem:$0x14780] =	vst v63  }
0x124: {  	_ = 	snop  }
0x125: {  	[tilespmem:s9], [sflag:$0x3] =	stream.indirect.gather [hbm4b:s8+s16], $0x80, s29, s16, $0xb8;
	[tilespmem:$0x14780] =	vst v63  }
0x126: {  	_ = 	snop  }
0x127: {  	[tilespmem:s7], [sflag:$0x4] =	stream.indirect.gather [hbm4b:s8+s16], $0x80, s30, s16, $0xb8;
	[tilespmem:$0x14780] =	vst v63  }
0x128: {  	_ = 	snop  }
0x129: {  	[tilespmem:s6], [sflag:$0x5] =	stream.indirect.gather [hbm4b:s8+s16], $0x80, s31, s16, $0xb8;
	[tilespmem:$0x14780] =	vst v63  }
0x12a: {  	_ =	swait.ge [sflag:s17], $0x4000  }
0x12b: {  	[sflag:s17] =	ssyncset.done $0x0  }
0x12c: {  	s1 =	rddreg [dreg:$0x3];
	[sflag:s17] =	ssyncadd.s32 $0xFFFFC000  }
0x12d: {  	[hbm4b:s1+s2] =	stream.linear.scatter [tilespmem:s14], [sflag:$0x6], $0x4000, $0x38;
	[tilespmem:$0x14780] =	vst v63  }
0x12e: {  	_ =	swait.ge [sflag:s3], $0x4000  }
0x12f: {  	[sflag:s3] =	ssyncset.done $0x0  }
0x130: {  	[sflag:s3] =	ssyncadd.s32 $0xFFFFC000  }
0x131: {  	[tilespmem:s14], [sflag:$0x1] =	stream.indirect.gather [hbm4b:s8+s16], $0x80, s28, s16, $0xb8;
	[tilespmem:$0x14780] =	vst v63  }
0x132: {  	_ =	swait.ge [sflag:s15], $0x4000  }
0x133: {  	[sflag:s15] =	ssyncset.done $0x0  }
0x134: {  	s28 =	rddreg [dreg:$0x4];
	[sflag:s15] =	ssyncadd.s32 $0xFFFFC000  }
0x135: {  	[hbm4b:s28+s2] =	stream.linear.scatter [tilespmem:s12], [sflag:$0x6], $0x4000, $0x38;
	[tilespmem:$0x14780] =	vst v63  }
0x136: {  	_ =	swait.ge [sflag:s3], $0x4000  }
0x137: {  	[sflag:s3] =	ssyncset.done $0x0  }
0x138: {  	[sflag:s3] =	ssyncadd.s32 $0xFFFFC000  }
0x139: {  	[tilespmem:s12], [sflag:$0x2] =	stream.indirect.gather [hbm4b:s8+s16], $0x80, s26, s16, $0xb8;
	[tilespmem:$0x14780] =	vst v63  }
0x13a: {  	_ =	swait.ge [sflag:s13], $0x4000  }
0x13b: {  	[sflag:s13] =	ssyncset.done $0x0  }
0x13c: {  	s29 =	rddreg [dreg:$0x5];
	[sflag:s13] =	ssyncadd.s32 $0xFFFFC000  }
0x13d: {  	[hbm4b:s29+s2] =	stream.linear.scatter [tilespmem:s9], [sflag:$0x6], $0x4000, $0x38;
	[tilespmem:$0x14780] =	vst v63  }
0x13e: {  	_ =	swait.ge [sflag:s3], $0x4000  }
0x13f: {  	[sflag:s3] =	ssyncset.done $0x0  }
0x140: {  	[sflag:s3] =	ssyncadd.s32 $0xFFFFC000  }
0x141: {  	[tilespmem:s9], [sflag:$0x3] =	stream.indirect.gather [hbm4b:s8+s16], $0x80, s25, s16, $0xb8;
	[tilespmem:$0x14780] =	vst v63  }
0x142: {  	_ =	swait.ge [sflag:s11], $0x4000  }
0x143: {  	[sflag:s11] =	ssyncset.done $0x0  }
0x144: {  	s30 =	rddreg [dreg:$0x6];
	[sflag:s11] =	ssyncadd.s32 $0xFFFFC000  }
0x145: {  	[hbm4b:s30+s2] =	stream.linear.scatter [tilespmem:s7], [sflag:$0x6], $0x4000, $0x38;
	[tilespmem:$0x14780] =	vst v63  }
0x146: {  	_ =	swait.ge [sflag:s3], $0x4000  }
0x147: {  	[sflag:s3] =	ssyncset.done $0x0  }
0x148: {  	[sflag:s3] =	ssyncadd.s32 $0xFFFFC000  }
0x149: {  	[tilespmem:s7], [sflag:$0x4] =	stream.indirect.gather [hbm4b:s8+s16], $0x80, s24, s16, $0xb8;
	[tilespmem:$0x14780] =	vst v63  }
0x14a: {  	_ =	swait.ge [sflag:s10], $0x4000  }
0x14b: {  	[sflag:s10] =	ssyncset.done $0x0  }
0x14c: {  	s31 =	rddreg [dreg:$0x7];
	[sflag:s10] =	ssyncadd.s32 $0xFFFFC000  }
0x14d: {  	[hbm4b:s31+s2] =	stream.linear.scatter [tilespmem:s6], [sflag:$0x6], $0x4000, $0x38;
	[tilespmem:$0x14780] =	vst v63  }
0x14e: {  	_ =	swait.ge [sflag:s3], $0x4000  }
0x14f: {  	[sflag:s3] =	ssyncset.done $0x0  }
0x150: {  	[sflag:s3] =	ssyncadd.s32 $0xFFFFC000  }
0x151: {  	[tilespmem:s6], [sflag:$0x5] =	stream.indirect.gather [hbm4b:s8+s16], $0x80, s23, s16, $0xb8;
	[tilespmem:$0x14780] =	vst v63  }
0x152: {  	_ =	swait.ge [sflag:s17], $0x4000  }
0x153: {  	[sflag:s17] =	ssyncset.done $0x0  }
0x154: {  	s1 =	rddreg [dreg:$0x8];
	[sflag:s17] =	ssyncadd.s32 $0xFFFFC000  }
0x155: {  	[hbm4b:s1+s2] =	stream.linear.scatter [tilespmem:s14], [sflag:$0x6], $0x4000, $0x38;
	[tilespmem:$0x14780] =	vst v63  }
0x156: {  	_ =	swait.ge [sflag:s3], $0x4000  }
0x157: {  	[sflag:s3] =	ssyncset.done $0x0  }
0x158: {  	[sflag:s3] =	ssyncadd.s32 $0xFFFFC000  }
0x159: {  	[tilespmem:s14], [sflag:$0x1] =	stream.indirect.gather [hbm4b:s8+s16], $0x80, s22, s16, $0xb8;
	[tilespmem:$0x14780] =	vst v63  }
0x15a: {  	_ =	swait.ge [sflag:s15], $0x4000  }
0x15b: {  	[sflag:s15] =	ssyncset.done $0x0  }
0x15c: {  	s23 =	rddreg [dreg:$0x9];
	[sflag:s15] =	ssyncadd.s32 $0xFFFFC000  }
0x15d: {  	[hbm4b:s23+s2] =	stream.linear.scatter [tilespmem:s12], [sflag:$0x6], $0x4000, $0x38;
	[tilespmem:$0x14780] =	vst v63  }
0x15e: {  	_ =	swait.ge [sflag:s3], $0x4000  }
0x15f: {  	[sflag:s3] =	ssyncset.done $0x0  }
0x160: {  	[sflag:s3] =	ssyncadd.s32 $0xFFFFC000  }
0x161: {  	[tilespmem:s12], [sflag:$0x2] =	stream.indirect.gather [hbm4b:s8+s16], $0x80, s21, s16, $0xb8;
	[tilespmem:$0x14780] =	vst v63  }
0x162: {  	_ =	swait.ge [sflag:s13], $0x4000  }
0x163: {  	[sflag:s13] =	ssyncset.done $0x0  }
0x164: {  	s24 =	rddreg [dreg:$0xa];
	[sflag:s13] =	ssyncadd.s32 $0xFFFFC000  }
0x165: {  	[hbm4b:s24+s2] =	stream.linear.scatter [tilespmem:s9], [sflag:$0x6], $0x4000, $0x38;
	[tilespmem:$0x14780] =	vst v63  }
0x166: {  	_ =	swait.ge [sflag:s3], $0x4000  }
0x167: {  	[sflag:s3] =	ssyncset.done $0x0  }
0x168: {  	[sflag:s3] =	ssyncadd.s32 $0xFFFFC000  }
0x169: {  	[tilespmem:s9], [sflag:$0x3] =	stream.indirect.gather [hbm4b:s8+s16], $0x80, s20, s16, $0xb8;
	[tilespmem:$0x14780] =	vst v63  }
0x16a: {  	_ =	swait.ge [sflag:s11], $0x4000  }
0x16b: {  	[sflag:s11] =	ssyncset.done $0x0  }
0x16c: {  	s25 =	rddreg [dreg:$0xb];
	[sflag:s11] =	ssyncadd.s32 $0xFFFFC000  }
0x16d: {  	[hbm4b:s25+s2] =	stream.linear.scatter [tilespmem:s7], [sflag:$0x6], $0x4000, $0x38;
	[tilespmem:$0x14780] =	vst v63  }
0x16e: {  	_ =	swait.ge [sflag:s3], $0x4000  }
0x16f: {  	[sflag:s3] =	ssyncset.done $0x0  }
0x170: {  	[sflag:s3] =	ssyncadd.s32 $0xFFFFC000  }
0x171: {  	[tilespmem:s7], [sflag:$0x4] =	stream.indirect.gather [hbm4b:s8+s16], $0x80, s19, s16, $0xb8;
	[tilespmem:$0x14780] =	vst v63  }
0x172: {  	_ =	swait.ge [sflag:s10], $0x4000  }
0x173: {  	[sflag:s10] =	ssyncset.done $0x0  }
0x174: {  	s26 =	rddreg [dreg:$0xc];
	[sflag:s10] =	ssyncadd.s32 $0xFFFFC000  }
0x175: {  	[hbm4b:s26+s2] =	stream.linear.scatter [tilespmem:s6], [sflag:$0x6], $0x4000, $0x38;
	[tilespmem:$0x14780] =	vst v63  }
0x176: {  	_ =	swait.ge [sflag:s3], $0x4000  }
0x177: {  	[sflag:s3] =	ssyncset.done $0x0  }
0x178: {  	[sflag:s3] =	ssyncadd.s32 $0xFFFFC000  }
0x179: {  	[tilespmem:s6], [sflag:$0x5] =	stream.indirect.gather [hbm4b:s8+s16], $0x80, s18, s16, $0xb8;
	[tilespmem:$0x14780] =	vst v63  }
0x17a: {  	_ =	swait.ge [sflag:s17], $0x4000  }
0x17b: {  	[sflag:s17] =	ssyncset.done $0x0  }
0x17c: {  	s28 =	rddreg [dreg:$0xd];
	[sflag:s17] =	ssyncadd.s32 $0xFFFFC000  }
0x17d: {  	[hbm4b:s28+s2] =	stream.linear.scatter [tilespmem:s14], [sflag:$0x6], $0x4000, $0x38;
	[tilespmem:$0x14780] =	vst v63  }
0x17e: {  	_ =	swait.ge [sflag:s3], $0x4000  }
0x17f: {  	[sflag:s3] =	ssyncset.done $0x0  }
0x180: {  	[sflag:s3] =	ssyncadd.s32 $0xFFFFC000  }
0x181: {  	_ =	swait.ge [sflag:s15], $0x4000  }
0x182: {  	[sflag:s15] =	ssyncset.done $0x0  }
0x183: {  	s29 =	rddreg [dreg:$0xe];
	[sflag:s15] =	ssyncadd.s32 $0xFFFFC000  }
0x184: {  	[hbm4b:s29+s2] =	stream.linear.scatter [tilespmem:s12], [sflag:$0x6], $0x4000, $0x38;
	[tilespmem:$0x14780] =	vst v63  }
0x185: {  	_ =	swait.ge [sflag:s3], $0x4000  }
0x186: {  	[sflag:s3] =	ssyncset.done $0x0  }
0x187: {  	[sflag:s3] =	ssyncadd.s32 $0xFFFFC000  }
0x188: {  	_ =	swait.ge [sflag:s13], $0x4000  }
0x189: {  	[sflag:s13] =	ssyncset.done $0x0  }
0x18a: {  	s30 =	rddreg [dreg:$0xf];
	[sflag:s13] =	ssyncadd.s32 $0xFFFFC000  }
0x18b: {  	[hbm4b:s30+s2] =	stream.linear.scatter [tilespmem:s9], [sflag:$0x6], $0x4000, $0x38;
	[tilespmem:$0x14780] =	vst v63  }
0x18c: {  	_ =	swait.ge [sflag:s3], $0x4000  }
0x18d: {  	[sflag:s3] =	ssyncset.done $0x0  }
0x18e: {  	[sflag:s3] =	ssyncadd.s32 $0xFFFFC000  }
0x18f: {  	_ =	swait.ge [sflag:s11], $0x4000  }
0x190: {  	[sflag:s11] =	ssyncset.done $0x0  }
0x191: {  	[sflag:s11] =	ssyncadd.s32 $0xFFFFC000  }
0x192: {  	[hbm4b:s5+s2] =	stream.linear.scatter [tilespmem:s7], [sflag:$0x6], $0x4000, $0x38;
	[tilespmem:$0x14780] =	vst v63  }
0x193: {  	_ =	swait.ge [sflag:s3], $0x4000  }
0x194: {  	[sflag:s3] =	ssyncset.done $0x0  }
0x195: {  	[sflag:s3] =	ssyncadd.s32 $0xFFFFC000  }
0x196: {  	_ =	swait.ge [sflag:s10], $0x4000  }
0x197: {  	[sflag:s10] =	ssyncset.done $0x0  }
0x198: {  	[sflag:s10] =	ssyncadd.s32 $0xFFFFC000  }
0x199: {  	[hbm4b:s4+s2] =	stream.linear.scatter [tilespmem:s6], [sflag:$0x6], $0x4000, $0x38;
	[tilespmem:$0x14780] =	vst v63  }
0x19a: {  	_ =	swait.ge [sflag:s3], $0x4000  }
0x19b: {  	[sflag:s3] =	ssyncset.done $0x0  }
0x19c: {  	[sflag:s3] =	ssyncadd.s32 $0xFFFFC000  }
0x19d: {  	_ =	sfence.sel $0x180000  }
0x19e: {  	[bflag:$0x0] =	sbarrier.arrive $0xFFFF  }
0x19f: {  	_ =	strace $0x90000050  }
0x1a0: {  	s31 =	stileid.u32;
	[bflag:$0x2] =	sbarrier.arrive $0xFFFF  }
0x1a1: {  	p0 =	sne.s32 s31, $0x0;
	s0 =	rddreg [dreg:$0x1]  }
0x1a2: {  	s0 =	sadd.s32 @!p0 $0x100000, s0  }
0x1a3: {  	[sflag:s0] =	ssyncadd.tile.s32 @!p0 $0x1;
	_ =	shalt  }
.Lfunc_end2:
_tile_overlayer_lowered:
.L_overlay_start_2:
0x1a4: {  	(tag) =	ssettag $0x2  }
0x1a5: {  	s0 =	rddreg [dreg:$0x0];
	s2 =	stileid.u32  }
0x1a6: {  	s1 =	rddreg [dreg:$0x1];
	p0 =	sne.s32 s2, $0x0  }
0x1a7: {  	s3 =	rddreg [dreg:$0x2];
	[bflag:$0x3] =	sbarrier.arrive $0xFFFF;
	s2 =	simm.s32 @!p0 $0x1C06  }
0x1a8: {  	[timem:s3], [sflag:s2] =	dma.local @!p0 [hbm:s0], s1  }
0x1a9: {  	s0 =	simm.s32 @!p0 $0x6  }
0x1aa: {  	_ =	swait.ge @!p0 [sflag:s0], s1  }
0x1ab: {  	s1 =	ssub.s32 @!p0 $0x0, s1;
	[sflag:s0] =	ssyncset.done @!p0 $0x0  }
0x1ac: {  	[sflag:s0] =	ssyncadd.s32 @!p0 s1  }
0x1ad: {  	[bflag:$0x3] =	sbarrier.arrive $0xFFFF  }
0x1ae: {  	_ =	shalt  }

</sc_bundles>
